<compile_context>
chip_gen: v7x
topology: tpu7x:2x2x1
jax: 0.10.2.dev20260603
libtpu: 0.0.44.dev20260713+nightly
codegen_flags: <defaults>
</compile_context>

<pallas_src>
import functools

import jax
import jax.numpy as jnp
from jax import lax
from jax.experimental import pallas as pl
from jax.experimental.pallas import tpu as pltpu
from jax.experimental.pallas import tpu_sc as plsc

N = 10000
E = 320000
D = 128
NC = 2
NS = 16
NW = NC * NS
CHUNK = 64
CW = 160
IH = 32
NBUF = 4
CHUNK_DEG = 128
CW_DEG = 80
IH_DEG = 16
E_PAD = NW * CW * CHUNK
NPAD = E_PAD - E
NDUM = 16
NACC = 10240
ZSTRIPE = NACC // NS
R = 2048

def _sc_degree_body(dst_hbm, ones_hbm, zeros_hbm, out_hbm, idx_v, ones_v, acc):
  c = lax.axis_index("c")
  s = lax.axis_index("s")
  w = c * NS + s
  pltpu.sync_copy(zeros_hbm, acc.at[pl.ds(s * ZSTRIPE, ZSTRIPE)])
  pltpu.sync_copy(ones_hbm, ones_v)
  for p in range(CW_DEG // IH_DEG):
    pltpu.sync_copy(dst_hbm.at[pl.ds(w * CW_DEG + p * IH_DEG, IH_DEG), :],
                    idx_v)
    if p == 0:
      plsc.subcore_barrier()

    def body(i, carry):
      pltpu.sync_copy(ones_v, acc.at[idx_v.at[i]], add=True)
      return carry

    lax.fori_loop(0, IH_DEG, body, 0)
  plsc.subcore_barrier()
  pltpu.sync_copy(acc.at[pl.ds(s * ZSTRIPE, ZSTRIPE)],
                  out_hbm.at[c, pl.ds(s * ZSTRIPE, ZSTRIPE)])


@functools.cache
def _get_sc_degree():
  mesh = plsc.VectorSubcoreMesh(
      core_axis_name="c", subcore_axis_name="s", num_cores=NC,
      num_subcores=NS)
  return pl.kernel(
      _sc_degree_body,
      out_type=jax.ShapeDtypeStruct((NC, NACC), jnp.float32),
      mesh=mesh,
      scratch_types=[
          pltpu.VMEM((IH_DEG, CHUNK_DEG), jnp.int32),
          pltpu.VMEM((CHUNK_DEG,), jnp.float32),
          pltpu.VMEM_SHARED((NACC,), jnp.float32),
      ],
  )


def _sc_scatter_body(src_hbm, dst_hbm, m_hbm, zeros_hbm, out_hbm,
                     src_v, dst_v, rows_v, acc, sem0, sem1, sem2, sem3,
                     sem_ix):
  sems = [sem0, sem1, sem2, sem3]
  c = lax.axis_index("c")
  s = lax.axis_index("s")
  w = c * NS + s
  pltpu.sync_copy(zeros_hbm, rows_v.at[0])
  for z in range(ZSTRIPE // CHUNK):
    pltpu.sync_copy(rows_v.at[0],
                    acc.at[pl.ds(s * ZSTRIPE + z * CHUNK, CHUNK), :])

  base = w * CW
  nph = CW // IH
  pltpu.sync_copy(src_hbm.at[pl.ds(base, IH), :], src_v.at[0])
  pltpu.sync_copy(dst_hbm.at[pl.ds(base, IH), :], dst_v.at[0])
  plsc.subcore_barrier()
  for p in range(nph):
    pb = p % 2
    if p + 1 < nph:
      pltpu.async_copy(src_hbm.at[pl.ds(base + (p + 1) * IH, IH), :],
                       src_v.at[1 - pb], sem_ix)
      pltpu.async_copy(dst_hbm.at[pl.ds(base + (p + 1) * IH, IH), :],
                       dst_v.at[1 - pb], sem_ix)

    for b in range(NBUF):
      pltpu.async_copy(m_hbm.at[src_v.at[pb, b]], rows_v.at[b], sems[b])

    def body(i, carry):
      for b in range(NBUF):
        ci = NBUF * i + b
        pltpu.make_async_copy(m_hbm.at[src_v.at[pb, ci]], rows_v.at[b],
                              sems[b]).wait()
        pltpu.sync_copy(rows_v.at[b], acc.at[dst_v.at[pb, ci]], add=True)

        @pl.when(ci + NBUF < IH)
        def _():
          pltpu.async_copy(m_hbm.at[src_v.at[pb, ci + NBUF]], rows_v.at[b],
                           sems[b])
      return carry

    lax.fori_loop(0, IH // NBUF, body, 0)
    if p + 1 < nph:
      pltpu.make_async_copy(src_hbm.at[pl.ds(base, IH), :],
                            src_v.at[1 - pb], sem_ix).wait()
      pltpu.make_async_copy(dst_hbm.at[pl.ds(base, IH), :],
                            dst_v.at[1 - pb], sem_ix).wait()
  plsc.subcore_barrier()
  pltpu.sync_copy(acc.at[pl.ds(s * ZSTRIPE, ZSTRIPE), :],
                  out_hbm.at[c, pl.ds(s * ZSTRIPE, ZSTRIPE), :])


@functools.cache
def _get_sc_scatter():
  mesh = plsc.VectorSubcoreMesh(
      core_axis_name="c", subcore_axis_name="s", num_cores=NC,
      num_subcores=NS)
  return pl.kernel(
      _sc_scatter_body,
      out_type=jax.ShapeDtypeStruct((NC, NACC, D), jnp.float32),
      mesh=mesh,
      scratch_types=[
          pltpu.VMEM((2, IH, CHUNK), jnp.int32),
          pltpu.VMEM((2, IH, CHUNK), jnp.int32),
          pltpu.VMEM((NBUF, CHUNK, D), jnp.float32),
          pltpu.VMEM_SHARED((NACC, D), jnp.float32),
          pltpu.SemaphoreType.DMA,
          pltpu.SemaphoreType.DMA,
          pltpu.SemaphoreType.DMA,
          pltpu.SemaphoreType.DMA,
          pltpu.SemaphoreType.DMA,
      ],
  )


def _tc_linear_body(x_ref, w0_ref, b0_ref, wn0_ref, bn0_ref,
                    h0_ref, nb_ref):
  xb = x_ref[...]
  h0 = lax.dot_general(xb, w0_ref[...], (((1,), (1,)), ((), ())),
                       preferred_element_type=jnp.float32) + b0_ref[...]
  nb = lax.dot_general(h0, wn0_ref[...], (((1,), (1,)), ((), ())),
                       preferred_element_type=jnp.float32) + bn0_ref[...]
  h0_ref[...] = h0
  nb_ref[...] = nb


def _tc_linear(x, w0, b0, wn0, bn0):
  return pl.pallas_call(
      _tc_linear_body,
      grid=(pl.cdiv(N, R),),
      in_specs=[
          pl.BlockSpec((R, D), lambda i: (i, 0)),
          pl.BlockSpec((D, D), lambda i: (0, 0)),
          pl.BlockSpec((1, D), lambda i: (0, 0)),
          pl.BlockSpec((D, D), lambda i: (0, 0)),
          pl.BlockSpec((1, D), lambda i: (0, 0)),
      ],
      out_specs=[
          pl.BlockSpec((R, D), lambda i: (i, 0)),
          pl.BlockSpec((R, D), lambda i: (i, 0)),
      ],
      out_shape=[
          jax.ShapeDtypeStruct((N, D), jnp.float32),
          jax.ShapeDtypeStruct((N, D), jnp.float32),
      ],
  )(x, w0, b0, wn0, bn0)


def _tc_scale_body(nb_ref, deg_ref, m_ref):
  i = pl.program_id(0)
  deg = deg_ref[0, pl.ds(i * R, R)] + deg_ref[1, pl.ds(i * R, R)] + 1.0
  m_ref[...] = nb_ref[...] * lax.rsqrt(deg)[:, None]


def _tc_scale(nb, deg2):
  return pl.pallas_call(
      _tc_scale_body,
      grid=(pl.cdiv(N, R),),
      in_specs=[
          pl.BlockSpec((R, D), lambda i: (i, 0)),
          pl.BlockSpec((NC, NACC), lambda i: (0, 0)),
      ],
      out_specs=pl.BlockSpec((R, D), lambda i: (i, 0)),
      out_shape=jax.ShapeDtypeStruct((N, D), jnp.float32),
  )(nb, deg2)


def _tc_final_body(h0_ref, nb_ref, s_ref, deg_ref, w1_ref, b1_ref,
                   out_ref):
  i = pl.program_id(0)
  deg = deg_ref[0, pl.ds(i * R, R)] + deg_ref[1, pl.ds(i * R, R)] + 1.0
  dinv = lax.rsqrt(deg)[:, None]
  nb = nb_ref[...]
  agg = dinv * (s_ref[0] + s_ref[1] + dinv * nb)
  h = h0_ref[...] + 0.5 * agg + 0.5 * nb
  nrm = jnp.sqrt(jnp.sum(h * h, axis=1, keepdims=True))
  h = h / jnp.maximum(nrm, 1e-12)
  h = jnp.maximum(h, 0.0)
  out_ref[...] = lax.dot_general(h, w1_ref[...], (((1,), (1,)), ((), ())),
                                 preferred_element_type=jnp.float32
                                 ) + b1_ref[...]


def _tc_final(h0, nb, s2, deg2, w1, b1):
  return pl.pallas_call(
      _tc_final_body,
      grid=(pl.cdiv(N, R),),
      in_specs=[
          pl.BlockSpec((R, D), lambda i: (i, 0)),
          pl.BlockSpec((R, D), lambda i: (i, 0)),
          pl.BlockSpec((NC, R, D), lambda i: (0, i, 0)),
          pl.BlockSpec((NC, NACC), lambda i: (0, 0)),
          pl.BlockSpec((D, D), lambda i: (0, 0)),
          pl.BlockSpec((1, D), lambda i: (0, 0)),
      ],
      out_specs=pl.BlockSpec((R, D), lambda i: (i, 0)),
      out_shape=jax.ShapeDtypeStruct((N, D), jnp.float32),
  )(h0, nb, s2, deg2, w1, b1)


@jax.jit
def kernel(x, edge_index, W0, b0, Wn0, bn0, W1, b1):
  src = edge_index[0].astype(jnp.int32)
  dst = edge_index[1].astype(jnp.int32)
  ar = jnp.arange(NPAD, dtype=jnp.int32)
  src_p = jnp.concatenate([src, ar % N]).reshape(NW * CW, CHUNK)
  dst_f = jnp.concatenate([dst, N + (ar % NDUM)])
  dst_p = dst_f.reshape(NW * CW, CHUNK)
  dst_pd = dst_f.reshape(NW * CW_DEG, CHUNK_DEG)
  ones1 = jnp.ones((CHUNK_DEG,), jnp.float32)
  zeros1 = jnp.zeros((ZSTRIPE,), jnp.float32)
  zeros2 = jnp.zeros((CHUNK, D), jnp.float32)

  deg2 = _get_sc_degree()(dst_pd, ones1, zeros1)
  h0, nb = _tc_linear(x, W0, b0.reshape(1, D), Wn0, bn0.reshape(1, D))
  m = _tc_scale(nb, deg2)
  s2 = _get_sc_scatter()(src_p, dst_p, m, zeros2)
  return _tc_final(h0, nb, s2, deg2, W1, b1.reshape(1, D))

# --- scband reference (transcript-rebuilt; emitter-appended) ---
"""Pipeline reference for scband-gnn-54752243089879 (READ-ONLY COPY).

The authoritative reference and input builder live on the scoring server;
editing this copy changes nothing except your own understanding.
"""

import jax, jax.numpy as jnp
import numpy as np

N_NODES = 10000
N_EDGES = 320000
D = 128


def setup_inputs(seed: int = 0) -> dict:
    key = jax.random.key(seed)
    ks = jax.random.split(key, 8)
    x = jax.random.normal(ks[0], (N_NODES, D), dtype=jnp.float32)
    edge_index = jax.random.randint(ks[1], (2, N_EDGES), 0, N_NODES, dtype=jnp.int64 if jax.config.jax_enable_x64 else jnp.int32)
    s = 1.0 / np.sqrt(D)
    W0 = jax.random.uniform(ks[2], (D, D), dtype=jnp.float32, minval=-s, maxval=s)
    b0 = jax.random.uniform(ks[3], (D,), dtype=jnp.float32, minval=-s, maxval=s)
    Wn0 = jax.random.uniform(ks[4], (D, D), dtype=jnp.float32, minval=-s, maxval=s)
    bn0 = jax.random.uniform(ks[5], (D,), dtype=jnp.float32, minval=-s, maxval=s)
    W1 = jax.random.uniform(ks[6], (D, D), dtype=jnp.float32, minval=-s, maxval=s)
    b1 = jax.random.uniform(ks[7], (D,), dtype=jnp.float32, minval=-s, maxval=s)
    return {"x": x, "edge_index": edge_index, "W0": W0, "b0": b0, "Wn0": Wn0, "bn0": bn0, "W1": W1, "b1": b1}


def _gappnp(h, edge_index, alpha=0.5, alpha_res=0.0, beta=1.0):
    # GAPPNP K=1, symmetric normalization with self-loops
    N = h.shape[0]
    src = edge_index[0]
    dst = edge_index[1]
    loop = jnp.arange(N, dtype=src.dtype)
    src2 = jnp.concatenate([src, loop])
    dst2 = jnp.concatenate([dst, loop])
    deg = jnp.zeros((N,), dtype=h.dtype).at[dst2].add(1.0)
    dinv = 1.0 / jnp.sqrt(jnp.clip(deg, 1.0))
    w = dinv[src2] * dinv[dst2]
    msg = h[src2] * w[:, None]
    agg = jnp.zeros_like(h).at[dst2].add(msg)
    out = (1.0 - alpha) * agg + alpha * h
    return beta * out + alpha_res * h


def _l2_normalize(h):
    nrm = jnp.sqrt(jnp.sum(h * h, axis=1, keepdims=True))
    return h / jnp.maximum(nrm, 1e-12)


def reference(x, edge_index, W0, b0, Wn0, bn0, W1, b1):
    # eval mode: dropout disabled
    h = x
    # layer 0 (not last): fc + separate neighbor branch + propagate + normalize + relu
    h = h @ W0.T + b0
    neighbors = h @ Wn0.T + bn0
    neighbors = _gappnp(neighbors, edge_index, alpha=0.5, alpha_res=0.0, beta=1.0)
    h = h + neighbors
    h = _l2_normalize(h)
    h = jax.nn.relu(h)
    # layer 1 (last): plain fc, no norm (norm only applied at c==0 in last branch)
    h = h @ W1.T + b1
    return h

if __name__ == "__main__":
    import jax
    _d = setup_inputs()
    print(jax.jit(kernel)(*tuple(_d.values())))

</pallas_src>

<mosaic_0001>
#map = affine_map<(d0, d1) -> (0, 0)>
#map1 = affine_map<(d0, d1) -> (0)>
module attributes {stable_mosaic.version = 14 : i64} {
  func.func @_sc_degree_body(%arg0: i32, %arg1: i32, %arg2: memref<2560x128xi32, #tpu.memory_space<hbm>>, %arg3: memref<128xf32, #tpu.memory_space<hbm>>, %arg4: memref<640xf32, #tpu.memory_space<hbm>>, %arg5: memref<2x10240xf32, #tpu.memory_space<hbm>>, %arg6: memref<16x128xi32, #tpu.memory_space<vmem>>, %arg7: memref<128xf32, #tpu.memory_space<vmem>>, %arg8: memref<10240xf32, #tpu.memory_space<vmem_shared>>) attributes {dimension_semantics = [#tpu.dimension_semantics<core_parallel>, #tpu.dimension_semantics<subcore_parallel>], iteration_bounds = array<i64: 2, 16>, scalar_prefetch = 0 : i64, scratch_operands = 3 : i64, tpu.core_type = #tpu.core_type<sc_vector_subcore>, window_params = [{transform_indices = #map}, {transform_indices = #map1}, {transform_indices = #map1}, {transform_indices = #map}]} {
    %mul3A = arith.constant 16 : i32
    %mul3A_0 = arith.muli %arg0, %mul3A : i32
    %add3A = arith.addi %mul3A_0, %arg1 : i32
    %mul3A_1 = arith.constant 640 : i32
    %mul3A_2 = arith.muli %arg1, %mul3A_1 : i32
    "tpu.region"() ({
      %run_scoped3A = tpu.sem_alloc : memref<!tpu.dma_semaphore, #tpu.memory_space<semaphore_mem>>
      %dma_start3A = tpu.memref_slice %arg8[%mul3A_2] : memref<10240xf32, #tpu.memory_space<vmem_shared>> -> memref<640xf32, #tpu.memory_space<vmem_shared>>
      tpu.enqueue_dma source(%arg4 : memref<640xf32, #tpu.memory_space<hbm>>) target(%dma_start3A : memref<640xf32, #tpu.memory_space<vmem_shared>>) target_semaphore(%run_scoped3A : memref<!tpu.dma_semaphore, #tpu.memory_space<semaphore_mem>>)
      %dma_wait3A = tpu.memref_slice %arg8[%mul3A_2] : memref<10240xf32, #tpu.memory_space<vmem_shared>> -> memref<640xf32, #tpu.memory_space<vmem_shared>>
      tpu.wait_dma2 semaphore(%run_scoped3A : memref<!tpu.dma_semaphore, #tpu.memory_space<semaphore_mem>>) src(%arg4 : memref<640xf32, #tpu.memory_space<hbm>>) dst(%dma_wait3A : memref<640xf32, #tpu.memory_space<vmem_shared>>)
      tpu.yield
    }) : () -> ()
    "tpu.region"() ({
      %run_scoped3A = tpu.sem_alloc : memref<!tpu.dma_semaphore, #tpu.memory_space<semaphore_mem>>
      tpu.enqueue_dma source(%arg3 : memref<128xf32, #tpu.memory_space<hbm>>) target(%arg7 : memref<128xf32, #tpu.memory_space<vmem>>) target_semaphore(%run_scoped3A : memref<!tpu.dma_semaphore, #tpu.memory_space<semaphore_mem>>)
      tpu.wait_dma2 semaphore(%run_scoped3A : memref<!tpu.dma_semaphore, #tpu.memory_space<semaphore_mem>>) src(%arg3 : memref<128xf32, #tpu.memory_space<hbm>>) dst(%arg7 : memref<128xf32, #tpu.memory_space<vmem>>)
      tpu.yield
    }) : () -> ()
    %mul3A_3 = arith.constant 80 : i32
    %mul3A_4 = arith.muli %add3A, %mul3A_3 : i32
    %add3A_5 = arith.constant 0 : i32
    %add3A_6 = arith.addi %mul3A_4, %add3A_5 : i32
    "tpu.region"() ({
      %run_scoped3A = tpu.sem_alloc : memref<!tpu.dma_semaphore, #tpu.memory_space<semaphore_mem>>
      %dma_start3A = arith.constant 0 : i32
      %dma_start3A_57 = tpu.memref_slice %arg2[%add3A_6, %dma_start3A] : memref<2560x128xi32, #tpu.memory_space<hbm>> -> memref<16x128xi32, #tpu.memory_space<hbm>>
      %dma_start3A_58 = arith.constant 0 : i32
      %dma_start3A_59 = tpu.memref_slice %arg2[%add3A_6, %dma_start3A_58] : memref<2560x128xi32, #tpu.memory_space<hbm>> -> memref<16x128xi32, #tpu.memory_space<hbm>>
      tpu.enqueue_dma source(%dma_start3A_59 : memref<16x128xi32, #tpu.memory_space<hbm>>) target(%arg6 : memref<16x128xi32, #tpu.memory_space<vmem>>) target_semaphore(%run_scoped3A : memref<!tpu.dma_semaphore, #tpu.memory_space<semaphore_mem>>)
      %dma_wait3A = arith.constant 0 : i32
      %dma_wait3A_60 = tpu.memref_slice %arg2[%add3A_6, %dma_wait3A] : memref<2560x128xi32, #tpu.memory_space<hbm>> -> memref<16x128xi32, #tpu.memory_space<hbm>>
      %dma_wait3A_61 = arith.constant 0 : i32
      %dma_wait3A_62 = tpu.memref_slice %arg2[%add3A_6, %dma_wait3A_61] : memref<2560x128xi32, #tpu.memory_space<hbm>> -> memref<16x128xi32, #tpu.memory_space<hbm>>
      tpu.wait_dma2 semaphore(%run_scoped3A : memref<!tpu.dma_semaphore, #tpu.memory_space<semaphore_mem>>) src(%dma_wait3A_62 : memref<16x128xi32, #tpu.memory_space<hbm>>) dst(%arg6 : memref<16x128xi32, #tpu.memory_space<vmem>>)
      tpu.yield
    }) : () -> ()
    %barrier3A = arith.constant 0 : index
    tpu.barrier barrier_id(%barrier3A)
    %scan3A = arith.constant 0 : i32
    %scan3A_7 = arith.constant 0 : i32
    %scan3A_8 = arith.constant 16 : i32
    %scan3A_9 = arith.addi %scan3A_7, %scan3A_8 : i32
    %scan3A_10 = arith.constant 1 : i32
    scf.for %scan3A_57 = %scan3A_7 to %scan3A_9 step %scan3A_10  : i32 {
      "tpu.region"() ({
        %run_scoped3A = tpu.sem_alloc : memref<!tpu.dma_semaphore, #tpu.memory_space<semaphore_mem>>
        %dma_start3A = arith.constant 0 : i32
        %dma_start3A_58 = tpu.memref_slice %arg6[%scan3A_57, %dma_start3A] : memref<16x128xi32, #tpu.memory_space<vmem>> -> memref<1x128xi32, #tpu.memory_space<vmem>>
        %dma_start3A_59 = tpu.memref_squeeze %dma_start3A_58 : memref<1x128xi32, #tpu.memory_space<vmem>> -> memref<128xi32, #tpu.memory_space<vmem>>
        %dma_start3A_60 = arith.constant 0 : i32
        %dma_start3A_61 = tpu.memref_slice %arg8[%dma_start3A_60] : memref<10240xf32, #tpu.memory_space<vmem_shared>> -> memref<10240xf32, #tpu.memory_space<vmem_shared>>
        tpu.enqueue_indirect_dma source(%arg7 : memref<128xf32, #tpu.memory_space<vmem>>) target(%dma_start3A_61 : memref<10240xf32, #tpu.memory_space<vmem_shared>>) offsets(%dma_start3A_59 : memref<128xi32, #tpu.memory_space<vmem>>) semaphore(%run_scoped3A : memref<!tpu.dma_semaphore, #tpu.memory_space<semaphore_mem>>) {add = true}
        %dma_wait3A = arith.constant 0 : i32
        %dma_wait3A_62 = tpu.memref_slice %arg6[%scan3A_57, %dma_wait3A] : memref<16x128xi32, #tpu.memory_space<vmem>> -> memref<1x128xi32, #tpu.memory_space<vmem>>
        %dma_wait3A_63 = tpu.memref_squeeze %dma_wait3A_62 : memref<1x128xi32, #tpu.memory_space<vmem>> -> memref<128xi32, #tpu.memory_space<vmem>>
        %dma_wait3A_64 = arith.constant 0 : i32
        %dma_wait3A_65 = tpu.memref_slice %arg8[%dma_wait3A_64] : memref<10240xf32, #tpu.memory_space<vmem_shared>> -> memref<10240xf32, #tpu.memory_space<vmem_shared>>
        tpu.wait_indirect_dma semaphore(%run_scoped3A : memref<!tpu.dma_semaphore, #tpu.memory_space<semaphore_mem>>) src(%arg7 : memref<128xf32, #tpu.memory_space<vmem>>) dst(%dma_wait3A_65 : memref<10240xf32, #tpu.memory_space<vmem_shared>>)
        tpu.yield
      }) : () -> ()
    }
    %scan3A_11 = arith.constant 16 : i32
    %mul3A_12 = arith.constant 80 : i32
    %mul3A_13 = arith.muli %add3A, %mul3A_12 : i32
    %add3A_14 = arith.constant 16 : i32
    %add3A_15 = arith.addi %mul3A_13, %add3A_14 : i32
    "tpu.region"() ({
      %run_scoped3A = tpu.sem_alloc : memref<!tpu.dma_semaphore, #tpu.memory_space<semaphore_mem>>
      %dma_start3A = arith.constant 0 : i32
      %dma_start3A_57 = tpu.memref_slice %arg2[%add3A_15, %dma_start3A] : memref<2560x128xi32, #tpu.memory_space<hbm>> -> memref<16x128xi32, #tpu.memory_space<hbm>>
      %dma_start3A_58 = arith.constant 0 : i32
      %dma_start3A_59 = tpu.memref_slice %arg2[%add3A_15, %dma_start3A_58] : memref<2560x128xi32, #tpu.memory_space<hbm>> -> memref<16x128xi32, #tpu.memory_space<hbm>>
      tpu.enqueue_dma source(%dma_start3A_59 : memref<16x128xi32, #tpu.memory_space<hbm>>) target(%arg6 : memref<16x128xi32, #tpu.memory_space<vmem>>) target_semaphore(%run_scoped3A : memref<!tpu.dma_semaphore, #tpu.memory_space<semaphore_mem>>)
      %dma_wait3A = arith.constant 0 : i32
      %dma_wait3A_60 = tpu.memref_slice %arg2[%add3A_15, %dma_wait3A] : memref<2560x128xi32, #tpu.memory_space<hbm>> -> memref<16x128xi32, #tpu.memory_space<hbm>>
      %dma_wait3A_61 = arith.constant 0 : i32
      %dma_wait3A_62 = tpu.memref_slice %arg2[%add3A_15, %dma_wait3A_61] : memref<2560x128xi32, #tpu.memory_space<hbm>> -> memref<16x128xi32, #tpu.memory_space<hbm>>
      tpu.wait_dma2 semaphore(%run_scoped3A : memref<!tpu.dma_semaphore, #tpu.memory_space<semaphore_mem>>) src(%dma_wait3A_62 : memref<16x128xi32, #tpu.memory_space<hbm>>) dst(%arg6 : memref<16x128xi32, #tpu.memory_space<vmem>>)
      tpu.yield
    }) : () -> ()
    %scan3A_16 = arith.constant 0 : i32
    %scan3A_17 = arith.constant 0 : i32
    %scan3A_18 = arith.constant 16 : i32
    %scan3A_19 = arith.addi %scan3A_17, %scan3A_18 : i32
    %scan3A_20 = arith.constant 1 : i32
    scf.for %scan3A_57 = %scan3A_17 to %scan3A_19 step %scan3A_20  : i32 {
      "tpu.region"() ({
        %run_scoped3A = tpu.sem_alloc : memref<!tpu.dma_semaphore, #tpu.memory_space<semaphore_mem>>
        %dma_start3A = arith.constant 0 : i32
        %dma_start3A_58 = tpu.memref_slice %arg6[%scan3A_57, %dma_start3A] : memref<16x128xi32, #tpu.memory_space<vmem>> -> memref<1x128xi32, #tpu.memory_space<vmem>>
        %dma_start3A_59 = tpu.memref_squeeze %dma_start3A_58 : memref<1x128xi32, #tpu.memory_space<vmem>> -> memref<128xi32, #tpu.memory_space<vmem>>
        %dma_start3A_60 = arith.constant 0 : i32
        %dma_start3A_61 = tpu.memref_slice %arg8[%dma_start3A_60] : memref<10240xf32, #tpu.memory_space<vmem_shared>> -> memref<10240xf32, #tpu.memory_space<vmem_shared>>
        tpu.enqueue_indirect_dma source(%arg7 : memref<128xf32, #tpu.memory_space<vmem>>) target(%dma_start3A_61 : memref<10240xf32, #tpu.memory_space<vmem_shared>>) offsets(%dma_start3A_59 : memref<128xi32, #tpu.memory_space<vmem>>) semaphore(%run_scoped3A : memref<!tpu.dma_semaphore, #tpu.memory_space<semaphore_mem>>) {add = true}
        %dma_wait3A = arith.constant 0 : i32
        %dma_wait3A_62 = tpu.memref_slice %arg6[%scan3A_57, %dma_wait3A] : memref<16x128xi32, #tpu.memory_space<vmem>> -> memref<1x128xi32, #tpu.memory_space<vmem>>
        %dma_wait3A_63 = tpu.memref_squeeze %dma_wait3A_62 : memref<1x128xi32, #tpu.memory_space<vmem>> -> memref<128xi32, #tpu.memory_space<vmem>>
        %dma_wait3A_64 = arith.constant 0 : i32
        %dma_wait3A_65 = tpu.memref_slice %arg8[%dma_wait3A_64] : memref<10240xf32, #tpu.memory_space<vmem_shared>> -> memref<10240xf32, #tpu.memory_space<vmem_shared>>
        tpu.wait_indirect_dma semaphore(%run_scoped3A : memref<!tpu.dma_semaphore, #tpu.memory_space<semaphore_mem>>) src(%arg7 : memref<128xf32, #tpu.memory_space<vmem>>) dst(%dma_wait3A_65 : memref<10240xf32, #tpu.memory_space<vmem_shared>>)
        tpu.yield
      }) : () -> ()
    }
    %scan3A_21 = arith.constant 16 : i32
    %mul3A_22 = arith.constant 80 : i32
    %mul3A_23 = arith.muli %add3A, %mul3A_22 : i32
    %add3A_24 = arith.constant 32 : i32
    %add3A_25 = arith.addi %mul3A_23, %add3A_24 : i32
    "tpu.region"() ({
      %run_scoped3A = tpu.sem_alloc : memref<!tpu.dma_semaphore, #tpu.memory_space<semaphore_mem>>
      %dma_start3A = arith.constant 0 : i32
      %dma_start3A_57 = tpu.memref_slice %arg2[%add3A_25, %dma_start3A] : memref<2560x128xi32, #tpu.memory_space<hbm>> -> memref<16x128xi32, #tpu.memory_space<hbm>>
      %dma_start3A_58 = arith.constant 0 : i32
      %dma_start3A_59 = tpu.memref_slice %arg2[%add3A_25, %dma_start3A_58] : memref<2560x128xi32, #tpu.memory_space<hbm>> -> memref<16x128xi32, #tpu.memory_space<hbm>>
      tpu.enqueue_dma source(%dma_start3A_59 : memref<16x128xi32, #tpu.memory_space<hbm>>) target(%arg6 : memref<16x128xi32, #tpu.memory_space<vmem>>) target_semaphore(%run_scoped3A : memref<!tpu.dma_semaphore, #tpu.memory_space<semaphore_mem>>)
      %dma_wait3A = arith.constant 0 : i32
      %dma_wait3A_60 = tpu.memref_slice %arg2[%add3A_25, %dma_wait3A] : memref<2560x128xi32, #tpu.memory_space<hbm>> -> memref<16x128xi32, #tpu.memory_space<hbm>>
      %dma_wait3A_61 = arith.constant 0 : i32
      %dma_wait3A_62 = tpu.memref_slice %arg2[%add3A_25, %dma_wait3A_61] : memref<2560x128xi32, #tpu.memory_space<hbm>> -> memref<16x128xi32, #tpu.memory_space<hbm>>
      tpu.wait_dma2 semaphore(%run_scoped3A : memref<!tpu.dma_semaphore, #tpu.memory_space<semaphore_mem>>) src(%dma_wait3A_62 : memref<16x128xi32, #tpu.memory_space<hbm>>) dst(%arg6 : memref<16x128xi32, #tpu.memory_space<vmem>>)
      tpu.yield
    }) : () -> ()
    %scan3A_26 = arith.constant 0 : i32
    %scan3A_27 = arith.constant 0 : i32
    %scan3A_28 = arith.constant 16 : i32
    %scan3A_29 = arith.addi %scan3A_27, %scan3A_28 : i32
    %scan3A_30 = arith.constant 1 : i32
    scf.for %scan3A_57 = %scan3A_27 to %scan3A_29 step %scan3A_30  : i32 {
      "tpu.region"() ({
        %run_scoped3A = tpu.sem_alloc : memref<!tpu.dma_semaphore, #tpu.memory_space<semaphore_mem>>
        %dma_start3A = arith.constant 0 : i32
        %dma_start3A_58 = tpu.memref_slice %arg6[%scan3A_57, %dma_start3A] : memref<16x128xi32, #tpu.memory_space<vmem>> -> memref<1x128xi32, #tpu.memory_space<vmem>>
        %dma_start3A_59 = tpu.memref_squeeze %dma_start3A_58 : memref<1x128xi32, #tpu.memory_space<vmem>> -> memref<128xi32, #tpu.memory_space<vmem>>
        %dma_start3A_60 = arith.constant 0 : i32
        %dma_start3A_61 = tpu.memref_slice %arg8[%dma_start3A_60] : memref<10240xf32, #tpu.memory_space<vmem_shared>> -> memref<10240xf32, #tpu.memory_space<vmem_shared>>
        tpu.enqueue_indirect_dma source(%arg7 : memref<128xf32, #tpu.memory_space<vmem>>) target(%dma_start3A_61 : memref<10240xf32, #tpu.memory_space<vmem_shared>>) offsets(%dma_start3A_59 : memref<128xi32, #tpu.memory_space<vmem>>) semaphore(%run_scoped3A : memref<!tpu.dma_semaphore, #tpu.memory_space<semaphore_mem>>) {add = true}
        %dma_wait3A = arith.constant 0 : i32
        %dma_wait3A_62 = tpu.memref_slice %arg6[%scan3A_57, %dma_wait3A] : memref<16x128xi32, #tpu.memory_space<vmem>> -> memref<1x128xi32, #tpu.memory_space<vmem>>
        %dma_wait3A_63 = tpu.memref_squeeze %dma_wait3A_62 : memref<1x128xi32, #tpu.memory_space<vmem>> -> memref<128xi32, #tpu.memory_space<vmem>>
        %dma_wait3A_64 = arith.constant 0 : i32
        %dma_wait3A_65 = tpu.memref_slice %arg8[%dma_wait3A_64] : memref<10240xf32, #tpu.memory_space<vmem_shared>> -> memref<10240xf32, #tpu.memory_space<vmem_shared>>
        tpu.wait_indirect_dma semaphore(%run_scoped3A : memref<!tpu.dma_semaphore, #tpu.memory_space<semaphore_mem>>) src(%arg7 : memref<128xf32, #tpu.memory_space<vmem>>) dst(%dma_wait3A_65 : memref<10240xf32, #tpu.memory_space<vmem_shared>>)
        tpu.yield
      }) : () -> ()
    }
    %scan3A_31 = arith.constant 16 : i32
    %mul3A_32 = arith.constant 80 : i32
    %mul3A_33 = arith.muli %add3A, %mul3A_32 : i32
    %add3A_34 = arith.constant 48 : i32
    %add3A_35 = arith.addi %mul3A_33, %add3A_34 : i32
    "tpu.region"() ({
      %run_scoped3A = tpu.sem_alloc : memref<!tpu.dma_semaphore, #tpu.memory_space<semaphore_mem>>
      %dma_start3A = arith.constant 0 : i32
      %dma_start3A_57 = tpu.memref_slice %arg2[%add3A_35, %dma_start3A] : memref<2560x128xi32, #tpu.memory_space<hbm>> -> memref<16x128xi32, #tpu.memory_space<hbm>>
      %dma_start3A_58 = arith.constant 0 : i32
      %dma_start3A_59 = tpu.memref_slice %arg2[%add3A_35, %dma_start3A_58] : memref<2560x128xi32, #tpu.memory_space<hbm>> -> memref<16x128xi32, #tpu.memory_space<hbm>>
      tpu.enqueue_dma source(%dma_start3A_59 : memref<16x128xi32, #tpu.memory_space<hbm>>) target(%arg6 : memref<16x128xi32, #tpu.memory_space<vmem>>) target_semaphore(%run_scoped3A : memref<!tpu.dma_semaphore, #tpu.memory_space<semaphore_mem>>)
      %dma_wait3A = arith.constant 0 : i32
      %dma_wait3A_60 = tpu.memref_slice %arg2[%add3A_35, %dma_wait3A] : memref<2560x128xi32, #tpu.memory_space<hbm>> -> memref<16x128xi32, #tpu.memory_space<hbm>>
      %dma_wait3A_61 = arith.constant 0 : i32
      %dma_wait3A_62 = tpu.memref_slice %arg2[%add3A_35, %dma_wait3A_61] : memref<2560x128xi32, #tpu.memory_space<hbm>> -> memref<16x128xi32, #tpu.memory_space<hbm>>
      tpu.wait_dma2 semaphore(%run_scoped3A : memref<!tpu.dma_semaphore, #tpu.memory_space<semaphore_mem>>) src(%dma_wait3A_62 : memref<16x128xi32, #tpu.memory_space<hbm>>) dst(%arg6 : memref<16x128xi32, #tpu.memory_space<vmem>>)
      tpu.yield
    }) : () -> ()
    %scan3A_36 = arith.constant 0 : i32
    %scan3A_37 = arith.constant 0 : i32
    %scan3A_38 = arith.constant 16 : i32
    %scan3A_39 = arith.addi %scan3A_37, %scan3A_38 : i32
    %scan3A_40 = arith.constant 1 : i32
    scf.for %scan3A_57 = %scan3A_37 to %scan3A_39 step %scan3A_40  : i32 {
      "tpu.region"() ({
        %run_scoped3A = tpu.sem_alloc : memref<!tpu.dma_semaphore, #tpu.memory_space<semaphore_mem>>
        %dma_start3A = arith.constant 0 : i32
        %dma_start3A_58 = tpu.memref_slice %arg6[%scan3A_57, %dma_start3A] : memref<16x128xi32, #tpu.memory_space<vmem>> -> memref<1x128xi32, #tpu.memory_space<vmem>>
        %dma_start3A_59 = tpu.memref_squeeze %dma_start3A_58 : memref<1x128xi32, #tpu.memory_space<vmem>> -> memref<128xi32, #tpu.memory_space<vmem>>
        %dma_start3A_60 = arith.constant 0 : i32
        %dma_start3A_61 = tpu.memref_slice %arg8[%dma_start3A_60] : memref<10240xf32, #tpu.memory_space<vmem_shared>> -> memref<10240xf32, #tpu.memory_space<vmem_shared>>
        tpu.enqueue_indirect_dma source(%arg7 : memref<128xf32, #tpu.memory_space<vmem>>) target(%dma_start3A_61 : memref<10240xf32, #tpu.memory_space<vmem_shared>>) offsets(%dma_start3A_59 : memref<128xi32, #tpu.memory_space<vmem>>) semaphore(%run_scoped3A : memref<!tpu.dma_semaphore, #tpu.memory_space<semaphore_mem>>) {add = true}
        %dma_wait3A = arith.constant 0 : i32
        %dma_wait3A_62 = tpu.memref_slice %arg6[%scan3A_57, %dma_wait3A] : memref<16x128xi32, #tpu.memory_space<vmem>> -> memref<1x128xi32, #tpu.memory_space<vmem>>
        %dma_wait3A_63 = tpu.memref_squeeze %dma_wait3A_62 : memref<1x128xi32, #tpu.memory_space<vmem>> -> memref<128xi32, #tpu.memory_space<vmem>>
        %dma_wait3A_64 = arith.constant 0 : i32
        %dma_wait3A_65 = tpu.memref_slice %arg8[%dma_wait3A_64] : memref<10240xf32, #tpu.memory_space<vmem_shared>> -> memref<10240xf32, #tpu.memory_space<vmem_shared>>
        tpu.wait_indirect_dma semaphore(%run_scoped3A : memref<!tpu.dma_semaphore, #tpu.memory_space<semaphore_mem>>) src(%arg7 : memref<128xf32, #tpu.memory_space<vmem>>) dst(%dma_wait3A_65 : memref<10240xf32, #tpu.memory_space<vmem_shared>>)
        tpu.yield
      }) : () -> ()
    }
    %scan3A_41 = arith.constant 16 : i32
    %mul3A_42 = arith.constant 80 : i32
    %mul3A_43 = arith.muli %add3A, %mul3A_42 : i32
    %add3A_44 = arith.constant 64 : i32
    %add3A_45 = arith.addi %mul3A_43, %add3A_44 : i32
    "tpu.region"() ({
      %run_scoped3A = tpu.sem_alloc : memref<!tpu.dma_semaphore, #tpu.memory_space<semaphore_mem>>
      %dma_start3A = arith.constant 0 : i32
      %dma_start3A_57 = tpu.memref_slice %arg2[%add3A_45, %dma_start3A] : memref<2560x128xi32, #tpu.memory_space<hbm>> -> memref<16x128xi32, #tpu.memory_space<hbm>>
      %dma_start3A_58 = arith.constant 0 : i32
      %dma_start3A_59 = tpu.memref_slice %arg2[%add3A_45, %dma_start3A_58] : memref<2560x128xi32, #tpu.memory_space<hbm>> -> memref<16x128xi32, #tpu.memory_space<hbm>>
      tpu.enqueue_dma source(%dma_start3A_59 : memref<16x128xi32, #tpu.memory_space<hbm>>) target(%arg6 : memref<16x128xi32, #tpu.memory_space<vmem>>) target_semaphore(%run_scoped3A : memref<!tpu.dma_semaphore, #tpu.memory_space<semaphore_mem>>)
      %dma_wait3A = arith.constant 0 : i32
      %dma_wait3A_60 = tpu.memref_slice %arg2[%add3A_45, %dma_wait3A] : memref<2560x128xi32, #tpu.memory_space<hbm>> -> memref<16x128xi32, #tpu.memory_space<hbm>>
      %dma_wait3A_61 = arith.constant 0 : i32
      %dma_wait3A_62 = tpu.memref_slice %arg2[%add3A_45, %dma_wait3A_61] : memref<2560x128xi32, #tpu.memory_space<hbm>> -> memref<16x128xi32, #tpu.memory_space<hbm>>
      tpu.wait_dma2 semaphore(%run_scoped3A : memref<!tpu.dma_semaphore, #tpu.memory_space<semaphore_mem>>) src(%dma_wait3A_62 : memref<16x128xi32, #tpu.memory_space<hbm>>) dst(%arg6 : memref<16x128xi32, #tpu.memory_space<vmem>>)
      tpu.yield
    }) : () -> ()
    %scan3A_46 = arith.constant 0 : i32
    %scan3A_47 = arith.constant 0 : i32
    %scan3A_48 = arith.constant 16 : i32
    %scan3A_49 = arith.addi %scan3A_47, %scan3A_48 : i32
    %scan3A_50 = arith.constant 1 : i32
    scf.for %scan3A_57 = %scan3A_47 to %scan3A_49 step %scan3A_50  : i32 {
      "tpu.region"() ({
        %run_scoped3A = tpu.sem_alloc : memref<!tpu.dma_semaphore, #tpu.memory_space<semaphore_mem>>
        %dma_start3A = arith.constant 0 : i32
        %dma_start3A_58 = tpu.memref_slice %arg6[%scan3A_57, %dma_start3A] : memref<16x128xi32, #tpu.memory_space<vmem>> -> memref<1x128xi32, #tpu.memory_space<vmem>>
        %dma_start3A_59 = tpu.memref_squeeze %dma_start3A_58 : memref<1x128xi32, #tpu.memory_space<vmem>> -> memref<128xi32, #tpu.memory_space<vmem>>
        %dma_start3A_60 = arith.constant 0 : i32
        %dma_start3A_61 = tpu.memref_slice %arg8[%dma_start3A_60] : memref<10240xf32, #tpu.memory_space<vmem_shared>> -> memref<10240xf32, #tpu.memory_space<vmem_shared>>
        tpu.enqueue_indirect_dma source(%arg7 : memref<128xf32, #tpu.memory_space<vmem>>) target(%dma_start3A_61 : memref<10240xf32, #tpu.memory_space<vmem_shared>>) offsets(%dma_start3A_59 : memref<128xi32, #tpu.memory_space<vmem>>) semaphore(%run_scoped3A : memref<!tpu.dma_semaphore, #tpu.memory_space<semaphore_mem>>) {add = true}
        %dma_wait3A = arith.constant 0 : i32
        %dma_wait3A_62 = tpu.memref_slice %arg6[%scan3A_57, %dma_wait3A] : memref<16x128xi32, #tpu.memory_space<vmem>> -> memref<1x128xi32, #tpu.memory_space<vmem>>
        %dma_wait3A_63 = tpu.memref_squeeze %dma_wait3A_62 : memref<1x128xi32, #tpu.memory_space<vmem>> -> memref<128xi32, #tpu.memory_space<vmem>>
        %dma_wait3A_64 = arith.constant 0 : i32
        %dma_wait3A_65 = tpu.memref_slice %arg8[%dma_wait3A_64] : memref<10240xf32, #tpu.memory_space<vmem_shared>> -> memref<10240xf32, #tpu.memory_space<vmem_shared>>
        tpu.wait_indirect_dma semaphore(%run_scoped3A : memref<!tpu.dma_semaphore, #tpu.memory_space<semaphore_mem>>) src(%arg7 : memref<128xf32, #tpu.memory_space<vmem>>) dst(%dma_wait3A_65 : memref<10240xf32, #tpu.memory_space<vmem_shared>>)
        tpu.yield
      }) : () -> ()
    }
    %scan3A_51 = arith.constant 16 : i32
    %barrier3A_52 = arith.constant 0 : index
    tpu.barrier barrier_id(%barrier3A_52)
    %mul3A_53 = arith.constant 640 : i32
    %mul3A_54 = arith.muli %arg1, %mul3A_53 : i32
    %mul3A_55 = arith.constant 640 : i32
    %mul3A_56 = arith.muli %arg1, %mul3A_55 : i32
    "tpu.region"() ({
      %run_scoped3A = tpu.sem_alloc : memref<!tpu.dma_semaphore, #tpu.memory_space<semaphore_mem>>
      %dma_start3A = tpu.memref_slice %arg5[%arg0, %mul3A_56] : memref<2x10240xf32, #tpu.memory_space<hbm>> -> memref<1x640xf32, #tpu.memory_space<hbm>>
      %dma_start3A_57 = tpu.memref_squeeze %dma_start3A : memref<1x640xf32, #tpu.memory_space<hbm>> -> memref<640xf32, #tpu.memory_space<hbm>>
      %dma_start3A_58 = tpu.memref_slice %arg8[%mul3A_54] : memref<10240xf32, #tpu.memory_space<vmem_shared>> -> memref<640xf32, #tpu.memory_space<vmem_shared>>
      tpu.enqueue_dma source(%dma_start3A_58 : memref<640xf32, #tpu.memory_space<vmem_shared>>) target(%dma_start3A_57 : memref<640xf32, #tpu.memory_space<hbm>>) target_semaphore(%run_scoped3A : memref<!tpu.dma_semaphore, #tpu.memory_space<semaphore_mem>>)
      %dma_wait3A = tpu.memref_slice %arg5[%arg0, %mul3A_56] : memref<2x10240xf32, #tpu.memory_space<hbm>> -> memref<1x640xf32, #tpu.memory_space<hbm>>
      %dma_wait3A_59 = tpu.memref_squeeze %dma_wait3A : memref<1x640xf32, #tpu.memory_space<hbm>> -> memref<640xf32, #tpu.memory_space<hbm>>
      %dma_wait3A_60 = tpu.memref_slice %arg8[%mul3A_54] : memref<10240xf32, #tpu.memory_space<vmem_shared>> -> memref<640xf32, #tpu.memory_space<vmem_shared>>
      tpu.wait_dma2 semaphore(%run_scoped3A : memref<!tpu.dma_semaphore, #tpu.memory_space<semaphore_mem>>) src(%dma_wait3A_60 : memref<640xf32, #tpu.memory_space<vmem_shared>>) dst(%dma_wait3A_59 : memref<640xf32, #tpu.memory_space<hbm>>)
      tpu.yield
    }) : () -> ()
    return
  }
}

#map = affine_map<(d0, d1) -> (0, 0)>
#map1 = affine_map<(d0, d1) -> (0, 0, 0)>
module attributes {stable_mosaic.version = 14 : i64} {
  func.func @_sc_scatter_body(%arg0: i32, %arg1: i32, %arg2: memref<5120x64xi32, #tpu.memory_space<hbm>>, %arg3: memref<5120x64xi32, #tpu.memory_space<hbm>>, %arg4: memref<10000x128xf32, #tpu.memory_space<hbm>>, %arg5: memref<64x128xf32, #tpu.memory_space<hbm>>, %arg6: memref<2x10240x128xf32, #tpu.memory_space<hbm>>, %arg7: memref<2x32x64xi32, #tpu.memory_space<vmem>>, %arg8: memref<2x32x64xi32, #tpu.memory_space<vmem>>, %arg9: memref<4x64x128xf32, #tpu.memory_space<vmem>>, %arg10: memref<10240x128xf32, #tpu.memory_space<vmem_shared>>, %arg11: memref<!tpu.dma_semaphore, #tpu.memory_space<semaphore_mem>>, %arg12: memref<!tpu.dma_semaphore, #tpu.memory_space<semaphore_mem>>, %arg13: memref<!tpu.dma_semaphore, #tpu.memory_space<semaphore_mem>>, %arg14: memref<!tpu.dma_semaphore, #tpu.memory_space<semaphore_mem>>, %arg15: memref<!tpu.dma_semaphore, #tpu.memory_space<semaphore_mem>>) attributes {dimension_semantics = [#tpu.dimension_semantics<core_parallel>, #tpu.dimension_semantics<subcore_parallel>], iteration_bounds = array<i64: 2, 16>, scalar_prefetch = 0 : i64, scratch_operands = 9 : i64, tpu.core_type = #tpu.core_type<sc_vector_subcore>, window_params = [{transform_indices = #map}, {transform_indices = #map}, {transform_indices = #map}, {transform_indices = #map}, {transform_indices = #map1}]} {
    %mul3A = arith.constant 16 : i32
    %mul3A_0 = arith.muli %arg0, %mul3A : i32
    %add3A = arith.addi %mul3A_0, %arg1 : i32
    %run_scoped3A = arith.constant 0 : i32
    "tpu.region"() ({
      %run_scoped3A_571 = tpu.sem_alloc : memref<!tpu.dma_semaphore, #tpu.memory_space<semaphore_mem>>
      %dma_start3A_572 = arith.constant 0 : i32
      %dma_start3A_573 = arith.constant 0 : i32
      %dma_start3A_574 = tpu.memref_slice %arg9[%run_scoped3A, %dma_start3A_572, %dma_start3A_573] : memref<4x64x128xf32, #tpu.memory_space<vmem>> -> memref<1x64x128xf32, #tpu.memory_space<vmem>>
      %dma_start3A_575 = tpu.memref_squeeze %dma_start3A_574 : memref<1x64x128xf32, #tpu.memory_space<vmem>> -> memref<64x128xf32, #tpu.memory_space<vmem>>
      %dma_start3A_576 = arith.constant 0 : i32
      %dma_start3A_577 = arith.constant 0 : i32
      %dma_start3A_578 = tpu.memref_slice %arg9[%run_scoped3A, %dma_start3A_576, %dma_start3A_577] : memref<4x64x128xf32, #tpu.memory_space<vmem>> -> memref<1x64x128xf32, #tpu.memory_space<vmem>>
      %dma_start3A_579 = tpu.memref_squeeze %dma_start3A_578 : memref<1x64x128xf32, #tpu.memory_space<vmem>> -> memref<64x128xf32, #tpu.memory_space<vmem>>
      tpu.enqueue_dma source(%arg5 : memref<64x128xf32, #tpu.memory_space<hbm>>) target(%dma_start3A_579 : memref<64x128xf32, #tpu.memory_space<vmem>>) target_semaphore(%run_scoped3A_571 : memref<!tpu.dma_semaphore, #tpu.memory_space<semaphore_mem>>)
      %dma_wait3A_580 = arith.constant 0 : i32
      %dma_wait3A_581 = arith.constant 0 : i32
      %dma_wait3A_582 = tpu.memref_slice %arg9[%run_scoped3A, %dma_wait3A_580, %dma_wait3A_581] : memref<4x64x128xf32, #tpu.memory_space<vmem>> -> memref<1x64x128xf32, #tpu.memory_space<vmem>>
      %dma_wait3A_583 = tpu.memref_squeeze %dma_wait3A_582 : memref<1x64x128xf32, #tpu.memory_space<vmem>> -> memref<64x128xf32, #tpu.memory_space<vmem>>
      %dma_wait3A_584 = arith.constant 0 : i32
      %dma_wait3A_585 = arith.constant 0 : i32
      %dma_wait3A_586 = tpu.memref_slice %arg9[%run_scoped3A, %dma_wait3A_584, %dma_wait3A_585] : memref<4x64x128xf32, #tpu.memory_space<vmem>> -> memref<1x64x128xf32, #tpu.memory_space<vmem>>
      %dma_wait3A_587 = tpu.memref_squeeze %dma_wait3A_586 : memref<1x64x128xf32, #tpu.memory_space<vmem>> -> memref<64x128xf32, #tpu.memory_space<vmem>>
      tpu.wait_dma2 semaphore(%run_scoped3A_571 : memref<!tpu.dma_semaphore, #tpu.memory_space<semaphore_mem>>) src(%arg5 : memref<64x128xf32, #tpu.memory_space<hbm>>) dst(%dma_wait3A_587 : memref<64x128xf32, #tpu.memory_space<vmem>>)
      tpu.yield
    }) : () -> ()
    %mul3A_1 = arith.constant 640 : i32
    %mul3A_2 = arith.muli %arg1, %mul3A_1 : i32
    %add3A_3 = arith.constant 0 : i32
    %add3A_4 = arith.addi %mul3A_2, %add3A_3 : i32
    %run_scoped3A_5 = arith.constant 0 : i32
    "tpu.region"() ({
      %run_scoped3A_571 = tpu.sem_alloc : memref<!tpu.dma_semaphore, #tpu.memory_space<semaphore_mem>>
      %dma_start3A_572 = arith.constant 0 : i32
      %dma_start3A_573 = arith.constant 0 : i32
      %dma_start3A_574 = tpu.memref_slice %arg9[%run_scoped3A_5, %dma_start3A_572, %dma_start3A_573] : memref<4x64x128xf32, #tpu.memory_space<vmem>> -> memref<1x64x128xf32, #tpu.memory_space<vmem>>
      %dma_start3A_575 = tpu.memref_squeeze %dma_start3A_574 : memref<1x64x128xf32, #tpu.memory_space<vmem>> -> memref<64x128xf32, #tpu.memory_space<vmem>>
      %dma_start3A_576 = arith.constant 0 : i32
      %dma_start3A_577 = tpu.memref_slice %arg10[%add3A_4, %dma_start3A_576] : memref<10240x128xf32, #tpu.memory_space<vmem_shared>> -> memref<64x128xf32, #tpu.memory_space<vmem_shared>>
      %dma_start3A_578 = arith.constant 0 : i32
      %dma_start3A_579 = tpu.memref_slice %arg10[%add3A_4, %dma_start3A_578] : memref<10240x128xf32, #tpu.memory_space<vmem_shared>> -> memref<64x128xf32, #tpu.memory_space<vmem_shared>>
      %dma_start3A_580 = arith.constant 0 : i32
      %dma_start3A_581 = arith.constant 0 : i32
      %dma_start3A_582 = tpu.memref_slice %arg9[%run_scoped3A_5, %dma_start3A_580, %dma_start3A_581] : memref<4x64x128xf32, #tpu.memory_space<vmem>> -> memref<1x64x128xf32, #tpu.memory_space<vmem>>
      %dma_start3A_583 = tpu.memref_squeeze %dma_start3A_582 : memref<1x64x128xf32, #tpu.memory_space<vmem>> -> memref<64x128xf32, #tpu.memory_space<vmem>>
      tpu.enqueue_dma source(%dma_start3A_583 : memref<64x128xf32, #tpu.memory_space<vmem>>) target(%dma_start3A_579 : memref<64x128xf32, #tpu.memory_space<vmem_shared>>) target_semaphore(%run_scoped3A_571 : memref<!tpu.dma_semaphore, #tpu.memory_space<semaphore_mem>>)
      %dma_wait3A_584 = arith.constant 0 : i32
      %dma_wait3A_585 = arith.constant 0 : i32
      %dma_wait3A_586 = tpu.memref_slice %arg9[%run_scoped3A_5, %dma_wait3A_584, %dma_wait3A_585] : memref<4x64x128xf32, #tpu.memory_space<vmem>> -> memref<1x64x128xf32, #tpu.memory_space<vmem>>
      %dma_wait3A_587 = tpu.memref_squeeze %dma_wait3A_586 : memref<1x64x128xf32, #tpu.memory_space<vmem>> -> memref<64x128xf32, #tpu.memory_space<vmem>>
      %dma_wait3A_588 = arith.constant 0 : i32
      %dma_wait3A_589 = tpu.memref_slice %arg10[%add3A_4, %dma_wait3A_588] : memref<10240x128xf32, #tpu.memory_space<vmem_shared>> -> memref<64x128xf32, #tpu.memory_space<vmem_shared>>
      %dma_wait3A_590 = arith.constant 0 : i32
      %dma_wait3A_591 = tpu.memref_slice %arg10[%add3A_4, %dma_wait3A_590] : memref<10240x128xf32, #tpu.memory_space<vmem_shared>> -> memref<64x128xf32, #tpu.memory_space<vmem_shared>>
      %dma_wait3A_592 = arith.constant 0 : i32
      %dma_wait3A_593 = arith.constant 0 : i32
      %dma_wait3A_594 = tpu.memref_slice %arg9[%run_scoped3A_5, %dma_wait3A_592, %dma_wait3A_593] : memref<4x64x128xf32, #tpu.memory_space<vmem>> -> memref<1x64x128xf32, #tpu.memory_space<vmem>>
      %dma_wait3A_595 = tpu.memref_squeeze %dma_wait3A_594 : memref<1x64x128xf32, #tpu.memory_space<vmem>> -> memref<64x128xf32, #tpu.memory_space<vmem>>
      tpu.wait_dma2 semaphore(%run_scoped3A_571 : memref<!tpu.dma_semaphore, #tpu.memory_space<semaphore_mem>>) src(%dma_wait3A_595 : memref<64x128xf32, #tpu.memory_space<vmem>>) dst(%dma_wait3A_591 : memref<64x128xf32, #tpu.memory_space<vmem_shared>>)
      tpu.yield
    }) : () -> ()
    %mul3A_6 = arith.constant 640 : i32
    %mul3A_7 = arith.muli %arg1, %mul3A_6 : i32
    %add3A_8 = arith.constant 64 : i32
    %add3A_9 = arith.addi %mul3A_7, %add3A_8 : i32
    %run_scoped3A_10 = arith.constant 0 : i32
    "tpu.region"() ({
      %run_scoped3A_571 = tpu.sem_alloc : memref<!tpu.dma_semaphore, #tpu.memory_space<semaphore_mem>>
      %dma_start3A_572 = arith.constant 0 : i32
      %dma_start3A_573 = arith.constant 0 : i32
      %dma_start3A_574 = tpu.memref_slice %arg9[%run_scoped3A_10, %dma_start3A_572, %dma_start3A_573] : memref<4x64x128xf32, #tpu.memory_space<vmem>> -> memref<1x64x128xf32, #tpu.memory_space<vmem>>
      %dma_start3A_575 = tpu.memref_squeeze %dma_start3A_574 : memref<1x64x128xf32, #tpu.memory_space<vmem>> -> memref<64x128xf32, #tpu.memory_space<vmem>>
      %dma_start3A_576 = arith.constant 0 : i32
      %dma_start3A_577 = tpu.memref_slice %arg10[%add3A_9, %dma_start3A_576] : memref<10240x128xf32, #tpu.memory_space<vmem_shared>> -> memref<64x128xf32, #tpu.memory_space<vmem_shared>>
      %dma_start3A_578 = arith.constant 0 : i32
      %dma_start3A_579 = tpu.memref_slice %arg10[%add3A_9, %dma_start3A_578] : memref<10240x128xf32, #tpu.memory_space<vmem_shared>> -> memref<64x128xf32, #tpu.memory_space<vmem_shared>>
      %dma_start3A_580 = arith.constant 0 : i32
      %dma_start3A_581 = arith.constant 0 : i32
      %dma_start3A_582 = tpu.memref_slice %arg9[%run_scoped3A_10, %dma_start3A_580, %dma_start3A_581] : memref<4x64x128xf32, #tpu.memory_space<vmem>> -> memref<1x64x128xf32, #tpu.memory_space<vmem>>
      %dma_start3A_583 = tpu.memref_squeeze %dma_start3A_582 : memref<1x64x128xf32, #tpu.memory_space<vmem>> -> memref<64x128xf32, #tpu.memory_space<vmem>>
      tpu.enqueue_dma source(%dma_start3A_583 : memref<64x128xf32, #tpu.memory_space<vmem>>) target(%dma_start3A_579 : memref<64x128xf32, #tpu.memory_space<vmem_shared>>) target_semaphore(%run_scoped3A_571 : memref<!tpu.dma_semaphore, #tpu.memory_space<semaphore_mem>>)
      %dma_wait3A_584 = arith.constant 0 : i32
      %dma_wait3A_585 = arith.constant 0 : i32
      %dma_wait3A_586 = tpu.memref_slice %arg9[%run_scoped3A_10, %dma_wait3A_584, %dma_wait3A_585] : memref<4x64x128xf32, #tpu.memory_space<vmem>> -> memref<1x64x128xf32, #tpu.memory_space<vmem>>
      %dma_wait3A_587 = tpu.memref_squeeze %dma_wait3A_586 : memref<1x64x128xf32, #tpu.memory_space<vmem>> -> memref<64x128xf32, #tpu.memory_space<vmem>>
      %dma_wait3A_588 = arith.constant 0 : i32
      %dma_wait3A_589 = tpu.memref_slice %arg10[%add3A_9, %dma_wait3A_588] : memref<10240x128xf32, #tpu.memory_space<vmem_shared>> -> memref<64x128xf32, #tpu.memory_space<vmem_shared>>
      %dma_wait3A_590 = arith.constant 0 : i32
      %dma_wait3A_591 = tpu.memref_slice %arg10[%add3A_9, %dma_wait3A_590] : memref<10240x128xf32, #tpu.memory_space<vmem_shared>> -> memref<64x128xf32, #tpu.memory_space<vmem_shared>>
      %dma_wait3A_592 = arith.constant 0 : i32
      %dma_wait3A_593 = arith.constant 0 : i32
      %dma_wait3A_594 = tpu.memref_slice %arg9[%run_scoped3A_10, %dma_wait3A_592, %dma_wait3A_593] : memref<4x64x128xf32, #tpu.memory_space<vmem>> -> memref<1x64x128xf32, #tpu.memory_space<vmem>>
      %dma_wait3A_595 = tpu.memref_squeeze %dma_wait3A_594 : memref<1x64x128xf32, #tpu.memory_space<vmem>> -> memref<64x128xf32, #tpu.memory_space<vmem>>
      tpu.wait_dma2 semaphore(%run_scoped3A_571 : memref<!tpu.dma_semaphore, #tpu.memory_space<semaphore_mem>>) src(%dma_wait3A_595 : memref<64x128xf32, #tpu.memory_space<vmem>>) dst(%dma_wait3A_591 : memref<64x128xf32, #tpu.memory_space<vmem_shared>>)
      tpu.yield
    }) : () -> ()
    %mul3A_11 = arith.constant 640 : i32
    %mul3A_12 = arith.muli %arg1, %mul3A_11 : i32
    %add3A_13 = arith.constant 128 : i32
    %add3A_14 = arith.addi %mul3A_12, %add3A_13 : i32
    %run_scoped3A_15 = arith.constant 0 : i32
    "tpu.region"() ({
      %run_scoped3A_571 = tpu.sem_alloc : memref<!tpu.dma_semaphore, #tpu.memory_space<semaphore_mem>>
      %dma_start3A_572 = arith.constant 0 : i32
      %dma_start3A_573 = arith.constant 0 : i32
      %dma_start3A_574 = tpu.memref_slice %arg9[%run_scoped3A_15, %dma_start3A_572, %dma_start3A_573] : memref<4x64x128xf32, #tpu.memory_space<vmem>> -> memref<1x64x128xf32, #tpu.memory_space<vmem>>
      %dma_start3A_575 = tpu.memref_squeeze %dma_start3A_574 : memref<1x64x128xf32, #tpu.memory_space<vmem>> -> memref<64x128xf32, #tpu.memory_space<vmem>>
      %dma_start3A_576 = arith.constant 0 : i32
      %dma_start3A_577 = tpu.memref_slice %arg10[%add3A_14, %dma_start3A_576] : memref<10240x128xf32, #tpu.memory_space<vmem_shared>> -> memref<64x128xf32, #tpu.memory_space<vmem_shared>>
      %dma_start3A_578 = arith.constant 0 : i32
      %dma_start3A_579 = tpu.memref_slice %arg10[%add3A_14, %dma_start3A_578] : memref<10240x128xf32, #tpu.memory_space<vmem_shared>> -> memref<64x128xf32, #tpu.memory_space<vmem_shared>>
      %dma_start3A_580 = arith.constant 0 : i32
      %dma_start3A_581 = arith.constant 0 : i32
      %dma_start3A_582 = tpu.memref_slice %arg9[%run_scoped3A_15, %dma_start3A_580, %dma_start3A_581] : memref<4x64x128xf32, #tpu.memory_space<vmem>> -> memref<1x64x128xf32, #tpu.memory_space<vmem>>
      %dma_start3A_583 = tpu.memref_squeeze %dma_start3A_582 : memref<1x64x128xf32, #tpu.memory_space<vmem>> -> memref<64x128xf32, #tpu.memory_space<vmem>>
      tpu.enqueue_dma source(%dma_start3A_583 : memref<64x128xf32, #tpu.memory_space<vmem>>) target(%dma_start3A_579 : memref<64x128xf32, #tpu.memory_space<vmem_shared>>) target_semaphore(%run_scoped3A_571 : memref<!tpu.dma_semaphore, #tpu.memory_space<semaphore_mem>>)
      %dma_wait3A_584 = arith.constant 0 : i32
      %dma_wait3A_585 = arith.constant 0 : i32
      %dma_wait3A_586 = tpu.memref_slice %arg9[%run_scoped3A_15, %dma_wait3A_584, %dma_wait3A_585] : memref<4x64x128xf32, #tpu.memory_space<vmem>> -> memref<1x64x128xf32, #tpu.memory_space<vmem>>
      %dma_wait3A_587 = tpu.memref_squeeze %dma_wait3A_586 : memref<1x64x128xf32, #tpu.memory_space<vmem>> -> memref<64x128xf32, #tpu.memory_space<vmem>>
      %dma_wait3A_588 = arith.constant 0 : i32
      %dma_wait3A_589 = tpu.memref_slice %arg10[%add3A_14, %dma_wait3A_588] : memref<10240x128xf32, #tpu.memory_space<vmem_shared>> -> memref<64x128xf32, #tpu.memory_space<vmem_shared>>
      %dma_wait3A_590 = arith.constant 0 : i32
      %dma_wait3A_591 = tpu.memref_slice %arg10[%add3A_14, %dma_wait3A_590] : memref<10240x128xf32, #tpu.memory_space<vmem_shared>> -> memref<64x128xf32, #tpu.memory_space<vmem_shared>>
      %dma_wait3A_592 = arith.constant 0 : i32
      %dma_wait3A_593 = arith.constant 0 : i32
      %dma_wait3A_594 = tpu.memref_slice %arg9[%run_scoped3A_15, %dma_wait3A_592, %dma_wait3A_593] : memref<4x64x128xf32, #tpu.memory_space<vmem>> -> memref<1x64x128xf32, #tpu.memory_space<vmem>>
      %dma_wait3A_595 = tpu.memref_squeeze %dma_wait3A_594 : memref<1x64x128xf32, #tpu.memory_space<vmem>> -> memref<64x128xf32, #tpu.memory_space<vmem>>
      tpu.wait_dma2 semaphore(%run_scoped3A_571 : memref<!tpu.dma_semaphore, #tpu.memory_space<semaphore_mem>>) src(%dma_wait3A_595 : memref<64x128xf32, #tpu.memory_space<vmem>>) dst(%dma_wait3A_591 : memref<64x128xf32, #tpu.memory_space<vmem_shared>>)
      tpu.yield
    }) : () -> ()
    %mul3A_16 = arith.constant 640 : i32
    %mul3A_17 = arith.muli %arg1, %mul3A_16 : i32
    %add3A_18 = arith.constant 192 : i32
    %add3A_19 = arith.addi %mul3A_17, %add3A_18 : i32
    %run_scoped3A_20 = arith.constant 0 : i32
    "tpu.region"() ({
      %run_scoped3A_571 = tpu.sem_alloc : memref<!tpu.dma_semaphore, #tpu.memory_space<semaphore_mem>>
      %dma_start3A_572 = arith.constant 0 : i32
      %dma_start3A_573 = arith.constant 0 : i32
      %dma_start3A_574 = tpu.memref_slice %arg9[%run_scoped3A_20, %dma_start3A_572, %dma_start3A_573] : memref<4x64x128xf32, #tpu.memory_space<vmem>> -> memref<1x64x128xf32, #tpu.memory_space<vmem>>
      %dma_start3A_575 = tpu.memref_squeeze %dma_start3A_574 : memref<1x64x128xf32, #tpu.memory_space<vmem>> -> memref<64x128xf32, #tpu.memory_space<vmem>>
      %dma_start3A_576 = arith.constant 0 : i32
      %dma_start3A_577 = tpu.memref_slice %arg10[%add3A_19, %dma_start3A_576] : memref<10240x128xf32, #tpu.memory_space<vmem_shared>> -> memref<64x128xf32, #tpu.memory_space<vmem_shared>>
      %dma_start3A_578 = arith.constant 0 : i32
      %dma_start3A_579 = tpu.memref_slice %arg10[%add3A_19, %dma_start3A_578] : memref<10240x128xf32, #tpu.memory_space<vmem_shared>> -> memref<64x128xf32, #tpu.memory_space<vmem_shared>>
      %dma_start3A_580 = arith.constant 0 : i32
      %dma_start3A_581 = arith.constant 0 : i32
      %dma_start3A_582 = tpu.memref_slice %arg9[%run_scoped3A_20, %dma_start3A_580, %dma_start3A_581] : memref<4x64x128xf32, #tpu.memory_space<vmem>> -> memref<1x64x128xf32, #tpu.memory_space<vmem>>
      %dma_start3A_583 = tpu.memref_squeeze %dma_start3A_582 : memref<1x64x128xf32, #tpu.memory_space<vmem>> -> memref<64x128xf32, #tpu.memory_space<vmem>>
      tpu.enqueue_dma source(%dma_start3A_583 : memref<64x128xf32, #tpu.memory_space<vmem>>) target(%dma_start3A_579 : memref<64x128xf32, #tpu.memory_space<vmem_shared>>) target_semaphore(%run_scoped3A_571 : memref<!tpu.dma_semaphore, #tpu.memory_space<semaphore_mem>>)
      %dma_wait3A_584 = arith.constant 0 : i32
      %dma_wait3A_585 = arith.constant 0 : i32
      %dma_wait3A_586 = tpu.memref_slice %arg9[%run_scoped3A_20, %dma_wait3A_584, %dma_wait3A_585] : memref<4x64x128xf32, #tpu.memory_space<vmem>> -> memref<1x64x128xf32, #tpu.memory_space<vmem>>
      %dma_wait3A_587 = tpu.memref_squeeze %dma_wait3A_586 : memref<1x64x128xf32, #tpu.memory_space<vmem>> -> memref<64x128xf32, #tpu.memory_space<vmem>>
      %dma_wait3A_588 = arith.constant 0 : i32
      %dma_wait3A_589 = tpu.memref_slice %arg10[%add3A_19, %dma_wait3A_588] : memref<10240x128xf32, #tpu.memory_space<vmem_shared>> -> memref<64x128xf32, #tpu.memory_space<vmem_shared>>
      %dma_wait3A_590 = arith.constant 0 : i32
      %dma_wait3A_591 = tpu.memref_slice %arg10[%add3A_19, %dma_wait3A_590] : memref<10240x128xf32, #tpu.memory_space<vmem_shared>> -> memref<64x128xf32, #tpu.memory_space<vmem_shared>>
      %dma_wait3A_592 = arith.constant 0 : i32
      %dma_wait3A_593 = arith.constant 0 : i32
      %dma_wait3A_594 = tpu.memref_slice %arg9[%run_scoped3A_20, %dma_wait3A_592, %dma_wait3A_593] : memref<4x64x128xf32, #tpu.memory_space<vmem>> -> memref<1x64x128xf32, #tpu.memory_space<vmem>>
      %dma_wait3A_595 = tpu.memref_squeeze %dma_wait3A_594 : memref<1x64x128xf32, #tpu.memory_space<vmem>> -> memref<64x128xf32, #tpu.memory_space<vmem>>
      tpu.wait_dma2 semaphore(%run_scoped3A_571 : memref<!tpu.dma_semaphore, #tpu.memory_space<semaphore_mem>>) src(%dma_wait3A_595 : memref<64x128xf32, #tpu.memory_space<vmem>>) dst(%dma_wait3A_591 : memref<64x128xf32, #tpu.memory_space<vmem_shared>>)
      tpu.yield
    }) : () -> ()
    %mul3A_21 = arith.constant 640 : i32
    %mul3A_22 = arith.muli %arg1, %mul3A_21 : i32
    %add3A_23 = arith.constant 256 : i32
    %add3A_24 = arith.addi %mul3A_22, %add3A_23 : i32
    %run_scoped3A_25 = arith.constant 0 : i32
    "tpu.region"() ({
      %run_scoped3A_571 = tpu.sem_alloc : memref<!tpu.dma_semaphore, #tpu.memory_space<semaphore_mem>>
      %dma_start3A_572 = arith.constant 0 : i32
      %dma_start3A_573 = arith.constant 0 : i32
      %dma_start3A_574 = tpu.memref_slice %arg9[%run_scoped3A_25, %dma_start3A_572, %dma_start3A_573] : memref<4x64x128xf32, #tpu.memory_space<vmem>> -> memref<1x64x128xf32, #tpu.memory_space<vmem>>
      %dma_start3A_575 = tpu.memref_squeeze %dma_start3A_574 : memref<1x64x128xf32, #tpu.memory_space<vmem>> -> memref<64x128xf32, #tpu.memory_space<vmem>>
      %dma_start3A_576 = arith.constant 0 : i32
      %dma_start3A_577 = tpu.memref_slice %arg10[%add3A_24, %dma_start3A_576] : memref<10240x128xf32, #tpu.memory_space<vmem_shared>> -> memref<64x128xf32, #tpu.memory_space<vmem_shared>>
      %dma_start3A_578 = arith.constant 0 : i32
      %dma_start3A_579 = tpu.memref_slice %arg10[%add3A_24, %dma_start3A_578] : memref<10240x128xf32, #tpu.memory_space<vmem_shared>> -> memref<64x128xf32, #tpu.memory_space<vmem_shared>>
      %dma_start3A_580 = arith.constant 0 : i32
      %dma_start3A_581 = arith.constant 0 : i32
      %dma_start3A_582 = tpu.memref_slice %arg9[%run_scoped3A_25, %dma_start3A_580, %dma_start3A_581] : memref<4x64x128xf32, #tpu.memory_space<vmem>> -> memref<1x64x128xf32, #tpu.memory_space<vmem>>
      %dma_start3A_583 = tpu.memref_squeeze %dma_start3A_582 : memref<1x64x128xf32, #tpu.memory_space<vmem>> -> memref<64x128xf32, #tpu.memory_space<vmem>>
      tpu.enqueue_dma source(%dma_start3A_583 : memref<64x128xf32, #tpu.memory_space<vmem>>) target(%dma_start3A_579 : memref<64x128xf32, #tpu.memory_space<vmem_shared>>) target_semaphore(%run_scoped3A_571 : memref<!tpu.dma_semaphore, #tpu.memory_space<semaphore_mem>>)
      %dma_wait3A_584 = arith.constant 0 : i32
      %dma_wait3A_585 = arith.constant 0 : i32
      %dma_wait3A_586 = tpu.memref_slice %arg9[%run_scoped3A_25, %dma_wait3A_584, %dma_wait3A_585] : memref<4x64x128xf32, #tpu.memory_space<vmem>> -> memref<1x64x128xf32, #tpu.memory_space<vmem>>
      %dma_wait3A_587 = tpu.memref_squeeze %dma_wait3A_586 : memref<1x64x128xf32, #tpu.memory_space<vmem>> -> memref<64x128xf32, #tpu.memory_space<vmem>>
      %dma_wait3A_588 = arith.constant 0 : i32
      %dma_wait3A_589 = tpu.memref_slice %arg10[%add3A_24, %dma_wait3A_588] : memref<10240x128xf32, #tpu.memory_space<vmem_shared>> -> memref<64x128xf32, #tpu.memory_space<vmem_shared>>
      %dma_wait3A_590 = arith.constant 0 : i32
      %dma_wait3A_591 = tpu.memref_slice %arg10[%add3A_24, %dma_wait3A_590] : memref<10240x128xf32, #tpu.memory_space<vmem_shared>> -> memref<64x128xf32, #tpu.memory_space<vmem_shared>>
      %dma_wait3A_592 = arith.constant 0 : i32
      %dma_wait3A_593 = arith.constant 0 : i32
      %dma_wait3A_594 = tpu.memref_slice %arg9[%run_scoped3A_25, %dma_wait3A_592, %dma_wait3A_593] : memref<4x64x128xf32, #tpu.memory_space<vmem>> -> memref<1x64x128xf32, #tpu.memory_space<vmem>>
      %dma_wait3A_595 = tpu.memref_squeeze %dma_wait3A_594 : memref<1x64x128xf32, #tpu.memory_space<vmem>> -> memref<64x128xf32, #tpu.memory_space<vmem>>
      tpu.wait_dma2 semaphore(%run_scoped3A_571 : memref<!tpu.dma_semaphore, #tpu.memory_space<semaphore_mem>>) src(%dma_wait3A_595 : memref<64x128xf32, #tpu.memory_space<vmem>>) dst(%dma_wait3A_591 : memref<64x128xf32, #tpu.memory_space<vmem_shared>>)
      tpu.yield
    }) : () -> ()
    %mul3A_26 = arith.constant 640 : i32
    %mul3A_27 = arith.muli %arg1, %mul3A_26 : i32
    %add3A_28 = arith.constant 320 : i32
    %add3A_29 = arith.addi %mul3A_27, %add3A_28 : i32
    %run_scoped3A_30 = arith.constant 0 : i32
    "tpu.region"() ({
      %run_scoped3A_571 = tpu.sem_alloc : memref<!tpu.dma_semaphore, #tpu.memory_space<semaphore_mem>>
      %dma_start3A_572 = arith.constant 0 : i32
      %dma_start3A_573 = arith.constant 0 : i32
      %dma_start3A_574 = tpu.memref_slice %arg9[%run_scoped3A_30, %dma_start3A_572, %dma_start3A_573] : memref<4x64x128xf32, #tpu.memory_space<vmem>> -> memref<1x64x128xf32, #tpu.memory_space<vmem>>
      %dma_start3A_575 = tpu.memref_squeeze %dma_start3A_574 : memref<1x64x128xf32, #tpu.memory_space<vmem>> -> memref<64x128xf32, #tpu.memory_space<vmem>>
      %dma_start3A_576 = arith.constant 0 : i32
      %dma_start3A_577 = tpu.memref_slice %arg10[%add3A_29, %dma_start3A_576] : memref<10240x128xf32, #tpu.memory_space<vmem_shared>> -> memref<64x128xf32, #tpu.memory_space<vmem_shared>>
      %dma_start3A_578 = arith.constant 0 : i32
      %dma_start3A_579 = tpu.memref_slice %arg10[%add3A_29, %dma_start3A_578] : memref<10240x128xf32, #tpu.memory_space<vmem_shared>> -> memref<64x128xf32, #tpu.memory_space<vmem_shared>>
      %dma_start3A_580 = arith.constant 0 : i32
      %dma_start3A_581 = arith.constant 0 : i32
      %dma_start3A_582 = tpu.memref_slice %arg9[%run_scoped3A_30, %dma_start3A_580, %dma_start3A_581] : memref<4x64x128xf32, #tpu.memory_space<vmem>> -> memref<1x64x128xf32, #tpu.memory_space<vmem>>
      %dma_start3A_583 = tpu.memref_squeeze %dma_start3A_582 : memref<1x64x128xf32, #tpu.memory_space<vmem>> -> memref<64x128xf32, #tpu.memory_space<vmem>>
      tpu.enqueue_dma source(%dma_start3A_583 : memref<64x128xf32, #tpu.memory_space<vmem>>) target(%dma_start3A_579 : memref<64x128xf32, #tpu.memory_space<vmem_shared>>) target_semaphore(%run_scoped3A_571 : memref<!tpu.dma_semaphore, #tpu.memory_space<semaphore_mem>>)
      %dma_wait3A_584 = arith.constant 0 : i32
      %dma_wait3A_585 = arith.constant 0 : i32
      %dma_wait3A_586 = tpu.memref_slice %arg9[%run_scoped3A_30, %dma_wait3A_584, %dma_wait3A_585] : memref<4x64x128xf32, #tpu.memory_space<vmem>> -> memref<1x64x128xf32, #tpu.memory_space<vmem>>
      %dma_wait3A_587 = tpu.memref_squeeze %dma_wait3A_586 : memref<1x64x128xf32, #tpu.memory_space<vmem>> -> memref<64x128xf32, #tpu.memory_space<vmem>>
      %dma_wait3A_588 = arith.constant 0 : i32
      %dma_wait3A_589 = tpu.memref_slice %arg10[%add3A_29, %dma_wait3A_588] : memref<10240x128xf32, #tpu.memory_space<vmem_shared>> -> memref<64x128xf32, #tpu.memory_space<vmem_shared>>
      %dma_wait3A_590 = arith.constant 0 : i32
      %dma_wait3A_591 = tpu.memref_slice %arg10[%add3A_29, %dma_wait3A_590] : memref<10240x128xf32, #tpu.memory_space<vmem_shared>> -> memref<64x128xf32, #tpu.memory_space<vmem_shared>>
      %dma_wait3A_592 = arith.constant 0 : i32
      %dma_wait3A_593 = arith.constant 0 : i32
      %dma_wait3A_594 = tpu.memref_slice %arg9[%run_scoped3A_30, %dma_wait3A_592, %dma_wait3A_593] : memref<4x64x128xf32, #tpu.memory_space<vmem>> -> memref<1x64x128xf32, #tpu.memory_space<vmem>>
      %dma_wait3A_595 = tpu.memref_squeeze %dma_wait3A_594 : memref<1x64x128xf32, #tpu.memory_space<vmem>> -> memref<64x128xf32, #tpu.memory_space<vmem>>
      tpu.wait_dma2 semaphore(%run_scoped3A_571 : memref<!tpu.dma_semaphore, #tpu.memory_space<semaphore_mem>>) src(%dma_wait3A_595 : memref<64x128xf32, #tpu.memory_space<vmem>>) dst(%dma_wait3A_591 : memref<64x128xf32, #tpu.memory_space<vmem_shared>>)
      tpu.yield
    }) : () -> ()
    %mul3A_31 = arith.constant 640 : i32
    %mul3A_32 = arith.muli %arg1, %mul3A_31 : i32
    %add3A_33 = arith.constant 384 : i32
    %add3A_34 = arith.addi %mul3A_32, %add3A_33 : i32
    %run_scoped3A_35 = arith.constant 0 : i32
    "tpu.region"() ({
      %run_scoped3A_571 = tpu.sem_alloc : memref<!tpu.dma_semaphore, #tpu.memory_space<semaphore_mem>>
      %dma_start3A_572 = arith.constant 0 : i32
      %dma_start3A_573 = arith.constant 0 : i32
      %dma_start3A_574 = tpu.memref_slice %arg9[%run_scoped3A_35, %dma_start3A_572, %dma_start3A_573] : memref<4x64x128xf32, #tpu.memory_space<vmem>> -> memref<1x64x128xf32, #tpu.memory_space<vmem>>
      %dma_start3A_575 = tpu.memref_squeeze %dma_start3A_574 : memref<1x64x128xf32, #tpu.memory_space<vmem>> -> memref<64x128xf32, #tpu.memory_space<vmem>>
      %dma_start3A_576 = arith.constant 0 : i32
      %dma_start3A_577 = tpu.memref_slice %arg10[%add3A_34, %dma_start3A_576] : memref<10240x128xf32, #tpu.memory_space<vmem_shared>> -> memref<64x128xf32, #tpu.memory_space<vmem_shared>>
      %dma_start3A_578 = arith.constant 0 : i32
      %dma_start3A_579 = tpu.memref_slice %arg10[%add3A_34, %dma_start3A_578] : memref<10240x128xf32, #tpu.memory_space<vmem_shared>> -> memref<64x128xf32, #tpu.memory_space<vmem_shared>>
      %dma_start3A_580 = arith.constant 0 : i32
      %dma_start3A_581 = arith.constant 0 : i32
      %dma_start3A_582 = tpu.memref_slice %arg9[%run_scoped3A_35, %dma_start3A_580, %dma_start3A_581] : memref<4x64x128xf32, #tpu.memory_space<vmem>> -> memref<1x64x128xf32, #tpu.memory_space<vmem>>
      %dma_start3A_583 = tpu.memref_squeeze %dma_start3A_582 : memref<1x64x128xf32, #tpu.memory_space<vmem>> -> memref<64x128xf32, #tpu.memory_space<vmem>>
      tpu.enqueue_dma source(%dma_start3A_583 : memref<64x128xf32, #tpu.memory_space<vmem>>) target(%dma_start3A_579 : memref<64x128xf32, #tpu.memory_space<vmem_shared>>) target_semaphore(%run_scoped3A_571 : memref<!tpu.dma_semaphore, #tpu.memory_space<semaphore_mem>>)
      %dma_wait3A_584 = arith.constant 0 : i32
      %dma_wait3A_585 = arith.constant 0 : i32
      %dma_wait3A_586 = tpu.memref_slice %arg9[%run_scoped3A_35, %dma_wait3A_584, %dma_wait3A_585] : memref<4x64x128xf32, #tpu.memory_space<vmem>> -> memref<1x64x128xf32, #tpu.memory_space<vmem>>
      %dma_wait3A_587 = tpu.memref_squeeze %dma_wait3A_586 : memref<1x64x128xf32, #tpu.memory_space<vmem>> -> memref<64x128xf32, #tpu.memory_space<vmem>>
      %dma_wait3A_588 = arith.constant 0 : i32
      %dma_wait3A_589 = tpu.memref_slice %arg10[%add3A_34, %dma_wait3A_588] : memref<10240x128xf32, #tpu.memory_space<vmem_shared>> -> memref<64x128xf32, #tpu.memory_space<vmem_shared>>
      %dma_wait3A_590 = arith.constant 0 : i32
      %dma_wait3A_591 = tpu.memref_slice %arg10[%add3A_34, %dma_wait3A_590] : memref<10240x128xf32, #tpu.memory_space<vmem_shared>> -> memref<64x128xf32, #tpu.memory_space<vmem_shared>>
      %dma_wait3A_592 = arith.constant 0 : i32
      %dma_wait3A_593 = arith.constant 0 : i32
      %dma_wait3A_594 = tpu.memref_slice %arg9[%run_scoped3A_35, %dma_wait3A_592, %dma_wait3A_593] : memref<4x64x128xf32, #tpu.memory_space<vmem>> -> memref<1x64x128xf32, #tpu.memory_space<vmem>>
      %dma_wait3A_595 = tpu.memref_squeeze %dma_wait3A_594 : memref<1x64x128xf32, #tpu.memory_space<vmem>> -> memref<64x128xf32, #tpu.memory_space<vmem>>
      tpu.wait_dma2 semaphore(%run_scoped3A_571 : memref<!tpu.dma_semaphore, #tpu.memory_space<semaphore_mem>>) src(%dma_wait3A_595 : memref<64x128xf32, #tpu.memory_space<vmem>>) dst(%dma_wait3A_591 : memref<64x128xf32, #tpu.memory_space<vmem_shared>>)
      tpu.yield
    }) : () -> ()
    %mul3A_36 = arith.constant 640 : i32
    %mul3A_37 = arith.muli %arg1, %mul3A_36 : i32
    %add3A_38 = arith.constant 448 : i32
    %add3A_39 = arith.addi %mul3A_37, %add3A_38 : i32
    %run_scoped3A_40 = arith.constant 0 : i32
    "tpu.region"() ({
      %run_scoped3A_571 = tpu.sem_alloc : memref<!tpu.dma_semaphore, #tpu.memory_space<semaphore_mem>>
      %dma_start3A_572 = arith.constant 0 : i32
      %dma_start3A_573 = arith.constant 0 : i32
      %dma_start3A_574 = tpu.memref_slice %arg9[%run_scoped3A_40, %dma_start3A_572, %dma_start3A_573] : memref<4x64x128xf32, #tpu.memory_space<vmem>> -> memref<1x64x128xf32, #tpu.memory_space<vmem>>
      %dma_start3A_575 = tpu.memref_squeeze %dma_start3A_574 : memref<1x64x128xf32, #tpu.memory_space<vmem>> -> memref<64x128xf32, #tpu.memory_space<vmem>>
      %dma_start3A_576 = arith.constant 0 : i32
      %dma_start3A_577 = tpu.memref_slice %arg10[%add3A_39, %dma_start3A_576] : memref<10240x128xf32, #tpu.memory_space<vmem_shared>> -> memref<64x128xf32, #tpu.memory_space<vmem_shared>>
      %dma_start3A_578 = arith.constant 0 : i32
      %dma_start3A_579 = tpu.memref_slice %arg10[%add3A_39, %dma_start3A_578] : memref<10240x128xf32, #tpu.memory_space<vmem_shared>> -> memref<64x128xf32, #tpu.memory_space<vmem_shared>>
      %dma_start3A_580 = arith.constant 0 : i32
      %dma_start3A_581 = arith.constant 0 : i32
      %dma_start3A_582 = tpu.memref_slice %arg9[%run_scoped3A_40, %dma_start3A_580, %dma_start3A_581] : memref<4x64x128xf32, #tpu.memory_space<vmem>> -> memref<1x64x128xf32, #tpu.memory_space<vmem>>
      %dma_start3A_583 = tpu.memref_squeeze %dma_start3A_582 : memref<1x64x128xf32, #tpu.memory_space<vmem>> -> memref<64x128xf32, #tpu.memory_space<vmem>>
      tpu.enqueue_dma source(%dma_start3A_583 : memref<64x128xf32, #tpu.memory_space<vmem>>) target(%dma_start3A_579 : memref<64x128xf32, #tpu.memory_space<vmem_shared>>) target_semaphore(%run_scoped3A_571 : memref<!tpu.dma_semaphore, #tpu.memory_space<semaphore_mem>>)
      %dma_wait3A_584 = arith.constant 0 : i32
      %dma_wait3A_585 = arith.constant 0 : i32
      %dma_wait3A_586 = tpu.memref_slice %arg9[%run_scoped3A_40, %dma_wait3A_584, %dma_wait3A_585] : memref<4x64x128xf32, #tpu.memory_space<vmem>> -> memref<1x64x128xf32, #tpu.memory_space<vmem>>
      %dma_wait3A_587 = tpu.memref_squeeze %dma_wait3A_586 : memref<1x64x128xf32, #tpu.memory_space<vmem>> -> memref<64x128xf32, #tpu.memory_space<vmem>>
      %dma_wait3A_588 = arith.constant 0 : i32
      %dma_wait3A_589 = tpu.memref_slice %arg10[%add3A_39, %dma_wait3A_588] : memref<10240x128xf32, #tpu.memory_space<vmem_shared>> -> memref<64x128xf32, #tpu.memory_space<vmem_shared>>
      %dma_wait3A_590 = arith.constant 0 : i32
      %dma_wait3A_591 = tpu.memref_slice %arg10[%add3A_39, %dma_wait3A_590] : memref<10240x128xf32, #tpu.memory_space<vmem_shared>> -> memref<64x128xf32, #tpu.memory_space<vmem_shared>>
      %dma_wait3A_592 = arith.constant 0 : i32
      %dma_wait3A_593 = arith.constant 0 : i32
      %dma_wait3A_594 = tpu.memref_slice %arg9[%run_scoped3A_40, %dma_wait3A_592, %dma_wait3A_593] : memref<4x64x128xf32, #tpu.memory_space<vmem>> -> memref<1x64x128xf32, #tpu.memory_space<vmem>>
      %dma_wait3A_595 = tpu.memref_squeeze %dma_wait3A_594 : memref<1x64x128xf32, #tpu.memory_space<vmem>> -> memref<64x128xf32, #tpu.memory_space<vmem>>
      tpu.wait_dma2 semaphore(%run_scoped3A_571 : memref<!tpu.dma_semaphore, #tpu.memory_space<semaphore_mem>>) src(%dma_wait3A_595 : memref<64x128xf32, #tpu.memory_space<vmem>>) dst(%dma_wait3A_591 : memref<64x128xf32, #tpu.memory_space<vmem_shared>>)
      tpu.yield
    }) : () -> ()
    %mul3A_41 = arith.constant 640 : i32
    %mul3A_42 = arith.muli %arg1, %mul3A_41 : i32
    %add3A_43 = arith.constant 512 : i32
    %add3A_44 = arith.addi %mul3A_42, %add3A_43 : i32
    %run_scoped3A_45 = arith.constant 0 : i32
    "tpu.region"() ({
      %run_scoped3A_571 = tpu.sem_alloc : memref<!tpu.dma_semaphore, #tpu.memory_space<semaphore_mem>>
      %dma_start3A_572 = arith.constant 0 : i32
      %dma_start3A_573 = arith.constant 0 : i32
      %dma_start3A_574 = tpu.memref_slice %arg9[%run_scoped3A_45, %dma_start3A_572, %dma_start3A_573] : memref<4x64x128xf32, #tpu.memory_space<vmem>> -> memref<1x64x128xf32, #tpu.memory_space<vmem>>
      %dma_start3A_575 = tpu.memref_squeeze %dma_start3A_574 : memref<1x64x128xf32, #tpu.memory_space<vmem>> -> memref<64x128xf32, #tpu.memory_space<vmem>>
      %dma_start3A_576 = arith.constant 0 : i32
      %dma_start3A_577 = tpu.memref_slice %arg10[%add3A_44, %dma_start3A_576] : memref<10240x128xf32, #tpu.memory_space<vmem_shared>> -> memref<64x128xf32, #tpu.memory_space<vmem_shared>>
      %dma_start3A_578 = arith.constant 0 : i32
      %dma_start3A_579 = tpu.memref_slice %arg10[%add3A_44, %dma_start3A_578] : memref<10240x128xf32, #tpu.memory_space<vmem_shared>> -> memref<64x128xf32, #tpu.memory_space<vmem_shared>>
      %dma_start3A_580 = arith.constant 0 : i32
      %dma_start3A_581 = arith.constant 0 : i32
      %dma_start3A_582 = tpu.memref_slice %arg9[%run_scoped3A_45, %dma_start3A_580, %dma_start3A_581] : memref<4x64x128xf32, #tpu.memory_space<vmem>> -> memref<1x64x128xf32, #tpu.memory_space<vmem>>
      %dma_start3A_583 = tpu.memref_squeeze %dma_start3A_582 : memref<1x64x128xf32, #tpu.memory_space<vmem>> -> memref<64x128xf32, #tpu.memory_space<vmem>>
      tpu.enqueue_dma source(%dma_start3A_583 : memref<64x128xf32, #tpu.memory_space<vmem>>) target(%dma_start3A_579 : memref<64x128xf32, #tpu.memory_space<vmem_shared>>) target_semaphore(%run_scoped3A_571 : memref<!tpu.dma_semaphore, #tpu.memory_space<semaphore_mem>>)
      %dma_wait3A_584 = arith.constant 0 : i32
      %dma_wait3A_585 = arith.constant 0 : i32
      %dma_wait3A_586 = tpu.memref_slice %arg9[%run_scoped3A_45, %dma_wait3A_584, %dma_wait3A_585] : memref<4x64x128xf32, #tpu.memory_space<vmem>> -> memref<1x64x128xf32, #tpu.memory_space<vmem>>
      %dma_wait3A_587 = tpu.memref_squeeze %dma_wait3A_586 : memref<1x64x128xf32, #tpu.memory_space<vmem>> -> memref<64x128xf32, #tpu.memory_space<vmem>>
      %dma_wait3A_588 = arith.constant 0 : i32
      %dma_wait3A_589 = tpu.memref_slice %arg10[%add3A_44, %dma_wait3A_588] : memref<10240x128xf32, #tpu.memory_space<vmem_shared>> -> memref<64x128xf32, #tpu.memory_space<vmem_shared>>
      %dma_wait3A_590 = arith.constant 0 : i32
      %dma_wait3A_591 = tpu.memref_slice %arg10[%add3A_44, %dma_wait3A_590] : memref<10240x128xf32, #tpu.memory_space<vmem_shared>> -> memref<64x128xf32, #tpu.memory_space<vmem_shared>>
      %dma_wait3A_592 = arith.constant 0 : i32
      %dma_wait3A_593 = arith.constant 0 : i32
      %dma_wait3A_594 = tpu.memref_slice %arg9[%run_scoped3A_45, %dma_wait3A_592, %dma_wait3A_593] : memref<4x64x128xf32, #tpu.memory_space<vmem>> -> memref<1x64x128xf32, #tpu.memory_space<vmem>>
      %dma_wait3A_595 = tpu.memref_squeeze %dma_wait3A_594 : memref<1x64x128xf32, #tpu.memory_space<vmem>> -> memref<64x128xf32, #tpu.memory_space<vmem>>
      tpu.wait_dma2 semaphore(%run_scoped3A_571 : memref<!tpu.dma_semaphore, #tpu.memory_space<semaphore_mem>>) src(%dma_wait3A_595 : memref<64x128xf32, #tpu.memory_space<vmem>>) dst(%dma_wait3A_591 : memref<64x128xf32, #tpu.memory_space<vmem_shared>>)
      tpu.yield
    }) : () -> ()
    %mul3A_46 = arith.constant 640 : i32
    %mul3A_47 = arith.muli %arg1, %mul3A_46 : i32
    %add3A_48 = arith.constant 576 : i32
    %add3A_49 = arith.addi %mul3A_47, %add3A_48 : i32
    %run_scoped3A_50 = arith.constant 0 : i32
    "tpu.region"() ({
      %run_scoped3A_571 = tpu.sem_alloc : memref<!tpu.dma_semaphore, #tpu.memory_space<semaphore_mem>>
      %dma_start3A_572 = arith.constant 0 : i32
      %dma_start3A_573 = arith.constant 0 : i32
      %dma_start3A_574 = tpu.memref_slice %arg9[%run_scoped3A_50, %dma_start3A_572, %dma_start3A_573] : memref<4x64x128xf32, #tpu.memory_space<vmem>> -> memref<1x64x128xf32, #tpu.memory_space<vmem>>
      %dma_start3A_575 = tpu.memref_squeeze %dma_start3A_574 : memref<1x64x128xf32, #tpu.memory_space<vmem>> -> memref<64x128xf32, #tpu.memory_space<vmem>>
      %dma_start3A_576 = arith.constant 0 : i32
      %dma_start3A_577 = tpu.memref_slice %arg10[%add3A_49, %dma_start3A_576] : memref<10240x128xf32, #tpu.memory_space<vmem_shared>> -> memref<64x128xf32, #tpu.memory_space<vmem_shared>>
      %dma_start3A_578 = arith.constant 0 : i32
      %dma_start3A_579 = tpu.memref_slice %arg10[%add3A_49, %dma_start3A_578] : memref<10240x128xf32, #tpu.memory_space<vmem_shared>> -> memref<64x128xf32, #tpu.memory_space<vmem_shared>>
      %dma_start3A_580 = arith.constant 0 : i32
      %dma_start3A_581 = arith.constant 0 : i32
      %dma_start3A_582 = tpu.memref_slice %arg9[%run_scoped3A_50, %dma_start3A_580, %dma_start3A_581] : memref<4x64x128xf32, #tpu.memory_space<vmem>> -> memref<1x64x128xf32, #tpu.memory_space<vmem>>
      %dma_start3A_583 = tpu.memref_squeeze %dma_start3A_582 : memref<1x64x128xf32, #tpu.memory_space<vmem>> -> memref<64x128xf32, #tpu.memory_space<vmem>>
      tpu.enqueue_dma source(%dma_start3A_583 : memref<64x128xf32, #tpu.memory_space<vmem>>) target(%dma_start3A_579 : memref<64x128xf32, #tpu.memory_space<vmem_shared>>) target_semaphore(%run_scoped3A_571 : memref<!tpu.dma_semaphore, #tpu.memory_space<semaphore_mem>>)
      %dma_wait3A_584 = arith.constant 0 : i32
      %dma_wait3A_585 = arith.constant 0 : i32
      %dma_wait3A_586 = tpu.memref_slice %arg9[%run_scoped3A_50, %dma_wait3A_584, %dma_wait3A_585] : memref<4x64x128xf32, #tpu.memory_space<vmem>> -> memref<1x64x128xf32, #tpu.memory_space<vmem>>
      %dma_wait3A_587 = tpu.memref_squeeze %dma_wait3A_586 : memref<1x64x128xf32, #tpu.memory_space<vmem>> -> memref<64x128xf32, #tpu.memory_space<vmem>>
      %dma_wait3A_588 = arith.constant 0 : i32
      %dma_wait3A_589 = tpu.memref_slice %arg10[%add3A_49, %dma_wait3A_588] : memref<10240x128xf32, #tpu.memory_space<vmem_shared>> -> memref<64x128xf32, #tpu.memory_space<vmem_shared>>
      %dma_wait3A_590 = arith.constant 0 : i32
      %dma_wait3A_591 = tpu.memref_slice %arg10[%add3A_49, %dma_wait3A_590] : memref<10240x128xf32, #tpu.memory_space<vmem_shared>> -> memref<64x128xf32, #tpu.memory_space<vmem_shared>>
      %dma_wait3A_592 = arith.constant 0 : i32
      %dma_wait3A_593 = arith.constant 0 : i32
      %dma_wait3A_594 = tpu.memref_slice %arg9[%run_scoped3A_50, %dma_wait3A_592, %dma_wait3A_593] : memref<4x64x128xf32, #tpu.memory_space<vmem>> -> memref<1x64x128xf32, #tpu.memory_space<vmem>>
      %dma_wait3A_595 = tpu.memref_squeeze %dma_wait3A_594 : memref<1x64x128xf32, #tpu.memory_space<vmem>> -> memref<64x128xf32, #tpu.memory_space<vmem>>
      tpu.wait_dma2 semaphore(%run_scoped3A_571 : memref<!tpu.dma_semaphore, #tpu.memory_space<semaphore_mem>>) src(%dma_wait3A_595 : memref<64x128xf32, #tpu.memory_space<vmem>>) dst(%dma_wait3A_591 : memref<64x128xf32, #tpu.memory_space<vmem_shared>>)
      tpu.yield
    }) : () -> ()
    %mul3A_51 = arith.constant 160 : i32
    %mul3A_52 = arith.muli %add3A, %mul3A_51 : i32
    %run_scoped3A_53 = arith.constant 0 : i32
    "tpu.region"() ({
      %run_scoped3A_571 = tpu.sem_alloc : memref<!tpu.dma_semaphore, #tpu.memory_space<semaphore_mem>>
      %dma_start3A_572 = arith.constant 0 : i32
      %dma_start3A_573 = arith.constant 0 : i32
      %dma_start3A_574 = tpu.memref_slice %arg7[%run_scoped3A_53, %dma_start3A_572, %dma_start3A_573] : memref<2x32x64xi32, #tpu.memory_space<vmem>> -> memref<1x32x64xi32, #tpu.memory_space<vmem>>
      %dma_start3A_575 = tpu.memref_squeeze %dma_start3A_574 : memref<1x32x64xi32, #tpu.memory_space<vmem>> -> memref<32x64xi32, #tpu.memory_space<vmem>>
      %dma_start3A_576 = arith.constant 0 : i32
      %dma_start3A_577 = tpu.memref_slice %arg2[%mul3A_52, %dma_start3A_576] : memref<5120x64xi32, #tpu.memory_space<hbm>> -> memref<32x64xi32, #tpu.memory_space<hbm>>
      %dma_start3A_578 = arith.constant 0 : i32
      %dma_start3A_579 = arith.constant 0 : i32
      %dma_start3A_580 = tpu.memref_slice %arg7[%run_scoped3A_53, %dma_start3A_578, %dma_start3A_579] : memref<2x32x64xi32, #tpu.memory_space<vmem>> -> memref<1x32x64xi32, #tpu.memory_space<vmem>>
      %dma_start3A_581 = tpu.memref_squeeze %dma_start3A_580 : memref<1x32x64xi32, #tpu.memory_space<vmem>> -> memref<32x64xi32, #tpu.memory_space<vmem>>
      %dma_start3A_582 = arith.constant 0 : i32
      %dma_start3A_583 = tpu.memref_slice %arg2[%mul3A_52, %dma_start3A_582] : memref<5120x64xi32, #tpu.memory_space<hbm>> -> memref<32x64xi32, #tpu.memory_space<hbm>>
      tpu.enqueue_dma source(%dma_start3A_583 : memref<32x64xi32, #tpu.memory_space<hbm>>) target(%dma_start3A_581 : memref<32x64xi32, #tpu.memory_space<vmem>>) target_semaphore(%run_scoped3A_571 : memref<!tpu.dma_semaphore, #tpu.memory_space<semaphore_mem>>)
      %dma_wait3A_584 = arith.constant 0 : i32
      %dma_wait3A_585 = arith.constant 0 : i32
      %dma_wait3A_586 = tpu.memref_slice %arg7[%run_scoped3A_53, %dma_wait3A_584, %dma_wait3A_585] : memref<2x32x64xi32, #tpu.memory_space<vmem>> -> memref<1x32x64xi32, #tpu.memory_space<vmem>>
      %dma_wait3A_587 = tpu.memref_squeeze %dma_wait3A_586 : memref<1x32x64xi32, #tpu.memory_space<vmem>> -> memref<32x64xi32, #tpu.memory_space<vmem>>
      %dma_wait3A_588 = arith.constant 0 : i32
      %dma_wait3A_589 = tpu.memref_slice %arg2[%mul3A_52, %dma_wait3A_588] : memref<5120x64xi32, #tpu.memory_space<hbm>> -> memref<32x64xi32, #tpu.memory_space<hbm>>
      %dma_wait3A_590 = arith.constant 0 : i32
      %dma_wait3A_591 = arith.constant 0 : i32
      %dma_wait3A_592 = tpu.memref_slice %arg7[%run_scoped3A_53, %dma_wait3A_590, %dma_wait3A_591] : memref<2x32x64xi32, #tpu.memory_space<vmem>> -> memref<1x32x64xi32, #tpu.memory_space<vmem>>
      %dma_wait3A_593 = tpu.memref_squeeze %dma_wait3A_592 : memref<1x32x64xi32, #tpu.memory_space<vmem>> -> memref<32x64xi32, #tpu.memory_space<vmem>>
      %dma_wait3A_594 = arith.constant 0 : i32
      %dma_wait3A_595 = tpu.memref_slice %arg2[%mul3A_52, %dma_wait3A_594] : memref<5120x64xi32, #tpu.memory_space<hbm>> -> memref<32x64xi32, #tpu.memory_space<hbm>>
      tpu.wait_dma2 semaphore(%run_scoped3A_571 : memref<!tpu.dma_semaphore, #tpu.memory_space<semaphore_mem>>) src(%dma_wait3A_595 : memref<32x64xi32, #tpu.memory_space<hbm>>) dst(%dma_wait3A_593 : memref<32x64xi32, #tpu.memory_space<vmem>>)
      tpu.yield
    }) : () -> ()
    %run_scoped3A_54 = arith.constant 0 : i32
    "tpu.region"() ({
      %run_scoped3A_571 = tpu.sem_alloc : memref<!tpu.dma_semaphore, #tpu.memory_space<semaphore_mem>>
      %dma_start3A_572 = arith.constant 0 : i32
      %dma_start3A_573 = arith.constant 0 : i32
      %dma_start3A_574 = tpu.memref_slice %arg8[%run_scoped3A_54, %dma_start3A_572, %dma_start3A_573] : memref<2x32x64xi32, #tpu.memory_space<vmem>> -> memref<1x32x64xi32, #tpu.memory_space<vmem>>
      %dma_start3A_575 = tpu.memref_squeeze %dma_start3A_574 : memref<1x32x64xi32, #tpu.memory_space<vmem>> -> memref<32x64xi32, #tpu.memory_space<vmem>>
      %dma_start3A_576 = arith.constant 0 : i32
      %dma_start3A_577 = tpu.memref_slice %arg3[%mul3A_52, %dma_start3A_576] : memref<5120x64xi32, #tpu.memory_space<hbm>> -> memref<32x64xi32, #tpu.memory_space<hbm>>
      %dma_start3A_578 = arith.constant 0 : i32
      %dma_start3A_579 = arith.constant 0 : i32
      %dma_start3A_580 = tpu.memref_slice %arg8[%run_scoped3A_54, %dma_start3A_578, %dma_start3A_579] : memref<2x32x64xi32, #tpu.memory_space<vmem>> -> memref<1x32x64xi32, #tpu.memory_space<vmem>>
      %dma_start3A_581 = tpu.memref_squeeze %dma_start3A_580 : memref<1x32x64xi32, #tpu.memory_space<vmem>> -> memref<32x64xi32, #tpu.memory_space<vmem>>
      %dma_start3A_582 = arith.constant 0 : i32
      %dma_start3A_583 = tpu.memref_slice %arg3[%mul3A_52, %dma_start3A_582] : memref<5120x64xi32, #tpu.memory_space<hbm>> -> memref<32x64xi32, #tpu.memory_space<hbm>>
      tpu.enqueue_dma source(%dma_start3A_583 : memref<32x64xi32, #tpu.memory_space<hbm>>) target(%dma_start3A_581 : memref<32x64xi32, #tpu.memory_space<vmem>>) target_semaphore(%run_scoped3A_571 : memref<!tpu.dma_semaphore, #tpu.memory_space<semaphore_mem>>)
      %dma_wait3A_584 = arith.constant 0 : i32
      %dma_wait3A_585 = arith.constant 0 : i32
      %dma_wait3A_586 = tpu.memref_slice %arg8[%run_scoped3A_54, %dma_wait3A_584, %dma_wait3A_585] : memref<2x32x64xi32, #tpu.memory_space<vmem>> -> memref<1x32x64xi32, #tpu.memory_space<vmem>>
      %dma_wait3A_587 = tpu.memref_squeeze %dma_wait3A_586 : memref<1x32x64xi32, #tpu.memory_space<vmem>> -> memref<32x64xi32, #tpu.memory_space<vmem>>
      %dma_wait3A_588 = arith.constant 0 : i32
      %dma_wait3A_589 = tpu.memref_slice %arg3[%mul3A_52, %dma_wait3A_588] : memref<5120x64xi32, #tpu.memory_space<hbm>> -> memref<32x64xi32, #tpu.memory_space<hbm>>
      %dma_wait3A_590 = arith.constant 0 : i32
      %dma_wait3A_591 = arith.constant 0 : i32
      %dma_wait3A_592 = tpu.memref_slice %arg8[%run_scoped3A_54, %dma_wait3A_590, %dma_wait3A_591] : memref<2x32x64xi32, #tpu.memory_space<vmem>> -> memref<1x32x64xi32, #tpu.memory_space<vmem>>
      %dma_wait3A_593 = tpu.memref_squeeze %dma_wait3A_592 : memref<1x32x64xi32, #tpu.memory_space<vmem>> -> memref<32x64xi32, #tpu.memory_space<vmem>>
      %dma_wait3A_594 = arith.constant 0 : i32
      %dma_wait3A_595 = tpu.memref_slice %arg3[%mul3A_52, %dma_wait3A_594] : memref<5120x64xi32, #tpu.memory_space<hbm>> -> memref<32x64xi32, #tpu.memory_space<hbm>>
      tpu.wait_dma2 semaphore(%run_scoped3A_571 : memref<!tpu.dma_semaphore, #tpu.memory_space<semaphore_mem>>) src(%dma_wait3A_595 : memref<32x64xi32, #tpu.memory_space<hbm>>) dst(%dma_wait3A_593 : memref<32x64xi32, #tpu.memory_space<vmem>>)
      tpu.yield
    }) : () -> ()
    %barrier3A = arith.constant 0 : index
    tpu.barrier barrier_id(%barrier3A)
    %add3A_55 = arith.constant 32 : i32
    %add3A_56 = arith.addi %mul3A_52, %add3A_55 : i32
    %dma_start3A = arith.constant 1 : i32
    %dma_start3A_57 = arith.constant 0 : i32
    %dma_start3A_58 = arith.constant 0 : i32
    %dma_start3A_59 = tpu.memref_slice %arg7[%dma_start3A, %dma_start3A_57, %dma_start3A_58] : memref<2x32x64xi32, #tpu.memory_space<vmem>> -> memref<1x32x64xi32, #tpu.memory_space<vmem>>
    %dma_start3A_60 = tpu.memref_squeeze %dma_start3A_59 : memref<1x32x64xi32, #tpu.memory_space<vmem>> -> memref<32x64xi32, #tpu.memory_space<vmem>>
    %dma_start3A_61 = arith.constant 0 : i32
    %dma_start3A_62 = tpu.memref_slice %arg2[%add3A_56, %dma_start3A_61] : memref<5120x64xi32, #tpu.memory_space<hbm>> -> memref<32x64xi32, #tpu.memory_space<hbm>>
    %dma_start3A_63 = arith.constant 0 : i32
    %dma_start3A_64 = arith.constant 0 : i32
    %dma_start3A_65 = tpu.memref_slice %arg7[%dma_start3A, %dma_start3A_63, %dma_start3A_64] : memref<2x32x64xi32, #tpu.memory_space<vmem>> -> memref<1x32x64xi32, #tpu.memory_space<vmem>>
    %dma_start3A_66 = tpu.memref_squeeze %dma_start3A_65 : memref<1x32x64xi32, #tpu.memory_space<vmem>> -> memref<32x64xi32, #tpu.memory_space<vmem>>
    %dma_start3A_67 = arith.constant 0 : i32
    %dma_start3A_68 = tpu.memref_slice %arg2[%add3A_56, %dma_start3A_67] : memref<5120x64xi32, #tpu.memory_space<hbm>> -> memref<32x64xi32, #tpu.memory_space<hbm>>
    tpu.enqueue_dma source(%dma_start3A_68 : memref<32x64xi32, #tpu.memory_space<hbm>>) target(%dma_start3A_66 : memref<32x64xi32, #tpu.memory_space<vmem>>) target_semaphore(%arg15 : memref<!tpu.dma_semaphore, #tpu.memory_space<semaphore_mem>>)
    %add3A_69 = arith.constant 32 : i32
    %add3A_70 = arith.addi %mul3A_52, %add3A_69 : i32
    %dma_start3A_71 = arith.constant 1 : i32
    %dma_start3A_72 = arith.constant 0 : i32
    %dma_start3A_73 = arith.constant 0 : i32
    %dma_start3A_74 = tpu.memref_slice %arg8[%dma_start3A_71, %dma_start3A_72, %dma_start3A_73] : memref<2x32x64xi32, #tpu.memory_space<vmem>> -> memref<1x32x64xi32, #tpu.memory_space<vmem>>
    %dma_start3A_75 = tpu.memref_squeeze %dma_start3A_74 : memref<1x32x64xi32, #tpu.memory_space<vmem>> -> memref<32x64xi32, #tpu.memory_space<vmem>>
    %dma_start3A_76 = arith.constant 0 : i32
    %dma_start3A_77 = tpu.memref_slice %arg3[%add3A_70, %dma_start3A_76] : memref<5120x64xi32, #tpu.memory_space<hbm>> -> memref<32x64xi32, #tpu.memory_space<hbm>>
    %dma_start3A_78 = arith.constant 0 : i32
    %dma_start3A_79 = arith.constant 0 : i32
    %dma_start3A_80 = tpu.memref_slice %arg8[%dma_start3A_71, %dma_start3A_78, %dma_start3A_79] : memref<2x32x64xi32, #tpu.memory_space<vmem>> -> memref<1x32x64xi32, #tpu.memory_space<vmem>>
    %dma_start3A_81 = tpu.memref_squeeze %dma_start3A_80 : memref<1x32x64xi32, #tpu.memory_space<vmem>> -> memref<32x64xi32, #tpu.memory_space<vmem>>
    %dma_start3A_82 = arith.constant 0 : i32
    %dma_start3A_83 = tpu.memref_slice %arg3[%add3A_70, %dma_start3A_82] : memref<5120x64xi32, #tpu.memory_space<hbm>> -> memref<32x64xi32, #tpu.memory_space<hbm>>
    tpu.enqueue_dma source(%dma_start3A_83 : memref<32x64xi32, #tpu.memory_space<hbm>>) target(%dma_start3A_81 : memref<32x64xi32, #tpu.memory_space<vmem>>) target_semaphore(%arg15 : memref<!tpu.dma_semaphore, #tpu.memory_space<semaphore_mem>>)
    %dma_start3A_84 = arith.constant 0 : i32
    %dma_start3A_85 = arith.constant 0 : i32
    %dma_start3A_86 = arith.constant 0 : i32
    %dma_start3A_87 = arith.constant 0 : i32
    %dma_start3A_88 = arith.constant 0 : i32
    %dma_start3A_89 = tpu.memref_slice %arg9[%dma_start3A_86, %dma_start3A_87, %dma_start3A_88] : memref<4x64x128xf32, #tpu.memory_space<vmem>> -> memref<1x64x128xf32, #tpu.memory_space<vmem>>
    %dma_start3A_90 = tpu.memref_squeeze %dma_start3A_89 : memref<1x64x128xf32, #tpu.memory_space<vmem>> -> memref<64x128xf32, #tpu.memory_space<vmem>>
    %dma_start3A_91 = arith.constant 0 : i32
    %dma_start3A_92 = tpu.memref_slice %arg7[%dma_start3A_84, %dma_start3A_85, %dma_start3A_91] : memref<2x32x64xi32, #tpu.memory_space<vmem>> -> memref<1x1x64xi32, #tpu.memory_space<vmem>>
    %dma_start3A_93 = tpu.memref_squeeze %dma_start3A_92 : memref<1x1x64xi32, #tpu.memory_space<vmem>> -> memref<64xi32, #tpu.memory_space<vmem>>
    %dma_start3A_94 = arith.constant 0 : i32
    %dma_start3A_95 = arith.constant 0 : i32
    %dma_start3A_96 = tpu.memref_slice %arg4[%dma_start3A_94, %dma_start3A_95] : memref<10000x128xf32, #tpu.memory_space<hbm>> -> memref<10000x128xf32, #tpu.memory_space<hbm>>
    tpu.enqueue_indirect_dma source(%dma_start3A_96 : memref<10000x128xf32, #tpu.memory_space<hbm>>) target(%dma_start3A_90 : memref<64x128xf32, #tpu.memory_space<vmem>>) offsets(%dma_start3A_93 : memref<64xi32, #tpu.memory_space<vmem>>) semaphore(%arg11 : memref<!tpu.dma_semaphore, #tpu.memory_space<semaphore_mem>>)
    %dma_start3A_97 = arith.constant 0 : i32
    %dma_start3A_98 = arith.constant 1 : i32
    %dma_start3A_99 = arith.constant 1 : i32
    %dma_start3A_100 = arith.constant 0 : i32
    %dma_start3A_101 = arith.constant 0 : i32
    %dma_start3A_102 = tpu.memref_slice %arg9[%dma_start3A_99, %dma_start3A_100, %dma_start3A_101] : memref<4x64x128xf32, #tpu.memory_space<vmem>> -> memref<1x64x128xf32, #tpu.memory_space<vmem>>
    %dma_start3A_103 = tpu.memref_squeeze %dma_start3A_102 : memref<1x64x128xf32, #tpu.memory_space<vmem>> -> memref<64x128xf32, #tpu.memory_space<vmem>>
    %dma_start3A_104 = arith.constant 0 : i32
    %dma_start3A_105 = tpu.memref_slice %arg7[%dma_start3A_97, %dma_start3A_98, %dma_start3A_104] : memref<2x32x64xi32, #tpu.memory_space<vmem>> -> memref<1x1x64xi32, #tpu.memory_space<vmem>>
    %dma_start3A_106 = tpu.memref_squeeze %dma_start3A_105 : memref<1x1x64xi32, #tpu.memory_space<vmem>> -> memref<64xi32, #tpu.memory_space<vmem>>
    %dma_start3A_107 = arith.constant 0 : i32
    %dma_start3A_108 = arith.constant 0 : i32
    %dma_start3A_109 = tpu.memref_slice %arg4[%dma_start3A_107, %dma_start3A_108] : memref<10000x128xf32, #tpu.memory_space<hbm>> -> memref<10000x128xf32, #tpu.memory_space<hbm>>
    tpu.enqueue_indirect_dma source(%dma_start3A_109 : memref<10000x128xf32, #tpu.memory_space<hbm>>) target(%dma_start3A_103 : memref<64x128xf32, #tpu.memory_space<vmem>>) offsets(%dma_start3A_106 : memref<64xi32, #tpu.memory_space<vmem>>) semaphore(%arg12 : memref<!tpu.dma_semaphore, #tpu.memory_space<semaphore_mem>>)
    %dma_start3A_110 = arith.constant 0 : i32
    %dma_start3A_111 = arith.constant 2 : i32
    %dma_start3A_112 = arith.constant 2 : i32
    %dma_start3A_113 = arith.constant 0 : i32
    %dma_start3A_114 = arith.constant 0 : i32
    %dma_start3A_115 = tpu.memref_slice %arg9[%dma_start3A_112, %dma_start3A_113, %dma_start3A_114] : memref<4x64x128xf32, #tpu.memory_space<vmem>> -> memref<1x64x128xf32, #tpu.memory_space<vmem>>
    %dma_start3A_116 = tpu.memref_squeeze %dma_start3A_115 : memref<1x64x128xf32, #tpu.memory_space<vmem>> -> memref<64x128xf32, #tpu.memory_space<vmem>>
    %dma_start3A_117 = arith.constant 0 : i32
    %dma_start3A_118 = tpu.memref_slice %arg7[%dma_start3A_110, %dma_start3A_111, %dma_start3A_117] : memref<2x32x64xi32, #tpu.memory_space<vmem>> -> memref<1x1x64xi32, #tpu.memory_space<vmem>>
    %dma_start3A_119 = tpu.memref_squeeze %dma_start3A_118 : memref<1x1x64xi32, #tpu.memory_space<vmem>> -> memref<64xi32, #tpu.memory_space<vmem>>
    %dma_start3A_120 = arith.constant 0 : i32
    %dma_start3A_121 = arith.constant 0 : i32
    %dma_start3A_122 = tpu.memref_slice %arg4[%dma_start3A_120, %dma_start3A_121] : memref<10000x128xf32, #tpu.memory_space<hbm>> -> memref<10000x128xf32, #tpu.memory_space<hbm>>
    tpu.enqueue_indirect_dma source(%dma_start3A_122 : memref<10000x128xf32, #tpu.memory_space<hbm>>) target(%dma_start3A_116 : memref<64x128xf32, #tpu.memory_space<vmem>>) offsets(%dma_start3A_119 : memref<64xi32, #tpu.memory_space<vmem>>) semaphore(%arg13 : memref<!tpu.dma_semaphore, #tpu.memory_space<semaphore_mem>>)
    %dma_start3A_123 = arith.constant 0 : i32
    %dma_start3A_124 = arith.constant 3 : i32
    %dma_start3A_125 = arith.constant 3 : i32
    %dma_start3A_126 = arith.constant 0 : i32
    %dma_start3A_127 = arith.constant 0 : i32
    %dma_start3A_128 = tpu.memref_slice %arg9[%dma_start3A_125, %dma_start3A_126, %dma_start3A_127] : memref<4x64x128xf32, #tpu.memory_space<vmem>> -> memref<1x64x128xf32, #tpu.memory_space<vmem>>
    %dma_start3A_129 = tpu.memref_squeeze %dma_start3A_128 : memref<1x64x128xf32, #tpu.memory_space<vmem>> -> memref<64x128xf32, #tpu.memory_space<vmem>>
    %dma_start3A_130 = arith.constant 0 : i32
    %dma_start3A_131 = tpu.memref_slice %arg7[%dma_start3A_123, %dma_start3A_124, %dma_start3A_130] : memref<2x32x64xi32, #tpu.memory_space<vmem>> -> memref<1x1x64xi32, #tpu.memory_space<vmem>>
    %dma_start3A_132 = tpu.memref_squeeze %dma_start3A_131 : memref<1x1x64xi32, #tpu.memory_space<vmem>> -> memref<64xi32, #tpu.memory_space<vmem>>
    %dma_start3A_133 = arith.constant 0 : i32
    %dma_start3A_134 = arith.constant 0 : i32
    %dma_start3A_135 = tpu.memref_slice %arg4[%dma_start3A_133, %dma_start3A_134] : memref<10000x128xf32, #tpu.memory_space<hbm>> -> memref<10000x128xf32, #tpu.memory_space<hbm>>
    tpu.enqueue_indirect_dma source(%dma_start3A_135 : memref<10000x128xf32, #tpu.memory_space<hbm>>) target(%dma_start3A_129 : memref<64x128xf32, #tpu.memory_space<vmem>>) offsets(%dma_start3A_132 : memref<64xi32, #tpu.memory_space<vmem>>) semaphore(%arg14 : memref<!tpu.dma_semaphore, #tpu.memory_space<semaphore_mem>>)
    %scan3A = arith.constant 0 : i32
    %scan3A_136 = arith.constant 0 : i32
    %scan3A_137 = arith.constant 8 : i32
    %scan3A_138 = arith.addi %scan3A_136, %scan3A_137 : i32
    %scan3A_139 = arith.constant 1 : i32
    scf.for %scan3A_571 = %scan3A_136 to %scan3A_138 step %scan3A_139  : i32 {
      %mul3A_572 = arith.constant 4 : i32
      %mul3A_573 = arith.muli %mul3A_572, %scan3A_571 : i32
      %add3A_574 = arith.constant 0 : i32
      %add3A_575 = arith.addi %mul3A_573, %add3A_574 : i32
      %dma_wait3A_576 = arith.constant 0 : i32
      %dma_wait3A_577 = arith.constant 0 : i32
      %dma_wait3A_578 = arith.constant 0 : i32
      %dma_wait3A_579 = arith.constant 0 : i32
      %dma_wait3A_580 = tpu.memref_slice %arg9[%dma_wait3A_577, %dma_wait3A_578, %dma_wait3A_579] : memref<4x64x128xf32, #tpu.memory_space<vmem>> -> memref<1x64x128xf32, #tpu.memory_space<vmem>>
      %dma_wait3A_581 = tpu.memref_squeeze %dma_wait3A_580 : memref<1x64x128xf32, #tpu.memory_space<vmem>> -> memref<64x128xf32, #tpu.memory_space<vmem>>
      %dma_wait3A_582 = arith.constant 0 : i32
      %dma_wait3A_583 = tpu.memref_slice %arg7[%dma_wait3A_576, %add3A_575, %dma_wait3A_582] : memref<2x32x64xi32, #tpu.memory_space<vmem>> -> memref<1x1x64xi32, #tpu.memory_space<vmem>>
      %dma_wait3A_584 = tpu.memref_squeeze %dma_wait3A_583 : memref<1x1x64xi32, #tpu.memory_space<vmem>> -> memref<64xi32, #tpu.memory_space<vmem>>
      %dma_wait3A_585 = arith.constant 0 : i32
      %dma_wait3A_586 = arith.constant 0 : i32
      %dma_wait3A_587 = tpu.memref_slice %arg4[%dma_wait3A_585, %dma_wait3A_586] : memref<10000x128xf32, #tpu.memory_space<hbm>> -> memref<10000x128xf32, #tpu.memory_space<hbm>>
      tpu.wait_indirect_dma semaphore(%arg11 : memref<!tpu.dma_semaphore, #tpu.memory_space<semaphore_mem>>) src(%dma_wait3A_587 : memref<10000x128xf32, #tpu.memory_space<hbm>>) dst(%dma_wait3A_581 : memref<64x128xf32, #tpu.memory_space<vmem>>)
      %run_scoped3A_588 = arith.constant 0 : i32
      %run_scoped3A_589 = arith.constant 0 : i32
      "tpu.region"() ({
        %run_scoped3A_669 = tpu.sem_alloc : memref<!tpu.dma_semaphore, #tpu.memory_space<semaphore_mem>>
        %dma_start3A_670 = arith.constant 0 : i32
        %dma_start3A_671 = arith.constant 0 : i32
        %dma_start3A_672 = tpu.memref_slice %arg9[%run_scoped3A_588, %dma_start3A_670, %dma_start3A_671] : memref<4x64x128xf32, #tpu.memory_space<vmem>> -> memref<1x64x128xf32, #tpu.memory_space<vmem>>
        %dma_start3A_673 = tpu.memref_squeeze %dma_start3A_672 : memref<1x64x128xf32, #tpu.memory_space<vmem>> -> memref<64x128xf32, #tpu.memory_space<vmem>>
        %dma_start3A_674 = arith.constant 0 : i32
        %dma_start3A_675 = tpu.memref_slice %arg8[%run_scoped3A_589, %add3A_575, %dma_start3A_674] : memref<2x32x64xi32, #tpu.memory_space<vmem>> -> memref<1x1x64xi32, #tpu.memory_space<vmem>>
        %dma_start3A_676 = tpu.memref_squeeze %dma_start3A_675 : memref<1x1x64xi32, #tpu.memory_space<vmem>> -> memref<64xi32, #tpu.memory_space<vmem>>
        %dma_start3A_677 = arith.constant 0 : i32
        %dma_start3A_678 = arith.constant 0 : i32
        %dma_start3A_679 = tpu.memref_slice %arg10[%dma_start3A_677, %dma_start3A_678] : memref<10240x128xf32, #tpu.memory_space<vmem_shared>> -> memref<10240x128xf32, #tpu.memory_space<vmem_shared>>
        tpu.enqueue_indirect_dma source(%dma_start3A_673 : memref<64x128xf32, #tpu.memory_space<vmem>>) target(%dma_start3A_679 : memref<10240x128xf32, #tpu.memory_space<vmem_shared>>) offsets(%dma_start3A_676 : memref<64xi32, #tpu.memory_space<vmem>>) semaphore(%run_scoped3A_669 : memref<!tpu.dma_semaphore, #tpu.memory_space<semaphore_mem>>) {add = true}
        %dma_wait3A_680 = arith.constant 0 : i32
        %dma_wait3A_681 = arith.constant 0 : i32
        %dma_wait3A_682 = tpu.memref_slice %arg9[%run_scoped3A_588, %dma_wait3A_680, %dma_wait3A_681] : memref<4x64x128xf32, #tpu.memory_space<vmem>> -> memref<1x64x128xf32, #tpu.memory_space<vmem>>
        %dma_wait3A_683 = tpu.memref_squeeze %dma_wait3A_682 : memref<1x64x128xf32, #tpu.memory_space<vmem>> -> memref<64x128xf32, #tpu.memory_space<vmem>>
        %dma_wait3A_684 = arith.constant 0 : i32
        %dma_wait3A_685 = tpu.memref_slice %arg8[%run_scoped3A_589, %add3A_575, %dma_wait3A_684] : memref<2x32x64xi32, #tpu.memory_space<vmem>> -> memref<1x1x64xi32, #tpu.memory_space<vmem>>
        %dma_wait3A_686 = tpu.memref_squeeze %dma_wait3A_685 : memref<1x1x64xi32, #tpu.memory_space<vmem>> -> memref<64xi32, #tpu.memory_space<vmem>>
        %dma_wait3A_687 = arith.constant 0 : i32
        %dma_wait3A_688 = arith.constant 0 : i32
        %dma_wait3A_689 = tpu.memref_slice %arg10[%dma_wait3A_687, %dma_wait3A_688] : memref<10240x128xf32, #tpu.memory_space<vmem_shared>> -> memref<10240x128xf32, #tpu.memory_space<vmem_shared>>
        tpu.wait_indirect_dma semaphore(%run_scoped3A_669 : memref<!tpu.dma_semaphore, #tpu.memory_space<semaphore_mem>>) src(%dma_wait3A_683 : memref<64x128xf32, #tpu.memory_space<vmem>>) dst(%dma_wait3A_689 : memref<10240x128xf32, #tpu.memory_space<vmem_shared>>)
        tpu.yield
      }) : () -> ()
      %add3A_590 = arith.constant 4 : i32
      %add3A_591 = arith.addi %add3A_575, %add3A_590 : i32
      %lt3A = arith.constant 32 : i32
      %lt3A_592 = arith.cmpi slt, %add3A_591, %lt3A : i32
      %convert_element_type3A = arith.extui %lt3A_592 : i1 to i32
      %cond3A = arith.constant 0 : i32
      %cond3A_593 = arith.cmpi ne, %convert_element_type3A, %cond3A : i32
      scf.if %cond3A_593 {
        %add3A_669 = arith.constant 4 : i32
        %add3A_670 = arith.addi %add3A_575, %add3A_669 : i32
        %dma_start3A_671 = arith.constant 0 : i32
        %dma_start3A_672 = arith.constant 0 : i32
        %dma_start3A_673 = arith.constant 0 : i32
        %dma_start3A_674 = arith.constant 0 : i32
        %dma_start3A_675 = tpu.memref_slice %arg9[%dma_start3A_672, %dma_start3A_673, %dma_start3A_674] : memref<4x64x128xf32, #tpu.memory_space<vmem>> -> memref<1x64x128xf32, #tpu.memory_space<vmem>>
        %dma_start3A_676 = tpu.memref_squeeze %dma_start3A_675 : memref<1x64x128xf32, #tpu.memory_space<vmem>> -> memref<64x128xf32, #tpu.memory_space<vmem>>
        %dma_start3A_677 = arith.constant 0 : i32
        %dma_start3A_678 = tpu.memref_slice %arg7[%dma_start3A_671, %add3A_670, %dma_start3A_677] : memref<2x32x64xi32, #tpu.memory_space<vmem>> -> memref<1x1x64xi32, #tpu.memory_space<vmem>>
        %dma_start3A_679 = tpu.memref_squeeze %dma_start3A_678 : memref<1x1x64xi32, #tpu.memory_space<vmem>> -> memref<64xi32, #tpu.memory_space<vmem>>
        %dma_start3A_680 = arith.constant 0 : i32
        %dma_start3A_681 = arith.constant 0 : i32
        %dma_start3A_682 = tpu.memref_slice %arg4[%dma_start3A_680, %dma_start3A_681] : memref<10000x128xf32, #tpu.memory_space<hbm>> -> memref<10000x128xf32, #tpu.memory_space<hbm>>
        tpu.enqueue_indirect_dma source(%dma_start3A_682 : memref<10000x128xf32, #tpu.memory_space<hbm>>) target(%dma_start3A_676 : memref<64x128xf32, #tpu.memory_space<vmem>>) offsets(%dma_start3A_679 : memref<64xi32, #tpu.memory_space<vmem>>) semaphore(%arg11 : memref<!tpu.dma_semaphore, #tpu.memory_space<semaphore_mem>>)
      } else {
      }
      %mul3A_594 = arith.constant 4 : i32
      %mul3A_595 = arith.muli %mul3A_594, %scan3A_571 : i32
      %add3A_596 = arith.constant 1 : i32
      %add3A_597 = arith.addi %mul3A_595, %add3A_596 : i32
      %dma_wait3A_598 = arith.constant 0 : i32
      %dma_wait3A_599 = arith.constant 1 : i32
      %dma_wait3A_600 = arith.constant 0 : i32
      %dma_wait3A_601 = arith.constant 0 : i32
      %dma_wait3A_602 = tpu.memref_slice %arg9[%dma_wait3A_599, %dma_wait3A_600, %dma_wait3A_601] : memref<4x64x128xf32, #tpu.memory_space<vmem>> -> memref<1x64x128xf32, #tpu.memory_space<vmem>>
      %dma_wait3A_603 = tpu.memref_squeeze %dma_wait3A_602 : memref<1x64x128xf32, #tpu.memory_space<vmem>> -> memref<64x128xf32, #tpu.memory_space<vmem>>
      %dma_wait3A_604 = arith.constant 0 : i32
      %dma_wait3A_605 = tpu.memref_slice %arg7[%dma_wait3A_598, %add3A_597, %dma_wait3A_604] : memref<2x32x64xi32, #tpu.memory_space<vmem>> -> memref<1x1x64xi32, #tpu.memory_space<vmem>>
      %dma_wait3A_606 = tpu.memref_squeeze %dma_wait3A_605 : memref<1x1x64xi32, #tpu.memory_space<vmem>> -> memref<64xi32, #tpu.memory_space<vmem>>
      %dma_wait3A_607 = arith.constant 0 : i32
      %dma_wait3A_608 = arith.constant 0 : i32
      %dma_wait3A_609 = tpu.memref_slice %arg4[%dma_wait3A_607, %dma_wait3A_608] : memref<10000x128xf32, #tpu.memory_space<hbm>> -> memref<10000x128xf32, #tpu.memory_space<hbm>>
      tpu.wait_indirect_dma semaphore(%arg12 : memref<!tpu.dma_semaphore, #tpu.memory_space<semaphore_mem>>) src(%dma_wait3A_609 : memref<10000x128xf32, #tpu.memory_space<hbm>>) dst(%dma_wait3A_603 : memref<64x128xf32, #tpu.memory_space<vmem>>)
      %run_scoped3A_610 = arith.constant 1 : i32
      %run_scoped3A_611 = arith.constant 0 : i32
      "tpu.region"() ({
        %run_scoped3A_669 = tpu.sem_alloc : memref<!tpu.dma_semaphore, #tpu.memory_space<semaphore_mem>>
        %dma_start3A_670 = arith.constant 0 : i32
        %dma_start3A_671 = arith.constant 0 : i32
        %dma_start3A_672 = tpu.memref_slice %arg9[%run_scoped3A_610, %dma_start3A_670, %dma_start3A_671] : memref<4x64x128xf32, #tpu.memory_space<vmem>> -> memref<1x64x128xf32, #tpu.memory_space<vmem>>
        %dma_start3A_673 = tpu.memref_squeeze %dma_start3A_672 : memref<1x64x128xf32, #tpu.memory_space<vmem>> -> memref<64x128xf32, #tpu.memory_space<vmem>>
        %dma_start3A_674 = arith.constant 0 : i32
        %dma_start3A_675 = tpu.memref_slice %arg8[%run_scoped3A_611, %add3A_597, %dma_start3A_674] : memref<2x32x64xi32, #tpu.memory_space<vmem>> -> memref<1x1x64xi32, #tpu.memory_space<vmem>>
        %dma_start3A_676 = tpu.memref_squeeze %dma_start3A_675 : memref<1x1x64xi32, #tpu.memory_space<vmem>> -> memref<64xi32, #tpu.memory_space<vmem>>
        %dma_start3A_677 = arith.constant 0 : i32
        %dma_start3A_678 = arith.constant 0 : i32
        %dma_start3A_679 = tpu.memref_slice %arg10[%dma_start3A_677, %dma_start3A_678] : memref<10240x128xf32, #tpu.memory_space<vmem_shared>> -> memref<10240x128xf32, #tpu.memory_space<vmem_shared>>
        tpu.enqueue_indirect_dma source(%dma_start3A_673 : memref<64x128xf32, #tpu.memory_space<vmem>>) target(%dma_start3A_679 : memref<10240x128xf32, #tpu.memory_space<vmem_shared>>) offsets(%dma_start3A_676 : memref<64xi32, #tpu.memory_space<vmem>>) semaphore(%run_scoped3A_669 : memref<!tpu.dma_semaphore, #tpu.memory_space<semaphore_mem>>) {add = true}
        %dma_wait3A_680 = arith.constant 0 : i32
        %dma_wait3A_681 = arith.constant 0 : i32
        %dma_wait3A_682 = tpu.memref_slice %arg9[%run_scoped3A_610, %dma_wait3A_680, %dma_wait3A_681] : memref<4x64x128xf32, #tpu.memory_space<vmem>> -> memref<1x64x128xf32, #tpu.memory_space<vmem>>
        %dma_wait3A_683 = tpu.memref_squeeze %dma_wait3A_682 : memref<1x64x128xf32, #tpu.memory_space<vmem>> -> memref<64x128xf32, #tpu.memory_space<vmem>>
        %dma_wait3A_684 = arith.constant 0 : i32
        %dma_wait3A_685 = tpu.memref_slice %arg8[%run_scoped3A_611, %add3A_597, %dma_wait3A_684] : memref<2x32x64xi32, #tpu.memory_space<vmem>> -> memref<1x1x64xi32, #tpu.memory_space<vmem>>
        %dma_wait3A_686 = tpu.memref_squeeze %dma_wait3A_685 : memref<1x1x64xi32, #tpu.memory_space<vmem>> -> memref<64xi32, #tpu.memory_space<vmem>>
        %dma_wait3A_687 = arith.constant 0 : i32
        %dma_wait3A_688 = arith.constant 0 : i32
        %dma_wait3A_689 = tpu.memref_slice %arg10[%dma_wait3A_687, %dma_wait3A_688] : memref<10240x128xf32, #tpu.memory_space<vmem_shared>> -> memref<10240x128xf32, #tpu.memory_space<vmem_shared>>
        tpu.wait_indirect_dma semaphore(%run_scoped3A_669 : memref<!tpu.dma_semaphore, #tpu.memory_space<semaphore_mem>>) src(%dma_wait3A_683 : memref<64x128xf32, #tpu.memory_space<vmem>>) dst(%dma_wait3A_689 : memref<10240x128xf32, #tpu.memory_space<vmem_shared>>)
        tpu.yield
      }) : () -> ()
      %add3A_612 = arith.constant 4 : i32
      %add3A_613 = arith.addi %add3A_597, %add3A_612 : i32
      %lt3A_614 = arith.constant 32 : i32
      %lt3A_615 = arith.cmpi slt, %add3A_613, %lt3A_614 : i32
      %convert_element_type3A_616 = arith.extui %lt3A_615 : i1 to i32
      %cond3A_617 = arith.constant 0 : i32
      %cond3A_618 = arith.cmpi ne, %convert_element_type3A_616, %cond3A_617 : i32
      scf.if %cond3A_618 {
        %add3A_669 = arith.constant 4 : i32
        %add3A_670 = arith.addi %add3A_597, %add3A_669 : i32
        %dma_start3A_671 = arith.constant 0 : i32
        %dma_start3A_672 = arith.constant 1 : i32
        %dma_start3A_673 = arith.constant 0 : i32
        %dma_start3A_674 = arith.constant 0 : i32
        %dma_start3A_675 = tpu.memref_slice %arg9[%dma_start3A_672, %dma_start3A_673, %dma_start3A_674] : memref<4x64x128xf32, #tpu.memory_space<vmem>> -> memref<1x64x128xf32, #tpu.memory_space<vmem>>
        %dma_start3A_676 = tpu.memref_squeeze %dma_start3A_675 : memref<1x64x128xf32, #tpu.memory_space<vmem>> -> memref<64x128xf32, #tpu.memory_space<vmem>>
        %dma_start3A_677 = arith.constant 0 : i32
        %dma_start3A_678 = tpu.memref_slice %arg7[%dma_start3A_671, %add3A_670, %dma_start3A_677] : memref<2x32x64xi32, #tpu.memory_space<vmem>> -> memref<1x1x64xi32, #tpu.memory_space<vmem>>
        %dma_start3A_679 = tpu.memref_squeeze %dma_start3A_678 : memref<1x1x64xi32, #tpu.memory_space<vmem>> -> memref<64xi32, #tpu.memory_space<vmem>>
        %dma_start3A_680 = arith.constant 0 : i32
        %dma_start3A_681 = arith.constant 0 : i32
        %dma_start3A_682 = tpu.memref_slice %arg4[%dma_start3A_680, %dma_start3A_681] : memref<10000x128xf32, #tpu.memory_space<hbm>> -> memref<10000x128xf32, #tpu.memory_space<hbm>>
        tpu.enqueue_indirect_dma source(%dma_start3A_682 : memref<10000x128xf32, #tpu.memory_space<hbm>>) target(%dma_start3A_676 : memref<64x128xf32, #tpu.memory_space<vmem>>) offsets(%dma_start3A_679 : memref<64xi32, #tpu.memory_space<vmem>>) semaphore(%arg12 : memref<!tpu.dma_semaphore, #tpu.memory_space<semaphore_mem>>)
      } else {
      }
      %mul3A_619 = arith.constant 4 : i32
      %mul3A_620 = arith.muli %mul3A_619, %scan3A_571 : i32
      %add3A_621 = arith.constant 2 : i32
      %add3A_622 = arith.addi %mul3A_620, %add3A_621 : i32
      %dma_wait3A_623 = arith.constant 0 : i32
      %dma_wait3A_624 = arith.constant 2 : i32
      %dma_wait3A_625 = arith.constant 0 : i32
      %dma_wait3A_626 = arith.constant 0 : i32
      %dma_wait3A_627 = tpu.memref_slice %arg9[%dma_wait3A_624, %dma_wait3A_625, %dma_wait3A_626] : memref<4x64x128xf32, #tpu.memory_space<vmem>> -> memref<1x64x128xf32, #tpu.memory_space<vmem>>
      %dma_wait3A_628 = tpu.memref_squeeze %dma_wait3A_627 : memref<1x64x128xf32, #tpu.memory_space<vmem>> -> memref<64x128xf32, #tpu.memory_space<vmem>>
      %dma_wait3A_629 = arith.constant 0 : i32
      %dma_wait3A_630 = tpu.memref_slice %arg7[%dma_wait3A_623, %add3A_622, %dma_wait3A_629] : memref<2x32x64xi32, #tpu.memory_space<vmem>> -> memref<1x1x64xi32, #tpu.memory_space<vmem>>
      %dma_wait3A_631 = tpu.memref_squeeze %dma_wait3A_630 : memref<1x1x64xi32, #tpu.memory_space<vmem>> -> memref<64xi32, #tpu.memory_space<vmem>>
      %dma_wait3A_632 = arith.constant 0 : i32
      %dma_wait3A_633 = arith.constant 0 : i32
      %dma_wait3A_634 = tpu.memref_slice %arg4[%dma_wait3A_632, %dma_wait3A_633] : memref<10000x128xf32, #tpu.memory_space<hbm>> -> memref<10000x128xf32, #tpu.memory_space<hbm>>
      tpu.wait_indirect_dma semaphore(%arg13 : memref<!tpu.dma_semaphore, #tpu.memory_space<semaphore_mem>>) src(%dma_wait3A_634 : memref<10000x128xf32, #tpu.memory_space<hbm>>) dst(%dma_wait3A_628 : memref<64x128xf32, #tpu.memory_space<vmem>>)
      %run_scoped3A_635 = arith.constant 2 : i32
      %run_scoped3A_636 = arith.constant 0 : i32
      "tpu.region"() ({
        %run_scoped3A_669 = tpu.sem_alloc : memref<!tpu.dma_semaphore, #tpu.memory_space<semaphore_mem>>
        %dma_start3A_670 = arith.constant 0 : i32
        %dma_start3A_671 = arith.constant 0 : i32
        %dma_start3A_672 = tpu.memref_slice %arg9[%run_scoped3A_635, %dma_start3A_670, %dma_start3A_671] : memref<4x64x128xf32, #tpu.memory_space<vmem>> -> memref<1x64x128xf32, #tpu.memory_space<vmem>>
        %dma_start3A_673 = tpu.memref_squeeze %dma_start3A_672 : memref<1x64x128xf32, #tpu.memory_space<vmem>> -> memref<64x128xf32, #tpu.memory_space<vmem>>
        %dma_start3A_674 = arith.constant 0 : i32
        %dma_start3A_675 = tpu.memref_slice %arg8[%run_scoped3A_636, %add3A_622, %dma_start3A_674] : memref<2x32x64xi32, #tpu.memory_space<vmem>> -> memref<1x1x64xi32, #tpu.memory_space<vmem>>
        %dma_start3A_676 = tpu.memref_squeeze %dma_start3A_675 : memref<1x1x64xi32, #tpu.memory_space<vmem>> -> memref<64xi32, #tpu.memory_space<vmem>>
        %dma_start3A_677 = arith.constant 0 : i32
        %dma_start3A_678 = arith.constant 0 : i32
        %dma_start3A_679 = tpu.memref_slice %arg10[%dma_start3A_677, %dma_start3A_678] : memref<10240x128xf32, #tpu.memory_space<vmem_shared>> -> memref<10240x128xf32, #tpu.memory_space<vmem_shared>>
        tpu.enqueue_indirect_dma source(%dma_start3A_673 : memref<64x128xf32, #tpu.memory_space<vmem>>) target(%dma_start3A_679 : memref<10240x128xf32, #tpu.memory_space<vmem_shared>>) offsets(%dma_start3A_676 : memref<64xi32, #tpu.memory_space<vmem>>) semaphore(%run_scoped3A_669 : memref<!tpu.dma_semaphore, #tpu.memory_space<semaphore_mem>>) {add = true}
        %dma_wait3A_680 = arith.constant 0 : i32
        %dma_wait3A_681 = arith.constant 0 : i32
        %dma_wait3A_682 = tpu.memref_slice %arg9[%run_scoped3A_635, %dma_wait3A_680, %dma_wait3A_681] : memref<4x64x128xf32, #tpu.memory_space<vmem>> -> memref<1x64x128xf32, #tpu.memory_space<vmem>>
        %dma_wait3A_683 = tpu.memref_squeeze %dma_wait3A_682 : memref<1x64x128xf32, #tpu.memory_space<vmem>> -> memref<64x128xf32, #tpu.memory_space<vmem>>
        %dma_wait3A_684 = arith.constant 0 : i32
        %dma_wait3A_685 = tpu.memref_slice %arg8[%run_scoped3A_636, %add3A_622, %dma_wait3A_684] : memref<2x32x64xi32, #tpu.memory_space<vmem>> -> memref<1x1x64xi32, #tpu.memory_space<vmem>>
        %dma_wait3A_686 = tpu.memref_squeeze %dma_wait3A_685 : memref<1x1x64xi32, #tpu.memory_space<vmem>> -> memref<64xi32, #tpu.memory_space<vmem>>
        %dma_wait3A_687 = arith.constant 0 : i32
        %dma_wait3A_688 = arith.constant 0 : i32
        %dma_wait3A_689 = tpu.memref_slice %arg10[%dma_wait3A_687, %dma_wait3A_688] : memref<10240x128xf32, #tpu.memory_space<vmem_shared>> -> memref<10240x128xf32, #tpu.memory_space<vmem_shared>>
        tpu.wait_indirect_dma semaphore(%run_scoped3A_669 : memref<!tpu.dma_semaphore, #tpu.memory_space<semaphore_mem>>) src(%dma_wait3A_683 : memref<64x128xf32, #tpu.memory_space<vmem>>) dst(%dma_wait3A_689 : memref<10240x128xf32, #tpu.memory_space<vmem_shared>>)
        tpu.yield
      }) : () -> ()
      %add3A_637 = arith.constant 4 : i32
      %add3A_638 = arith.addi %add3A_622, %add3A_637 : i32
      %lt3A_639 = arith.constant 32 : i32
      %lt3A_640 = arith.cmpi slt, %add3A_638, %lt3A_639 : i32
      %convert_element_type3A_641 = arith.extui %lt3A_640 : i1 to i32
      %cond3A_642 = arith.constant 0 : i32
      %cond3A_643 = arith.cmpi ne, %convert_element_type3A_641, %cond3A_642 : i32
      scf.if %cond3A_643 {
        %add3A_669 = arith.constant 4 : i32
        %add3A_670 = arith.addi %add3A_622, %add3A_669 : i32
        %dma_start3A_671 = arith.constant 0 : i32
        %dma_start3A_672 = arith.constant 2 : i32
        %dma_start3A_673 = arith.constant 0 : i32
        %dma_start3A_674 = arith.constant 0 : i32
        %dma_start3A_675 = tpu.memref_slice %arg9[%dma_start3A_672, %dma_start3A_673, %dma_start3A_674] : memref<4x64x128xf32, #tpu.memory_space<vmem>> -> memref<1x64x128xf32, #tpu.memory_space<vmem>>
        %dma_start3A_676 = tpu.memref_squeeze %dma_start3A_675 : memref<1x64x128xf32, #tpu.memory_space<vmem>> -> memref<64x128xf32, #tpu.memory_space<vmem>>
        %dma_start3A_677 = arith.constant 0 : i32
        %dma_start3A_678 = tpu.memref_slice %arg7[%dma_start3A_671, %add3A_670, %dma_start3A_677] : memref<2x32x64xi32, #tpu.memory_space<vmem>> -> memref<1x1x64xi32, #tpu.memory_space<vmem>>
        %dma_start3A_679 = tpu.memref_squeeze %dma_start3A_678 : memref<1x1x64xi32, #tpu.memory_space<vmem>> -> memref<64xi32, #tpu.memory_space<vmem>>
        %dma_start3A_680 = arith.constant 0 : i32
        %dma_start3A_681 = arith.constant 0 : i32
        %dma_start3A_682 = tpu.memref_slice %arg4[%dma_start3A_680, %dma_start3A_681] : memref<10000x128xf32, #tpu.memory_space<hbm>> -> memref<10000x128xf32, #tpu.memory_space<hbm>>
        tpu.enqueue_indirect_dma source(%dma_start3A_682 : memref<10000x128xf32, #tpu.memory_space<hbm>>) target(%dma_start3A_676 : memref<64x128xf32, #tpu.memory_space<vmem>>) offsets(%dma_start3A_679 : memref<64xi32, #tpu.memory_space<vmem>>) semaphore(%arg13 : memref<!tpu.dma_semaphore, #tpu.memory_space<semaphore_mem>>)
      } else {
      }
      %mul3A_644 = arith.constant 4 : i32
      %mul3A_645 = arith.muli %mul3A_644, %scan3A_571 : i32
      %add3A_646 = arith.constant 3 : i32
      %add3A_647 = arith.addi %mul3A_645, %add3A_646 : i32
      %dma_wait3A_648 = arith.constant 0 : i32
      %dma_wait3A_649 = arith.constant 3 : i32
      %dma_wait3A_650 = arith.constant 0 : i32
      %dma_wait3A_651 = arith.constant 0 : i32
      %dma_wait3A_652 = tpu.memref_slice %arg9[%dma_wait3A_649, %dma_wait3A_650, %dma_wait3A_651] : memref<4x64x128xf32, #tpu.memory_space<vmem>> -> memref<1x64x128xf32, #tpu.memory_space<vmem>>
      %dma_wait3A_653 = tpu.memref_squeeze %dma_wait3A_652 : memref<1x64x128xf32, #tpu.memory_space<vmem>> -> memref<64x128xf32, #tpu.memory_space<vmem>>
      %dma_wait3A_654 = arith.constant 0 : i32
      %dma_wait3A_655 = tpu.memref_slice %arg7[%dma_wait3A_648, %add3A_647, %dma_wait3A_654] : memref<2x32x64xi32, #tpu.memory_space<vmem>> -> memref<1x1x64xi32, #tpu.memory_space<vmem>>
      %dma_wait3A_656 = tpu.memref_squeeze %dma_wait3A_655 : memref<1x1x64xi32, #tpu.memory_space<vmem>> -> memref<64xi32, #tpu.memory_space<vmem>>
      %dma_wait3A_657 = arith.constant 0 : i32
      %dma_wait3A_658 = arith.constant 0 : i32
      %dma_wait3A_659 = tpu.memref_slice %arg4[%dma_wait3A_657, %dma_wait3A_658] : memref<10000x128xf32, #tpu.memory_space<hbm>> -> memref<10000x128xf32, #tpu.memory_space<hbm>>
      tpu.wait_indirect_dma semaphore(%arg14 : memref<!tpu.dma_semaphore, #tpu.memory_space<semaphore_mem>>) src(%dma_wait3A_659 : memref<10000x128xf32, #tpu.memory_space<hbm>>) dst(%dma_wait3A_653 : memref<64x128xf32, #tpu.memory_space<vmem>>)
      %run_scoped3A_660 = arith.constant 3 : i32
      %run_scoped3A_661 = arith.constant 0 : i32
      "tpu.region"() ({
        %run_scoped3A_669 = tpu.sem_alloc : memref<!tpu.dma_semaphore, #tpu.memory_space<semaphore_mem>>
        %dma_start3A_670 = arith.constant 0 : i32
        %dma_start3A_671 = arith.constant 0 : i32
        %dma_start3A_672 = tpu.memref_slice %arg9[%run_scoped3A_660, %dma_start3A_670, %dma_start3A_671] : memref<4x64x128xf32, #tpu.memory_space<vmem>> -> memref<1x64x128xf32, #tpu.memory_space<vmem>>
        %dma_start3A_673 = tpu.memref_squeeze %dma_start3A_672 : memref<1x64x128xf32, #tpu.memory_space<vmem>> -> memref<64x128xf32, #tpu.memory_space<vmem>>
        %dma_start3A_674 = arith.constant 0 : i32
        %dma_start3A_675 = tpu.memref_slice %arg8[%run_scoped3A_661, %add3A_647, %dma_start3A_674] : memref<2x32x64xi32, #tpu.memory_space<vmem>> -> memref<1x1x64xi32, #tpu.memory_space<vmem>>
        %dma_start3A_676 = tpu.memref_squeeze %dma_start3A_675 : memref<1x1x64xi32, #tpu.memory_space<vmem>> -> memref<64xi32, #tpu.memory_space<vmem>>
        %dma_start3A_677 = arith.constant 0 : i32
        %dma_start3A_678 = arith.constant 0 : i32
        %dma_start3A_679 = tpu.memref_slice %arg10[%dma_start3A_677, %dma_start3A_678] : memref<10240x128xf32, #tpu.memory_space<vmem_shared>> -> memref<10240x128xf32, #tpu.memory_space<vmem_shared>>
        tpu.enqueue_indirect_dma source(%dma_start3A_673 : memref<64x128xf32, #tpu.memory_space<vmem>>) target(%dma_start3A_679 : memref<10240x128xf32, #tpu.memory_space<vmem_shared>>) offsets(%dma_start3A_676 : memref<64xi32, #tpu.memory_space<vmem>>) semaphore(%run_scoped3A_669 : memref<!tpu.dma_semaphore, #tpu.memory_space<semaphore_mem>>) {add = true}
        %dma_wait3A_680 = arith.constant 0 : i32
        %dma_wait3A_681 = arith.constant 0 : i32
        %dma_wait3A_682 = tpu.memref_slice %arg9[%run_scoped3A_660, %dma_wait3A_680, %dma_wait3A_681] : memref<4x64x128xf32, #tpu.memory_space<vmem>> -> memref<1x64x128xf32, #tpu.memory_space<vmem>>
        %dma_wait3A_683 = tpu.memref_squeeze %dma_wait3A_682 : memref<1x64x128xf32, #tpu.memory_space<vmem>> -> memref<64x128xf32, #tpu.memory_space<vmem>>
        %dma_wait3A_684 = arith.constant 0 : i32
        %dma_wait3A_685 = tpu.memref_slice %arg8[%run_scoped3A_661, %add3A_647, %dma_wait3A_684] : memref<2x32x64xi32, #tpu.memory_space<vmem>> -> memref<1x1x64xi32, #tpu.memory_space<vmem>>
        %dma_wait3A_686 = tpu.memref_squeeze %dma_wait3A_685 : memref<1x1x64xi32, #tpu.memory_space<vmem>> -> memref<64xi32, #tpu.memory_space<vmem>>
        %dma_wait3A_687 = arith.constant 0 : i32
        %dma_wait3A_688 = arith.constant 0 : i32
        %dma_wait3A_689 = tpu.memref_slice %arg10[%dma_wait3A_687, %dma_wait3A_688] : memref<10240x128xf32, #tpu.memory_space<vmem_shared>> -> memref<10240x128xf32, #tpu.memory_space<vmem_shared>>
        tpu.wait_indirect_dma semaphore(%run_scoped3A_669 : memref<!tpu.dma_semaphore, #tpu.memory_space<semaphore_mem>>) src(%dma_wait3A_683 : memref<64x128xf32, #tpu.memory_space<vmem>>) dst(%dma_wait3A_689 : memref<10240x128xf32, #tpu.memory_space<vmem_shared>>)
        tpu.yield
      }) : () -> ()
      %add3A_662 = arith.constant 4 : i32
      %add3A_663 = arith.addi %add3A_647, %add3A_662 : i32
      %lt3A_664 = arith.constant 32 : i32
      %lt3A_665 = arith.cmpi slt, %add3A_663, %lt3A_664 : i32
      %convert_element_type3A_666 = arith.extui %lt3A_665 : i1 to i32
      %cond3A_667 = arith.constant 0 : i32
      %cond3A_668 = arith.cmpi ne, %convert_element_type3A_666, %cond3A_667 : i32
      scf.if %cond3A_668 {
        %add3A_669 = arith.constant 4 : i32
        %add3A_670 = arith.addi %add3A_647, %add3A_669 : i32
        %dma_start3A_671 = arith.constant 0 : i32
        %dma_start3A_672 = arith.constant 3 : i32
        %dma_start3A_673 = arith.constant 0 : i32
        %dma_start3A_674 = arith.constant 0 : i32
        %dma_start3A_675 = tpu.memref_slice %arg9[%dma_start3A_672, %dma_start3A_673, %dma_start3A_674] : memref<4x64x128xf32, #tpu.memory_space<vmem>> -> memref<1x64x128xf32, #tpu.memory_space<vmem>>
        %dma_start3A_676 = tpu.memref_squeeze %dma_start3A_675 : memref<1x64x128xf32, #tpu.memory_space<vmem>> -> memref<64x128xf32, #tpu.memory_space<vmem>>
        %dma_start3A_677 = arith.constant 0 : i32
        %dma_start3A_678 = tpu.memref_slice %arg7[%dma_start3A_671, %add3A_670, %dma_start3A_677] : memref<2x32x64xi32, #tpu.memory_space<vmem>> -> memref<1x1x64xi32, #tpu.memory_space<vmem>>
        %dma_start3A_679 = tpu.memref_squeeze %dma_start3A_678 : memref<1x1x64xi32, #tpu.memory_space<vmem>> -> memref<64xi32, #tpu.memory_space<vmem>>
        %dma_start3A_680 = arith.constant 0 : i32
        %dma_start3A_681 = arith.constant 0 : i32
        %dma_start3A_682 = tpu.memref_slice %arg4[%dma_start3A_680, %dma_start3A_681] : memref<10000x128xf32, #tpu.memory_space<hbm>> -> memref<10000x128xf32, #tpu.memory_space<hbm>>
        tpu.enqueue_indirect_dma source(%dma_start3A_682 : memref<10000x128xf32, #tpu.memory_space<hbm>>) target(%dma_start3A_676 : memref<64x128xf32, #tpu.memory_space<vmem>>) offsets(%dma_start3A_679 : memref<64xi32, #tpu.memory_space<vmem>>) semaphore(%arg14 : memref<!tpu.dma_semaphore, #tpu.memory_space<semaphore_mem>>)
      } else {
      }
    }
    %scan3A_140 = arith.constant 8 : i32
    %dma_wait3A = arith.constant 1 : i32
    %dma_wait3A_141 = arith.constant 0 : i32
    %dma_wait3A_142 = arith.constant 0 : i32
    %dma_wait3A_143 = tpu.memref_slice %arg7[%dma_wait3A, %dma_wait3A_141, %dma_wait3A_142] : memref<2x32x64xi32, #tpu.memory_space<vmem>> -> memref<1x32x64xi32, #tpu.memory_space<vmem>>
    %dma_wait3A_144 = tpu.memref_squeeze %dma_wait3A_143 : memref<1x32x64xi32, #tpu.memory_space<vmem>> -> memref<32x64xi32, #tpu.memory_space<vmem>>
    %dma_wait3A_145 = arith.constant 0 : i32
    %dma_wait3A_146 = tpu.memref_slice %arg2[%mul3A_52, %dma_wait3A_145] : memref<5120x64xi32, #tpu.memory_space<hbm>> -> memref<32x64xi32, #tpu.memory_space<hbm>>
    %dma_wait3A_147 = arith.constant 0 : i32
    %dma_wait3A_148 = arith.constant 0 : i32
    %dma_wait3A_149 = tpu.memref_slice %arg7[%dma_wait3A, %dma_wait3A_147, %dma_wait3A_148] : memref<2x32x64xi32, #tpu.memory_space<vmem>> -> memref<1x32x64xi32, #tpu.memory_space<vmem>>
    %dma_wait3A_150 = tpu.memref_squeeze %dma_wait3A_149 : memref<1x32x64xi32, #tpu.memory_space<vmem>> -> memref<32x64xi32, #tpu.memory_space<vmem>>
    %dma_wait3A_151 = arith.constant 0 : i32
    %dma_wait3A_152 = tpu.memref_slice %arg2[%mul3A_52, %dma_wait3A_151] : memref<5120x64xi32, #tpu.memory_space<hbm>> -> memref<32x64xi32, #tpu.memory_space<hbm>>
    tpu.wait_dma2 semaphore(%arg15 : memref<!tpu.dma_semaphore, #tpu.memory_space<semaphore_mem>>) src(%dma_wait3A_152 : memref<32x64xi32, #tpu.memory_space<hbm>>) dst(%dma_wait3A_150 : memref<32x64xi32, #tpu.memory_space<vmem>>)
    %dma_wait3A_153 = arith.constant 1 : i32
    %dma_wait3A_154 = arith.constant 0 : i32
    %dma_wait3A_155 = arith.constant 0 : i32
    %dma_wait3A_156 = tpu.memref_slice %arg8[%dma_wait3A_153, %dma_wait3A_154, %dma_wait3A_155] : memref<2x32x64xi32, #tpu.memory_space<vmem>> -> memref<1x32x64xi32, #tpu.memory_space<vmem>>
    %dma_wait3A_157 = tpu.memref_squeeze %dma_wait3A_156 : memref<1x32x64xi32, #tpu.memory_space<vmem>> -> memref<32x64xi32, #tpu.memory_space<vmem>>
    %dma_wait3A_158 = arith.constant 0 : i32
    %dma_wait3A_159 = tpu.memref_slice %arg3[%mul3A_52, %dma_wait3A_158] : memref<5120x64xi32, #tpu.memory_space<hbm>> -> memref<32x64xi32, #tpu.memory_space<hbm>>
    %dma_wait3A_160 = arith.constant 0 : i32
    %dma_wait3A_161 = arith.constant 0 : i32
    %dma_wait3A_162 = tpu.memref_slice %arg8[%dma_wait3A_153, %dma_wait3A_160, %dma_wait3A_161] : memref<2x32x64xi32, #tpu.memory_space<vmem>> -> memref<1x32x64xi32, #tpu.memory_space<vmem>>
    %dma_wait3A_163 = tpu.memref_squeeze %dma_wait3A_162 : memref<1x32x64xi32, #tpu.memory_space<vmem>> -> memref<32x64xi32, #tpu.memory_space<vmem>>
    %dma_wait3A_164 = arith.constant 0 : i32
    %dma_wait3A_165 = tpu.memref_slice %arg3[%mul3A_52, %dma_wait3A_164] : memref<5120x64xi32, #tpu.memory_space<hbm>> -> memref<32x64xi32, #tpu.memory_space<hbm>>
    tpu.wait_dma2 semaphore(%arg15 : memref<!tpu.dma_semaphore, #tpu.memory_space<semaphore_mem>>) src(%dma_wait3A_165 : memref<32x64xi32, #tpu.memory_space<hbm>>) dst(%dma_wait3A_163 : memref<32x64xi32, #tpu.memory_space<vmem>>)
    %add3A_166 = arith.constant 64 : i32
    %add3A_167 = arith.addi %mul3A_52, %add3A_166 : i32
    %dma_start3A_168 = arith.constant 0 : i32
    %dma_start3A_169 = arith.constant 0 : i32
    %dma_start3A_170 = arith.constant 0 : i32
    %dma_start3A_171 = tpu.memref_slice %arg7[%dma_start3A_168, %dma_start3A_169, %dma_start3A_170] : memref<2x32x64xi32, #tpu.memory_space<vmem>> -> memref<1x32x64xi32, #tpu.memory_space<vmem>>
    %dma_start3A_172 = tpu.memref_squeeze %dma_start3A_171 : memref<1x32x64xi32, #tpu.memory_space<vmem>> -> memref<32x64xi32, #tpu.memory_space<vmem>>
    %dma_start3A_173 = arith.constant 0 : i32
    %dma_start3A_174 = tpu.memref_slice %arg2[%add3A_167, %dma_start3A_173] : memref<5120x64xi32, #tpu.memory_space<hbm>> -> memref<32x64xi32, #tpu.memory_space<hbm>>
    %dma_start3A_175 = arith.constant 0 : i32
    %dma_start3A_176 = arith.constant 0 : i32
    %dma_start3A_177 = tpu.memref_slice %arg7[%dma_start3A_168, %dma_start3A_175, %dma_start3A_176] : memref<2x32x64xi32, #tpu.memory_space<vmem>> -> memref<1x32x64xi32, #tpu.memory_space<vmem>>
    %dma_start3A_178 = tpu.memref_squeeze %dma_start3A_177 : memref<1x32x64xi32, #tpu.memory_space<vmem>> -> memref<32x64xi32, #tpu.memory_space<vmem>>
    %dma_start3A_179 = arith.constant 0 : i32
    %dma_start3A_180 = tpu.memref_slice %arg2[%add3A_167, %dma_start3A_179] : memref<5120x64xi32, #tpu.memory_space<hbm>> -> memref<32x64xi32, #tpu.memory_space<hbm>>
    tpu.enqueue_dma source(%dma_start3A_180 : memref<32x64xi32, #tpu.memory_space<hbm>>) target(%dma_start3A_178 : memref<32x64xi32, #tpu.memory_space<vmem>>) target_semaphore(%arg15 : memref<!tpu.dma_semaphore, #tpu.memory_space<semaphore_mem>>)
    %add3A_181 = arith.constant 64 : i32
    %add3A_182 = arith.addi %mul3A_52, %add3A_181 : i32
    %dma_start3A_183 = arith.constant 0 : i32
    %dma_start3A_184 = arith.constant 0 : i32
    %dma_start3A_185 = arith.constant 0 : i32
    %dma_start3A_186 = tpu.memref_slice %arg8[%dma_start3A_183, %dma_start3A_184, %dma_start3A_185] : memref<2x32x64xi32, #tpu.memory_space<vmem>> -> memref<1x32x64xi32, #tpu.memory_space<vmem>>
    %dma_start3A_187 = tpu.memref_squeeze %dma_start3A_186 : memref<1x32x64xi32, #tpu.memory_space<vmem>> -> memref<32x64xi32, #tpu.memory_space<vmem>>
    %dma_start3A_188 = arith.constant 0 : i32
    %dma_start3A_189 = tpu.memref_slice %arg3[%add3A_182, %dma_start3A_188] : memref<5120x64xi32, #tpu.memory_space<hbm>> -> memref<32x64xi32, #tpu.memory_space<hbm>>
    %dma_start3A_190 = arith.constant 0 : i32
    %dma_start3A_191 = arith.constant 0 : i32
    %dma_start3A_192 = tpu.memref_slice %arg8[%dma_start3A_183, %dma_start3A_190, %dma_start3A_191] : memref<2x32x64xi32, #tpu.memory_space<vmem>> -> memref<1x32x64xi32, #tpu.memory_space<vmem>>
    %dma_start3A_193 = tpu.memref_squeeze %dma_start3A_192 : memref<1x32x64xi32, #tpu.memory_space<vmem>> -> memref<32x64xi32, #tpu.memory_space<vmem>>
    %dma_start3A_194 = arith.constant 0 : i32
    %dma_start3A_195 = tpu.memref_slice %arg3[%add3A_182, %dma_start3A_194] : memref<5120x64xi32, #tpu.memory_space<hbm>> -> memref<32x64xi32, #tpu.memory_space<hbm>>
    tpu.enqueue_dma source(%dma_start3A_195 : memref<32x64xi32, #tpu.memory_space<hbm>>) target(%dma_start3A_193 : memref<32x64xi32, #tpu.memory_space<vmem>>) target_semaphore(%arg15 : memref<!tpu.dma_semaphore, #tpu.memory_space<semaphore_mem>>)
    %dma_start3A_196 = arith.constant 1 : i32
    %dma_start3A_197 = arith.constant 0 : i32
    %dma_start3A_198 = arith.constant 0 : i32
    %dma_start3A_199 = arith.constant 0 : i32
    %dma_start3A_200 = arith.constant 0 : i32
    %dma_start3A_201 = tpu.memref_slice %arg9[%dma_start3A_198, %dma_start3A_199, %dma_start3A_200] : memref<4x64x128xf32, #tpu.memory_space<vmem>> -> memref<1x64x128xf32, #tpu.memory_space<vmem>>
    %dma_start3A_202 = tpu.memref_squeeze %dma_start3A_201 : memref<1x64x128xf32, #tpu.memory_space<vmem>> -> memref<64x128xf32, #tpu.memory_space<vmem>>
    %dma_start3A_203 = arith.constant 0 : i32
    %dma_start3A_204 = tpu.memref_slice %arg7[%dma_start3A_196, %dma_start3A_197, %dma_start3A_203] : memref<2x32x64xi32, #tpu.memory_space<vmem>> -> memref<1x1x64xi32, #tpu.memory_space<vmem>>
    %dma_start3A_205 = tpu.memref_squeeze %dma_start3A_204 : memref<1x1x64xi32, #tpu.memory_space<vmem>> -> memref<64xi32, #tpu.memory_space<vmem>>
    %dma_start3A_206 = arith.constant 0 : i32
    %dma_start3A_207 = arith.constant 0 : i32
    %dma_start3A_208 = tpu.memref_slice %arg4[%dma_start3A_206, %dma_start3A_207] : memref<10000x128xf32, #tpu.memory_space<hbm>> -> memref<10000x128xf32, #tpu.memory_space<hbm>>
    tpu.enqueue_indirect_dma source(%dma_start3A_208 : memref<10000x128xf32, #tpu.memory_space<hbm>>) target(%dma_start3A_202 : memref<64x128xf32, #tpu.memory_space<vmem>>) offsets(%dma_start3A_205 : memref<64xi32, #tpu.memory_space<vmem>>) semaphore(%arg11 : memref<!tpu.dma_semaphore, #tpu.memory_space<semaphore_mem>>)
    %dma_start3A_209 = arith.constant 1 : i32
    %dma_start3A_210 = arith.constant 1 : i32
    %dma_start3A_211 = arith.constant 1 : i32
    %dma_start3A_212 = arith.constant 0 : i32
    %dma_start3A_213 = arith.constant 0 : i32
    %dma_start3A_214 = tpu.memref_slice %arg9[%dma_start3A_211, %dma_start3A_212, %dma_start3A_213] : memref<4x64x128xf32, #tpu.memory_space<vmem>> -> memref<1x64x128xf32, #tpu.memory_space<vmem>>
    %dma_start3A_215 = tpu.memref_squeeze %dma_start3A_214 : memref<1x64x128xf32, #tpu.memory_space<vmem>> -> memref<64x128xf32, #tpu.memory_space<vmem>>
    %dma_start3A_216 = arith.constant 0 : i32
    %dma_start3A_217 = tpu.memref_slice %arg7[%dma_start3A_209, %dma_start3A_210, %dma_start3A_216] : memref<2x32x64xi32, #tpu.memory_space<vmem>> -> memref<1x1x64xi32, #tpu.memory_space<vmem>>
    %dma_start3A_218 = tpu.memref_squeeze %dma_start3A_217 : memref<1x1x64xi32, #tpu.memory_space<vmem>> -> memref<64xi32, #tpu.memory_space<vmem>>
    %dma_start3A_219 = arith.constant 0 : i32
    %dma_start3A_220 = arith.constant 0 : i32
    %dma_start3A_221 = tpu.memref_slice %arg4[%dma_start3A_219, %dma_start3A_220] : memref<10000x128xf32, #tpu.memory_space<hbm>> -> memref<10000x128xf32, #tpu.memory_space<hbm>>
    tpu.enqueue_indirect_dma source(%dma_start3A_221 : memref<10000x128xf32, #tpu.memory_space<hbm>>) target(%dma_start3A_215 : memref<64x128xf32, #tpu.memory_space<vmem>>) offsets(%dma_start3A_218 : memref<64xi32, #tpu.memory_space<vmem>>) semaphore(%arg12 : memref<!tpu.dma_semaphore, #tpu.memory_space<semaphore_mem>>)
    %dma_start3A_222 = arith.constant 1 : i32
    %dma_start3A_223 = arith.constant 2 : i32
    %dma_start3A_224 = arith.constant 2 : i32
    %dma_start3A_225 = arith.constant 0 : i32
    %dma_start3A_226 = arith.constant 0 : i32
    %dma_start3A_227 = tpu.memref_slice %arg9[%dma_start3A_224, %dma_start3A_225, %dma_start3A_226] : memref<4x64x128xf32, #tpu.memory_space<vmem>> -> memref<1x64x128xf32, #tpu.memory_space<vmem>>
    %dma_start3A_228 = tpu.memref_squeeze %dma_start3A_227 : memref<1x64x128xf32, #tpu.memory_space<vmem>> -> memref<64x128xf32, #tpu.memory_space<vmem>>
    %dma_start3A_229 = arith.constant 0 : i32
    %dma_start3A_230 = tpu.memref_slice %arg7[%dma_start3A_222, %dma_start3A_223, %dma_start3A_229] : memref<2x32x64xi32, #tpu.memory_space<vmem>> -> memref<1x1x64xi32, #tpu.memory_space<vmem>>
    %dma_start3A_231 = tpu.memref_squeeze %dma_start3A_230 : memref<1x1x64xi32, #tpu.memory_space<vmem>> -> memref<64xi32, #tpu.memory_space<vmem>>
    %dma_start3A_232 = arith.constant 0 : i32
    %dma_start3A_233 = arith.constant 0 : i32
    %dma_start3A_234 = tpu.memref_slice %arg4[%dma_start3A_232, %dma_start3A_233] : memref<10000x128xf32, #tpu.memory_space<hbm>> -> memref<10000x128xf32, #tpu.memory_space<hbm>>
    tpu.enqueue_indirect_dma source(%dma_start3A_234 : memref<10000x128xf32, #tpu.memory_space<hbm>>) target(%dma_start3A_228 : memref<64x128xf32, #tpu.memory_space<vmem>>) offsets(%dma_start3A_231 : memref<64xi32, #tpu.memory_space<vmem>>) semaphore(%arg13 : memref<!tpu.dma_semaphore, #tpu.memory_space<semaphore_mem>>)
    %dma_start3A_235 = arith.constant 1 : i32
    %dma_start3A_236 = arith.constant 3 : i32
    %dma_start3A_237 = arith.constant 3 : i32
    %dma_start3A_238 = arith.constant 0 : i32
    %dma_start3A_239 = arith.constant 0 : i32
    %dma_start3A_240 = tpu.memref_slice %arg9[%dma_start3A_237, %dma_start3A_238, %dma_start3A_239] : memref<4x64x128xf32, #tpu.memory_space<vmem>> -> memref<1x64x128xf32, #tpu.memory_space<vmem>>
    %dma_start3A_241 = tpu.memref_squeeze %dma_start3A_240 : memref<1x64x128xf32, #tpu.memory_space<vmem>> -> memref<64x128xf32, #tpu.memory_space<vmem>>
    %dma_start3A_242 = arith.constant 0 : i32
    %dma_start3A_243 = tpu.memref_slice %arg7[%dma_start3A_235, %dma_start3A_236, %dma_start3A_242] : memref<2x32x64xi32, #tpu.memory_space<vmem>> -> memref<1x1x64xi32, #tpu.memory_space<vmem>>
    %dma_start3A_244 = tpu.memref_squeeze %dma_start3A_243 : memref<1x1x64xi32, #tpu.memory_space<vmem>> -> memref<64xi32, #tpu.memory_space<vmem>>
    %dma_start3A_245 = arith.constant 0 : i32
    %dma_start3A_246 = arith.constant 0 : i32
    %dma_start3A_247 = tpu.memref_slice %arg4[%dma_start3A_245, %dma_start3A_246] : memref<10000x128xf32, #tpu.memory_space<hbm>> -> memref<10000x128xf32, #tpu.memory_space<hbm>>
    tpu.enqueue_indirect_dma source(%dma_start3A_247 : memref<10000x128xf32, #tpu.memory_space<hbm>>) target(%dma_start3A_241 : memref<64x128xf32, #tpu.memory_space<vmem>>) offsets(%dma_start3A_244 : memref<64xi32, #tpu.memory_space<vmem>>) semaphore(%arg14 : memref<!tpu.dma_semaphore, #tpu.memory_space<semaphore_mem>>)
    %scan3A_248 = arith.constant 0 : i32
    %scan3A_249 = arith.constant 0 : i32
    %scan3A_250 = arith.constant 8 : i32
    %scan3A_251 = arith.addi %scan3A_249, %scan3A_250 : i32
    %scan3A_252 = arith.constant 1 : i32
    scf.for %scan3A_571 = %scan3A_249 to %scan3A_251 step %scan3A_252  : i32 {
      %mul3A_572 = arith.constant 4 : i32
      %mul3A_573 = arith.muli %mul3A_572, %scan3A_571 : i32
      %add3A_574 = arith.constant 0 : i32
      %add3A_575 = arith.addi %mul3A_573, %add3A_574 : i32
      %dma_wait3A_576 = arith.constant 1 : i32
      %dma_wait3A_577 = arith.constant 0 : i32
      %dma_wait3A_578 = arith.constant 0 : i32
      %dma_wait3A_579 = arith.constant 0 : i32
      %dma_wait3A_580 = tpu.memref_slice %arg9[%dma_wait3A_577, %dma_wait3A_578, %dma_wait3A_579] : memref<4x64x128xf32, #tpu.memory_space<vmem>> -> memref<1x64x128xf32, #tpu.memory_space<vmem>>
      %dma_wait3A_581 = tpu.memref_squeeze %dma_wait3A_580 : memref<1x64x128xf32, #tpu.memory_space<vmem>> -> memref<64x128xf32, #tpu.memory_space<vmem>>
      %dma_wait3A_582 = arith.constant 0 : i32
      %dma_wait3A_583 = tpu.memref_slice %arg7[%dma_wait3A_576, %add3A_575, %dma_wait3A_582] : memref<2x32x64xi32, #tpu.memory_space<vmem>> -> memref<1x1x64xi32, #tpu.memory_space<vmem>>
      %dma_wait3A_584 = tpu.memref_squeeze %dma_wait3A_583 : memref<1x1x64xi32, #tpu.memory_space<vmem>> -> memref<64xi32, #tpu.memory_space<vmem>>
      %dma_wait3A_585 = arith.constant 0 : i32
      %dma_wait3A_586 = arith.constant 0 : i32
      %dma_wait3A_587 = tpu.memref_slice %arg4[%dma_wait3A_585, %dma_wait3A_586] : memref<10000x128xf32, #tpu.memory_space<hbm>> -> memref<10000x128xf32, #tpu.memory_space<hbm>>
      tpu.wait_indirect_dma semaphore(%arg11 : memref<!tpu.dma_semaphore, #tpu.memory_space<semaphore_mem>>) src(%dma_wait3A_587 : memref<10000x128xf32, #tpu.memory_space<hbm>>) dst(%dma_wait3A_581 : memref<64x128xf32, #tpu.memory_space<vmem>>)
      %run_scoped3A_588 = arith.constant 0 : i32
      %run_scoped3A_589 = arith.constant 1 : i32
      "tpu.region"() ({
        %run_scoped3A_669 = tpu.sem_alloc : memref<!tpu.dma_semaphore, #tpu.memory_space<semaphore_mem>>
        %dma_start3A_670 = arith.constant 0 : i32
        %dma_start3A_671 = arith.constant 0 : i32
        %dma_start3A_672 = tpu.memref_slice %arg9[%run_scoped3A_588, %dma_start3A_670, %dma_start3A_671] : memref<4x64x128xf32, #tpu.memory_space<vmem>> -> memref<1x64x128xf32, #tpu.memory_space<vmem>>
        %dma_start3A_673 = tpu.memref_squeeze %dma_start3A_672 : memref<1x64x128xf32, #tpu.memory_space<vmem>> -> memref<64x128xf32, #tpu.memory_space<vmem>>
        %dma_start3A_674 = arith.constant 0 : i32
        %dma_start3A_675 = tpu.memref_slice %arg8[%run_scoped3A_589, %add3A_575, %dma_start3A_674] : memref<2x32x64xi32, #tpu.memory_space<vmem>> -> memref<1x1x64xi32, #tpu.memory_space<vmem>>
        %dma_start3A_676 = tpu.memref_squeeze %dma_start3A_675 : memref<1x1x64xi32, #tpu.memory_space<vmem>> -> memref<64xi32, #tpu.memory_space<vmem>>
        %dma_start3A_677 = arith.constant 0 : i32
        %dma_start3A_678 = arith.constant 0 : i32
        %dma_start3A_679 = tpu.memref_slice %arg10[%dma_start3A_677, %dma_start3A_678] : memref<10240x128xf32, #tpu.memory_space<vmem_shared>> -> memref<10240x128xf32, #tpu.memory_space<vmem_shared>>
        tpu.enqueue_indirect_dma source(%dma_start3A_673 : memref<64x128xf32, #tpu.memory_space<vmem>>) target(%dma_start3A_679 : memref<10240x128xf32, #tpu.memory_space<vmem_shared>>) offsets(%dma_start3A_676 : memref<64xi32, #tpu.memory_space<vmem>>) semaphore(%run_scoped3A_669 : memref<!tpu.dma_semaphore, #tpu.memory_space<semaphore_mem>>) {add = true}
        %dma_wait3A_680 = arith.constant 0 : i32
        %dma_wait3A_681 = arith.constant 0 : i32
        %dma_wait3A_682 = tpu.memref_slice %arg9[%run_scoped3A_588, %dma_wait3A_680, %dma_wait3A_681] : memref<4x64x128xf32, #tpu.memory_space<vmem>> -> memref<1x64x128xf32, #tpu.memory_space<vmem>>
        %dma_wait3A_683 = tpu.memref_squeeze %dma_wait3A_682 : memref<1x64x128xf32, #tpu.memory_space<vmem>> -> memref<64x128xf32, #tpu.memory_space<vmem>>
        %dma_wait3A_684 = arith.constant 0 : i32
        %dma_wait3A_685 = tpu.memref_slice %arg8[%run_scoped3A_589, %add3A_575, %dma_wait3A_684] : memref<2x32x64xi32, #tpu.memory_space<vmem>> -> memref<1x1x64xi32, #tpu.memory_space<vmem>>
        %dma_wait3A_686 = tpu.memref_squeeze %dma_wait3A_685 : memref<1x1x64xi32, #tpu.memory_space<vmem>> -> memref<64xi32, #tpu.memory_space<vmem>>
        %dma_wait3A_687 = arith.constant 0 : i32
        %dma_wait3A_688 = arith.constant 0 : i32
        %dma_wait3A_689 = tpu.memref_slice %arg10[%dma_wait3A_687, %dma_wait3A_688] : memref<10240x128xf32, #tpu.memory_space<vmem_shared>> -> memref<10240x128xf32, #tpu.memory_space<vmem_shared>>
        tpu.wait_indirect_dma semaphore(%run_scoped3A_669 : memref<!tpu.dma_semaphore, #tpu.memory_space<semaphore_mem>>) src(%dma_wait3A_683 : memref<64x128xf32, #tpu.memory_space<vmem>>) dst(%dma_wait3A_689 : memref<10240x128xf32, #tpu.memory_space<vmem_shared>>)
        tpu.yield
      }) : () -> ()
      %add3A_590 = arith.constant 4 : i32
      %add3A_591 = arith.addi %add3A_575, %add3A_590 : i32
      %lt3A = arith.constant 32 : i32
      %lt3A_592 = arith.cmpi slt, %add3A_591, %lt3A : i32
      %convert_element_type3A = arith.extui %lt3A_592 : i1 to i32
      %cond3A = arith.constant 0 : i32
      %cond3A_593 = arith.cmpi ne, %convert_element_type3A, %cond3A : i32
      scf.if %cond3A_593 {
        %add3A_669 = arith.constant 4 : i32
        %add3A_670 = arith.addi %add3A_575, %add3A_669 : i32
        %dma_start3A_671 = arith.constant 1 : i32
        %dma_start3A_672 = arith.constant 0 : i32
        %dma_start3A_673 = arith.constant 0 : i32
        %dma_start3A_674 = arith.constant 0 : i32
        %dma_start3A_675 = tpu.memref_slice %arg9[%dma_start3A_672, %dma_start3A_673, %dma_start3A_674] : memref<4x64x128xf32, #tpu.memory_space<vmem>> -> memref<1x64x128xf32, #tpu.memory_space<vmem>>
        %dma_start3A_676 = tpu.memref_squeeze %dma_start3A_675 : memref<1x64x128xf32, #tpu.memory_space<vmem>> -> memref<64x128xf32, #tpu.memory_space<vmem>>
        %dma_start3A_677 = arith.constant 0 : i32
        %dma_start3A_678 = tpu.memref_slice %arg7[%dma_start3A_671, %add3A_670, %dma_start3A_677] : memref<2x32x64xi32, #tpu.memory_space<vmem>> -> memref<1x1x64xi32, #tpu.memory_space<vmem>>
        %dma_start3A_679 = tpu.memref_squeeze %dma_start3A_678 : memref<1x1x64xi32, #tpu.memory_space<vmem>> -> memref<64xi32, #tpu.memory_space<vmem>>
        %dma_start3A_680 = arith.constant 0 : i32
        %dma_start3A_681 = arith.constant 0 : i32
        %dma_start3A_682 = tpu.memref_slice %arg4[%dma_start3A_680, %dma_start3A_681] : memref<10000x128xf32, #tpu.memory_space<hbm>> -> memref<10000x128xf32, #tpu.memory_space<hbm>>
        tpu.enqueue_indirect_dma source(%dma_start3A_682 : memref<10000x128xf32, #tpu.memory_space<hbm>>) target(%dma_start3A_676 : memref<64x128xf32, #tpu.memory_space<vmem>>) offsets(%dma_start3A_679 : memref<64xi32, #tpu.memory_space<vmem>>) semaphore(%arg11 : memref<!tpu.dma_semaphore, #tpu.memory_space<semaphore_mem>>)
      } else {
      }
      %mul3A_594 = arith.constant 4 : i32
      %mul3A_595 = arith.muli %mul3A_594, %scan3A_571 : i32
      %add3A_596 = arith.constant 1 : i32
      %add3A_597 = arith.addi %mul3A_595, %add3A_596 : i32
      %dma_wait3A_598 = arith.constant 1 : i32
      %dma_wait3A_599 = arith.constant 1 : i32
      %dma_wait3A_600 = arith.constant 0 : i32
      %dma_wait3A_601 = arith.constant 0 : i32
      %dma_wait3A_602 = tpu.memref_slice %arg9[%dma_wait3A_599, %dma_wait3A_600, %dma_wait3A_601] : memref<4x64x128xf32, #tpu.memory_space<vmem>> -> memref<1x64x128xf32, #tpu.memory_space<vmem>>
      %dma_wait3A_603 = tpu.memref_squeeze %dma_wait3A_602 : memref<1x64x128xf32, #tpu.memory_space<vmem>> -> memref<64x128xf32, #tpu.memory_space<vmem>>
      %dma_wait3A_604 = arith.constant 0 : i32
      %dma_wait3A_605 = tpu.memref_slice %arg7[%dma_wait3A_598, %add3A_597, %dma_wait3A_604] : memref<2x32x64xi32, #tpu.memory_space<vmem>> -> memref<1x1x64xi32, #tpu.memory_space<vmem>>
      %dma_wait3A_606 = tpu.memref_squeeze %dma_wait3A_605 : memref<1x1x64xi32, #tpu.memory_space<vmem>> -> memref<64xi32, #tpu.memory_space<vmem>>
      %dma_wait3A_607 = arith.constant 0 : i32
      %dma_wait3A_608 = arith.constant 0 : i32
      %dma_wait3A_609 = tpu.memref_slice %arg4[%dma_wait3A_607, %dma_wait3A_608] : memref<10000x128xf32, #tpu.memory_space<hbm>> -> memref<10000x128xf32, #tpu.memory_space<hbm>>
      tpu.wait_indirect_dma semaphore(%arg12 : memref<!tpu.dma_semaphore, #tpu.memory_space<semaphore_mem>>) src(%dma_wait3A_609 : memref<10000x128xf32, #tpu.memory_space<hbm>>) dst(%dma_wait3A_603 : memref<64x128xf32, #tpu.memory_space<vmem>>)
      %run_scoped3A_610 = arith.constant 1 : i32
      %run_scoped3A_611 = arith.constant 1 : i32
      "tpu.region"() ({
        %run_scoped3A_669 = tpu.sem_alloc : memref<!tpu.dma_semaphore, #tpu.memory_space<semaphore_mem>>
        %dma_start3A_670 = arith.constant 0 : i32
        %dma_start3A_671 = arith.constant 0 : i32
        %dma_start3A_672 = tpu.memref_slice %arg9[%run_scoped3A_610, %dma_start3A_670, %dma_start3A_671] : memref<4x64x128xf32, #tpu.memory_space<vmem>> -> memref<1x64x128xf32, #tpu.memory_space<vmem>>
        %dma_start3A_673 = tpu.memref_squeeze %dma_start3A_672 : memref<1x64x128xf32, #tpu.memory_space<vmem>> -> memref<64x128xf32, #tpu.memory_space<vmem>>
        %dma_start3A_674 = arith.constant 0 : i32
        %dma_start3A_675 = tpu.memref_slice %arg8[%run_scoped3A_611, %add3A_597, %dma_start3A_674] : memref<2x32x64xi32, #tpu.memory_space<vmem>> -> memref<1x1x64xi32, #tpu.memory_space<vmem>>
        %dma_start3A_676 = tpu.memref_squeeze %dma_start3A_675 : memref<1x1x64xi32, #tpu.memory_space<vmem>> -> memref<64xi32, #tpu.memory_space<vmem>>
        %dma_start3A_677 = arith.constant 0 : i32
        %dma_start3A_678 = arith.constant 0 : i32
        %dma_start3A_679 = tpu.memref_slice %arg10[%dma_start3A_677, %dma_start3A_678] : memref<10240x128xf32, #tpu.memory_space<vmem_shared>> -> memref<10240x128xf32, #tpu.memory_space<vmem_shared>>
        tpu.enqueue_indirect_dma source(%dma_start3A_673 : memref<64x128xf32, #tpu.memory_space<vmem>>) target(%dma_start3A_679 : memref<10240x128xf32, #tpu.memory_space<vmem_shared>>) offsets(%dma_start3A_676 : memref<64xi32, #tpu.memory_space<vmem>>) semaphore(%run_scoped3A_669 : memref<!tpu.dma_semaphore, #tpu.memory_space<semaphore_mem>>) {add = true}
        %dma_wait3A_680 = arith.constant 0 : i32
        %dma_wait3A_681 = arith.constant 0 : i32
        %dma_wait3A_682 = tpu.memref_slice %arg9[%run_scoped3A_610, %dma_wait3A_680, %dma_wait3A_681] : memref<4x64x128xf32, #tpu.memory_space<vmem>> -> memref<1x64x128xf32, #tpu.memory_space<vmem>>
        %dma_wait3A_683 = tpu.memref_squeeze %dma_wait3A_682 : memref<1x64x128xf32, #tpu.memory_space<vmem>> -> memref<64x128xf32, #tpu.memory_space<vmem>>
        %dma_wait3A_684 = arith.constant 0 : i32
        %dma_wait3A_685 = tpu.memref_slice %arg8[%run_scoped3A_611, %add3A_597, %dma_wait3A_684] : memref<2x32x64xi32, #tpu.memory_space<vmem>> -> memref<1x1x64xi32, #tpu.memory_space<vmem>>
        %dma_wait3A_686 = tpu.memref_squeeze %dma_wait3A_685 : memref<1x1x64xi32, #tpu.memory_space<vmem>> -> memref<64xi32, #tpu.memory_space<vmem>>
        %dma_wait3A_687 = arith.constant 0 : i32
        %dma_wait3A_688 = arith.constant 0 : i32
        %dma_wait3A_689 = tpu.memref_slice %arg10[%dma_wait3A_687, %dma_wait3A_688] : memref<10240x128xf32, #tpu.memory_space<vmem_shared>> -> memref<10240x128xf32, #tpu.memory_space<vmem_shared>>
        tpu.wait_indirect_dma semaphore(%run_scoped3A_669 : memref<!tpu.dma_semaphore, #tpu.memory_space<semaphore_mem>>) src(%dma_wait3A_683 : memref<64x128xf32, #tpu.memory_space<vmem>>) dst(%dma_wait3A_689 : memref<10240x128xf32, #tpu.memory_space<vmem_shared>>)
        tpu.yield
      }) : () -> ()
      %add3A_612 = arith.constant 4 : i32
      %add3A_613 = arith.addi %add3A_597, %add3A_612 : i32
      %lt3A_614 = arith.constant 32 : i32
      %lt3A_615 = arith.cmpi slt, %add3A_613, %lt3A_614 : i32
      %convert_element_type3A_616 = arith.extui %lt3A_615 : i1 to i32
      %cond3A_617 = arith.constant 0 : i32
      %cond3A_618 = arith.cmpi ne, %convert_element_type3A_616, %cond3A_617 : i32
      scf.if %cond3A_618 {
        %add3A_669 = arith.constant 4 : i32
        %add3A_670 = arith.addi %add3A_597, %add3A_669 : i32
        %dma_start3A_671 = arith.constant 1 : i32
        %dma_start3A_672 = arith.constant 1 : i32
        %dma_start3A_673 = arith.constant 0 : i32
        %dma_start3A_674 = arith.constant 0 : i32
        %dma_start3A_675 = tpu.memref_slice %arg9[%dma_start3A_672, %dma_start3A_673, %dma_start3A_674] : memref<4x64x128xf32, #tpu.memory_space<vmem>> -> memref<1x64x128xf32, #tpu.memory_space<vmem>>
        %dma_start3A_676 = tpu.memref_squeeze %dma_start3A_675 : memref<1x64x128xf32, #tpu.memory_space<vmem>> -> memref<64x128xf32, #tpu.memory_space<vmem>>
        %dma_start3A_677 = arith.constant 0 : i32
        %dma_start3A_678 = tpu.memref_slice %arg7[%dma_start3A_671, %add3A_670, %dma_start3A_677] : memref<2x32x64xi32, #tpu.memory_space<vmem>> -> memref<1x1x64xi32, #tpu.memory_space<vmem>>
        %dma_start3A_679 = tpu.memref_squeeze %dma_start3A_678 : memref<1x1x64xi32, #tpu.memory_space<vmem>> -> memref<64xi32, #tpu.memory_space<vmem>>
        %dma_start3A_680 = arith.constant 0 : i32
        %dma_start3A_681 = arith.constant 0 : i32
        %dma_start3A_682 = tpu.memref_slice %arg4[%dma_start3A_680, %dma_start3A_681] : memref<10000x128xf32, #tpu.memory_space<hbm>> -> memref<10000x128xf32, #tpu.memory_space<hbm>>
        tpu.enqueue_indirect_dma source(%dma_start3A_682 : memref<10000x128xf32, #tpu.memory_space<hbm>>) target(%dma_start3A_676 : memref<64x128xf32, #tpu.memory_space<vmem>>) offsets(%dma_start3A_679 : memref<64xi32, #tpu.memory_space<vmem>>) semaphore(%arg12 : memref<!tpu.dma_semaphore, #tpu.memory_space<semaphore_mem>>)
      } else {
      }
      %mul3A_619 = arith.constant 4 : i32
      %mul3A_620 = arith.muli %mul3A_619, %scan3A_571 : i32
      %add3A_621 = arith.constant 2 : i32
      %add3A_622 = arith.addi %mul3A_620, %add3A_621 : i32
      %dma_wait3A_623 = arith.constant 1 : i32
      %dma_wait3A_624 = arith.constant 2 : i32
      %dma_wait3A_625 = arith.constant 0 : i32
      %dma_wait3A_626 = arith.constant 0 : i32
      %dma_wait3A_627 = tpu.memref_slice %arg9[%dma_wait3A_624, %dma_wait3A_625, %dma_wait3A_626] : memref<4x64x128xf32, #tpu.memory_space<vmem>> -> memref<1x64x128xf32, #tpu.memory_space<vmem>>
      %dma_wait3A_628 = tpu.memref_squeeze %dma_wait3A_627 : memref<1x64x128xf32, #tpu.memory_space<vmem>> -> memref<64x128xf32, #tpu.memory_space<vmem>>
      %dma_wait3A_629 = arith.constant 0 : i32
      %dma_wait3A_630 = tpu.memref_slice %arg7[%dma_wait3A_623, %add3A_622, %dma_wait3A_629] : memref<2x32x64xi32, #tpu.memory_space<vmem>> -> memref<1x1x64xi32, #tpu.memory_space<vmem>>
      %dma_wait3A_631 = tpu.memref_squeeze %dma_wait3A_630 : memref<1x1x64xi32, #tpu.memory_space<vmem>> -> memref<64xi32, #tpu.memory_space<vmem>>
      %dma_wait3A_632 = arith.constant 0 : i32
      %dma_wait3A_633 = arith.constant 0 : i32
      %dma_wait3A_634 = tpu.memref_slice %arg4[%dma_wait3A_632, %dma_wait3A_633] : memref<10000x128xf32, #tpu.memory_space<hbm>> -> memref<10000x128xf32, #tpu.memory_space<hbm>>
      tpu.wait_indirect_dma semaphore(%arg13 : memref<!tpu.dma_semaphore, #tpu.memory_space<semaphore_mem>>) src(%dma_wait3A_634 : memref<10000x128xf32, #tpu.memory_space<hbm>>) dst(%dma_wait3A_628 : memref<64x128xf32, #tpu.memory_space<vmem>>)
      %run_scoped3A_635 = arith.constant 2 : i32
      %run_scoped3A_636 = arith.constant 1 : i32
      "tpu.region"() ({
        %run_scoped3A_669 = tpu.sem_alloc : memref<!tpu.dma_semaphore, #tpu.memory_space<semaphore_mem>>
        %dma_start3A_670 = arith.constant 0 : i32
        %dma_start3A_671 = arith.constant 0 : i32
        %dma_start3A_672 = tpu.memref_slice %arg9[%run_scoped3A_635, %dma_start3A_670, %dma_start3A_671] : memref<4x64x128xf32, #tpu.memory_space<vmem>> -> memref<1x64x128xf32, #tpu.memory_space<vmem>>
        %dma_start3A_673 = tpu.memref_squeeze %dma_start3A_672 : memref<1x64x128xf32, #tpu.memory_space<vmem>> -> memref<64x128xf32, #tpu.memory_space<vmem>>
        %dma_start3A_674 = arith.constant 0 : i32
        %dma_start3A_675 = tpu.memref_slice %arg8[%run_scoped3A_636, %add3A_622, %dma_start3A_674] : memref<2x32x64xi32, #tpu.memory_space<vmem>> -> memref<1x1x64xi32, #tpu.memory_space<vmem>>
        %dma_start3A_676 = tpu.memref_squeeze %dma_start3A_675 : memref<1x1x64xi32, #tpu.memory_space<vmem>> -> memref<64xi32, #tpu.memory_space<vmem>>
        %dma_start3A_677 = arith.constant 0 : i32
        %dma_start3A_678 = arith.constant 0 : i32
        %dma_start3A_679 = tpu.memref_slice %arg10[%dma_start3A_677, %dma_start3A_678] : memref<10240x128xf32, #tpu.memory_space<vmem_shared>> -> memref<10240x128xf32, #tpu.memory_space<vmem_shared>>
        tpu.enqueue_indirect_dma source(%dma_start3A_673 : memref<64x128xf32, #tpu.memory_space<vmem>>) target(%dma_start3A_679 : memref<10240x128xf32, #tpu.memory_space<vmem_shared>>) offsets(%dma_start3A_676 : memref<64xi32, #tpu.memory_space<vmem>>) semaphore(%run_scoped3A_669 : memref<!tpu.dma_semaphore, #tpu.memory_space<semaphore_mem>>) {add = true}
        %dma_wait3A_680 = arith.constant 0 : i32
        %dma_wait3A_681 = arith.constant 0 : i32
        %dma_wait3A_682 = tpu.memref_slice %arg9[%run_scoped3A_635, %dma_wait3A_680, %dma_wait3A_681] : memref<4x64x128xf32, #tpu.memory_space<vmem>> -> memref<1x64x128xf32, #tpu.memory_space<vmem>>
        %dma_wait3A_683 = tpu.memref_squeeze %dma_wait3A_682 : memref<1x64x128xf32, #tpu.memory_space<vmem>> -> memref<64x128xf32, #tpu.memory_space<vmem>>
        %dma_wait3A_684 = arith.constant 0 : i32
        %dma_wait3A_685 = tpu.memref_slice %arg8[%run_scoped3A_636, %add3A_622, %dma_wait3A_684] : memref<2x32x64xi32, #tpu.memory_space<vmem>> -> memref<1x1x64xi32, #tpu.memory_space<vmem>>
        %dma_wait3A_686 = tpu.memref_squeeze %dma_wait3A_685 : memref<1x1x64xi32, #tpu.memory_space<vmem>> -> memref<64xi32, #tpu.memory_space<vmem>>
        %dma_wait3A_687 = arith.constant 0 : i32
        %dma_wait3A_688 = arith.constant 0 : i32
        %dma_wait3A_689 = tpu.memref_slice %arg10[%dma_wait3A_687, %dma_wait3A_688] : memref<10240x128xf32, #tpu.memory_space<vmem_shared>> -> memref<10240x128xf32, #tpu.memory_space<vmem_shared>>
        tpu.wait_indirect_dma semaphore(%run_scoped3A_669 : memref<!tpu.dma_semaphore, #tpu.memory_space<semaphore_mem>>) src(%dma_wait3A_683 : memref<64x128xf32, #tpu.memory_space<vmem>>) dst(%dma_wait3A_689 : memref<10240x128xf32, #tpu.memory_space<vmem_shared>>)
        tpu.yield
      }) : () -> ()
      %add3A_637 = arith.constant 4 : i32
      %add3A_638 = arith.addi %add3A_622, %add3A_637 : i32
      %lt3A_639 = arith.constant 32 : i32
      %lt3A_640 = arith.cmpi slt, %add3A_638, %lt3A_639 : i32
      %convert_element_type3A_641 = arith.extui %lt3A_640 : i1 to i32
      %cond3A_642 = arith.constant 0 : i32
      %cond3A_643 = arith.cmpi ne, %convert_element_type3A_641, %cond3A_642 : i32
      scf.if %cond3A_643 {
        %add3A_669 = arith.constant 4 : i32
        %add3A_670 = arith.addi %add3A_622, %add3A_669 : i32
        %dma_start3A_671 = arith.constant 1 : i32
        %dma_start3A_672 = arith.constant 2 : i32
        %dma_start3A_673 = arith.constant 0 : i32
        %dma_start3A_674 = arith.constant 0 : i32
        %dma_start3A_675 = tpu.memref_slice %arg9[%dma_start3A_672, %dma_start3A_673, %dma_start3A_674] : memref<4x64x128xf32, #tpu.memory_space<vmem>> -> memref<1x64x128xf32, #tpu.memory_space<vmem>>
        %dma_start3A_676 = tpu.memref_squeeze %dma_start3A_675 : memref<1x64x128xf32, #tpu.memory_space<vmem>> -> memref<64x128xf32, #tpu.memory_space<vmem>>
        %dma_start3A_677 = arith.constant 0 : i32
        %dma_start3A_678 = tpu.memref_slice %arg7[%dma_start3A_671, %add3A_670, %dma_start3A_677] : memref<2x32x64xi32, #tpu.memory_space<vmem>> -> memref<1x1x64xi32, #tpu.memory_space<vmem>>
        %dma_start3A_679 = tpu.memref_squeeze %dma_start3A_678 : memref<1x1x64xi32, #tpu.memory_space<vmem>> -> memref<64xi32, #tpu.memory_space<vmem>>
        %dma_start3A_680 = arith.constant 0 : i32
        %dma_start3A_681 = arith.constant 0 : i32
        %dma_start3A_682 = tpu.memref_slice %arg4[%dma_start3A_680, %dma_start3A_681] : memref<10000x128xf32, #tpu.memory_space<hbm>> -> memref<10000x128xf32, #tpu.memory_space<hbm>>
        tpu.enqueue_indirect_dma source(%dma_start3A_682 : memref<10000x128xf32, #tpu.memory_space<hbm>>) target(%dma_start3A_676 : memref<64x128xf32, #tpu.memory_space<vmem>>) offsets(%dma_start3A_679 : memref<64xi32, #tpu.memory_space<vmem>>) semaphore(%arg13 : memref<!tpu.dma_semaphore, #tpu.memory_space<semaphore_mem>>)
      } else {
      }
      %mul3A_644 = arith.constant 4 : i32
      %mul3A_645 = arith.muli %mul3A_644, %scan3A_571 : i32
      %add3A_646 = arith.constant 3 : i32
      %add3A_647 = arith.addi %mul3A_645, %add3A_646 : i32
      %dma_wait3A_648 = arith.constant 1 : i32
      %dma_wait3A_649 = arith.constant 3 : i32
      %dma_wait3A_650 = arith.constant 0 : i32
      %dma_wait3A_651 = arith.constant 0 : i32
      %dma_wait3A_652 = tpu.memref_slice %arg9[%dma_wait3A_649, %dma_wait3A_650, %dma_wait3A_651] : memref<4x64x128xf32, #tpu.memory_space<vmem>> -> memref<1x64x128xf32, #tpu.memory_space<vmem>>
      %dma_wait3A_653 = tpu.memref_squeeze %dma_wait3A_652 : memref<1x64x128xf32, #tpu.memory_space<vmem>> -> memref<64x128xf32, #tpu.memory_space<vmem>>
      %dma_wait3A_654 = arith.constant 0 : i32
      %dma_wait3A_655 = tpu.memref_slice %arg7[%dma_wait3A_648, %add3A_647, %dma_wait3A_654] : memref<2x32x64xi32, #tpu.memory_space<vmem>> -> memref<1x1x64xi32, #tpu.memory_space<vmem>>
      %dma_wait3A_656 = tpu.memref_squeeze %dma_wait3A_655 : memref<1x1x64xi32, #tpu.memory_space<vmem>> -> memref<64xi32, #tpu.memory_space<vmem>>
      %dma_wait3A_657 = arith.constant 0 : i32
      %dma_wait3A_658 = arith.constant 0 : i32
      %dma_wait3A_659 = tpu.memref_slice %arg4[%dma_wait3A_657, %dma_wait3A_658] : memref<10000x128xf32, #tpu.memory_space<hbm>> -> memref<10000x128xf32, #tpu.memory_space<hbm>>
      tpu.wait_indirect_dma semaphore(%arg14 : memref<!tpu.dma_semaphore, #tpu.memory_space<semaphore_mem>>) src(%dma_wait3A_659 : memref<10000x128xf32, #tpu.memory_space<hbm>>) dst(%dma_wait3A_653 : memref<64x128xf32, #tpu.memory_space<vmem>>)
      %run_scoped3A_660 = arith.constant 3 : i32
      %run_scoped3A_661 = arith.constant 1 : i32
      "tpu.region"() ({
        %run_scoped3A_669 = tpu.sem_alloc : memref<!tpu.dma_semaphore, #tpu.memory_space<semaphore_mem>>
        %dma_start3A_670 = arith.constant 0 : i32
        %dma_start3A_671 = arith.constant 0 : i32
        %dma_start3A_672 = tpu.memref_slice %arg9[%run_scoped3A_660, %dma_start3A_670, %dma_start3A_671] : memref<4x64x128xf32, #tpu.memory_space<vmem>> -> memref<1x64x128xf32, #tpu.memory_space<vmem>>
        %dma_start3A_673 = tpu.memref_squeeze %dma_start3A_672 : memref<1x64x128xf32, #tpu.memory_space<vmem>> -> memref<64x128xf32, #tpu.memory_space<vmem>>
        %dma_start3A_674 = arith.constant 0 : i32
        %dma_start3A_675 = tpu.memref_slice %arg8[%run_scoped3A_661, %add3A_647, %dma_start3A_674] : memref<2x32x64xi32, #tpu.memory_space<vmem>> -> memref<1x1x64xi32, #tpu.memory_space<vmem>>
        %dma_start3A_676 = tpu.memref_squeeze %dma_start3A_675 : memref<1x1x64xi32, #tpu.memory_space<vmem>> -> memref<64xi32, #tpu.memory_space<vmem>>
        %dma_start3A_677 = arith.constant 0 : i32
        %dma_start3A_678 = arith.constant 0 : i32
        %dma_start3A_679 = tpu.memref_slice %arg10[%dma_start3A_677, %dma_start3A_678] : memref<10240x128xf32, #tpu.memory_space<vmem_shared>> -> memref<10240x128xf32, #tpu.memory_space<vmem_shared>>
        tpu.enqueue_indirect_dma source(%dma_start3A_673 : memref<64x128xf32, #tpu.memory_space<vmem>>) target(%dma_start3A_679 : memref<10240x128xf32, #tpu.memory_space<vmem_shared>>) offsets(%dma_start3A_676 : memref<64xi32, #tpu.memory_space<vmem>>) semaphore(%run_scoped3A_669 : memref<!tpu.dma_semaphore, #tpu.memory_space<semaphore_mem>>) {add = true}
        %dma_wait3A_680 = arith.constant 0 : i32
        %dma_wait3A_681 = arith.constant 0 : i32
        %dma_wait3A_682 = tpu.memref_slice %arg9[%run_scoped3A_660, %dma_wait3A_680, %dma_wait3A_681] : memref<4x64x128xf32, #tpu.memory_space<vmem>> -> memref<1x64x128xf32, #tpu.memory_space<vmem>>
        %dma_wait3A_683 = tpu.memref_squeeze %dma_wait3A_682 : memref<1x64x128xf32, #tpu.memory_space<vmem>> -> memref<64x128xf32, #tpu.memory_space<vmem>>
        %dma_wait3A_684 = arith.constant 0 : i32
        %dma_wait3A_685 = tpu.memref_slice %arg8[%run_scoped3A_661, %add3A_647, %dma_wait3A_684] : memref<2x32x64xi32, #tpu.memory_space<vmem>> -> memref<1x1x64xi32, #tpu.memory_space<vmem>>
        %dma_wait3A_686 = tpu.memref_squeeze %dma_wait3A_685 : memref<1x1x64xi32, #tpu.memory_space<vmem>> -> memref<64xi32, #tpu.memory_space<vmem>>
        %dma_wait3A_687 = arith.constant 0 : i32
        %dma_wait3A_688 = arith.constant 0 : i32
        %dma_wait3A_689 = tpu.memref_slice %arg10[%dma_wait3A_687, %dma_wait3A_688] : memref<10240x128xf32, #tpu.memory_space<vmem_shared>> -> memref<10240x128xf32, #tpu.memory_space<vmem_shared>>
        tpu.wait_indirect_dma semaphore(%run_scoped3A_669 : memref<!tpu.dma_semaphore, #tpu.memory_space<semaphore_mem>>) src(%dma_wait3A_683 : memref<64x128xf32, #tpu.memory_space<vmem>>) dst(%dma_wait3A_689 : memref<10240x128xf32, #tpu.memory_space<vmem_shared>>)
        tpu.yield
      }) : () -> ()
      %add3A_662 = arith.constant 4 : i32
      %add3A_663 = arith.addi %add3A_647, %add3A_662 : i32
      %lt3A_664 = arith.constant 32 : i32
      %lt3A_665 = arith.cmpi slt, %add3A_663, %lt3A_664 : i32
      %convert_element_type3A_666 = arith.extui %lt3A_665 : i1 to i32
      %cond3A_667 = arith.constant 0 : i32
      %cond3A_668 = arith.cmpi ne, %convert_element_type3A_666, %cond3A_667 : i32
      scf.if %cond3A_668 {
        %add3A_669 = arith.constant 4 : i32
        %add3A_670 = arith.addi %add3A_647, %add3A_669 : i32
        %dma_start3A_671 = arith.constant 1 : i32
        %dma_start3A_672 = arith.constant 3 : i32
        %dma_start3A_673 = arith.constant 0 : i32
        %dma_start3A_674 = arith.constant 0 : i32
        %dma_start3A_675 = tpu.memref_slice %arg9[%dma_start3A_672, %dma_start3A_673, %dma_start3A_674] : memref<4x64x128xf32, #tpu.memory_space<vmem>> -> memref<1x64x128xf32, #tpu.memory_space<vmem>>
        %dma_start3A_676 = tpu.memref_squeeze %dma_start3A_675 : memref<1x64x128xf32, #tpu.memory_space<vmem>> -> memref<64x128xf32, #tpu.memory_space<vmem>>
        %dma_start3A_677 = arith.constant 0 : i32
        %dma_start3A_678 = tpu.memref_slice %arg7[%dma_start3A_671, %add3A_670, %dma_start3A_677] : memref<2x32x64xi32, #tpu.memory_space<vmem>> -> memref<1x1x64xi32, #tpu.memory_space<vmem>>
        %dma_start3A_679 = tpu.memref_squeeze %dma_start3A_678 : memref<1x1x64xi32, #tpu.memory_space<vmem>> -> memref<64xi32, #tpu.memory_space<vmem>>
        %dma_start3A_680 = arith.constant 0 : i32
        %dma_start3A_681 = arith.constant 0 : i32
        %dma_start3A_682 = tpu.memref_slice %arg4[%dma_start3A_680, %dma_start3A_681] : memref<10000x128xf32, #tpu.memory_space<hbm>> -> memref<10000x128xf32, #tpu.memory_space<hbm>>
        tpu.enqueue_indirect_dma source(%dma_start3A_682 : memref<10000x128xf32, #tpu.memory_space<hbm>>) target(%dma_start3A_676 : memref<64x128xf32, #tpu.memory_space<vmem>>) offsets(%dma_start3A_679 : memref<64xi32, #tpu.memory_space<vmem>>) semaphore(%arg14 : memref<!tpu.dma_semaphore, #tpu.memory_space<semaphore_mem>>)
      } else {
      }
    }
    %scan3A_253 = arith.constant 8 : i32
    %dma_wait3A_254 = arith.constant 0 : i32
    %dma_wait3A_255 = arith.constant 0 : i32
    %dma_wait3A_256 = arith.constant 0 : i32
    %dma_wait3A_257 = tpu.memref_slice %arg7[%dma_wait3A_254, %dma_wait3A_255, %dma_wait3A_256] : memref<2x32x64xi32, #tpu.memory_space<vmem>> -> memref<1x32x64xi32, #tpu.memory_space<vmem>>
    %dma_wait3A_258 = tpu.memref_squeeze %dma_wait3A_257 : memref<1x32x64xi32, #tpu.memory_space<vmem>> -> memref<32x64xi32, #tpu.memory_space<vmem>>
    %dma_wait3A_259 = arith.constant 0 : i32
    %dma_wait3A_260 = tpu.memref_slice %arg2[%mul3A_52, %dma_wait3A_259] : memref<5120x64xi32, #tpu.memory_space<hbm>> -> memref<32x64xi32, #tpu.memory_space<hbm>>
    %dma_wait3A_261 = arith.constant 0 : i32
    %dma_wait3A_262 = arith.constant 0 : i32
    %dma_wait3A_263 = tpu.memref_slice %arg7[%dma_wait3A_254, %dma_wait3A_261, %dma_wait3A_262] : memref<2x32x64xi32, #tpu.memory_space<vmem>> -> memref<1x32x64xi32, #tpu.memory_space<vmem>>
    %dma_wait3A_264 = tpu.memref_squeeze %dma_wait3A_263 : memref<1x32x64xi32, #tpu.memory_space<vmem>> -> memref<32x64xi32, #tpu.memory_space<vmem>>
    %dma_wait3A_265 = arith.constant 0 : i32
    %dma_wait3A_266 = tpu.memref_slice %arg2[%mul3A_52, %dma_wait3A_265] : memref<5120x64xi32, #tpu.memory_space<hbm>> -> memref<32x64xi32, #tpu.memory_space<hbm>>
    tpu.wait_dma2 semaphore(%arg15 : memref<!tpu.dma_semaphore, #tpu.memory_space<semaphore_mem>>) src(%dma_wait3A_266 : memref<32x64xi32, #tpu.memory_space<hbm>>) dst(%dma_wait3A_264 : memref<32x64xi32, #tpu.memory_space<vmem>>)
    %dma_wait3A_267 = arith.constant 0 : i32
    %dma_wait3A_268 = arith.constant 0 : i32
    %dma_wait3A_269 = arith.constant 0 : i32
    %dma_wait3A_270 = tpu.memref_slice %arg8[%dma_wait3A_267, %dma_wait3A_268, %dma_wait3A_269] : memref<2x32x64xi32, #tpu.memory_space<vmem>> -> memref<1x32x64xi32, #tpu.memory_space<vmem>>
    %dma_wait3A_271 = tpu.memref_squeeze %dma_wait3A_270 : memref<1x32x64xi32, #tpu.memory_space<vmem>> -> memref<32x64xi32, #tpu.memory_space<vmem>>
    %dma_wait3A_272 = arith.constant 0 : i32
    %dma_wait3A_273 = tpu.memref_slice %arg3[%mul3A_52, %dma_wait3A_272] : memref<5120x64xi32, #tpu.memory_space<hbm>> -> memref<32x64xi32, #tpu.memory_space<hbm>>
    %dma_wait3A_274 = arith.constant 0 : i32
    %dma_wait3A_275 = arith.constant 0 : i32
    %dma_wait3A_276 = tpu.memref_slice %arg8[%dma_wait3A_267, %dma_wait3A_274, %dma_wait3A_275] : memref<2x32x64xi32, #tpu.memory_space<vmem>> -> memref<1x32x64xi32, #tpu.memory_space<vmem>>
    %dma_wait3A_277 = tpu.memref_squeeze %dma_wait3A_276 : memref<1x32x64xi32, #tpu.memory_space<vmem>> -> memref<32x64xi32, #tpu.memory_space<vmem>>
    %dma_wait3A_278 = arith.constant 0 : i32
    %dma_wait3A_279 = tpu.memref_slice %arg3[%mul3A_52, %dma_wait3A_278] : memref<5120x64xi32, #tpu.memory_space<hbm>> -> memref<32x64xi32, #tpu.memory_space<hbm>>
    tpu.wait_dma2 semaphore(%arg15 : memref<!tpu.dma_semaphore, #tpu.memory_space<semaphore_mem>>) src(%dma_wait3A_279 : memref<32x64xi32, #tpu.memory_space<hbm>>) dst(%dma_wait3A_277 : memref<32x64xi32, #tpu.memory_space<vmem>>)
    %add3A_280 = arith.constant 96 : i32
    %add3A_281 = arith.addi %mul3A_52, %add3A_280 : i32
    %dma_start3A_282 = arith.constant 1 : i32
    %dma_start3A_283 = arith.constant 0 : i32
    %dma_start3A_284 = arith.constant 0 : i32
    %dma_start3A_285 = tpu.memref_slice %arg7[%dma_start3A_282, %dma_start3A_283, %dma_start3A_284] : memref<2x32x64xi32, #tpu.memory_space<vmem>> -> memref<1x32x64xi32, #tpu.memory_space<vmem>>
    %dma_start3A_286 = tpu.memref_squeeze %dma_start3A_285 : memref<1x32x64xi32, #tpu.memory_space<vmem>> -> memref<32x64xi32, #tpu.memory_space<vmem>>
    %dma_start3A_287 = arith.constant 0 : i32
    %dma_start3A_288 = tpu.memref_slice %arg2[%add3A_281, %dma_start3A_287] : memref<5120x64xi32, #tpu.memory_space<hbm>> -> memref<32x64xi32, #tpu.memory_space<hbm>>
    %dma_start3A_289 = arith.constant 0 : i32
    %dma_start3A_290 = arith.constant 0 : i32
    %dma_start3A_291 = tpu.memref_slice %arg7[%dma_start3A_282, %dma_start3A_289, %dma_start3A_290] : memref<2x32x64xi32, #tpu.memory_space<vmem>> -> memref<1x32x64xi32, #tpu.memory_space<vmem>>
    %dma_start3A_292 = tpu.memref_squeeze %dma_start3A_291 : memref<1x32x64xi32, #tpu.memory_space<vmem>> -> memref<32x64xi32, #tpu.memory_space<vmem>>
    %dma_start3A_293 = arith.constant 0 : i32
    %dma_start3A_294 = tpu.memref_slice %arg2[%add3A_281, %dma_start3A_293] : memref<5120x64xi32, #tpu.memory_space<hbm>> -> memref<32x64xi32, #tpu.memory_space<hbm>>
    tpu.enqueue_dma source(%dma_start3A_294 : memref<32x64xi32, #tpu.memory_space<hbm>>) target(%dma_start3A_292 : memref<32x64xi32, #tpu.memory_space<vmem>>) target_semaphore(%arg15 : memref<!tpu.dma_semaphore, #tpu.memory_space<semaphore_mem>>)
    %add3A_295 = arith.constant 96 : i32
    %add3A_296 = arith.addi %mul3A_52, %add3A_295 : i32
    %dma_start3A_297 = arith.constant 1 : i32
    %dma_start3A_298 = arith.constant 0 : i32
    %dma_start3A_299 = arith.constant 0 : i32
    %dma_start3A_300 = tpu.memref_slice %arg8[%dma_start3A_297, %dma_start3A_298, %dma_start3A_299] : memref<2x32x64xi32, #tpu.memory_space<vmem>> -> memref<1x32x64xi32, #tpu.memory_space<vmem>>
    %dma_start3A_301 = tpu.memref_squeeze %dma_start3A_300 : memref<1x32x64xi32, #tpu.memory_space<vmem>> -> memref<32x64xi32, #tpu.memory_space<vmem>>
    %dma_start3A_302 = arith.constant 0 : i32
    %dma_start3A_303 = tpu.memref_slice %arg3[%add3A_296, %dma_start3A_302] : memref<5120x64xi32, #tpu.memory_space<hbm>> -> memref<32x64xi32, #tpu.memory_space<hbm>>
    %dma_start3A_304 = arith.constant 0 : i32
    %dma_start3A_305 = arith.constant 0 : i32
    %dma_start3A_306 = tpu.memref_slice %arg8[%dma_start3A_297, %dma_start3A_304, %dma_start3A_305] : memref<2x32x64xi32, #tpu.memory_space<vmem>> -> memref<1x32x64xi32, #tpu.memory_space<vmem>>
    %dma_start3A_307 = tpu.memref_squeeze %dma_start3A_306 : memref<1x32x64xi32, #tpu.memory_space<vmem>> -> memref<32x64xi32, #tpu.memory_space<vmem>>
    %dma_start3A_308 = arith.constant 0 : i32
    %dma_start3A_309 = tpu.memref_slice %arg3[%add3A_296, %dma_start3A_308] : memref<5120x64xi32, #tpu.memory_space<hbm>> -> memref<32x64xi32, #tpu.memory_space<hbm>>
    tpu.enqueue_dma source(%dma_start3A_309 : memref<32x64xi32, #tpu.memory_space<hbm>>) target(%dma_start3A_307 : memref<32x64xi32, #tpu.memory_space<vmem>>) target_semaphore(%arg15 : memref<!tpu.dma_semaphore, #tpu.memory_space<semaphore_mem>>)
    %dma_start3A_310 = arith.constant 0 : i32
    %dma_start3A_311 = arith.constant 0 : i32
    %dma_start3A_312 = arith.constant 0 : i32
    %dma_start3A_313 = arith.constant 0 : i32
    %dma_start3A_314 = arith.constant 0 : i32
    %dma_start3A_315 = tpu.memref_slice %arg9[%dma_start3A_312, %dma_start3A_313, %dma_start3A_314] : memref<4x64x128xf32, #tpu.memory_space<vmem>> -> memref<1x64x128xf32, #tpu.memory_space<vmem>>
    %dma_start3A_316 = tpu.memref_squeeze %dma_start3A_315 : memref<1x64x128xf32, #tpu.memory_space<vmem>> -> memref<64x128xf32, #tpu.memory_space<vmem>>
    %dma_start3A_317 = arith.constant 0 : i32
    %dma_start3A_318 = tpu.memref_slice %arg7[%dma_start3A_310, %dma_start3A_311, %dma_start3A_317] : memref<2x32x64xi32, #tpu.memory_space<vmem>> -> memref<1x1x64xi32, #tpu.memory_space<vmem>>
    %dma_start3A_319 = tpu.memref_squeeze %dma_start3A_318 : memref<1x1x64xi32, #tpu.memory_space<vmem>> -> memref<64xi32, #tpu.memory_space<vmem>>
    %dma_start3A_320 = arith.constant 0 : i32
    %dma_start3A_321 = arith.constant 0 : i32
    %dma_start3A_322 = tpu.memref_slice %arg4[%dma_start3A_320, %dma_start3A_321] : memref<10000x128xf32, #tpu.memory_space<hbm>> -> memref<10000x128xf32, #tpu.memory_space<hbm>>
    tpu.enqueue_indirect_dma source(%dma_start3A_322 : memref<10000x128xf32, #tpu.memory_space<hbm>>) target(%dma_start3A_316 : memref<64x128xf32, #tpu.memory_space<vmem>>) offsets(%dma_start3A_319 : memref<64xi32, #tpu.memory_space<vmem>>) semaphore(%arg11 : memref<!tpu.dma_semaphore, #tpu.memory_space<semaphore_mem>>)
    %dma_start3A_323 = arith.constant 0 : i32
    %dma_start3A_324 = arith.constant 1 : i32
    %dma_start3A_325 = arith.constant 1 : i32
    %dma_start3A_326 = arith.constant 0 : i32
    %dma_start3A_327 = arith.constant 0 : i32
    %dma_start3A_328 = tpu.memref_slice %arg9[%dma_start3A_325, %dma_start3A_326, %dma_start3A_327] : memref<4x64x128xf32, #tpu.memory_space<vmem>> -> memref<1x64x128xf32, #tpu.memory_space<vmem>>
    %dma_start3A_329 = tpu.memref_squeeze %dma_start3A_328 : memref<1x64x128xf32, #tpu.memory_space<vmem>> -> memref<64x128xf32, #tpu.memory_space<vmem>>
    %dma_start3A_330 = arith.constant 0 : i32
    %dma_start3A_331 = tpu.memref_slice %arg7[%dma_start3A_323, %dma_start3A_324, %dma_start3A_330] : memref<2x32x64xi32, #tpu.memory_space<vmem>> -> memref<1x1x64xi32, #tpu.memory_space<vmem>>
    %dma_start3A_332 = tpu.memref_squeeze %dma_start3A_331 : memref<1x1x64xi32, #tpu.memory_space<vmem>> -> memref<64xi32, #tpu.memory_space<vmem>>
    %dma_start3A_333 = arith.constant 0 : i32
    %dma_start3A_334 = arith.constant 0 : i32
    %dma_start3A_335 = tpu.memref_slice %arg4[%dma_start3A_333, %dma_start3A_334] : memref<10000x128xf32, #tpu.memory_space<hbm>> -> memref<10000x128xf32, #tpu.memory_space<hbm>>
    tpu.enqueue_indirect_dma source(%dma_start3A_335 : memref<10000x128xf32, #tpu.memory_space<hbm>>) target(%dma_start3A_329 : memref<64x128xf32, #tpu.memory_space<vmem>>) offsets(%dma_start3A_332 : memref<64xi32, #tpu.memory_space<vmem>>) semaphore(%arg12 : memref<!tpu.dma_semaphore, #tpu.memory_space<semaphore_mem>>)
    %dma_start3A_336 = arith.constant 0 : i32
    %dma_start3A_337 = arith.constant 2 : i32
    %dma_start3A_338 = arith.constant 2 : i32
    %dma_start3A_339 = arith.constant 0 : i32
    %dma_start3A_340 = arith.constant 0 : i32
    %dma_start3A_341 = tpu.memref_slice %arg9[%dma_start3A_338, %dma_start3A_339, %dma_start3A_340] : memref<4x64x128xf32, #tpu.memory_space<vmem>> -> memref<1x64x128xf32, #tpu.memory_space<vmem>>
    %dma_start3A_342 = tpu.memref_squeeze %dma_start3A_341 : memref<1x64x128xf32, #tpu.memory_space<vmem>> -> memref<64x128xf32, #tpu.memory_space<vmem>>
    %dma_start3A_343 = arith.constant 0 : i32
    %dma_start3A_344 = tpu.memref_slice %arg7[%dma_start3A_336, %dma_start3A_337, %dma_start3A_343] : memref<2x32x64xi32, #tpu.memory_space<vmem>> -> memref<1x1x64xi32, #tpu.memory_space<vmem>>
    %dma_start3A_345 = tpu.memref_squeeze %dma_start3A_344 : memref<1x1x64xi32, #tpu.memory_space<vmem>> -> memref<64xi32, #tpu.memory_space<vmem>>
    %dma_start3A_346 = arith.constant 0 : i32
    %dma_start3A_347 = arith.constant 0 : i32
    %dma_start3A_348 = tpu.memref_slice %arg4[%dma_start3A_346, %dma_start3A_347] : memref<10000x128xf32, #tpu.memory_space<hbm>> -> memref<10000x128xf32, #tpu.memory_space<hbm>>
    tpu.enqueue_indirect_dma source(%dma_start3A_348 : memref<10000x128xf32, #tpu.memory_space<hbm>>) target(%dma_start3A_342 : memref<64x128xf32, #tpu.memory_space<vmem>>) offsets(%dma_start3A_345 : memref<64xi32, #tpu.memory_space<vmem>>) semaphore(%arg13 : memref<!tpu.dma_semaphore, #tpu.memory_space<semaphore_mem>>)
    %dma_start3A_349 = arith.constant 0 : i32
    %dma_start3A_350 = arith.constant 3 : i32
    %dma_start3A_351 = arith.constant 3 : i32
    %dma_start3A_352 = arith.constant 0 : i32
    %dma_start3A_353 = arith.constant 0 : i32
    %dma_start3A_354 = tpu.memref_slice %arg9[%dma_start3A_351, %dma_start3A_352, %dma_start3A_353] : memref<4x64x128xf32, #tpu.memory_space<vmem>> -> memref<1x64x128xf32, #tpu.memory_space<vmem>>
    %dma_start3A_355 = tpu.memref_squeeze %dma_start3A_354 : memref<1x64x128xf32, #tpu.memory_space<vmem>> -> memref<64x128xf32, #tpu.memory_space<vmem>>
    %dma_start3A_356 = arith.constant 0 : i32
    %dma_start3A_357 = tpu.memref_slice %arg7[%dma_start3A_349, %dma_start3A_350, %dma_start3A_356] : memref<2x32x64xi32, #tpu.memory_space<vmem>> -> memref<1x1x64xi32, #tpu.memory_space<vmem>>
    %dma_start3A_358 = tpu.memref_squeeze %dma_start3A_357 : memref<1x1x64xi32, #tpu.memory_space<vmem>> -> memref<64xi32, #tpu.memory_space<vmem>>
    %dma_start3A_359 = arith.constant 0 : i32
    %dma_start3A_360 = arith.constant 0 : i32
    %dma_start3A_361 = tpu.memref_slice %arg4[%dma_start3A_359, %dma_start3A_360] : memref<10000x128xf32, #tpu.memory_space<hbm>> -> memref<10000x128xf32, #tpu.memory_space<hbm>>
    tpu.enqueue_indirect_dma source(%dma_start3A_361 : memref<10000x128xf32, #tpu.memory_space<hbm>>) target(%dma_start3A_355 : memref<64x128xf32, #tpu.memory_space<vmem>>) offsets(%dma_start3A_358 : memref<64xi32, #tpu.memory_space<vmem>>) semaphore(%arg14 : memref<!tpu.dma_semaphore, #tpu.memory_space<semaphore_mem>>)
    %scan3A_362 = arith.constant 0 : i32
    %scan3A_363 = arith.constant 0 : i32
    %scan3A_364 = arith.constant 8 : i32
    %scan3A_365 = arith.addi %scan3A_363, %scan3A_364 : i32
    %scan3A_366 = arith.constant 1 : i32
    scf.for %scan3A_571 = %scan3A_363 to %scan3A_365 step %scan3A_366  : i32 {
      %mul3A_572 = arith.constant 4 : i32
      %mul3A_573 = arith.muli %mul3A_572, %scan3A_571 : i32
      %add3A_574 = arith.constant 0 : i32
      %add3A_575 = arith.addi %mul3A_573, %add3A_574 : i32
      %dma_wait3A_576 = arith.constant 0 : i32
      %dma_wait3A_577 = arith.constant 0 : i32
      %dma_wait3A_578 = arith.constant 0 : i32
      %dma_wait3A_579 = arith.constant 0 : i32
      %dma_wait3A_580 = tpu.memref_slice %arg9[%dma_wait3A_577, %dma_wait3A_578, %dma_wait3A_579] : memref<4x64x128xf32, #tpu.memory_space<vmem>> -> memref<1x64x128xf32, #tpu.memory_space<vmem>>
      %dma_wait3A_581 = tpu.memref_squeeze %dma_wait3A_580 : memref<1x64x128xf32, #tpu.memory_space<vmem>> -> memref<64x128xf32, #tpu.memory_space<vmem>>
      %dma_wait3A_582 = arith.constant 0 : i32
      %dma_wait3A_583 = tpu.memref_slice %arg7[%dma_wait3A_576, %add3A_575, %dma_wait3A_582] : memref<2x32x64xi32, #tpu.memory_space<vmem>> -> memref<1x1x64xi32, #tpu.memory_space<vmem>>
      %dma_wait3A_584 = tpu.memref_squeeze %dma_wait3A_583 : memref<1x1x64xi32, #tpu.memory_space<vmem>> -> memref<64xi32, #tpu.memory_space<vmem>>
      %dma_wait3A_585 = arith.constant 0 : i32
      %dma_wait3A_586 = arith.constant 0 : i32
      %dma_wait3A_587 = tpu.memref_slice %arg4[%dma_wait3A_585, %dma_wait3A_586] : memref<10000x128xf32, #tpu.memory_space<hbm>> -> memref<10000x128xf32, #tpu.memory_space<hbm>>
      tpu.wait_indirect_dma semaphore(%arg11 : memref<!tpu.dma_semaphore, #tpu.memory_space<semaphore_mem>>) src(%dma_wait3A_587 : memref<10000x128xf32, #tpu.memory_space<hbm>>) dst(%dma_wait3A_581 : memref<64x128xf32, #tpu.memory_space<vmem>>)
      %run_scoped3A_588 = arith.constant 0 : i32
      %run_scoped3A_589 = arith.constant 0 : i32
      "tpu.region"() ({
        %run_scoped3A_669 = tpu.sem_alloc : memref<!tpu.dma_semaphore, #tpu.memory_space<semaphore_mem>>
        %dma_start3A_670 = arith.constant 0 : i32
        %dma_start3A_671 = arith.constant 0 : i32
        %dma_start3A_672 = tpu.memref_slice %arg9[%run_scoped3A_588, %dma_start3A_670, %dma_start3A_671] : memref<4x64x128xf32, #tpu.memory_space<vmem>> -> memref<1x64x128xf32, #tpu.memory_space<vmem>>
        %dma_start3A_673 = tpu.memref_squeeze %dma_start3A_672 : memref<1x64x128xf32, #tpu.memory_space<vmem>> -> memref<64x128xf32, #tpu.memory_space<vmem>>
        %dma_start3A_674 = arith.constant 0 : i32
        %dma_start3A_675 = tpu.memref_slice %arg8[%run_scoped3A_589, %add3A_575, %dma_start3A_674] : memref<2x32x64xi32, #tpu.memory_space<vmem>> -> memref<1x1x64xi32, #tpu.memory_space<vmem>>
        %dma_start3A_676 = tpu.memref_squeeze %dma_start3A_675 : memref<1x1x64xi32, #tpu.memory_space<vmem>> -> memref<64xi32, #tpu.memory_space<vmem>>
        %dma_start3A_677 = arith.constant 0 : i32
        %dma_start3A_678 = arith.constant 0 : i32
        %dma_start3A_679 = tpu.memref_slice %arg10[%dma_start3A_677, %dma_start3A_678] : memref<10240x128xf32, #tpu.memory_space<vmem_shared>> -> memref<10240x128xf32, #tpu.memory_space<vmem_shared>>
        tpu.enqueue_indirect_dma source(%dma_start3A_673 : memref<64x128xf32, #tpu.memory_space<vmem>>) target(%dma_start3A_679 : memref<10240x128xf32, #tpu.memory_space<vmem_shared>>) offsets(%dma_start3A_676 : memref<64xi32, #tpu.memory_space<vmem>>) semaphore(%run_scoped3A_669 : memref<!tpu.dma_semaphore, #tpu.memory_space<semaphore_mem>>) {add = true}
        %dma_wait3A_680 = arith.constant 0 : i32
        %dma_wait3A_681 = arith.constant 0 : i32
        %dma_wait3A_682 = tpu.memref_slice %arg9[%run_scoped3A_588, %dma_wait3A_680, %dma_wait3A_681] : memref<4x64x128xf32, #tpu.memory_space<vmem>> -> memref<1x64x128xf32, #tpu.memory_space<vmem>>
        %dma_wait3A_683 = tpu.memref_squeeze %dma_wait3A_682 : memref<1x64x128xf32, #tpu.memory_space<vmem>> -> memref<64x128xf32, #tpu.memory_space<vmem>>
        %dma_wait3A_684 = arith.constant 0 : i32
        %dma_wait3A_685 = tpu.memref_slice %arg8[%run_scoped3A_589, %add3A_575, %dma_wait3A_684] : memref<2x32x64xi32, #tpu.memory_space<vmem>> -> memref<1x1x64xi32, #tpu.memory_space<vmem>>
        %dma_wait3A_686 = tpu.memref_squeeze %dma_wait3A_685 : memref<1x1x64xi32, #tpu.memory_space<vmem>> -> memref<64xi32, #tpu.memory_space<vmem>>
        %dma_wait3A_687 = arith.constant 0 : i32
        %dma_wait3A_688 = arith.constant 0 : i32
        %dma_wait3A_689 = tpu.memref_slice %arg10[%dma_wait3A_687, %dma_wait3A_688] : memref<10240x128xf32, #tpu.memory_space<vmem_shared>> -> memref<10240x128xf32, #tpu.memory_space<vmem_shared>>
        tpu.wait_indirect_dma semaphore(%run_scoped3A_669 : memref<!tpu.dma_semaphore, #tpu.memory_space<semaphore_mem>>) src(%dma_wait3A_683 : memref<64x128xf32, #tpu.memory_space<vmem>>) dst(%dma_wait3A_689 : memref<10240x128xf32, #tpu.memory_space<vmem_shared>>)
        tpu.yield
      }) : () -> ()
      %add3A_590 = arith.constant 4 : i32
      %add3A_591 = arith.addi %add3A_575, %add3A_590 : i32
      %lt3A = arith.constant 32 : i32
      %lt3A_592 = arith.cmpi slt, %add3A_591, %lt3A : i32
      %convert_element_type3A = arith.extui %lt3A_592 : i1 to i32
      %cond3A = arith.constant 0 : i32
      %cond3A_593 = arith.cmpi ne, %convert_element_type3A, %cond3A : i32
      scf.if %cond3A_593 {
        %add3A_669 = arith.constant 4 : i32
        %add3A_670 = arith.addi %add3A_575, %add3A_669 : i32
        %dma_start3A_671 = arith.constant 0 : i32
        %dma_start3A_672 = arith.constant 0 : i32
        %dma_start3A_673 = arith.constant 0 : i32
        %dma_start3A_674 = arith.constant 0 : i32
        %dma_start3A_675 = tpu.memref_slice %arg9[%dma_start3A_672, %dma_start3A_673, %dma_start3A_674] : memref<4x64x128xf32, #tpu.memory_space<vmem>> -> memref<1x64x128xf32, #tpu.memory_space<vmem>>
        %dma_start3A_676 = tpu.memref_squeeze %dma_start3A_675 : memref<1x64x128xf32, #tpu.memory_space<vmem>> -> memref<64x128xf32, #tpu.memory_space<vmem>>
        %dma_start3A_677 = arith.constant 0 : i32
        %dma_start3A_678 = tpu.memref_slice %arg7[%dma_start3A_671, %add3A_670, %dma_start3A_677] : memref<2x32x64xi32, #tpu.memory_space<vmem>> -> memref<1x1x64xi32, #tpu.memory_space<vmem>>
        %dma_start3A_679 = tpu.memref_squeeze %dma_start3A_678 : memref<1x1x64xi32, #tpu.memory_space<vmem>> -> memref<64xi32, #tpu.memory_space<vmem>>
        %dma_start3A_680 = arith.constant 0 : i32
        %dma_start3A_681 = arith.constant 0 : i32
        %dma_start3A_682 = tpu.memref_slice %arg4[%dma_start3A_680, %dma_start3A_681] : memref<10000x128xf32, #tpu.memory_space<hbm>> -> memref<10000x128xf32, #tpu.memory_space<hbm>>
        tpu.enqueue_indirect_dma source(%dma_start3A_682 : memref<10000x128xf32, #tpu.memory_space<hbm>>) target(%dma_start3A_676 : memref<64x128xf32, #tpu.memory_space<vmem>>) offsets(%dma_start3A_679 : memref<64xi32, #tpu.memory_space<vmem>>) semaphore(%arg11 : memref<!tpu.dma_semaphore, #tpu.memory_space<semaphore_mem>>)
      } else {
      }
      %mul3A_594 = arith.constant 4 : i32
      %mul3A_595 = arith.muli %mul3A_594, %scan3A_571 : i32
      %add3A_596 = arith.constant 1 : i32
      %add3A_597 = arith.addi %mul3A_595, %add3A_596 : i32
      %dma_wait3A_598 = arith.constant 0 : i32
      %dma_wait3A_599 = arith.constant 1 : i32
      %dma_wait3A_600 = arith.constant 0 : i32
      %dma_wait3A_601 = arith.constant 0 : i32
      %dma_wait3A_602 = tpu.memref_slice %arg9[%dma_wait3A_599, %dma_wait3A_600, %dma_wait3A_601] : memref<4x64x128xf32, #tpu.memory_space<vmem>> -> memref<1x64x128xf32, #tpu.memory_space<vmem>>
      %dma_wait3A_603 = tpu.memref_squeeze %dma_wait3A_602 : memref<1x64x128xf32, #tpu.memory_space<vmem>> -> memref<64x128xf32, #tpu.memory_space<vmem>>
      %dma_wait3A_604 = arith.constant 0 : i32
      %dma_wait3A_605 = tpu.memref_slice %arg7[%dma_wait3A_598, %add3A_597, %dma_wait3A_604] : memref<2x32x64xi32, #tpu.memory_space<vmem>> -> memref<1x1x64xi32, #tpu.memory_space<vmem>>
      %dma_wait3A_606 = tpu.memref_squeeze %dma_wait3A_605 : memref<1x1x64xi32, #tpu.memory_space<vmem>> -> memref<64xi32, #tpu.memory_space<vmem>>
      %dma_wait3A_607 = arith.constant 0 : i32
      %dma_wait3A_608 = arith.constant 0 : i32
      %dma_wait3A_609 = tpu.memref_slice %arg4[%dma_wait3A_607, %dma_wait3A_608] : memref<10000x128xf32, #tpu.memory_space<hbm>> -> memref<10000x128xf32, #tpu.memory_space<hbm>>
      tpu.wait_indirect_dma semaphore(%arg12 : memref<!tpu.dma_semaphore, #tpu.memory_space<semaphore_mem>>) src(%dma_wait3A_609 : memref<10000x128xf32, #tpu.memory_space<hbm>>) dst(%dma_wait3A_603 : memref<64x128xf32, #tpu.memory_space<vmem>>)
      %run_scoped3A_610 = arith.constant 1 : i32
      %run_scoped3A_611 = arith.constant 0 : i32
      "tpu.region"() ({
        %run_scoped3A_669 = tpu.sem_alloc : memref<!tpu.dma_semaphore, #tpu.memory_space<semaphore_mem>>
        %dma_start3A_670 = arith.constant 0 : i32
        %dma_start3A_671 = arith.constant 0 : i32
        %dma_start3A_672 = tpu.memref_slice %arg9[%run_scoped3A_610, %dma_start3A_670, %dma_start3A_671] : memref<4x64x128xf32, #tpu.memory_space<vmem>> -> memref<1x64x128xf32, #tpu.memory_space<vmem>>
        %dma_start3A_673 = tpu.memref_squeeze %dma_start3A_672 : memref<1x64x128xf32, #tpu.memory_space<vmem>> -> memref<64x128xf32, #tpu.memory_space<vmem>>
        %dma_start3A_674 = arith.constant 0 : i32
        %dma_start3A_675 = tpu.memref_slice %arg8[%run_scoped3A_611, %add3A_597, %dma_start3A_674] : memref<2x32x64xi32, #tpu.memory_space<vmem>> -> memref<1x1x64xi32, #tpu.memory_space<vmem>>
        %dma_start3A_676 = tpu.memref_squeeze %dma_start3A_675 : memref<1x1x64xi32, #tpu.memory_space<vmem>> -> memref<64xi32, #tpu.memory_space<vmem>>
        %dma_start3A_677 = arith.constant 0 : i32
        %dma_start3A_678 = arith.constant 0 : i32
        %dma_start3A_679 = tpu.memref_slice %arg10[%dma_start3A_677, %dma_start3A_678] : memref<10240x128xf32, #tpu.memory_space<vmem_shared>> -> memref<10240x128xf32, #tpu.memory_space<vmem_shared>>
        tpu.enqueue_indirect_dma source(%dma_start3A_673 : memref<64x128xf32, #tpu.memory_space<vmem>>) target(%dma_start3A_679 : memref<10240x128xf32, #tpu.memory_space<vmem_shared>>) offsets(%dma_start3A_676 : memref<64xi32, #tpu.memory_space<vmem>>) semaphore(%run_scoped3A_669 : memref<!tpu.dma_semaphore, #tpu.memory_space<semaphore_mem>>) {add = true}
        %dma_wait3A_680 = arith.constant 0 : i32
        %dma_wait3A_681 = arith.constant 0 : i32
        %dma_wait3A_682 = tpu.memref_slice %arg9[%run_scoped3A_610, %dma_wait3A_680, %dma_wait3A_681] : memref<4x64x128xf32, #tpu.memory_space<vmem>> -> memref<1x64x128xf32, #tpu.memory_space<vmem>>
        %dma_wait3A_683 = tpu.memref_squeeze %dma_wait3A_682 : memref<1x64x128xf32, #tpu.memory_space<vmem>> -> memref<64x128xf32, #tpu.memory_space<vmem>>
        %dma_wait3A_684 = arith.constant 0 : i32
        %dma_wait3A_685 = tpu.memref_slice %arg8[%run_scoped3A_611, %add3A_597, %dma_wait3A_684] : memref<2x32x64xi32, #tpu.memory_space<vmem>> -> memref<1x1x64xi32, #tpu.memory_space<vmem>>
        %dma_wait3A_686 = tpu.memref_squeeze %dma_wait3A_685 : memref<1x1x64xi32, #tpu.memory_space<vmem>> -> memref<64xi32, #tpu.memory_space<vmem>>
        %dma_wait3A_687 = arith.constant 0 : i32
        %dma_wait3A_688 = arith.constant 0 : i32
        %dma_wait3A_689 = tpu.memref_slice %arg10[%dma_wait3A_687, %dma_wait3A_688] : memref<10240x128xf32, #tpu.memory_space<vmem_shared>> -> memref<10240x128xf32, #tpu.memory_space<vmem_shared>>
        tpu.wait_indirect_dma semaphore(%run_scoped3A_669 : memref<!tpu.dma_semaphore, #tpu.memory_space<semaphore_mem>>) src(%dma_wait3A_683 : memref<64x128xf32, #tpu.memory_space<vmem>>) dst(%dma_wait3A_689 : memref<10240x128xf32, #tpu.memory_space<vmem_shared>>)
        tpu.yield
      }) : () -> ()
      %add3A_612 = arith.constant 4 : i32
      %add3A_613 = arith.addi %add3A_597, %add3A_612 : i32
      %lt3A_614 = arith.constant 32 : i32
      %lt3A_615 = arith.cmpi slt, %add3A_613, %lt3A_614 : i32
      %convert_element_type3A_616 = arith.extui %lt3A_615 : i1 to i32
      %cond3A_617 = arith.constant 0 : i32
      %cond3A_618 = arith.cmpi ne, %convert_element_type3A_616, %cond3A_617 : i32
      scf.if %cond3A_618 {
        %add3A_669 = arith.constant 4 : i32
        %add3A_670 = arith.addi %add3A_597, %add3A_669 : i32
        %dma_start3A_671 = arith.constant 0 : i32
        %dma_start3A_672 = arith.constant 1 : i32
        %dma_start3A_673 = arith.constant 0 : i32
        %dma_start3A_674 = arith.constant 0 : i32
        %dma_start3A_675 = tpu.memref_slice %arg9[%dma_start3A_672, %dma_start3A_673, %dma_start3A_674] : memref<4x64x128xf32, #tpu.memory_space<vmem>> -> memref<1x64x128xf32, #tpu.memory_space<vmem>>
        %dma_start3A_676 = tpu.memref_squeeze %dma_start3A_675 : memref<1x64x128xf32, #tpu.memory_space<vmem>> -> memref<64x128xf32, #tpu.memory_space<vmem>>
        %dma_start3A_677 = arith.constant 0 : i32
        %dma_start3A_678 = tpu.memref_slice %arg7[%dma_start3A_671, %add3A_670, %dma_start3A_677] : memref<2x32x64xi32, #tpu.memory_space<vmem>> -> memref<1x1x64xi32, #tpu.memory_space<vmem>>
        %dma_start3A_679 = tpu.memref_squeeze %dma_start3A_678 : memref<1x1x64xi32, #tpu.memory_space<vmem>> -> memref<64xi32, #tpu.memory_space<vmem>>
        %dma_start3A_680 = arith.constant 0 : i32
        %dma_start3A_681 = arith.constant 0 : i32
        %dma_start3A_682 = tpu.memref_slice %arg4[%dma_start3A_680, %dma_start3A_681] : memref<10000x128xf32, #tpu.memory_space<hbm>> -> memref<10000x128xf32, #tpu.memory_space<hbm>>
        tpu.enqueue_indirect_dma source(%dma_start3A_682 : memref<10000x128xf32, #tpu.memory_space<hbm>>) target(%dma_start3A_676 : memref<64x128xf32, #tpu.memory_space<vmem>>) offsets(%dma_start3A_679 : memref<64xi32, #tpu.memory_space<vmem>>) semaphore(%arg12 : memref<!tpu.dma_semaphore, #tpu.memory_space<semaphore_mem>>)
      } else {
      }
      %mul3A_619 = arith.constant 4 : i32
      %mul3A_620 = arith.muli %mul3A_619, %scan3A_571 : i32
      %add3A_621 = arith.constant 2 : i32
      %add3A_622 = arith.addi %mul3A_620, %add3A_621 : i32
      %dma_wait3A_623 = arith.constant 0 : i32
      %dma_wait3A_624 = arith.constant 2 : i32
      %dma_wait3A_625 = arith.constant 0 : i32
      %dma_wait3A_626 = arith.constant 0 : i32
      %dma_wait3A_627 = tpu.memref_slice %arg9[%dma_wait3A_624, %dma_wait3A_625, %dma_wait3A_626] : memref<4x64x128xf32, #tpu.memory_space<vmem>> -> memref<1x64x128xf32, #tpu.memory_space<vmem>>
      %dma_wait3A_628 = tpu.memref_squeeze %dma_wait3A_627 : memref<1x64x128xf32, #tpu.memory_space<vmem>> -> memref<64x128xf32, #tpu.memory_space<vmem>>
      %dma_wait3A_629 = arith.constant 0 : i32
      %dma_wait3A_630 = tpu.memref_slice %arg7[%dma_wait3A_623, %add3A_622, %dma_wait3A_629] : memref<2x32x64xi32, #tpu.memory_space<vmem>> -> memref<1x1x64xi32, #tpu.memory_space<vmem>>
      %dma_wait3A_631 = tpu.memref_squeeze %dma_wait3A_630 : memref<1x1x64xi32, #tpu.memory_space<vmem>> -> memref<64xi32, #tpu.memory_space<vmem>>
      %dma_wait3A_632 = arith.constant 0 : i32
      %dma_wait3A_633 = arith.constant 0 : i32
      %dma_wait3A_634 = tpu.memref_slice %arg4[%dma_wait3A_632, %dma_wait3A_633] : memref<10000x128xf32, #tpu.memory_space<hbm>> -> memref<10000x128xf32, #tpu.memory_space<hbm>>
      tpu.wait_indirect_dma semaphore(%arg13 : memref<!tpu.dma_semaphore, #tpu.memory_space<semaphore_mem>>) src(%dma_wait3A_634 : memref<10000x128xf32, #tpu.memory_space<hbm>>) dst(%dma_wait3A_628 : memref<64x128xf32, #tpu.memory_space<vmem>>)
      %run_scoped3A_635 = arith.constant 2 : i32
      %run_scoped3A_636 = arith.constant 0 : i32
      "tpu.region"() ({
        %run_scoped3A_669 = tpu.sem_alloc : memref<!tpu.dma_semaphore, #tpu.memory_space<semaphore_mem>>
        %dma_start3A_670 = arith.constant 0 : i32
        %dma_start3A_671 = arith.constant 0 : i32
        %dma_start3A_672 = tpu.memref_slice %arg9[%run_scoped3A_635, %dma_start3A_670, %dma_start3A_671] : memref<4x64x128xf32, #tpu.memory_space<vmem>> -> memref<1x64x128xf32, #tpu.memory_space<vmem>>
        %dma_start3A_673 = tpu.memref_squeeze %dma_start3A_672 : memref<1x64x128xf32, #tpu.memory_space<vmem>> -> memref<64x128xf32, #tpu.memory_space<vmem>>
        %dma_start3A_674 = arith.constant 0 : i32
        %dma_start3A_675 = tpu.memref_slice %arg8[%run_scoped3A_636, %add3A_622, %dma_start3A_674] : memref<2x32x64xi32, #tpu.memory_space<vmem>> -> memref<1x1x64xi32, #tpu.memory_space<vmem>>
        %dma_start3A_676 = tpu.memref_squeeze %dma_start3A_675 : memref<1x1x64xi32, #tpu.memory_space<vmem>> -> memref<64xi32, #tpu.memory_space<vmem>>
        %dma_start3A_677 = arith.constant 0 : i32
        %dma_start3A_678 = arith.constant 0 : i32
        %dma_start3A_679 = tpu.memref_slice %arg10[%dma_start3A_677, %dma_start3A_678] : memref<10240x128xf32, #tpu.memory_space<vmem_shared>> -> memref<10240x128xf32, #tpu.memory_space<vmem_shared>>
        tpu.enqueue_indirect_dma source(%dma_start3A_673 : memref<64x128xf32, #tpu.memory_space<vmem>>) target(%dma_start3A_679 : memref<10240x128xf32, #tpu.memory_space<vmem_shared>>) offsets(%dma_start3A_676 : memref<64xi32, #tpu.memory_space<vmem>>) semaphore(%run_scoped3A_669 : memref<!tpu.dma_semaphore, #tpu.memory_space<semaphore_mem>>) {add = true}
        %dma_wait3A_680 = arith.constant 0 : i32
        %dma_wait3A_681 = arith.constant 0 : i32
        %dma_wait3A_682 = tpu.memref_slice %arg9[%run_scoped3A_635, %dma_wait3A_680, %dma_wait3A_681] : memref<4x64x128xf32, #tpu.memory_space<vmem>> -> memref<1x64x128xf32, #tpu.memory_space<vmem>>
        %dma_wait3A_683 = tpu.memref_squeeze %dma_wait3A_682 : memref<1x64x128xf32, #tpu.memory_space<vmem>> -> memref<64x128xf32, #tpu.memory_space<vmem>>
        %dma_wait3A_684 = arith.constant 0 : i32
        %dma_wait3A_685 = tpu.memref_slice %arg8[%run_scoped3A_636, %add3A_622, %dma_wait3A_684] : memref<2x32x64xi32, #tpu.memory_space<vmem>> -> memref<1x1x64xi32, #tpu.memory_space<vmem>>
        %dma_wait3A_686 = tpu.memref_squeeze %dma_wait3A_685 : memref<1x1x64xi32, #tpu.memory_space<vmem>> -> memref<64xi32, #tpu.memory_space<vmem>>
        %dma_wait3A_687 = arith.constant 0 : i32
        %dma_wait3A_688 = arith.constant 0 : i32
        %dma_wait3A_689 = tpu.memref_slice %arg10[%dma_wait3A_687, %dma_wait3A_688] : memref<10240x128xf32, #tpu.memory_space<vmem_shared>> -> memref<10240x128xf32, #tpu.memory_space<vmem_shared>>
        tpu.wait_indirect_dma semaphore(%run_scoped3A_669 : memref<!tpu.dma_semaphore, #tpu.memory_space<semaphore_mem>>) src(%dma_wait3A_683 : memref<64x128xf32, #tpu.memory_space<vmem>>) dst(%dma_wait3A_689 : memref<10240x128xf32, #tpu.memory_space<vmem_shared>>)
        tpu.yield
      }) : () -> ()
      %add3A_637 = arith.constant 4 : i32
      %add3A_638 = arith.addi %add3A_622, %add3A_637 : i32
      %lt3A_639 = arith.constant 32 : i32
      %lt3A_640 = arith.cmpi slt, %add3A_638, %lt3A_639 : i32
      %convert_element_type3A_641 = arith.extui %lt3A_640 : i1 to i32
      %cond3A_642 = arith.constant 0 : i32
      %cond3A_643 = arith.cmpi ne, %convert_element_type3A_641, %cond3A_642 : i32
      scf.if %cond3A_643 {
        %add3A_669 = arith.constant 4 : i32
        %add3A_670 = arith.addi %add3A_622, %add3A_669 : i32
        %dma_start3A_671 = arith.constant 0 : i32
        %dma_start3A_672 = arith.constant 2 : i32
        %dma_start3A_673 = arith.constant 0 : i32
        %dma_start3A_674 = arith.constant 0 : i32
        %dma_start3A_675 = tpu.memref_slice %arg9[%dma_start3A_672, %dma_start3A_673, %dma_start3A_674] : memref<4x64x128xf32, #tpu.memory_space<vmem>> -> memref<1x64x128xf32, #tpu.memory_space<vmem>>
        %dma_start3A_676 = tpu.memref_squeeze %dma_start3A_675 : memref<1x64x128xf32, #tpu.memory_space<vmem>> -> memref<64x128xf32, #tpu.memory_space<vmem>>
        %dma_start3A_677 = arith.constant 0 : i32
        %dma_start3A_678 = tpu.memref_slice %arg7[%dma_start3A_671, %add3A_670, %dma_start3A_677] : memref<2x32x64xi32, #tpu.memory_space<vmem>> -> memref<1x1x64xi32, #tpu.memory_space<vmem>>
        %dma_start3A_679 = tpu.memref_squeeze %dma_start3A_678 : memref<1x1x64xi32, #tpu.memory_space<vmem>> -> memref<64xi32, #tpu.memory_space<vmem>>
        %dma_start3A_680 = arith.constant 0 : i32
        %dma_start3A_681 = arith.constant 0 : i32
        %dma_start3A_682 = tpu.memref_slice %arg4[%dma_start3A_680, %dma_start3A_681] : memref<10000x128xf32, #tpu.memory_space<hbm>> -> memref<10000x128xf32, #tpu.memory_space<hbm>>
        tpu.enqueue_indirect_dma source(%dma_start3A_682 : memref<10000x128xf32, #tpu.memory_space<hbm>>) target(%dma_start3A_676 : memref<64x128xf32, #tpu.memory_space<vmem>>) offsets(%dma_start3A_679 : memref<64xi32, #tpu.memory_space<vmem>>) semaphore(%arg13 : memref<!tpu.dma_semaphore, #tpu.memory_space<semaphore_mem>>)
      } else {
      }
      %mul3A_644 = arith.constant 4 : i32
      %mul3A_645 = arith.muli %mul3A_644, %scan3A_571 : i32
      %add3A_646 = arith.constant 3 : i32
      %add3A_647 = arith.addi %mul3A_645, %add3A_646 : i32
      %dma_wait3A_648 = arith.constant 0 : i32
      %dma_wait3A_649 = arith.constant 3 : i32
      %dma_wait3A_650 = arith.constant 0 : i32
      %dma_wait3A_651 = arith.constant 0 : i32
      %dma_wait3A_652 = tpu.memref_slice %arg9[%dma_wait3A_649, %dma_wait3A_650, %dma_wait3A_651] : memref<4x64x128xf32, #tpu.memory_space<vmem>> -> memref<1x64x128xf32, #tpu.memory_space<vmem>>
      %dma_wait3A_653 = tpu.memref_squeeze %dma_wait3A_652 : memref<1x64x128xf32, #tpu.memory_space<vmem>> -> memref<64x128xf32, #tpu.memory_space<vmem>>
      %dma_wait3A_654 = arith.constant 0 : i32
      %dma_wait3A_655 = tpu.memref_slice %arg7[%dma_wait3A_648, %add3A_647, %dma_wait3A_654] : memref<2x32x64xi32, #tpu.memory_space<vmem>> -> memref<1x1x64xi32, #tpu.memory_space<vmem>>
      %dma_wait3A_656 = tpu.memref_squeeze %dma_wait3A_655 : memref<1x1x64xi32, #tpu.memory_space<vmem>> -> memref<64xi32, #tpu.memory_space<vmem>>
      %dma_wait3A_657 = arith.constant 0 : i32
      %dma_wait3A_658 = arith.constant 0 : i32
      %dma_wait3A_659 = tpu.memref_slice %arg4[%dma_wait3A_657, %dma_wait3A_658] : memref<10000x128xf32, #tpu.memory_space<hbm>> -> memref<10000x128xf32, #tpu.memory_space<hbm>>
      tpu.wait_indirect_dma semaphore(%arg14 : memref<!tpu.dma_semaphore, #tpu.memory_space<semaphore_mem>>) src(%dma_wait3A_659 : memref<10000x128xf32, #tpu.memory_space<hbm>>) dst(%dma_wait3A_653 : memref<64x128xf32, #tpu.memory_space<vmem>>)
      %run_scoped3A_660 = arith.constant 3 : i32
      %run_scoped3A_661 = arith.constant 0 : i32
      "tpu.region"() ({
        %run_scoped3A_669 = tpu.sem_alloc : memref<!tpu.dma_semaphore, #tpu.memory_space<semaphore_mem>>
        %dma_start3A_670 = arith.constant 0 : i32
        %dma_start3A_671 = arith.constant 0 : i32
        %dma_start3A_672 = tpu.memref_slice %arg9[%run_scoped3A_660, %dma_start3A_670, %dma_start3A_671] : memref<4x64x128xf32, #tpu.memory_space<vmem>> -> memref<1x64x128xf32, #tpu.memory_space<vmem>>
        %dma_start3A_673 = tpu.memref_squeeze %dma_start3A_672 : memref<1x64x128xf32, #tpu.memory_space<vmem>> -> memref<64x128xf32, #tpu.memory_space<vmem>>
        %dma_start3A_674 = arith.constant 0 : i32
        %dma_start3A_675 = tpu.memref_slice %arg8[%run_scoped3A_661, %add3A_647, %dma_start3A_674] : memref<2x32x64xi32, #tpu.memory_space<vmem>> -> memref<1x1x64xi32, #tpu.memory_space<vmem>>
        %dma_start3A_676 = tpu.memref_squeeze %dma_start3A_675 : memref<1x1x64xi32, #tpu.memory_space<vmem>> -> memref<64xi32, #tpu.memory_space<vmem>>
        %dma_start3A_677 = arith.constant 0 : i32
        %dma_start3A_678 = arith.constant 0 : i32
        %dma_start3A_679 = tpu.memref_slice %arg10[%dma_start3A_677, %dma_start3A_678] : memref<10240x128xf32, #tpu.memory_space<vmem_shared>> -> memref<10240x128xf32, #tpu.memory_space<vmem_shared>>
        tpu.enqueue_indirect_dma source(%dma_start3A_673 : memref<64x128xf32, #tpu.memory_space<vmem>>) target(%dma_start3A_679 : memref<10240x128xf32, #tpu.memory_space<vmem_shared>>) offsets(%dma_start3A_676 : memref<64xi32, #tpu.memory_space<vmem>>) semaphore(%run_scoped3A_669 : memref<!tpu.dma_semaphore, #tpu.memory_space<semaphore_mem>>) {add = true}
        %dma_wait3A_680 = arith.constant 0 : i32
        %dma_wait3A_681 = arith.constant 0 : i32
        %dma_wait3A_682 = tpu.memref_slice %arg9[%run_scoped3A_660, %dma_wait3A_680, %dma_wait3A_681] : memref<4x64x128xf32, #tpu.memory_space<vmem>> -> memref<1x64x128xf32, #tpu.memory_space<vmem>>
        %dma_wait3A_683 = tpu.memref_squeeze %dma_wait3A_682 : memref<1x64x128xf32, #tpu.memory_space<vmem>> -> memref<64x128xf32, #tpu.memory_space<vmem>>
        %dma_wait3A_684 = arith.constant 0 : i32
        %dma_wait3A_685 = tpu.memref_slice %arg8[%run_scoped3A_661, %add3A_647, %dma_wait3A_684] : memref<2x32x64xi32, #tpu.memory_space<vmem>> -> memref<1x1x64xi32, #tpu.memory_space<vmem>>
        %dma_wait3A_686 = tpu.memref_squeeze %dma_wait3A_685 : memref<1x1x64xi32, #tpu.memory_space<vmem>> -> memref<64xi32, #tpu.memory_space<vmem>>
        %dma_wait3A_687 = arith.constant 0 : i32
        %dma_wait3A_688 = arith.constant 0 : i32
        %dma_wait3A_689 = tpu.memref_slice %arg10[%dma_wait3A_687, %dma_wait3A_688] : memref<10240x128xf32, #tpu.memory_space<vmem_shared>> -> memref<10240x128xf32, #tpu.memory_space<vmem_shared>>
        tpu.wait_indirect_dma semaphore(%run_scoped3A_669 : memref<!tpu.dma_semaphore, #tpu.memory_space<semaphore_mem>>) src(%dma_wait3A_683 : memref<64x128xf32, #tpu.memory_space<vmem>>) dst(%dma_wait3A_689 : memref<10240x128xf32, #tpu.memory_space<vmem_shared>>)
        tpu.yield
      }) : () -> ()
      %add3A_662 = arith.constant 4 : i32
      %add3A_663 = arith.addi %add3A_647, %add3A_662 : i32
      %lt3A_664 = arith.constant 32 : i32
      %lt3A_665 = arith.cmpi slt, %add3A_663, %lt3A_664 : i32
      %convert_element_type3A_666 = arith.extui %lt3A_665 : i1 to i32
      %cond3A_667 = arith.constant 0 : i32
      %cond3A_668 = arith.cmpi ne, %convert_element_type3A_666, %cond3A_667 : i32
      scf.if %cond3A_668 {
        %add3A_669 = arith.constant 4 : i32
        %add3A_670 = arith.addi %add3A_647, %add3A_669 : i32
        %dma_start3A_671 = arith.constant 0 : i32
        %dma_start3A_672 = arith.constant 3 : i32
        %dma_start3A_673 = arith.constant 0 : i32
        %dma_start3A_674 = arith.constant 0 : i32
        %dma_start3A_675 = tpu.memref_slice %arg9[%dma_start3A_672, %dma_start3A_673, %dma_start3A_674] : memref<4x64x128xf32, #tpu.memory_space<vmem>> -> memref<1x64x128xf32, #tpu.memory_space<vmem>>
        %dma_start3A_676 = tpu.memref_squeeze %dma_start3A_675 : memref<1x64x128xf32, #tpu.memory_space<vmem>> -> memref<64x128xf32, #tpu.memory_space<vmem>>
        %dma_start3A_677 = arith.constant 0 : i32
        %dma_start3A_678 = tpu.memref_slice %arg7[%dma_start3A_671, %add3A_670, %dma_start3A_677] : memref<2x32x64xi32, #tpu.memory_space<vmem>> -> memref<1x1x64xi32, #tpu.memory_space<vmem>>
        %dma_start3A_679 = tpu.memref_squeeze %dma_start3A_678 : memref<1x1x64xi32, #tpu.memory_space<vmem>> -> memref<64xi32, #tpu.memory_space<vmem>>
        %dma_start3A_680 = arith.constant 0 : i32
        %dma_start3A_681 = arith.constant 0 : i32
        %dma_start3A_682 = tpu.memref_slice %arg4[%dma_start3A_680, %dma_start3A_681] : memref<10000x128xf32, #tpu.memory_space<hbm>> -> memref<10000x128xf32, #tpu.memory_space<hbm>>
        tpu.enqueue_indirect_dma source(%dma_start3A_682 : memref<10000x128xf32, #tpu.memory_space<hbm>>) target(%dma_start3A_676 : memref<64x128xf32, #tpu.memory_space<vmem>>) offsets(%dma_start3A_679 : memref<64xi32, #tpu.memory_space<vmem>>) semaphore(%arg14 : memref<!tpu.dma_semaphore, #tpu.memory_space<semaphore_mem>>)
      } else {
      }
    }
    %scan3A_367 = arith.constant 8 : i32
    %dma_wait3A_368 = arith.constant 1 : i32
    %dma_wait3A_369 = arith.constant 0 : i32
    %dma_wait3A_370 = arith.constant 0 : i32
    %dma_wait3A_371 = tpu.memref_slice %arg7[%dma_wait3A_368, %dma_wait3A_369, %dma_wait3A_370] : memref<2x32x64xi32, #tpu.memory_space<vmem>> -> memref<1x32x64xi32, #tpu.memory_space<vmem>>
    %dma_wait3A_372 = tpu.memref_squeeze %dma_wait3A_371 : memref<1x32x64xi32, #tpu.memory_space<vmem>> -> memref<32x64xi32, #tpu.memory_space<vmem>>
    %dma_wait3A_373 = arith.constant 0 : i32
    %dma_wait3A_374 = tpu.memref_slice %arg2[%mul3A_52, %dma_wait3A_373] : memref<5120x64xi32, #tpu.memory_space<hbm>> -> memref<32x64xi32, #tpu.memory_space<hbm>>
    %dma_wait3A_375 = arith.constant 0 : i32
    %dma_wait3A_376 = arith.constant 0 : i32
    %dma_wait3A_377 = tpu.memref_slice %arg7[%dma_wait3A_368, %dma_wait3A_375, %dma_wait3A_376] : memref<2x32x64xi32, #tpu.memory_space<vmem>> -> memref<1x32x64xi32, #tpu.memory_space<vmem>>
    %dma_wait3A_378 = tpu.memref_squeeze %dma_wait3A_377 : memref<1x32x64xi32, #tpu.memory_space<vmem>> -> memref<32x64xi32, #tpu.memory_space<vmem>>
    %dma_wait3A_379 = arith.constant 0 : i32
    %dma_wait3A_380 = tpu.memref_slice %arg2[%mul3A_52, %dma_wait3A_379] : memref<5120x64xi32, #tpu.memory_space<hbm>> -> memref<32x64xi32, #tpu.memory_space<hbm>>
    tpu.wait_dma2 semaphore(%arg15 : memref<!tpu.dma_semaphore, #tpu.memory_space<semaphore_mem>>) src(%dma_wait3A_380 : memref<32x64xi32, #tpu.memory_space<hbm>>) dst(%dma_wait3A_378 : memref<32x64xi32, #tpu.memory_space<vmem>>)
    %dma_wait3A_381 = arith.constant 1 : i32
    %dma_wait3A_382 = arith.constant 0 : i32
    %dma_wait3A_383 = arith.constant 0 : i32
    %dma_wait3A_384 = tpu.memref_slice %arg8[%dma_wait3A_381, %dma_wait3A_382, %dma_wait3A_383] : memref<2x32x64xi32, #tpu.memory_space<vmem>> -> memref<1x32x64xi32, #tpu.memory_space<vmem>>
    %dma_wait3A_385 = tpu.memref_squeeze %dma_wait3A_384 : memref<1x32x64xi32, #tpu.memory_space<vmem>> -> memref<32x64xi32, #tpu.memory_space<vmem>>
    %dma_wait3A_386 = arith.constant 0 : i32
    %dma_wait3A_387 = tpu.memref_slice %arg3[%mul3A_52, %dma_wait3A_386] : memref<5120x64xi32, #tpu.memory_space<hbm>> -> memref<32x64xi32, #tpu.memory_space<hbm>>
    %dma_wait3A_388 = arith.constant 0 : i32
    %dma_wait3A_389 = arith.constant 0 : i32
    %dma_wait3A_390 = tpu.memref_slice %arg8[%dma_wait3A_381, %dma_wait3A_388, %dma_wait3A_389] : memref<2x32x64xi32, #tpu.memory_space<vmem>> -> memref<1x32x64xi32, #tpu.memory_space<vmem>>
    %dma_wait3A_391 = tpu.memref_squeeze %dma_wait3A_390 : memref<1x32x64xi32, #tpu.memory_space<vmem>> -> memref<32x64xi32, #tpu.memory_space<vmem>>
    %dma_wait3A_392 = arith.constant 0 : i32
    %dma_wait3A_393 = tpu.memref_slice %arg3[%mul3A_52, %dma_wait3A_392] : memref<5120x64xi32, #tpu.memory_space<hbm>> -> memref<32x64xi32, #tpu.memory_space<hbm>>
    tpu.wait_dma2 semaphore(%arg15 : memref<!tpu.dma_semaphore, #tpu.memory_space<semaphore_mem>>) src(%dma_wait3A_393 : memref<32x64xi32, #tpu.memory_space<hbm>>) dst(%dma_wait3A_391 : memref<32x64xi32, #tpu.memory_space<vmem>>)
    %add3A_394 = arith.constant 128 : i32
    %add3A_395 = arith.addi %mul3A_52, %add3A_394 : i32
    %dma_start3A_396 = arith.constant 0 : i32
    %dma_start3A_397 = arith.constant 0 : i32
    %dma_start3A_398 = arith.constant 0 : i32
    %dma_start3A_399 = tpu.memref_slice %arg7[%dma_start3A_396, %dma_start3A_397, %dma_start3A_398] : memref<2x32x64xi32, #tpu.memory_space<vmem>> -> memref<1x32x64xi32, #tpu.memory_space<vmem>>
    %dma_start3A_400 = tpu.memref_squeeze %dma_start3A_399 : memref<1x32x64xi32, #tpu.memory_space<vmem>> -> memref<32x64xi32, #tpu.memory_space<vmem>>
    %dma_start3A_401 = arith.constant 0 : i32
    %dma_start3A_402 = tpu.memref_slice %arg2[%add3A_395, %dma_start3A_401] : memref<5120x64xi32, #tpu.memory_space<hbm>> -> memref<32x64xi32, #tpu.memory_space<hbm>>
    %dma_start3A_403 = arith.constant 0 : i32
    %dma_start3A_404 = arith.constant 0 : i32
    %dma_start3A_405 = tpu.memref_slice %arg7[%dma_start3A_396, %dma_start3A_403, %dma_start3A_404] : memref<2x32x64xi32, #tpu.memory_space<vmem>> -> memref<1x32x64xi32, #tpu.memory_space<vmem>>
    %dma_start3A_406 = tpu.memref_squeeze %dma_start3A_405 : memref<1x32x64xi32, #tpu.memory_space<vmem>> -> memref<32x64xi32, #tpu.memory_space<vmem>>
    %dma_start3A_407 = arith.constant 0 : i32
    %dma_start3A_408 = tpu.memref_slice %arg2[%add3A_395, %dma_start3A_407] : memref<5120x64xi32, #tpu.memory_space<hbm>> -> memref<32x64xi32, #tpu.memory_space<hbm>>
    tpu.enqueue_dma source(%dma_start3A_408 : memref<32x64xi32, #tpu.memory_space<hbm>>) target(%dma_start3A_406 : memref<32x64xi32, #tpu.memory_space<vmem>>) target_semaphore(%arg15 : memref<!tpu.dma_semaphore, #tpu.memory_space<semaphore_mem>>)
    %add3A_409 = arith.constant 128 : i32
    %add3A_410 = arith.addi %mul3A_52, %add3A_409 : i32
    %dma_start3A_411 = arith.constant 0 : i32
    %dma_start3A_412 = arith.constant 0 : i32
    %dma_start3A_413 = arith.constant 0 : i32
    %dma_start3A_414 = tpu.memref_slice %arg8[%dma_start3A_411, %dma_start3A_412, %dma_start3A_413] : memref<2x32x64xi32, #tpu.memory_space<vmem>> -> memref<1x32x64xi32, #tpu.memory_space<vmem>>
    %dma_start3A_415 = tpu.memref_squeeze %dma_start3A_414 : memref<1x32x64xi32, #tpu.memory_space<vmem>> -> memref<32x64xi32, #tpu.memory_space<vmem>>
    %dma_start3A_416 = arith.constant 0 : i32
    %dma_start3A_417 = tpu.memref_slice %arg3[%add3A_410, %dma_start3A_416] : memref<5120x64xi32, #tpu.memory_space<hbm>> -> memref<32x64xi32, #tpu.memory_space<hbm>>
    %dma_start3A_418 = arith.constant 0 : i32
    %dma_start3A_419 = arith.constant 0 : i32
    %dma_start3A_420 = tpu.memref_slice %arg8[%dma_start3A_411, %dma_start3A_418, %dma_start3A_419] : memref<2x32x64xi32, #tpu.memory_space<vmem>> -> memref<1x32x64xi32, #tpu.memory_space<vmem>>
    %dma_start3A_421 = tpu.memref_squeeze %dma_start3A_420 : memref<1x32x64xi32, #tpu.memory_space<vmem>> -> memref<32x64xi32, #tpu.memory_space<vmem>>
    %dma_start3A_422 = arith.constant 0 : i32
    %dma_start3A_423 = tpu.memref_slice %arg3[%add3A_410, %dma_start3A_422] : memref<5120x64xi32, #tpu.memory_space<hbm>> -> memref<32x64xi32, #tpu.memory_space<hbm>>
    tpu.enqueue_dma source(%dma_start3A_423 : memref<32x64xi32, #tpu.memory_space<hbm>>) target(%dma_start3A_421 : memref<32x64xi32, #tpu.memory_space<vmem>>) target_semaphore(%arg15 : memref<!tpu.dma_semaphore, #tpu.memory_space<semaphore_mem>>)
    %dma_start3A_424 = arith.constant 1 : i32
    %dma_start3A_425 = arith.constant 0 : i32
    %dma_start3A_426 = arith.constant 0 : i32
    %dma_start3A_427 = arith.constant 0 : i32
    %dma_start3A_428 = arith.constant 0 : i32
    %dma_start3A_429 = tpu.memref_slice %arg9[%dma_start3A_426, %dma_start3A_427, %dma_start3A_428] : memref<4x64x128xf32, #tpu.memory_space<vmem>> -> memref<1x64x128xf32, #tpu.memory_space<vmem>>
    %dma_start3A_430 = tpu.memref_squeeze %dma_start3A_429 : memref<1x64x128xf32, #tpu.memory_space<vmem>> -> memref<64x128xf32, #tpu.memory_space<vmem>>
    %dma_start3A_431 = arith.constant 0 : i32
    %dma_start3A_432 = tpu.memref_slice %arg7[%dma_start3A_424, %dma_start3A_425, %dma_start3A_431] : memref<2x32x64xi32, #tpu.memory_space<vmem>> -> memref<1x1x64xi32, #tpu.memory_space<vmem>>
    %dma_start3A_433 = tpu.memref_squeeze %dma_start3A_432 : memref<1x1x64xi32, #tpu.memory_space<vmem>> -> memref<64xi32, #tpu.memory_space<vmem>>
    %dma_start3A_434 = arith.constant 0 : i32
    %dma_start3A_435 = arith.constant 0 : i32
    %dma_start3A_436 = tpu.memref_slice %arg4[%dma_start3A_434, %dma_start3A_435] : memref<10000x128xf32, #tpu.memory_space<hbm>> -> memref<10000x128xf32, #tpu.memory_space<hbm>>
    tpu.enqueue_indirect_dma source(%dma_start3A_436 : memref<10000x128xf32, #tpu.memory_space<hbm>>) target(%dma_start3A_430 : memref<64x128xf32, #tpu.memory_space<vmem>>) offsets(%dma_start3A_433 : memref<64xi32, #tpu.memory_space<vmem>>) semaphore(%arg11 : memref<!tpu.dma_semaphore, #tpu.memory_space<semaphore_mem>>)
    %dma_start3A_437 = arith.constant 1 : i32
    %dma_start3A_438 = arith.constant 1 : i32
    %dma_start3A_439 = arith.constant 1 : i32
    %dma_start3A_440 = arith.constant 0 : i32
    %dma_start3A_441 = arith.constant 0 : i32
    %dma_start3A_442 = tpu.memref_slice %arg9[%dma_start3A_439, %dma_start3A_440, %dma_start3A_441] : memref<4x64x128xf32, #tpu.memory_space<vmem>> -> memref<1x64x128xf32, #tpu.memory_space<vmem>>
    %dma_start3A_443 = tpu.memref_squeeze %dma_start3A_442 : memref<1x64x128xf32, #tpu.memory_space<vmem>> -> memref<64x128xf32, #tpu.memory_space<vmem>>
    %dma_start3A_444 = arith.constant 0 : i32
    %dma_start3A_445 = tpu.memref_slice %arg7[%dma_start3A_437, %dma_start3A_438, %dma_start3A_444] : memref<2x32x64xi32, #tpu.memory_space<vmem>> -> memref<1x1x64xi32, #tpu.memory_space<vmem>>
    %dma_start3A_446 = tpu.memref_squeeze %dma_start3A_445 : memref<1x1x64xi32, #tpu.memory_space<vmem>> -> memref<64xi32, #tpu.memory_space<vmem>>
    %dma_start3A_447 = arith.constant 0 : i32
    %dma_start3A_448 = arith.constant 0 : i32
    %dma_start3A_449 = tpu.memref_slice %arg4[%dma_start3A_447, %dma_start3A_448] : memref<10000x128xf32, #tpu.memory_space<hbm>> -> memref<10000x128xf32, #tpu.memory_space<hbm>>
    tpu.enqueue_indirect_dma source(%dma_start3A_449 : memref<10000x128xf32, #tpu.memory_space<hbm>>) target(%dma_start3A_443 : memref<64x128xf32, #tpu.memory_space<vmem>>) offsets(%dma_start3A_446 : memref<64xi32, #tpu.memory_space<vmem>>) semaphore(%arg12 : memref<!tpu.dma_semaphore, #tpu.memory_space<semaphore_mem>>)
    %dma_start3A_450 = arith.constant 1 : i32
    %dma_start3A_451 = arith.constant 2 : i32
    %dma_start3A_452 = arith.constant 2 : i32
    %dma_start3A_453 = arith.constant 0 : i32
    %dma_start3A_454 = arith.constant 0 : i32
    %dma_start3A_455 = tpu.memref_slice %arg9[%dma_start3A_452, %dma_start3A_453, %dma_start3A_454] : memref<4x64x128xf32, #tpu.memory_space<vmem>> -> memref<1x64x128xf32, #tpu.memory_space<vmem>>
    %dma_start3A_456 = tpu.memref_squeeze %dma_start3A_455 : memref<1x64x128xf32, #tpu.memory_space<vmem>> -> memref<64x128xf32, #tpu.memory_space<vmem>>
    %dma_start3A_457 = arith.constant 0 : i32
    %dma_start3A_458 = tpu.memref_slice %arg7[%dma_start3A_450, %dma_start3A_451, %dma_start3A_457] : memref<2x32x64xi32, #tpu.memory_space<vmem>> -> memref<1x1x64xi32, #tpu.memory_space<vmem>>
    %dma_start3A_459 = tpu.memref_squeeze %dma_start3A_458 : memref<1x1x64xi32, #tpu.memory_space<vmem>> -> memref<64xi32, #tpu.memory_space<vmem>>
    %dma_start3A_460 = arith.constant 0 : i32
    %dma_start3A_461 = arith.constant 0 : i32
    %dma_start3A_462 = tpu.memref_slice %arg4[%dma_start3A_460, %dma_start3A_461] : memref<10000x128xf32, #tpu.memory_space<hbm>> -> memref<10000x128xf32, #tpu.memory_space<hbm>>
    tpu.enqueue_indirect_dma source(%dma_start3A_462 : memref<10000x128xf32, #tpu.memory_space<hbm>>) target(%dma_start3A_456 : memref<64x128xf32, #tpu.memory_space<vmem>>) offsets(%dma_start3A_459 : memref<64xi32, #tpu.memory_space<vmem>>) semaphore(%arg13 : memref<!tpu.dma_semaphore, #tpu.memory_space<semaphore_mem>>)
    %dma_start3A_463 = arith.constant 1 : i32
    %dma_start3A_464 = arith.constant 3 : i32
    %dma_start3A_465 = arith.constant 3 : i32
    %dma_start3A_466 = arith.constant 0 : i32
    %dma_start3A_467 = arith.constant 0 : i32
    %dma_start3A_468 = tpu.memref_slice %arg9[%dma_start3A_465, %dma_start3A_466, %dma_start3A_467] : memref<4x64x128xf32, #tpu.memory_space<vmem>> -> memref<1x64x128xf32, #tpu.memory_space<vmem>>
    %dma_start3A_469 = tpu.memref_squeeze %dma_start3A_468 : memref<1x64x128xf32, #tpu.memory_space<vmem>> -> memref<64x128xf32, #tpu.memory_space<vmem>>
    %dma_start3A_470 = arith.constant 0 : i32
    %dma_start3A_471 = tpu.memref_slice %arg7[%dma_start3A_463, %dma_start3A_464, %dma_start3A_470] : memref<2x32x64xi32, #tpu.memory_space<vmem>> -> memref<1x1x64xi32, #tpu.memory_space<vmem>>
    %dma_start3A_472 = tpu.memref_squeeze %dma_start3A_471 : memref<1x1x64xi32, #tpu.memory_space<vmem>> -> memref<64xi32, #tpu.memory_space<vmem>>
    %dma_start3A_473 = arith.constant 0 : i32
    %dma_start3A_474 = arith.constant 0 : i32
    %dma_start3A_475 = tpu.memref_slice %arg4[%dma_start3A_473, %dma_start3A_474] : memref<10000x128xf32, #tpu.memory_space<hbm>> -> memref<10000x128xf32, #tpu.memory_space<hbm>>
    tpu.enqueue_indirect_dma source(%dma_start3A_475 : memref<10000x128xf32, #tpu.memory_space<hbm>>) target(%dma_start3A_469 : memref<64x128xf32, #tpu.memory_space<vmem>>) offsets(%dma_start3A_472 : memref<64xi32, #tpu.memory_space<vmem>>) semaphore(%arg14 : memref<!tpu.dma_semaphore, #tpu.memory_space<semaphore_mem>>)
    %scan3A_476 = arith.constant 0 : i32
    %scan3A_477 = arith.constant 0 : i32
    %scan3A_478 = arith.constant 8 : i32
    %scan3A_479 = arith.addi %scan3A_477, %scan3A_478 : i32
    %scan3A_480 = arith.constant 1 : i32
    scf.for %scan3A_571 = %scan3A_477 to %scan3A_479 step %scan3A_480  : i32 {
      %mul3A_572 = arith.constant 4 : i32
      %mul3A_573 = arith.muli %mul3A_572, %scan3A_571 : i32
      %add3A_574 = arith.constant 0 : i32
      %add3A_575 = arith.addi %mul3A_573, %add3A_574 : i32
      %dma_wait3A_576 = arith.constant 1 : i32
      %dma_wait3A_577 = arith.constant 0 : i32
      %dma_wait3A_578 = arith.constant 0 : i32
      %dma_wait3A_579 = arith.constant 0 : i32
      %dma_wait3A_580 = tpu.memref_slice %arg9[%dma_wait3A_577, %dma_wait3A_578, %dma_wait3A_579] : memref<4x64x128xf32, #tpu.memory_space<vmem>> -> memref<1x64x128xf32, #tpu.memory_space<vmem>>
      %dma_wait3A_581 = tpu.memref_squeeze %dma_wait3A_580 : memref<1x64x128xf32, #tpu.memory_space<vmem>> -> memref<64x128xf32, #tpu.memory_space<vmem>>
      %dma_wait3A_582 = arith.constant 0 : i32
      %dma_wait3A_583 = tpu.memref_slice %arg7[%dma_wait3A_576, %add3A_575, %dma_wait3A_582] : memref<2x32x64xi32, #tpu.memory_space<vmem>> -> memref<1x1x64xi32, #tpu.memory_space<vmem>>
      %dma_wait3A_584 = tpu.memref_squeeze %dma_wait3A_583 : memref<1x1x64xi32, #tpu.memory_space<vmem>> -> memref<64xi32, #tpu.memory_space<vmem>>
      %dma_wait3A_585 = arith.constant 0 : i32
      %dma_wait3A_586 = arith.constant 0 : i32
      %dma_wait3A_587 = tpu.memref_slice %arg4[%dma_wait3A_585, %dma_wait3A_586] : memref<10000x128xf32, #tpu.memory_space<hbm>> -> memref<10000x128xf32, #tpu.memory_space<hbm>>
      tpu.wait_indirect_dma semaphore(%arg11 : memref<!tpu.dma_semaphore, #tpu.memory_space<semaphore_mem>>) src(%dma_wait3A_587 : memref<10000x128xf32, #tpu.memory_space<hbm>>) dst(%dma_wait3A_581 : memref<64x128xf32, #tpu.memory_space<vmem>>)
      %run_scoped3A_588 = arith.constant 0 : i32
      %run_scoped3A_589 = arith.constant 1 : i32
      "tpu.region"() ({
        %run_scoped3A_669 = tpu.sem_alloc : memref<!tpu.dma_semaphore, #tpu.memory_space<semaphore_mem>>
        %dma_start3A_670 = arith.constant 0 : i32
        %dma_start3A_671 = arith.constant 0 : i32
        %dma_start3A_672 = tpu.memref_slice %arg9[%run_scoped3A_588, %dma_start3A_670, %dma_start3A_671] : memref<4x64x128xf32, #tpu.memory_space<vmem>> -> memref<1x64x128xf32, #tpu.memory_space<vmem>>
        %dma_start3A_673 = tpu.memref_squeeze %dma_start3A_672 : memref<1x64x128xf32, #tpu.memory_space<vmem>> -> memref<64x128xf32, #tpu.memory_space<vmem>>
        %dma_start3A_674 = arith.constant 0 : i32
        %dma_start3A_675 = tpu.memref_slice %arg8[%run_scoped3A_589, %add3A_575, %dma_start3A_674] : memref<2x32x64xi32, #tpu.memory_space<vmem>> -> memref<1x1x64xi32, #tpu.memory_space<vmem>>
        %dma_start3A_676 = tpu.memref_squeeze %dma_start3A_675 : memref<1x1x64xi32, #tpu.memory_space<vmem>> -> memref<64xi32, #tpu.memory_space<vmem>>
        %dma_start3A_677 = arith.constant 0 : i32
        %dma_start3A_678 = arith.constant 0 : i32
        %dma_start3A_679 = tpu.memref_slice %arg10[%dma_start3A_677, %dma_start3A_678] : memref<10240x128xf32, #tpu.memory_space<vmem_shared>> -> memref<10240x128xf32, #tpu.memory_space<vmem_shared>>
        tpu.enqueue_indirect_dma source(%dma_start3A_673 : memref<64x128xf32, #tpu.memory_space<vmem>>) target(%dma_start3A_679 : memref<10240x128xf32, #tpu.memory_space<vmem_shared>>) offsets(%dma_start3A_676 : memref<64xi32, #tpu.memory_space<vmem>>) semaphore(%run_scoped3A_669 : memref<!tpu.dma_semaphore, #tpu.memory_space<semaphore_mem>>) {add = true}
        %dma_wait3A_680 = arith.constant 0 : i32
        %dma_wait3A_681 = arith.constant 0 : i32
        %dma_wait3A_682 = tpu.memref_slice %arg9[%run_scoped3A_588, %dma_wait3A_680, %dma_wait3A_681] : memref<4x64x128xf32, #tpu.memory_space<vmem>> -> memref<1x64x128xf32, #tpu.memory_space<vmem>>
        %dma_wait3A_683 = tpu.memref_squeeze %dma_wait3A_682 : memref<1x64x128xf32, #tpu.memory_space<vmem>> -> memref<64x128xf32, #tpu.memory_space<vmem>>
        %dma_wait3A_684 = arith.constant 0 : i32
        %dma_wait3A_685 = tpu.memref_slice %arg8[%run_scoped3A_589, %add3A_575, %dma_wait3A_684] : memref<2x32x64xi32, #tpu.memory_space<vmem>> -> memref<1x1x64xi32, #tpu.memory_space<vmem>>
        %dma_wait3A_686 = tpu.memref_squeeze %dma_wait3A_685 : memref<1x1x64xi32, #tpu.memory_space<vmem>> -> memref<64xi32, #tpu.memory_space<vmem>>
        %dma_wait3A_687 = arith.constant 0 : i32
        %dma_wait3A_688 = arith.constant 0 : i32
        %dma_wait3A_689 = tpu.memref_slice %arg10[%dma_wait3A_687, %dma_wait3A_688] : memref<10240x128xf32, #tpu.memory_space<vmem_shared>> -> memref<10240x128xf32, #tpu.memory_space<vmem_shared>>
        tpu.wait_indirect_dma semaphore(%run_scoped3A_669 : memref<!tpu.dma_semaphore, #tpu.memory_space<semaphore_mem>>) src(%dma_wait3A_683 : memref<64x128xf32, #tpu.memory_space<vmem>>) dst(%dma_wait3A_689 : memref<10240x128xf32, #tpu.memory_space<vmem_shared>>)
        tpu.yield
      }) : () -> ()
      %add3A_590 = arith.constant 4 : i32
      %add3A_591 = arith.addi %add3A_575, %add3A_590 : i32
      %lt3A = arith.constant 32 : i32
      %lt3A_592 = arith.cmpi slt, %add3A_591, %lt3A : i32
      %convert_element_type3A = arith.extui %lt3A_592 : i1 to i32
      %cond3A = arith.constant 0 : i32
      %cond3A_593 = arith.cmpi ne, %convert_element_type3A, %cond3A : i32
      scf.if %cond3A_593 {
        %add3A_669 = arith.constant 4 : i32
        %add3A_670 = arith.addi %add3A_575, %add3A_669 : i32
        %dma_start3A_671 = arith.constant 1 : i32
        %dma_start3A_672 = arith.constant 0 : i32
        %dma_start3A_673 = arith.constant 0 : i32
        %dma_start3A_674 = arith.constant 0 : i32
        %dma_start3A_675 = tpu.memref_slice %arg9[%dma_start3A_672, %dma_start3A_673, %dma_start3A_674] : memref<4x64x128xf32, #tpu.memory_space<vmem>> -> memref<1x64x128xf32, #tpu.memory_space<vmem>>
        %dma_start3A_676 = tpu.memref_squeeze %dma_start3A_675 : memref<1x64x128xf32, #tpu.memory_space<vmem>> -> memref<64x128xf32, #tpu.memory_space<vmem>>
        %dma_start3A_677 = arith.constant 0 : i32
        %dma_start3A_678 = tpu.memref_slice %arg7[%dma_start3A_671, %add3A_670, %dma_start3A_677] : memref<2x32x64xi32, #tpu.memory_space<vmem>> -> memref<1x1x64xi32, #tpu.memory_space<vmem>>
        %dma_start3A_679 = tpu.memref_squeeze %dma_start3A_678 : memref<1x1x64xi32, #tpu.memory_space<vmem>> -> memref<64xi32, #tpu.memory_space<vmem>>
        %dma_start3A_680 = arith.constant 0 : i32
        %dma_start3A_681 = arith.constant 0 : i32
        %dma_start3A_682 = tpu.memref_slice %arg4[%dma_start3A_680, %dma_start3A_681] : memref<10000x128xf32, #tpu.memory_space<hbm>> -> memref<10000x128xf32, #tpu.memory_space<hbm>>
        tpu.enqueue_indirect_dma source(%dma_start3A_682 : memref<10000x128xf32, #tpu.memory_space<hbm>>) target(%dma_start3A_676 : memref<64x128xf32, #tpu.memory_space<vmem>>) offsets(%dma_start3A_679 : memref<64xi32, #tpu.memory_space<vmem>>) semaphore(%arg11 : memref<!tpu.dma_semaphore, #tpu.memory_space<semaphore_mem>>)
      } else {
      }
      %mul3A_594 = arith.constant 4 : i32
      %mul3A_595 = arith.muli %mul3A_594, %scan3A_571 : i32
      %add3A_596 = arith.constant 1 : i32
      %add3A_597 = arith.addi %mul3A_595, %add3A_596 : i32
      %dma_wait3A_598 = arith.constant 1 : i32
      %dma_wait3A_599 = arith.constant 1 : i32
      %dma_wait3A_600 = arith.constant 0 : i32
      %dma_wait3A_601 = arith.constant 0 : i32
      %dma_wait3A_602 = tpu.memref_slice %arg9[%dma_wait3A_599, %dma_wait3A_600, %dma_wait3A_601] : memref<4x64x128xf32, #tpu.memory_space<vmem>> -> memref<1x64x128xf32, #tpu.memory_space<vmem>>
      %dma_wait3A_603 = tpu.memref_squeeze %dma_wait3A_602 : memref<1x64x128xf32, #tpu.memory_space<vmem>> -> memref<64x128xf32, #tpu.memory_space<vmem>>
      %dma_wait3A_604 = arith.constant 0 : i32
      %dma_wait3A_605 = tpu.memref_slice %arg7[%dma_wait3A_598, %add3A_597, %dma_wait3A_604] : memref<2x32x64xi32, #tpu.memory_space<vmem>> -> memref<1x1x64xi32, #tpu.memory_space<vmem>>
      %dma_wait3A_606 = tpu.memref_squeeze %dma_wait3A_605 : memref<1x1x64xi32, #tpu.memory_space<vmem>> -> memref<64xi32, #tpu.memory_space<vmem>>
      %dma_wait3A_607 = arith.constant 0 : i32
      %dma_wait3A_608 = arith.constant 0 : i32
      %dma_wait3A_609 = tpu.memref_slice %arg4[%dma_wait3A_607, %dma_wait3A_608] : memref<10000x128xf32, #tpu.memory_space<hbm>> -> memref<10000x128xf32, #tpu.memory_space<hbm>>
      tpu.wait_indirect_dma semaphore(%arg12 : memref<!tpu.dma_semaphore, #tpu.memory_space<semaphore_mem>>) src(%dma_wait3A_609 : memref<10000x128xf32, #tpu.memory_space<hbm>>) dst(%dma_wait3A_603 : memref<64x128xf32, #tpu.memory_space<vmem>>)
      %run_scoped3A_610 = arith.constant 1 : i32
      %run_scoped3A_611 = arith.constant 1 : i32
      "tpu.region"() ({
        %run_scoped3A_669 = tpu.sem_alloc : memref<!tpu.dma_semaphore, #tpu.memory_space<semaphore_mem>>
        %dma_start3A_670 = arith.constant 0 : i32
        %dma_start3A_671 = arith.constant 0 : i32
        %dma_start3A_672 = tpu.memref_slice %arg9[%run_scoped3A_610, %dma_start3A_670, %dma_start3A_671] : memref<4x64x128xf32, #tpu.memory_space<vmem>> -> memref<1x64x128xf32, #tpu.memory_space<vmem>>
        %dma_start3A_673 = tpu.memref_squeeze %dma_start3A_672 : memref<1x64x128xf32, #tpu.memory_space<vmem>> -> memref<64x128xf32, #tpu.memory_space<vmem>>
        %dma_start3A_674 = arith.constant 0 : i32
        %dma_start3A_675 = tpu.memref_slice %arg8[%run_scoped3A_611, %add3A_597, %dma_start3A_674] : memref<2x32x64xi32, #tpu.memory_space<vmem>> -> memref<1x1x64xi32, #tpu.memory_space<vmem>>
        %dma_start3A_676 = tpu.memref_squeeze %dma_start3A_675 : memref<1x1x64xi32, #tpu.memory_space<vmem>> -> memref<64xi32, #tpu.memory_space<vmem>>
        %dma_start3A_677 = arith.constant 0 : i32
        %dma_start3A_678 = arith.constant 0 : i32
        %dma_start3A_679 = tpu.memref_slice %arg10[%dma_start3A_677, %dma_start3A_678] : memref<10240x128xf32, #tpu.memory_space<vmem_shared>> -> memref<10240x128xf32, #tpu.memory_space<vmem_shared>>
        tpu.enqueue_indirect_dma source(%dma_start3A_673 : memref<64x128xf32, #tpu.memory_space<vmem>>) target(%dma_start3A_679 : memref<10240x128xf32, #tpu.memory_space<vmem_shared>>) offsets(%dma_start3A_676 : memref<64xi32, #tpu.memory_space<vmem>>) semaphore(%run_scoped3A_669 : memref<!tpu.dma_semaphore, #tpu.memory_space<semaphore_mem>>) {add = true}
        %dma_wait3A_680 = arith.constant 0 : i32
        %dma_wait3A_681 = arith.constant 0 : i32
        %dma_wait3A_682 = tpu.memref_slice %arg9[%run_scoped3A_610, %dma_wait3A_680, %dma_wait3A_681] : memref<4x64x128xf32, #tpu.memory_space<vmem>> -> memref<1x64x128xf32, #tpu.memory_space<vmem>>
        %dma_wait3A_683 = tpu.memref_squeeze %dma_wait3A_682 : memref<1x64x128xf32, #tpu.memory_space<vmem>> -> memref<64x128xf32, #tpu.memory_space<vmem>>
        %dma_wait3A_684 = arith.constant 0 : i32
        %dma_wait3A_685 = tpu.memref_slice %arg8[%run_scoped3A_611, %add3A_597, %dma_wait3A_684] : memref<2x32x64xi32, #tpu.memory_space<vmem>> -> memref<1x1x64xi32, #tpu.memory_space<vmem>>
        %dma_wait3A_686 = tpu.memref_squeeze %dma_wait3A_685 : memref<1x1x64xi32, #tpu.memory_space<vmem>> -> memref<64xi32, #tpu.memory_space<vmem>>
        %dma_wait3A_687 = arith.constant 0 : i32
        %dma_wait3A_688 = arith.constant 0 : i32
        %dma_wait3A_689 = tpu.memref_slice %arg10[%dma_wait3A_687, %dma_wait3A_688] : memref<10240x128xf32, #tpu.memory_space<vmem_shared>> -> memref<10240x128xf32, #tpu.memory_space<vmem_shared>>
        tpu.wait_indirect_dma semaphore(%run_scoped3A_669 : memref<!tpu.dma_semaphore, #tpu.memory_space<semaphore_mem>>) src(%dma_wait3A_683 : memref<64x128xf32, #tpu.memory_space<vmem>>) dst(%dma_wait3A_689 : memref<10240x128xf32, #tpu.memory_space<vmem_shared>>)
        tpu.yield
      }) : () -> ()
      %add3A_612 = arith.constant 4 : i32
      %add3A_613 = arith.addi %add3A_597, %add3A_612 : i32
      %lt3A_614 = arith.constant 32 : i32
      %lt3A_615 = arith.cmpi slt, %add3A_613, %lt3A_614 : i32
      %convert_element_type3A_616 = arith.extui %lt3A_615 : i1 to i32
      %cond3A_617 = arith.constant 0 : i32
      %cond3A_618 = arith.cmpi ne, %convert_element_type3A_616, %cond3A_617 : i32
      scf.if %cond3A_618 {
        %add3A_669 = arith.constant 4 : i32
        %add3A_670 = arith.addi %add3A_597, %add3A_669 : i32
        %dma_start3A_671 = arith.constant 1 : i32
        %dma_start3A_672 = arith.constant 1 : i32
        %dma_start3A_673 = arith.constant 0 : i32
        %dma_start3A_674 = arith.constant 0 : i32
        %dma_start3A_675 = tpu.memref_slice %arg9[%dma_start3A_672, %dma_start3A_673, %dma_start3A_674] : memref<4x64x128xf32, #tpu.memory_space<vmem>> -> memref<1x64x128xf32, #tpu.memory_space<vmem>>
        %dma_start3A_676 = tpu.memref_squeeze %dma_start3A_675 : memref<1x64x128xf32, #tpu.memory_space<vmem>> -> memref<64x128xf32, #tpu.memory_space<vmem>>
        %dma_start3A_677 = arith.constant 0 : i32
        %dma_start3A_678 = tpu.memref_slice %arg7[%dma_start3A_671, %add3A_670, %dma_start3A_677] : memref<2x32x64xi32, #tpu.memory_space<vmem>> -> memref<1x1x64xi32, #tpu.memory_space<vmem>>
        %dma_start3A_679 = tpu.memref_squeeze %dma_start3A_678 : memref<1x1x64xi32, #tpu.memory_space<vmem>> -> memref<64xi32, #tpu.memory_space<vmem>>
        %dma_start3A_680 = arith.constant 0 : i32
        %dma_start3A_681 = arith.constant 0 : i32
        %dma_start3A_682 = tpu.memref_slice %arg4[%dma_start3A_680, %dma_start3A_681] : memref<10000x128xf32, #tpu.memory_space<hbm>> -> memref<10000x128xf32, #tpu.memory_space<hbm>>
        tpu.enqueue_indirect_dma source(%dma_start3A_682 : memref<10000x128xf32, #tpu.memory_space<hbm>>) target(%dma_start3A_676 : memref<64x128xf32, #tpu.memory_space<vmem>>) offsets(%dma_start3A_679 : memref<64xi32, #tpu.memory_space<vmem>>) semaphore(%arg12 : memref<!tpu.dma_semaphore, #tpu.memory_space<semaphore_mem>>)
      } else {
      }
      %mul3A_619 = arith.constant 4 : i32
      %mul3A_620 = arith.muli %mul3A_619, %scan3A_571 : i32
      %add3A_621 = arith.constant 2 : i32
      %add3A_622 = arith.addi %mul3A_620, %add3A_621 : i32
      %dma_wait3A_623 = arith.constant 1 : i32
      %dma_wait3A_624 = arith.constant 2 : i32
      %dma_wait3A_625 = arith.constant 0 : i32
      %dma_wait3A_626 = arith.constant 0 : i32
      %dma_wait3A_627 = tpu.memref_slice %arg9[%dma_wait3A_624, %dma_wait3A_625, %dma_wait3A_626] : memref<4x64x128xf32, #tpu.memory_space<vmem>> -> memref<1x64x128xf32, #tpu.memory_space<vmem>>
      %dma_wait3A_628 = tpu.memref_squeeze %dma_wait3A_627 : memref<1x64x128xf32, #tpu.memory_space<vmem>> -> memref<64x128xf32, #tpu.memory_space<vmem>>
      %dma_wait3A_629 = arith.constant 0 : i32
      %dma_wait3A_630 = tpu.memref_slice %arg7[%dma_wait3A_623, %add3A_622, %dma_wait3A_629] : memref<2x32x64xi32, #tpu.memory_space<vmem>> -> memref<1x1x64xi32, #tpu.memory_space<vmem>>
      %dma_wait3A_631 = tpu.memref_squeeze %dma_wait3A_630 : memref<1x1x64xi32, #tpu.memory_space<vmem>> -> memref<64xi32, #tpu.memory_space<vmem>>
      %dma_wait3A_632 = arith.constant 0 : i32
      %dma_wait3A_633 = arith.constant 0 : i32
      %dma_wait3A_634 = tpu.memref_slice %arg4[%dma_wait3A_632, %dma_wait3A_633] : memref<10000x128xf32, #tpu.memory_space<hbm>> -> memref<10000x128xf32, #tpu.memory_space<hbm>>
      tpu.wait_indirect_dma semaphore(%arg13 : memref<!tpu.dma_semaphore, #tpu.memory_space<semaphore_mem>>) src(%dma_wait3A_634 : memref<10000x128xf32, #tpu.memory_space<hbm>>) dst(%dma_wait3A_628 : memref<64x128xf32, #tpu.memory_space<vmem>>)
      %run_scoped3A_635 = arith.constant 2 : i32
      %run_scoped3A_636 = arith.constant 1 : i32
      "tpu.region"() ({
        %run_scoped3A_669 = tpu.sem_alloc : memref<!tpu.dma_semaphore, #tpu.memory_space<semaphore_mem>>
        %dma_start3A_670 = arith.constant 0 : i32
        %dma_start3A_671 = arith.constant 0 : i32
        %dma_start3A_672 = tpu.memref_slice %arg9[%run_scoped3A_635, %dma_start3A_670, %dma_start3A_671] : memref<4x64x128xf32, #tpu.memory_space<vmem>> -> memref<1x64x128xf32, #tpu.memory_space<vmem>>
        %dma_start3A_673 = tpu.memref_squeeze %dma_start3A_672 : memref<1x64x128xf32, #tpu.memory_space<vmem>> -> memref<64x128xf32, #tpu.memory_space<vmem>>
        %dma_start3A_674 = arith.constant 0 : i32
        %dma_start3A_675 = tpu.memref_slice %arg8[%run_scoped3A_636, %add3A_622, %dma_start3A_674] : memref<2x32x64xi32, #tpu.memory_space<vmem>> -> memref<1x1x64xi32, #tpu.memory_space<vmem>>
        %dma_start3A_676 = tpu.memref_squeeze %dma_start3A_675 : memref<1x1x64xi32, #tpu.memory_space<vmem>> -> memref<64xi32, #tpu.memory_space<vmem>>
        %dma_start3A_677 = arith.constant 0 : i32
        %dma_start3A_678 = arith.constant 0 : i32
        %dma_start3A_679 = tpu.memref_slice %arg10[%dma_start3A_677, %dma_start3A_678] : memref<10240x128xf32, #tpu.memory_space<vmem_shared>> -> memref<10240x128xf32, #tpu.memory_space<vmem_shared>>
        tpu.enqueue_indirect_dma source(%dma_start3A_673 : memref<64x128xf32, #tpu.memory_space<vmem>>) target(%dma_start3A_679 : memref<10240x128xf32, #tpu.memory_space<vmem_shared>>) offsets(%dma_start3A_676 : memref<64xi32, #tpu.memory_space<vmem>>) semaphore(%run_scoped3A_669 : memref<!tpu.dma_semaphore, #tpu.memory_space<semaphore_mem>>) {add = true}
        %dma_wait3A_680 = arith.constant 0 : i32
        %dma_wait3A_681 = arith.constant 0 : i32
        %dma_wait3A_682 = tpu.memref_slice %arg9[%run_scoped3A_635, %dma_wait3A_680, %dma_wait3A_681] : memref<4x64x128xf32, #tpu.memory_space<vmem>> -> memref<1x64x128xf32, #tpu.memory_space<vmem>>
        %dma_wait3A_683 = tpu.memref_squeeze %dma_wait3A_682 : memref<1x64x128xf32, #tpu.memory_space<vmem>> -> memref<64x128xf32, #tpu.memory_space<vmem>>
        %dma_wait3A_684 = arith.constant 0 : i32
        %dma_wait3A_685 = tpu.memref_slice %arg8[%run_scoped3A_636, %add3A_622, %dma_wait3A_684] : memref<2x32x64xi32, #tpu.memory_space<vmem>> -> memref<1x1x64xi32, #tpu.memory_space<vmem>>
        %dma_wait3A_686 = tpu.memref_squeeze %dma_wait3A_685 : memref<1x1x64xi32, #tpu.memory_space<vmem>> -> memref<64xi32, #tpu.memory_space<vmem>>
        %dma_wait3A_687 = arith.constant 0 : i32
        %dma_wait3A_688 = arith.constant 0 : i32
        %dma_wait3A_689 = tpu.memref_slice %arg10[%dma_wait3A_687, %dma_wait3A_688] : memref<10240x128xf32, #tpu.memory_space<vmem_shared>> -> memref<10240x128xf32, #tpu.memory_space<vmem_shared>>
        tpu.wait_indirect_dma semaphore(%run_scoped3A_669 : memref<!tpu.dma_semaphore, #tpu.memory_space<semaphore_mem>>) src(%dma_wait3A_683 : memref<64x128xf32, #tpu.memory_space<vmem>>) dst(%dma_wait3A_689 : memref<10240x128xf32, #tpu.memory_space<vmem_shared>>)
        tpu.yield
      }) : () -> ()
      %add3A_637 = arith.constant 4 : i32
      %add3A_638 = arith.addi %add3A_622, %add3A_637 : i32
      %lt3A_639 = arith.constant 32 : i32
      %lt3A_640 = arith.cmpi slt, %add3A_638, %lt3A_639 : i32
      %convert_element_type3A_641 = arith.extui %lt3A_640 : i1 to i32
      %cond3A_642 = arith.constant 0 : i32
      %cond3A_643 = arith.cmpi ne, %convert_element_type3A_641, %cond3A_642 : i32
      scf.if %cond3A_643 {
        %add3A_669 = arith.constant 4 : i32
        %add3A_670 = arith.addi %add3A_622, %add3A_669 : i32
        %dma_start3A_671 = arith.constant 1 : i32
        %dma_start3A_672 = arith.constant 2 : i32
        %dma_start3A_673 = arith.constant 0 : i32
        %dma_start3A_674 = arith.constant 0 : i32
        %dma_start3A_675 = tpu.memref_slice %arg9[%dma_start3A_672, %dma_start3A_673, %dma_start3A_674] : memref<4x64x128xf32, #tpu.memory_space<vmem>> -> memref<1x64x128xf32, #tpu.memory_space<vmem>>
        %dma_start3A_676 = tpu.memref_squeeze %dma_start3A_675 : memref<1x64x128xf32, #tpu.memory_space<vmem>> -> memref<64x128xf32, #tpu.memory_space<vmem>>
        %dma_start3A_677 = arith.constant 0 : i32
        %dma_start3A_678 = tpu.memref_slice %arg7[%dma_start3A_671, %add3A_670, %dma_start3A_677] : memref<2x32x64xi32, #tpu.memory_space<vmem>> -> memref<1x1x64xi32, #tpu.memory_space<vmem>>
        %dma_start3A_679 = tpu.memref_squeeze %dma_start3A_678 : memref<1x1x64xi32, #tpu.memory_space<vmem>> -> memref<64xi32, #tpu.memory_space<vmem>>
        %dma_start3A_680 = arith.constant 0 : i32
        %dma_start3A_681 = arith.constant 0 : i32
        %dma_start3A_682 = tpu.memref_slice %arg4[%dma_start3A_680, %dma_start3A_681] : memref<10000x128xf32, #tpu.memory_space<hbm>> -> memref<10000x128xf32, #tpu.memory_space<hbm>>
        tpu.enqueue_indirect_dma source(%dma_start3A_682 : memref<10000x128xf32, #tpu.memory_space<hbm>>) target(%dma_start3A_676 : memref<64x128xf32, #tpu.memory_space<vmem>>) offsets(%dma_start3A_679 : memref<64xi32, #tpu.memory_space<vmem>>) semaphore(%arg13 : memref<!tpu.dma_semaphore, #tpu.memory_space<semaphore_mem>>)
      } else {
      }
      %mul3A_644 = arith.constant 4 : i32
      %mul3A_645 = arith.muli %mul3A_644, %scan3A_571 : i32
      %add3A_646 = arith.constant 3 : i32
      %add3A_647 = arith.addi %mul3A_645, %add3A_646 : i32
      %dma_wait3A_648 = arith.constant 1 : i32
      %dma_wait3A_649 = arith.constant 3 : i32
      %dma_wait3A_650 = arith.constant 0 : i32
      %dma_wait3A_651 = arith.constant 0 : i32
      %dma_wait3A_652 = tpu.memref_slice %arg9[%dma_wait3A_649, %dma_wait3A_650, %dma_wait3A_651] : memref<4x64x128xf32, #tpu.memory_space<vmem>> -> memref<1x64x128xf32, #tpu.memory_space<vmem>>
      %dma_wait3A_653 = tpu.memref_squeeze %dma_wait3A_652 : memref<1x64x128xf32, #tpu.memory_space<vmem>> -> memref<64x128xf32, #tpu.memory_space<vmem>>
      %dma_wait3A_654 = arith.constant 0 : i32
      %dma_wait3A_655 = tpu.memref_slice %arg7[%dma_wait3A_648, %add3A_647, %dma_wait3A_654] : memref<2x32x64xi32, #tpu.memory_space<vmem>> -> memref<1x1x64xi32, #tpu.memory_space<vmem>>
      %dma_wait3A_656 = tpu.memref_squeeze %dma_wait3A_655 : memref<1x1x64xi32, #tpu.memory_space<vmem>> -> memref<64xi32, #tpu.memory_space<vmem>>
      %dma_wait3A_657 = arith.constant 0 : i32
      %dma_wait3A_658 = arith.constant 0 : i32
      %dma_wait3A_659 = tpu.memref_slice %arg4[%dma_wait3A_657, %dma_wait3A_658] : memref<10000x128xf32, #tpu.memory_space<hbm>> -> memref<10000x128xf32, #tpu.memory_space<hbm>>
      tpu.wait_indirect_dma semaphore(%arg14 : memref<!tpu.dma_semaphore, #tpu.memory_space<semaphore_mem>>) src(%dma_wait3A_659 : memref<10000x128xf32, #tpu.memory_space<hbm>>) dst(%dma_wait3A_653 : memref<64x128xf32, #tpu.memory_space<vmem>>)
      %run_scoped3A_660 = arith.constant 3 : i32
      %run_scoped3A_661 = arith.constant 1 : i32
      "tpu.region"() ({
        %run_scoped3A_669 = tpu.sem_alloc : memref<!tpu.dma_semaphore, #tpu.memory_space<semaphore_mem>>
        %dma_start3A_670 = arith.constant 0 : i32
        %dma_start3A_671 = arith.constant 0 : i32
        %dma_start3A_672 = tpu.memref_slice %arg9[%run_scoped3A_660, %dma_start3A_670, %dma_start3A_671] : memref<4x64x128xf32, #tpu.memory_space<vmem>> -> memref<1x64x128xf32, #tpu.memory_space<vmem>>
        %dma_start3A_673 = tpu.memref_squeeze %dma_start3A_672 : memref<1x64x128xf32, #tpu.memory_space<vmem>> -> memref<64x128xf32, #tpu.memory_space<vmem>>
        %dma_start3A_674 = arith.constant 0 : i32
        %dma_start3A_675 = tpu.memref_slice %arg8[%run_scoped3A_661, %add3A_647, %dma_start3A_674] : memref<2x32x64xi32, #tpu.memory_space<vmem>> -> memref<1x1x64xi32, #tpu.memory_space<vmem>>
        %dma_start3A_676 = tpu.memref_squeeze %dma_start3A_675 : memref<1x1x64xi32, #tpu.memory_space<vmem>> -> memref<64xi32, #tpu.memory_space<vmem>>
        %dma_start3A_677 = arith.constant 0 : i32
        %dma_start3A_678 = arith.constant 0 : i32
        %dma_start3A_679 = tpu.memref_slice %arg10[%dma_start3A_677, %dma_start3A_678] : memref<10240x128xf32, #tpu.memory_space<vmem_shared>> -> memref<10240x128xf32, #tpu.memory_space<vmem_shared>>
        tpu.enqueue_indirect_dma source(%dma_start3A_673 : memref<64x128xf32, #tpu.memory_space<vmem>>) target(%dma_start3A_679 : memref<10240x128xf32, #tpu.memory_space<vmem_shared>>) offsets(%dma_start3A_676 : memref<64xi32, #tpu.memory_space<vmem>>) semaphore(%run_scoped3A_669 : memref<!tpu.dma_semaphore, #tpu.memory_space<semaphore_mem>>) {add = true}
        %dma_wait3A_680 = arith.constant 0 : i32
        %dma_wait3A_681 = arith.constant 0 : i32
        %dma_wait3A_682 = tpu.memref_slice %arg9[%run_scoped3A_660, %dma_wait3A_680, %dma_wait3A_681] : memref<4x64x128xf32, #tpu.memory_space<vmem>> -> memref<1x64x128xf32, #tpu.memory_space<vmem>>
        %dma_wait3A_683 = tpu.memref_squeeze %dma_wait3A_682 : memref<1x64x128xf32, #tpu.memory_space<vmem>> -> memref<64x128xf32, #tpu.memory_space<vmem>>
        %dma_wait3A_684 = arith.constant 0 : i32
        %dma_wait3A_685 = tpu.memref_slice %arg8[%run_scoped3A_661, %add3A_647, %dma_wait3A_684] : memref<2x32x64xi32, #tpu.memory_space<vmem>> -> memref<1x1x64xi32, #tpu.memory_space<vmem>>
        %dma_wait3A_686 = tpu.memref_squeeze %dma_wait3A_685 : memref<1x1x64xi32, #tpu.memory_space<vmem>> -> memref<64xi32, #tpu.memory_space<vmem>>
        %dma_wait3A_687 = arith.constant 0 : i32
        %dma_wait3A_688 = arith.constant 0 : i32
        %dma_wait3A_689 = tpu.memref_slice %arg10[%dma_wait3A_687, %dma_wait3A_688] : memref<10240x128xf32, #tpu.memory_space<vmem_shared>> -> memref<10240x128xf32, #tpu.memory_space<vmem_shared>>
        tpu.wait_indirect_dma semaphore(%run_scoped3A_669 : memref<!tpu.dma_semaphore, #tpu.memory_space<semaphore_mem>>) src(%dma_wait3A_683 : memref<64x128xf32, #tpu.memory_space<vmem>>) dst(%dma_wait3A_689 : memref<10240x128xf32, #tpu.memory_space<vmem_shared>>)
        tpu.yield
      }) : () -> ()
      %add3A_662 = arith.constant 4 : i32
      %add3A_663 = arith.addi %add3A_647, %add3A_662 : i32
      %lt3A_664 = arith.constant 32 : i32
      %lt3A_665 = arith.cmpi slt, %add3A_663, %lt3A_664 : i32
      %convert_element_type3A_666 = arith.extui %lt3A_665 : i1 to i32
      %cond3A_667 = arith.constant 0 : i32
      %cond3A_668 = arith.cmpi ne, %convert_element_type3A_666, %cond3A_667 : i32
      scf.if %cond3A_668 {
        %add3A_669 = arith.constant 4 : i32
        %add3A_670 = arith.addi %add3A_647, %add3A_669 : i32
        %dma_start3A_671 = arith.constant 1 : i32
        %dma_start3A_672 = arith.constant 3 : i32
        %dma_start3A_673 = arith.constant 0 : i32
        %dma_start3A_674 = arith.constant 0 : i32
        %dma_start3A_675 = tpu.memref_slice %arg9[%dma_start3A_672, %dma_start3A_673, %dma_start3A_674] : memref<4x64x128xf32, #tpu.memory_space<vmem>> -> memref<1x64x128xf32, #tpu.memory_space<vmem>>
        %dma_start3A_676 = tpu.memref_squeeze %dma_start3A_675 : memref<1x64x128xf32, #tpu.memory_space<vmem>> -> memref<64x128xf32, #tpu.memory_space<vmem>>
        %dma_start3A_677 = arith.constant 0 : i32
        %dma_start3A_678 = tpu.memref_slice %arg7[%dma_start3A_671, %add3A_670, %dma_start3A_677] : memref<2x32x64xi32, #tpu.memory_space<vmem>> -> memref<1x1x64xi32, #tpu.memory_space<vmem>>
        %dma_start3A_679 = tpu.memref_squeeze %dma_start3A_678 : memref<1x1x64xi32, #tpu.memory_space<vmem>> -> memref<64xi32, #tpu.memory_space<vmem>>
        %dma_start3A_680 = arith.constant 0 : i32
        %dma_start3A_681 = arith.constant 0 : i32
        %dma_start3A_682 = tpu.memref_slice %arg4[%dma_start3A_680, %dma_start3A_681] : memref<10000x128xf32, #tpu.memory_space<hbm>> -> memref<10000x128xf32, #tpu.memory_space<hbm>>
        tpu.enqueue_indirect_dma source(%dma_start3A_682 : memref<10000x128xf32, #tpu.memory_space<hbm>>) target(%dma_start3A_676 : memref<64x128xf32, #tpu.memory_space<vmem>>) offsets(%dma_start3A_679 : memref<64xi32, #tpu.memory_space<vmem>>) semaphore(%arg14 : memref<!tpu.dma_semaphore, #tpu.memory_space<semaphore_mem>>)
      } else {
      }
    }
    %scan3A_481 = arith.constant 8 : i32
    %dma_wait3A_482 = arith.constant 0 : i32
    %dma_wait3A_483 = arith.constant 0 : i32
    %dma_wait3A_484 = arith.constant 0 : i32
    %dma_wait3A_485 = tpu.memref_slice %arg7[%dma_wait3A_482, %dma_wait3A_483, %dma_wait3A_484] : memref<2x32x64xi32, #tpu.memory_space<vmem>> -> memref<1x32x64xi32, #tpu.memory_space<vmem>>
    %dma_wait3A_486 = tpu.memref_squeeze %dma_wait3A_485 : memref<1x32x64xi32, #tpu.memory_space<vmem>> -> memref<32x64xi32, #tpu.memory_space<vmem>>
    %dma_wait3A_487 = arith.constant 0 : i32
    %dma_wait3A_488 = tpu.memref_slice %arg2[%mul3A_52, %dma_wait3A_487] : memref<5120x64xi32, #tpu.memory_space<hbm>> -> memref<32x64xi32, #tpu.memory_space<hbm>>
    %dma_wait3A_489 = arith.constant 0 : i32
    %dma_wait3A_490 = arith.constant 0 : i32
    %dma_wait3A_491 = tpu.memref_slice %arg7[%dma_wait3A_482, %dma_wait3A_489, %dma_wait3A_490] : memref<2x32x64xi32, #tpu.memory_space<vmem>> -> memref<1x32x64xi32, #tpu.memory_space<vmem>>
    %dma_wait3A_492 = tpu.memref_squeeze %dma_wait3A_491 : memref<1x32x64xi32, #tpu.memory_space<vmem>> -> memref<32x64xi32, #tpu.memory_space<vmem>>
    %dma_wait3A_493 = arith.constant 0 : i32
    %dma_wait3A_494 = tpu.memref_slice %arg2[%mul3A_52, %dma_wait3A_493] : memref<5120x64xi32, #tpu.memory_space<hbm>> -> memref<32x64xi32, #tpu.memory_space<hbm>>
    tpu.wait_dma2 semaphore(%arg15 : memref<!tpu.dma_semaphore, #tpu.memory_space<semaphore_mem>>) src(%dma_wait3A_494 : memref<32x64xi32, #tpu.memory_space<hbm>>) dst(%dma_wait3A_492 : memref<32x64xi32, #tpu.memory_space<vmem>>)
    %dma_wait3A_495 = arith.constant 0 : i32
    %dma_wait3A_496 = arith.constant 0 : i32
    %dma_wait3A_497 = arith.constant 0 : i32
    %dma_wait3A_498 = tpu.memref_slice %arg8[%dma_wait3A_495, %dma_wait3A_496, %dma_wait3A_497] : memref<2x32x64xi32, #tpu.memory_space<vmem>> -> memref<1x32x64xi32, #tpu.memory_space<vmem>>
    %dma_wait3A_499 = tpu.memref_squeeze %dma_wait3A_498 : memref<1x32x64xi32, #tpu.memory_space<vmem>> -> memref<32x64xi32, #tpu.memory_space<vmem>>
    %dma_wait3A_500 = arith.constant 0 : i32
    %dma_wait3A_501 = tpu.memref_slice %arg3[%mul3A_52, %dma_wait3A_500] : memref<5120x64xi32, #tpu.memory_space<hbm>> -> memref<32x64xi32, #tpu.memory_space<hbm>>
    %dma_wait3A_502 = arith.constant 0 : i32
    %dma_wait3A_503 = arith.constant 0 : i32
    %dma_wait3A_504 = tpu.memref_slice %arg8[%dma_wait3A_495, %dma_wait3A_502, %dma_wait3A_503] : memref<2x32x64xi32, #tpu.memory_space<vmem>> -> memref<1x32x64xi32, #tpu.memory_space<vmem>>
    %dma_wait3A_505 = tpu.memref_squeeze %dma_wait3A_504 : memref<1x32x64xi32, #tpu.memory_space<vmem>> -> memref<32x64xi32, #tpu.memory_space<vmem>>
    %dma_wait3A_506 = arith.constant 0 : i32
    %dma_wait3A_507 = tpu.memref_slice %arg3[%mul3A_52, %dma_wait3A_506] : memref<5120x64xi32, #tpu.memory_space<hbm>> -> memref<32x64xi32, #tpu.memory_space<hbm>>
    tpu.wait_dma2 semaphore(%arg15 : memref<!tpu.dma_semaphore, #tpu.memory_space<semaphore_mem>>) src(%dma_wait3A_507 : memref<32x64xi32, #tpu.memory_space<hbm>>) dst(%dma_wait3A_505 : memref<32x64xi32, #tpu.memory_space<vmem>>)
    %dma_start3A_508 = arith.constant 0 : i32
    %dma_start3A_509 = arith.constant 0 : i32
    %dma_start3A_510 = arith.constant 0 : i32
    %dma_start3A_511 = arith.constant 0 : i32
    %dma_start3A_512 = arith.constant 0 : i32
    %dma_start3A_513 = tpu.memref_slice %arg9[%dma_start3A_510, %dma_start3A_511, %dma_start3A_512] : memref<4x64x128xf32, #tpu.memory_space<vmem>> -> memref<1x64x128xf32, #tpu.memory_space<vmem>>
    %dma_start3A_514 = tpu.memref_squeeze %dma_start3A_513 : memref<1x64x128xf32, #tpu.memory_space<vmem>> -> memref<64x128xf32, #tpu.memory_space<vmem>>
    %dma_start3A_515 = arith.constant 0 : i32
    %dma_start3A_516 = tpu.memref_slice %arg7[%dma_start3A_508, %dma_start3A_509, %dma_start3A_515] : memref<2x32x64xi32, #tpu.memory_space<vmem>> -> memref<1x1x64xi32, #tpu.memory_space<vmem>>
    %dma_start3A_517 = tpu.memref_squeeze %dma_start3A_516 : memref<1x1x64xi32, #tpu.memory_space<vmem>> -> memref<64xi32, #tpu.memory_space<vmem>>
    %dma_start3A_518 = arith.constant 0 : i32
    %dma_start3A_519 = arith.constant 0 : i32
    %dma_start3A_520 = tpu.memref_slice %arg4[%dma_start3A_518, %dma_start3A_519] : memref<10000x128xf32, #tpu.memory_space<hbm>> -> memref<10000x128xf32, #tpu.memory_space<hbm>>
    tpu.enqueue_indirect_dma source(%dma_start3A_520 : memref<10000x128xf32, #tpu.memory_space<hbm>>) target(%dma_start3A_514 : memref<64x128xf32, #tpu.memory_space<vmem>>) offsets(%dma_start3A_517 : memref<64xi32, #tpu.memory_space<vmem>>) semaphore(%arg11 : memref<!tpu.dma_semaphore, #tpu.memory_space<semaphore_mem>>)
    %dma_start3A_521 = arith.constant 0 : i32
    %dma_start3A_522 = arith.constant 1 : i32
    %dma_start3A_523 = arith.constant 1 : i32
    %dma_start3A_524 = arith.constant 0 : i32
    %dma_start3A_525 = arith.constant 0 : i32
    %dma_start3A_526 = tpu.memref_slice %arg9[%dma_start3A_523, %dma_start3A_524, %dma_start3A_525] : memref<4x64x128xf32, #tpu.memory_space<vmem>> -> memref<1x64x128xf32, #tpu.memory_space<vmem>>
    %dma_start3A_527 = tpu.memref_squeeze %dma_start3A_526 : memref<1x64x128xf32, #tpu.memory_space<vmem>> -> memref<64x128xf32, #tpu.memory_space<vmem>>
    %dma_start3A_528 = arith.constant 0 : i32
    %dma_start3A_529 = tpu.memref_slice %arg7[%dma_start3A_521, %dma_start3A_522, %dma_start3A_528] : memref<2x32x64xi32, #tpu.memory_space<vmem>> -> memref<1x1x64xi32, #tpu.memory_space<vmem>>
    %dma_start3A_530 = tpu.memref_squeeze %dma_start3A_529 : memref<1x1x64xi32, #tpu.memory_space<vmem>> -> memref<64xi32, #tpu.memory_space<vmem>>
    %dma_start3A_531 = arith.constant 0 : i32
    %dma_start3A_532 = arith.constant 0 : i32
    %dma_start3A_533 = tpu.memref_slice %arg4[%dma_start3A_531, %dma_start3A_532] : memref<10000x128xf32, #tpu.memory_space<hbm>> -> memref<10000x128xf32, #tpu.memory_space<hbm>>
    tpu.enqueue_indirect_dma source(%dma_start3A_533 : memref<10000x128xf32, #tpu.memory_space<hbm>>) target(%dma_start3A_527 : memref<64x128xf32, #tpu.memory_space<vmem>>) offsets(%dma_start3A_530 : memref<64xi32, #tpu.memory_space<vmem>>) semaphore(%arg12 : memref<!tpu.dma_semaphore, #tpu.memory_space<semaphore_mem>>)
    %dma_start3A_534 = arith.constant 0 : i32
    %dma_start3A_535 = arith.constant 2 : i32
    %dma_start3A_536 = arith.constant 2 : i32
    %dma_start3A_537 = arith.constant 0 : i32
    %dma_start3A_538 = arith.constant 0 : i32
    %dma_start3A_539 = tpu.memref_slice %arg9[%dma_start3A_536, %dma_start3A_537, %dma_start3A_538] : memref<4x64x128xf32, #tpu.memory_space<vmem>> -> memref<1x64x128xf32, #tpu.memory_space<vmem>>
    %dma_start3A_540 = tpu.memref_squeeze %dma_start3A_539 : memref<1x64x128xf32, #tpu.memory_space<vmem>> -> memref<64x128xf32, #tpu.memory_space<vmem>>
    %dma_start3A_541 = arith.constant 0 : i32
    %dma_start3A_542 = tpu.memref_slice %arg7[%dma_start3A_534, %dma_start3A_535, %dma_start3A_541] : memref<2x32x64xi32, #tpu.memory_space<vmem>> -> memref<1x1x64xi32, #tpu.memory_space<vmem>>
    %dma_start3A_543 = tpu.memref_squeeze %dma_start3A_542 : memref<1x1x64xi32, #tpu.memory_space<vmem>> -> memref<64xi32, #tpu.memory_space<vmem>>
    %dma_start3A_544 = arith.constant 0 : i32
    %dma_start3A_545 = arith.constant 0 : i32
    %dma_start3A_546 = tpu.memref_slice %arg4[%dma_start3A_544, %dma_start3A_545] : memref<10000x128xf32, #tpu.memory_space<hbm>> -> memref<10000x128xf32, #tpu.memory_space<hbm>>
    tpu.enqueue_indirect_dma source(%dma_start3A_546 : memref<10000x128xf32, #tpu.memory_space<hbm>>) target(%dma_start3A_540 : memref<64x128xf32, #tpu.memory_space<vmem>>) offsets(%dma_start3A_543 : memref<64xi32, #tpu.memory_space<vmem>>) semaphore(%arg13 : memref<!tpu.dma_semaphore, #tpu.memory_space<semaphore_mem>>)
    %dma_start3A_547 = arith.constant 0 : i32
    %dma_start3A_548 = arith.constant 3 : i32
    %dma_start3A_549 = arith.constant 3 : i32
    %dma_start3A_550 = arith.constant 0 : i32
    %dma_start3A_551 = arith.constant 0 : i32
    %dma_start3A_552 = tpu.memref_slice %arg9[%dma_start3A_549, %dma_start3A_550, %dma_start3A_551] : memref<4x64x128xf32, #tpu.memory_space<vmem>> -> memref<1x64x128xf32, #tpu.memory_space<vmem>>
    %dma_start3A_553 = tpu.memref_squeeze %dma_start3A_552 : memref<1x64x128xf32, #tpu.memory_space<vmem>> -> memref<64x128xf32, #tpu.memory_space<vmem>>
    %dma_start3A_554 = arith.constant 0 : i32
    %dma_start3A_555 = tpu.memref_slice %arg7[%dma_start3A_547, %dma_start3A_548, %dma_start3A_554] : memref<2x32x64xi32, #tpu.memory_space<vmem>> -> memref<1x1x64xi32, #tpu.memory_space<vmem>>
    %dma_start3A_556 = tpu.memref_squeeze %dma_start3A_555 : memref<1x1x64xi32, #tpu.memory_space<vmem>> -> memref<64xi32, #tpu.memory_space<vmem>>
    %dma_start3A_557 = arith.constant 0 : i32
    %dma_start3A_558 = arith.constant 0 : i32
    %dma_start3A_559 = tpu.memref_slice %arg4[%dma_start3A_557, %dma_start3A_558] : memref<10000x128xf32, #tpu.memory_space<hbm>> -> memref<10000x128xf32, #tpu.memory_space<hbm>>
    tpu.enqueue_indirect_dma source(%dma_start3A_559 : memref<10000x128xf32, #tpu.memory_space<hbm>>) target(%dma_start3A_553 : memref<64x128xf32, #tpu.memory_space<vmem>>) offsets(%dma_start3A_556 : memref<64xi32, #tpu.memory_space<vmem>>) semaphore(%arg14 : memref<!tpu.dma_semaphore, #tpu.memory_space<semaphore_mem>>)
    %scan3A_560 = arith.constant 0 : i32
    %scan3A_561 = arith.constant 0 : i32
    %scan3A_562 = arith.constant 8 : i32
    %scan3A_563 = arith.addi %scan3A_561, %scan3A_562 : i32
    %scan3A_564 = arith.constant 1 : i32
    scf.for %scan3A_571 = %scan3A_561 to %scan3A_563 step %scan3A_564  : i32 {
      %mul3A_572 = arith.constant 4 : i32
      %mul3A_573 = arith.muli %mul3A_572, %scan3A_571 : i32
      %add3A_574 = arith.constant 0 : i32
      %add3A_575 = arith.addi %mul3A_573, %add3A_574 : i32
      %dma_wait3A_576 = arith.constant 0 : i32
      %dma_wait3A_577 = arith.constant 0 : i32
      %dma_wait3A_578 = arith.constant 0 : i32
      %dma_wait3A_579 = arith.constant 0 : i32
      %dma_wait3A_580 = tpu.memref_slice %arg9[%dma_wait3A_577, %dma_wait3A_578, %dma_wait3A_579] : memref<4x64x128xf32, #tpu.memory_space<vmem>> -> memref<1x64x128xf32, #tpu.memory_space<vmem>>
      %dma_wait3A_581 = tpu.memref_squeeze %dma_wait3A_580 : memref<1x64x128xf32, #tpu.memory_space<vmem>> -> memref<64x128xf32, #tpu.memory_space<vmem>>
      %dma_wait3A_582 = arith.constant 0 : i32
      %dma_wait3A_583 = tpu.memref_slice %arg7[%dma_wait3A_576, %add3A_575, %dma_wait3A_582] : memref<2x32x64xi32, #tpu.memory_space<vmem>> -> memref<1x1x64xi32, #tpu.memory_space<vmem>>
      %dma_wait3A_584 = tpu.memref_squeeze %dma_wait3A_583 : memref<1x1x64xi32, #tpu.memory_space<vmem>> -> memref<64xi32, #tpu.memory_space<vmem>>
      %dma_wait3A_585 = arith.constant 0 : i32
      %dma_wait3A_586 = arith.constant 0 : i32
      %dma_wait3A_587 = tpu.memref_slice %arg4[%dma_wait3A_585, %dma_wait3A_586] : memref<10000x128xf32, #tpu.memory_space<hbm>> -> memref<10000x128xf32, #tpu.memory_space<hbm>>
      tpu.wait_indirect_dma semaphore(%arg11 : memref<!tpu.dma_semaphore, #tpu.memory_space<semaphore_mem>>) src(%dma_wait3A_587 : memref<10000x128xf32, #tpu.memory_space<hbm>>) dst(%dma_wait3A_581 : memref<64x128xf32, #tpu.memory_space<vmem>>)
      %run_scoped3A_588 = arith.constant 0 : i32
      %run_scoped3A_589 = arith.constant 0 : i32
      "tpu.region"() ({
        %run_scoped3A_669 = tpu.sem_alloc : memref<!tpu.dma_semaphore, #tpu.memory_space<semaphore_mem>>
        %dma_start3A_670 = arith.constant 0 : i32
        %dma_start3A_671 = arith.constant 0 : i32
        %dma_start3A_672 = tpu.memref_slice %arg9[%run_scoped3A_588, %dma_start3A_670, %dma_start3A_671] : memref<4x64x128xf32, #tpu.memory_space<vmem>> -> memref<1x64x128xf32, #tpu.memory_space<vmem>>
        %dma_start3A_673 = tpu.memref_squeeze %dma_start3A_672 : memref<1x64x128xf32, #tpu.memory_space<vmem>> -> memref<64x128xf32, #tpu.memory_space<vmem>>
        %dma_start3A_674 = arith.constant 0 : i32
        %dma_start3A_675 = tpu.memref_slice %arg8[%run_scoped3A_589, %add3A_575, %dma_start3A_674] : memref<2x32x64xi32, #tpu.memory_space<vmem>> -> memref<1x1x64xi32, #tpu.memory_space<vmem>>
        %dma_start3A_676 = tpu.memref_squeeze %dma_start3A_675 : memref<1x1x64xi32, #tpu.memory_space<vmem>> -> memref<64xi32, #tpu.memory_space<vmem>>
        %dma_start3A_677 = arith.constant 0 : i32
        %dma_start3A_678 = arith.constant 0 : i32
        %dma_start3A_679 = tpu.memref_slice %arg10[%dma_start3A_677, %dma_start3A_678] : memref<10240x128xf32, #tpu.memory_space<vmem_shared>> -> memref<10240x128xf32, #tpu.memory_space<vmem_shared>>
        tpu.enqueue_indirect_dma source(%dma_start3A_673 : memref<64x128xf32, #tpu.memory_space<vmem>>) target(%dma_start3A_679 : memref<10240x128xf32, #tpu.memory_space<vmem_shared>>) offsets(%dma_start3A_676 : memref<64xi32, #tpu.memory_space<vmem>>) semaphore(%run_scoped3A_669 : memref<!tpu.dma_semaphore, #tpu.memory_space<semaphore_mem>>) {add = true}
        %dma_wait3A_680 = arith.constant 0 : i32
        %dma_wait3A_681 = arith.constant 0 : i32
        %dma_wait3A_682 = tpu.memref_slice %arg9[%run_scoped3A_588, %dma_wait3A_680, %dma_wait3A_681] : memref<4x64x128xf32, #tpu.memory_space<vmem>> -> memref<1x64x128xf32, #tpu.memory_space<vmem>>
        %dma_wait3A_683 = tpu.memref_squeeze %dma_wait3A_682 : memref<1x64x128xf32, #tpu.memory_space<vmem>> -> memref<64x128xf32, #tpu.memory_space<vmem>>
        %dma_wait3A_684 = arith.constant 0 : i32
        %dma_wait3A_685 = tpu.memref_slice %arg8[%run_scoped3A_589, %add3A_575, %dma_wait3A_684] : memref<2x32x64xi32, #tpu.memory_space<vmem>> -> memref<1x1x64xi32, #tpu.memory_space<vmem>>
        %dma_wait3A_686 = tpu.memref_squeeze %dma_wait3A_685 : memref<1x1x64xi32, #tpu.memory_space<vmem>> -> memref<64xi32, #tpu.memory_space<vmem>>
        %dma_wait3A_687 = arith.constant 0 : i32
        %dma_wait3A_688 = arith.constant 0 : i32
        %dma_wait3A_689 = tpu.memref_slice %arg10[%dma_wait3A_687, %dma_wait3A_688] : memref<10240x128xf32, #tpu.memory_space<vmem_shared>> -> memref<10240x128xf32, #tpu.memory_space<vmem_shared>>
        tpu.wait_indirect_dma semaphore(%run_scoped3A_669 : memref<!tpu.dma_semaphore, #tpu.memory_space<semaphore_mem>>) src(%dma_wait3A_683 : memref<64x128xf32, #tpu.memory_space<vmem>>) dst(%dma_wait3A_689 : memref<10240x128xf32, #tpu.memory_space<vmem_shared>>)
        tpu.yield
      }) : () -> ()
      %add3A_590 = arith.constant 4 : i32
      %add3A_591 = arith.addi %add3A_575, %add3A_590 : i32
      %lt3A = arith.constant 32 : i32
      %lt3A_592 = arith.cmpi slt, %add3A_591, %lt3A : i32
      %convert_element_type3A = arith.extui %lt3A_592 : i1 to i32
      %cond3A = arith.constant 0 : i32
      %cond3A_593 = arith.cmpi ne, %convert_element_type3A, %cond3A : i32
      scf.if %cond3A_593 {
        %add3A_669 = arith.constant 4 : i32
        %add3A_670 = arith.addi %add3A_575, %add3A_669 : i32
        %dma_start3A_671 = arith.constant 0 : i32
        %dma_start3A_672 = arith.constant 0 : i32
        %dma_start3A_673 = arith.constant 0 : i32
        %dma_start3A_674 = arith.constant 0 : i32
        %dma_start3A_675 = tpu.memref_slice %arg9[%dma_start3A_672, %dma_start3A_673, %dma_start3A_674] : memref<4x64x128xf32, #tpu.memory_space<vmem>> -> memref<1x64x128xf32, #tpu.memory_space<vmem>>
        %dma_start3A_676 = tpu.memref_squeeze %dma_start3A_675 : memref<1x64x128xf32, #tpu.memory_space<vmem>> -> memref<64x128xf32, #tpu.memory_space<vmem>>
        %dma_start3A_677 = arith.constant 0 : i32
        %dma_start3A_678 = tpu.memref_slice %arg7[%dma_start3A_671, %add3A_670, %dma_start3A_677] : memref<2x32x64xi32, #tpu.memory_space<vmem>> -> memref<1x1x64xi32, #tpu.memory_space<vmem>>
        %dma_start3A_679 = tpu.memref_squeeze %dma_start3A_678 : memref<1x1x64xi32, #tpu.memory_space<vmem>> -> memref<64xi32, #tpu.memory_space<vmem>>
        %dma_start3A_680 = arith.constant 0 : i32
        %dma_start3A_681 = arith.constant 0 : i32
        %dma_start3A_682 = tpu.memref_slice %arg4[%dma_start3A_680, %dma_start3A_681] : memref<10000x128xf32, #tpu.memory_space<hbm>> -> memref<10000x128xf32, #tpu.memory_space<hbm>>
        tpu.enqueue_indirect_dma source(%dma_start3A_682 : memref<10000x128xf32, #tpu.memory_space<hbm>>) target(%dma_start3A_676 : memref<64x128xf32, #tpu.memory_space<vmem>>) offsets(%dma_start3A_679 : memref<64xi32, #tpu.memory_space<vmem>>) semaphore(%arg11 : memref<!tpu.dma_semaphore, #tpu.memory_space<semaphore_mem>>)
      } else {
      }
      %mul3A_594 = arith.constant 4 : i32
      %mul3A_595 = arith.muli %mul3A_594, %scan3A_571 : i32
      %add3A_596 = arith.constant 1 : i32
      %add3A_597 = arith.addi %mul3A_595, %add3A_596 : i32
      %dma_wait3A_598 = arith.constant 0 : i32
      %dma_wait3A_599 = arith.constant 1 : i32
      %dma_wait3A_600 = arith.constant 0 : i32
      %dma_wait3A_601 = arith.constant 0 : i32
      %dma_wait3A_602 = tpu.memref_slice %arg9[%dma_wait3A_599, %dma_wait3A_600, %dma_wait3A_601] : memref<4x64x128xf32, #tpu.memory_space<vmem>> -> memref<1x64x128xf32, #tpu.memory_space<vmem>>
      %dma_wait3A_603 = tpu.memref_squeeze %dma_wait3A_602 : memref<1x64x128xf32, #tpu.memory_space<vmem>> -> memref<64x128xf32, #tpu.memory_space<vmem>>
      %dma_wait3A_604 = arith.constant 0 : i32
      %dma_wait3A_605 = tpu.memref_slice %arg7[%dma_wait3A_598, %add3A_597, %dma_wait3A_604] : memref<2x32x64xi32, #tpu.memory_space<vmem>> -> memref<1x1x64xi32, #tpu.memory_space<vmem>>
      %dma_wait3A_606 = tpu.memref_squeeze %dma_wait3A_605 : memref<1x1x64xi32, #tpu.memory_space<vmem>> -> memref<64xi32, #tpu.memory_space<vmem>>
      %dma_wait3A_607 = arith.constant 0 : i32
      %dma_wait3A_608 = arith.constant 0 : i32
      %dma_wait3A_609 = tpu.memref_slice %arg4[%dma_wait3A_607, %dma_wait3A_608] : memref<10000x128xf32, #tpu.memory_space<hbm>> -> memref<10000x128xf32, #tpu.memory_space<hbm>>
      tpu.wait_indirect_dma semaphore(%arg12 : memref<!tpu.dma_semaphore, #tpu.memory_space<semaphore_mem>>) src(%dma_wait3A_609 : memref<10000x128xf32, #tpu.memory_space<hbm>>) dst(%dma_wait3A_603 : memref<64x128xf32, #tpu.memory_space<vmem>>)
      %run_scoped3A_610 = arith.constant 1 : i32
      %run_scoped3A_611 = arith.constant 0 : i32
      "tpu.region"() ({
        %run_scoped3A_669 = tpu.sem_alloc : memref<!tpu.dma_semaphore, #tpu.memory_space<semaphore_mem>>
        %dma_start3A_670 = arith.constant 0 : i32
        %dma_start3A_671 = arith.constant 0 : i32
        %dma_start3A_672 = tpu.memref_slice %arg9[%run_scoped3A_610, %dma_start3A_670, %dma_start3A_671] : memref<4x64x128xf32, #tpu.memory_space<vmem>> -> memref<1x64x128xf32, #tpu.memory_space<vmem>>
        %dma_start3A_673 = tpu.memref_squeeze %dma_start3A_672 : memref<1x64x128xf32, #tpu.memory_space<vmem>> -> memref<64x128xf32, #tpu.memory_space<vmem>>
        %dma_start3A_674 = arith.constant 0 : i32
        %dma_start3A_675 = tpu.memref_slice %arg8[%run_scoped3A_611, %add3A_597, %dma_start3A_674] : memref<2x32x64xi32, #tpu.memory_space<vmem>> -> memref<1x1x64xi32, #tpu.memory_space<vmem>>
        %dma_start3A_676 = tpu.memref_squeeze %dma_start3A_675 : memref<1x1x64xi32, #tpu.memory_space<vmem>> -> memref<64xi32, #tpu.memory_space<vmem>>
        %dma_start3A_677 = arith.constant 0 : i32
        %dma_start3A_678 = arith.constant 0 : i32
        %dma_start3A_679 = tpu.memref_slice %arg10[%dma_start3A_677, %dma_start3A_678] : memref<10240x128xf32, #tpu.memory_space<vmem_shared>> -> memref<10240x128xf32, #tpu.memory_space<vmem_shared>>
        tpu.enqueue_indirect_dma source(%dma_start3A_673 : memref<64x128xf32, #tpu.memory_space<vmem>>) target(%dma_start3A_679 : memref<10240x128xf32, #tpu.memory_space<vmem_shared>>) offsets(%dma_start3A_676 : memref<64xi32, #tpu.memory_space<vmem>>) semaphore(%run_scoped3A_669 : memref<!tpu.dma_semaphore, #tpu.memory_space<semaphore_mem>>) {add = true}
        %dma_wait3A_680 = arith.constant 0 : i32
        %dma_wait3A_681 = arith.constant 0 : i32
        %dma_wait3A_682 = tpu.memref_slice %arg9[%run_scoped3A_610, %dma_wait3A_680, %dma_wait3A_681] : memref<4x64x128xf32, #tpu.memory_space<vmem>> -> memref<1x64x128xf32, #tpu.memory_space<vmem>>
        %dma_wait3A_683 = tpu.memref_squeeze %dma_wait3A_682 : memref<1x64x128xf32, #tpu.memory_space<vmem>> -> memref<64x128xf32, #tpu.memory_space<vmem>>
        %dma_wait3A_684 = arith.constant 0 : i32
        %dma_wait3A_685 = tpu.memref_slice %arg8[%run_scoped3A_611, %add3A_597, %dma_wait3A_684] : memref<2x32x64xi32, #tpu.memory_space<vmem>> -> memref<1x1x64xi32, #tpu.memory_space<vmem>>
        %dma_wait3A_686 = tpu.memref_squeeze %dma_wait3A_685 : memref<1x1x64xi32, #tpu.memory_space<vmem>> -> memref<64xi32, #tpu.memory_space<vmem>>
        %dma_wait3A_687 = arith.constant 0 : i32
        %dma_wait3A_688 = arith.constant 0 : i32
        %dma_wait3A_689 = tpu.memref_slice %arg10[%dma_wait3A_687, %dma_wait3A_688] : memref<10240x128xf32, #tpu.memory_space<vmem_shared>> -> memref<10240x128xf32, #tpu.memory_space<vmem_shared>>
        tpu.wait_indirect_dma semaphore(%run_scoped3A_669 : memref<!tpu.dma_semaphore, #tpu.memory_space<semaphore_mem>>) src(%dma_wait3A_683 : memref<64x128xf32, #tpu.memory_space<vmem>>) dst(%dma_wait3A_689 : memref<10240x128xf32, #tpu.memory_space<vmem_shared>>)
        tpu.yield
      }) : () -> ()
      %add3A_612 = arith.constant 4 : i32
      %add3A_613 = arith.addi %add3A_597, %add3A_612 : i32
      %lt3A_614 = arith.constant 32 : i32
      %lt3A_615 = arith.cmpi slt, %add3A_613, %lt3A_614 : i32
      %convert_element_type3A_616 = arith.extui %lt3A_615 : i1 to i32
      %cond3A_617 = arith.constant 0 : i32
      %cond3A_618 = arith.cmpi ne, %convert_element_type3A_616, %cond3A_617 : i32
      scf.if %cond3A_618 {
        %add3A_669 = arith.constant 4 : i32
        %add3A_670 = arith.addi %add3A_597, %add3A_669 : i32
        %dma_start3A_671 = arith.constant 0 : i32
        %dma_start3A_672 = arith.constant 1 : i32
        %dma_start3A_673 = arith.constant 0 : i32
        %dma_start3A_674 = arith.constant 0 : i32
        %dma_start3A_675 = tpu.memref_slice %arg9[%dma_start3A_672, %dma_start3A_673, %dma_start3A_674] : memref<4x64x128xf32, #tpu.memory_space<vmem>> -> memref<1x64x128xf32, #tpu.memory_space<vmem>>
        %dma_start3A_676 = tpu.memref_squeeze %dma_start3A_675 : memref<1x64x128xf32, #tpu.memory_space<vmem>> -> memref<64x128xf32, #tpu.memory_space<vmem>>
        %dma_start3A_677 = arith.constant 0 : i32
        %dma_start3A_678 = tpu.memref_slice %arg7[%dma_start3A_671, %add3A_670, %dma_start3A_677] : memref<2x32x64xi32, #tpu.memory_space<vmem>> -> memref<1x1x64xi32, #tpu.memory_space<vmem>>
        %dma_start3A_679 = tpu.memref_squeeze %dma_start3A_678 : memref<1x1x64xi32, #tpu.memory_space<vmem>> -> memref<64xi32, #tpu.memory_space<vmem>>
        %dma_start3A_680 = arith.constant 0 : i32
        %dma_start3A_681 = arith.constant 0 : i32
        %dma_start3A_682 = tpu.memref_slice %arg4[%dma_start3A_680, %dma_start3A_681] : memref<10000x128xf32, #tpu.memory_space<hbm>> -> memref<10000x128xf32, #tpu.memory_space<hbm>>
        tpu.enqueue_indirect_dma source(%dma_start3A_682 : memref<10000x128xf32, #tpu.memory_space<hbm>>) target(%dma_start3A_676 : memref<64x128xf32, #tpu.memory_space<vmem>>) offsets(%dma_start3A_679 : memref<64xi32, #tpu.memory_space<vmem>>) semaphore(%arg12 : memref<!tpu.dma_semaphore, #tpu.memory_space<semaphore_mem>>)
      } else {
      }
      %mul3A_619 = arith.constant 4 : i32
      %mul3A_620 = arith.muli %mul3A_619, %scan3A_571 : i32
      %add3A_621 = arith.constant 2 : i32
      %add3A_622 = arith.addi %mul3A_620, %add3A_621 : i32
      %dma_wait3A_623 = arith.constant 0 : i32
      %dma_wait3A_624 = arith.constant 2 : i32
      %dma_wait3A_625 = arith.constant 0 : i32
      %dma_wait3A_626 = arith.constant 0 : i32
      %dma_wait3A_627 = tpu.memref_slice %arg9[%dma_wait3A_624, %dma_wait3A_625, %dma_wait3A_626] : memref<4x64x128xf32, #tpu.memory_space<vmem>> -> memref<1x64x128xf32, #tpu.memory_space<vmem>>
      %dma_wait3A_628 = tpu.memref_squeeze %dma_wait3A_627 : memref<1x64x128xf32, #tpu.memory_space<vmem>> -> memref<64x128xf32, #tpu.memory_space<vmem>>
      %dma_wait3A_629 = arith.constant 0 : i32
      %dma_wait3A_630 = tpu.memref_slice %arg7[%dma_wait3A_623, %add3A_622, %dma_wait3A_629] : memref<2x32x64xi32, #tpu.memory_space<vmem>> -> memref<1x1x64xi32, #tpu.memory_space<vmem>>
      %dma_wait3A_631 = tpu.memref_squeeze %dma_wait3A_630 : memref<1x1x64xi32, #tpu.memory_space<vmem>> -> memref<64xi32, #tpu.memory_space<vmem>>
      %dma_wait3A_632 = arith.constant 0 : i32
      %dma_wait3A_633 = arith.constant 0 : i32
      %dma_wait3A_634 = tpu.memref_slice %arg4[%dma_wait3A_632, %dma_wait3A_633] : memref<10000x128xf32, #tpu.memory_space<hbm>> -> memref<10000x128xf32, #tpu.memory_space<hbm>>
      tpu.wait_indirect_dma semaphore(%arg13 : memref<!tpu.dma_semaphore, #tpu.memory_space<semaphore_mem>>) src(%dma_wait3A_634 : memref<10000x128xf32, #tpu.memory_space<hbm>>) dst(%dma_wait3A_628 : memref<64x128xf32, #tpu.memory_space<vmem>>)
      %run_scoped3A_635 = arith.constant 2 : i32
      %run_scoped3A_636 = arith.constant 0 : i32
      "tpu.region"() ({
        %run_scoped3A_669 = tpu.sem_alloc : memref<!tpu.dma_semaphore, #tpu.memory_space<semaphore_mem>>
        %dma_start3A_670 = arith.constant 0 : i32
        %dma_start3A_671 = arith.constant 0 : i32
        %dma_start3A_672 = tpu.memref_slice %arg9[%run_scoped3A_635, %dma_start3A_670, %dma_start3A_671] : memref<4x64x128xf32, #tpu.memory_space<vmem>> -> memref<1x64x128xf32, #tpu.memory_space<vmem>>
        %dma_start3A_673 = tpu.memref_squeeze %dma_start3A_672 : memref<1x64x128xf32, #tpu.memory_space<vmem>> -> memref<64x128xf32, #tpu.memory_space<vmem>>
        %dma_start3A_674 = arith.constant 0 : i32
        %dma_start3A_675 = tpu.memref_slice %arg8[%run_scoped3A_636, %add3A_622, %dma_start3A_674] : memref<2x32x64xi32, #tpu.memory_space<vmem>> -> memref<1x1x64xi32, #tpu.memory_space<vmem>>
        %dma_start3A_676 = tpu.memref_squeeze %dma_start3A_675 : memref<1x1x64xi32, #tpu.memory_space<vmem>> -> memref<64xi32, #tpu.memory_space<vmem>>
        %dma_start3A_677 = arith.constant 0 : i32
        %dma_start3A_678 = arith.constant 0 : i32
        %dma_start3A_679 = tpu.memref_slice %arg10[%dma_start3A_677, %dma_start3A_678] : memref<10240x128xf32, #tpu.memory_space<vmem_shared>> -> memref<10240x128xf32, #tpu.memory_space<vmem_shared>>
        tpu.enqueue_indirect_dma source(%dma_start3A_673 : memref<64x128xf32, #tpu.memory_space<vmem>>) target(%dma_start3A_679 : memref<10240x128xf32, #tpu.memory_space<vmem_shared>>) offsets(%dma_start3A_676 : memref<64xi32, #tpu.memory_space<vmem>>) semaphore(%run_scoped3A_669 : memref<!tpu.dma_semaphore, #tpu.memory_space<semaphore_mem>>) {add = true}
        %dma_wait3A_680 = arith.constant 0 : i32
        %dma_wait3A_681 = arith.constant 0 : i32
        %dma_wait3A_682 = tpu.memref_slice %arg9[%run_scoped3A_635, %dma_wait3A_680, %dma_wait3A_681] : memref<4x64x128xf32, #tpu.memory_space<vmem>> -> memref<1x64x128xf32, #tpu.memory_space<vmem>>
        %dma_wait3A_683 = tpu.memref_squeeze %dma_wait3A_682 : memref<1x64x128xf32, #tpu.memory_space<vmem>> -> memref<64x128xf32, #tpu.memory_space<vmem>>
        %dma_wait3A_684 = arith.constant 0 : i32
        %dma_wait3A_685 = tpu.memref_slice %arg8[%run_scoped3A_636, %add3A_622, %dma_wait3A_684] : memref<2x32x64xi32, #tpu.memory_space<vmem>> -> memref<1x1x64xi32, #tpu.memory_space<vmem>>
        %dma_wait3A_686 = tpu.memref_squeeze %dma_wait3A_685 : memref<1x1x64xi32, #tpu.memory_space<vmem>> -> memref<64xi32, #tpu.memory_space<vmem>>
        %dma_wait3A_687 = arith.constant 0 : i32
        %dma_wait3A_688 = arith.constant 0 : i32
        %dma_wait3A_689 = tpu.memref_slice %arg10[%dma_wait3A_687, %dma_wait3A_688] : memref<10240x128xf32, #tpu.memory_space<vmem_shared>> -> memref<10240x128xf32, #tpu.memory_space<vmem_shared>>
        tpu.wait_indirect_dma semaphore(%run_scoped3A_669 : memref<!tpu.dma_semaphore, #tpu.memory_space<semaphore_mem>>) src(%dma_wait3A_683 : memref<64x128xf32, #tpu.memory_space<vmem>>) dst(%dma_wait3A_689 : memref<10240x128xf32, #tpu.memory_space<vmem_shared>>)
        tpu.yield
      }) : () -> ()
      %add3A_637 = arith.constant 4 : i32
      %add3A_638 = arith.addi %add3A_622, %add3A_637 : i32
      %lt3A_639 = arith.constant 32 : i32
      %lt3A_640 = arith.cmpi slt, %add3A_638, %lt3A_639 : i32
      %convert_element_type3A_641 = arith.extui %lt3A_640 : i1 to i32
      %cond3A_642 = arith.constant 0 : i32
      %cond3A_643 = arith.cmpi ne, %convert_element_type3A_641, %cond3A_642 : i32
      scf.if %cond3A_643 {
        %add3A_669 = arith.constant 4 : i32
        %add3A_670 = arith.addi %add3A_622, %add3A_669 : i32
        %dma_start3A_671 = arith.constant 0 : i32
        %dma_start3A_672 = arith.constant 2 : i32
        %dma_start3A_673 = arith.constant 0 : i32
        %dma_start3A_674 = arith.constant 0 : i32
        %dma_start3A_675 = tpu.memref_slice %arg9[%dma_start3A_672, %dma_start3A_673, %dma_start3A_674] : memref<4x64x128xf32, #tpu.memory_space<vmem>> -> memref<1x64x128xf32, #tpu.memory_space<vmem>>
        %dma_start3A_676 = tpu.memref_squeeze %dma_start3A_675 : memref<1x64x128xf32, #tpu.memory_space<vmem>> -> memref<64x128xf32, #tpu.memory_space<vmem>>
        %dma_start3A_677 = arith.constant 0 : i32
        %dma_start3A_678 = tpu.memref_slice %arg7[%dma_start3A_671, %add3A_670, %dma_start3A_677] : memref<2x32x64xi32, #tpu.memory_space<vmem>> -> memref<1x1x64xi32, #tpu.memory_space<vmem>>
        %dma_start3A_679 = tpu.memref_squeeze %dma_start3A_678 : memref<1x1x64xi32, #tpu.memory_space<vmem>> -> memref<64xi32, #tpu.memory_space<vmem>>
        %dma_start3A_680 = arith.constant 0 : i32
        %dma_start3A_681 = arith.constant 0 : i32
        %dma_start3A_682 = tpu.memref_slice %arg4[%dma_start3A_680, %dma_start3A_681] : memref<10000x128xf32, #tpu.memory_space<hbm>> -> memref<10000x128xf32, #tpu.memory_space<hbm>>
        tpu.enqueue_indirect_dma source(%dma_start3A_682 : memref<10000x128xf32, #tpu.memory_space<hbm>>) target(%dma_start3A_676 : memref<64x128xf32, #tpu.memory_space<vmem>>) offsets(%dma_start3A_679 : memref<64xi32, #tpu.memory_space<vmem>>) semaphore(%arg13 : memref<!tpu.dma_semaphore, #tpu.memory_space<semaphore_mem>>)
      } else {
      }
      %mul3A_644 = arith.constant 4 : i32
      %mul3A_645 = arith.muli %mul3A_644, %scan3A_571 : i32
      %add3A_646 = arith.constant 3 : i32
      %add3A_647 = arith.addi %mul3A_645, %add3A_646 : i32
      %dma_wait3A_648 = arith.constant 0 : i32
      %dma_wait3A_649 = arith.constant 3 : i32
      %dma_wait3A_650 = arith.constant 0 : i32
      %dma_wait3A_651 = arith.constant 0 : i32
      %dma_wait3A_652 = tpu.memref_slice %arg9[%dma_wait3A_649, %dma_wait3A_650, %dma_wait3A_651] : memref<4x64x128xf32, #tpu.memory_space<vmem>> -> memref<1x64x128xf32, #tpu.memory_space<vmem>>
      %dma_wait3A_653 = tpu.memref_squeeze %dma_wait3A_652 : memref<1x64x128xf32, #tpu.memory_space<vmem>> -> memref<64x128xf32, #tpu.memory_space<vmem>>
      %dma_wait3A_654 = arith.constant 0 : i32
      %dma_wait3A_655 = tpu.memref_slice %arg7[%dma_wait3A_648, %add3A_647, %dma_wait3A_654] : memref<2x32x64xi32, #tpu.memory_space<vmem>> -> memref<1x1x64xi32, #tpu.memory_space<vmem>>
      %dma_wait3A_656 = tpu.memref_squeeze %dma_wait3A_655 : memref<1x1x64xi32, #tpu.memory_space<vmem>> -> memref<64xi32, #tpu.memory_space<vmem>>
      %dma_wait3A_657 = arith.constant 0 : i32
      %dma_wait3A_658 = arith.constant 0 : i32
      %dma_wait3A_659 = tpu.memref_slice %arg4[%dma_wait3A_657, %dma_wait3A_658] : memref<10000x128xf32, #tpu.memory_space<hbm>> -> memref<10000x128xf32, #tpu.memory_space<hbm>>
      tpu.wait_indirect_dma semaphore(%arg14 : memref<!tpu.dma_semaphore, #tpu.memory_space<semaphore_mem>>) src(%dma_wait3A_659 : memref<10000x128xf32, #tpu.memory_space<hbm>>) dst(%dma_wait3A_653 : memref<64x128xf32, #tpu.memory_space<vmem>>)
      %run_scoped3A_660 = arith.constant 3 : i32
      %run_scoped3A_661 = arith.constant 0 : i32
      "tpu.region"() ({
        %run_scoped3A_669 = tpu.sem_alloc : memref<!tpu.dma_semaphore, #tpu.memory_space<semaphore_mem>>
        %dma_start3A_670 = arith.constant 0 : i32
        %dma_start3A_671 = arith.constant 0 : i32
        %dma_start3A_672 = tpu.memref_slice %arg9[%run_scoped3A_660, %dma_start3A_670, %dma_start3A_671] : memref<4x64x128xf32, #tpu.memory_space<vmem>> -> memref<1x64x128xf32, #tpu.memory_space<vmem>>
        %dma_start3A_673 = tpu.memref_squeeze %dma_start3A_672 : memref<1x64x128xf32, #tpu.memory_space<vmem>> -> memref<64x128xf32, #tpu.memory_space<vmem>>
        %dma_start3A_674 = arith.constant 0 : i32
        %dma_start3A_675 = tpu.memref_slice %arg8[%run_scoped3A_661, %add3A_647, %dma_start3A_674] : memref<2x32x64xi32, #tpu.memory_space<vmem>> -> memref<1x1x64xi32, #tpu.memory_space<vmem>>
        %dma_start3A_676 = tpu.memref_squeeze %dma_start3A_675 : memref<1x1x64xi32, #tpu.memory_space<vmem>> -> memref<64xi32, #tpu.memory_space<vmem>>
        %dma_start3A_677 = arith.constant 0 : i32
        %dma_start3A_678 = arith.constant 0 : i32
        %dma_start3A_679 = tpu.memref_slice %arg10[%dma_start3A_677, %dma_start3A_678] : memref<10240x128xf32, #tpu.memory_space<vmem_shared>> -> memref<10240x128xf32, #tpu.memory_space<vmem_shared>>
        tpu.enqueue_indirect_dma source(%dma_start3A_673 : memref<64x128xf32, #tpu.memory_space<vmem>>) target(%dma_start3A_679 : memref<10240x128xf32, #tpu.memory_space<vmem_shared>>) offsets(%dma_start3A_676 : memref<64xi32, #tpu.memory_space<vmem>>) semaphore(%run_scoped3A_669 : memref<!tpu.dma_semaphore, #tpu.memory_space<semaphore_mem>>) {add = true}
        %dma_wait3A_680 = arith.constant 0 : i32
        %dma_wait3A_681 = arith.constant 0 : i32
        %dma_wait3A_682 = tpu.memref_slice %arg9[%run_scoped3A_660, %dma_wait3A_680, %dma_wait3A_681] : memref<4x64x128xf32, #tpu.memory_space<vmem>> -> memref<1x64x128xf32, #tpu.memory_space<vmem>>
        %dma_wait3A_683 = tpu.memref_squeeze %dma_wait3A_682 : memref<1x64x128xf32, #tpu.memory_space<vmem>> -> memref<64x128xf32, #tpu.memory_space<vmem>>
        %dma_wait3A_684 = arith.constant 0 : i32
        %dma_wait3A_685 = tpu.memref_slice %arg8[%run_scoped3A_661, %add3A_647, %dma_wait3A_684] : memref<2x32x64xi32, #tpu.memory_space<vmem>> -> memref<1x1x64xi32, #tpu.memory_space<vmem>>
        %dma_wait3A_686 = tpu.memref_squeeze %dma_wait3A_685 : memref<1x1x64xi32, #tpu.memory_space<vmem>> -> memref<64xi32, #tpu.memory_space<vmem>>
        %dma_wait3A_687 = arith.constant 0 : i32
        %dma_wait3A_688 = arith.constant 0 : i32
        %dma_wait3A_689 = tpu.memref_slice %arg10[%dma_wait3A_687, %dma_wait3A_688] : memref<10240x128xf32, #tpu.memory_space<vmem_shared>> -> memref<10240x128xf32, #tpu.memory_space<vmem_shared>>
        tpu.wait_indirect_dma semaphore(%run_scoped3A_669 : memref<!tpu.dma_semaphore, #tpu.memory_space<semaphore_mem>>) src(%dma_wait3A_683 : memref<64x128xf32, #tpu.memory_space<vmem>>) dst(%dma_wait3A_689 : memref<10240x128xf32, #tpu.memory_space<vmem_shared>>)
        tpu.yield
      }) : () -> ()
      %add3A_662 = arith.constant 4 : i32
      %add3A_663 = arith.addi %add3A_647, %add3A_662 : i32
      %lt3A_664 = arith.constant 32 : i32
      %lt3A_665 = arith.cmpi slt, %add3A_663, %lt3A_664 : i32
      %convert_element_type3A_666 = arith.extui %lt3A_665 : i1 to i32
      %cond3A_667 = arith.constant 0 : i32
      %cond3A_668 = arith.cmpi ne, %convert_element_type3A_666, %cond3A_667 : i32
      scf.if %cond3A_668 {
        %add3A_669 = arith.constant 4 : i32
        %add3A_670 = arith.addi %add3A_647, %add3A_669 : i32
        %dma_start3A_671 = arith.constant 0 : i32
        %dma_start3A_672 = arith.constant 3 : i32
        %dma_start3A_673 = arith.constant 0 : i32
        %dma_start3A_674 = arith.constant 0 : i32
        %dma_start3A_675 = tpu.memref_slice %arg9[%dma_start3A_672, %dma_start3A_673, %dma_start3A_674] : memref<4x64x128xf32, #tpu.memory_space<vmem>> -> memref<1x64x128xf32, #tpu.memory_space<vmem>>
        %dma_start3A_676 = tpu.memref_squeeze %dma_start3A_675 : memref<1x64x128xf32, #tpu.memory_space<vmem>> -> memref<64x128xf32, #tpu.memory_space<vmem>>
        %dma_start3A_677 = arith.constant 0 : i32
        %dma_start3A_678 = tpu.memref_slice %arg7[%dma_start3A_671, %add3A_670, %dma_start3A_677] : memref<2x32x64xi32, #tpu.memory_space<vmem>> -> memref<1x1x64xi32, #tpu.memory_space<vmem>>
        %dma_start3A_679 = tpu.memref_squeeze %dma_start3A_678 : memref<1x1x64xi32, #tpu.memory_space<vmem>> -> memref<64xi32, #tpu.memory_space<vmem>>
        %dma_start3A_680 = arith.constant 0 : i32
        %dma_start3A_681 = arith.constant 0 : i32
        %dma_start3A_682 = tpu.memref_slice %arg4[%dma_start3A_680, %dma_start3A_681] : memref<10000x128xf32, #tpu.memory_space<hbm>> -> memref<10000x128xf32, #tpu.memory_space<hbm>>
        tpu.enqueue_indirect_dma source(%dma_start3A_682 : memref<10000x128xf32, #tpu.memory_space<hbm>>) target(%dma_start3A_676 : memref<64x128xf32, #tpu.memory_space<vmem>>) offsets(%dma_start3A_679 : memref<64xi32, #tpu.memory_space<vmem>>) semaphore(%arg14 : memref<!tpu.dma_semaphore, #tpu.memory_space<semaphore_mem>>)
      } else {
      }
    }
    %scan3A_565 = arith.constant 8 : i32
    %barrier3A_566 = arith.constant 0 : index
    tpu.barrier barrier_id(%barrier3A_566)
    %mul3A_567 = arith.constant 640 : i32
    %mul3A_568 = arith.muli %arg1, %mul3A_567 : i32
    %mul3A_569 = arith.constant 640 : i32
    %mul3A_570 = arith.muli %arg1, %mul3A_569 : i32
    "tpu.region"() ({
      %run_scoped3A_571 = tpu.sem_alloc : memref<!tpu.dma_semaphore, #tpu.memory_space<semaphore_mem>>
      %dma_start3A_572 = arith.constant 0 : i32
      %dma_start3A_573 = tpu.memref_slice %arg6[%arg0, %mul3A_570, %dma_start3A_572] : memref<2x10240x128xf32, #tpu.memory_space<hbm>> -> memref<1x640x128xf32, #tpu.memory_space<hbm>>
      %dma_start3A_574 = tpu.memref_squeeze %dma_start3A_573 : memref<1x640x128xf32, #tpu.memory_space<hbm>> -> memref<640x128xf32, #tpu.memory_space<hbm>>
      %dma_start3A_575 = arith.constant 0 : i32
      %dma_start3A_576 = tpu.memref_slice %arg10[%mul3A_568, %dma_start3A_575] : memref<10240x128xf32, #tpu.memory_space<vmem_shared>> -> memref<640x128xf32, #tpu.memory_space<vmem_shared>>
      tpu.enqueue_dma source(%dma_start3A_576 : memref<640x128xf32, #tpu.memory_space<vmem_shared>>) target(%dma_start3A_574 : memref<640x128xf32, #tpu.memory_space<hbm>>) target_semaphore(%run_scoped3A_571 : memref<!tpu.dma_semaphore, #tpu.memory_space<semaphore_mem>>)
      %dma_wait3A_577 = arith.constant 0 : i32
      %dma_wait3A_578 = tpu.memref_slice %arg6[%arg0, %mul3A_570, %dma_wait3A_577] : memref<2x10240x128xf32, #tpu.memory_space<hbm>> -> memref<1x640x128xf32, #tpu.memory_space<hbm>>
      %dma_wait3A_579 = tpu.memref_squeeze %dma_wait3A_578 : memref<1x640x128xf32, #tpu.memory_space<hbm>> -> memref<640x128xf32, #tpu.memory_space<hbm>>
      %dma_wait3A_580 = arith.constant 0 : i32
      %dma_wait3A_581 = tpu.memref_slice %arg10[%mul3A_568, %dma_wait3A_580] : memref<10240x128xf32, #tpu.memory_space<vmem_shared>> -> memref<640x128xf32, #tpu.memory_space<vmem_shared>>
      tpu.wait_dma2 semaphore(%run_scoped3A_571 : memref<!tpu.dma_semaphore, #tpu.memory_space<semaphore_mem>>) src(%dma_wait3A_581 : memref<640x128xf32, #tpu.memory_space<vmem_shared>>) dst(%dma_wait3A_579 : memref<640x128xf32, #tpu.memory_space<hbm>>)
      tpu.yield
    }) : () -> ()
    return
  }
}

module attributes {stable_mosaic.version = 14 : i64} {
  func.func @_tc_linear_body(%arg0: i32, %arg1: memref<2048x128xf32, #tpu.memory_space<vmem>>, %arg2: memref<128x128xf32, #tpu.memory_space<vmem>>, %arg3: memref<1x128xf32, #tpu.memory_space<vmem>>, %arg4: memref<128x128xf32, #tpu.memory_space<vmem>>, %arg5: memref<1x128xf32, #tpu.memory_space<vmem>>, %arg6: memref<2048x128xf32, #tpu.memory_space<vmem>>, %arg7: memref<2048x128xf32, #tpu.memory_space<vmem>>) attributes {dimension_semantics = [#tpu.dimension_semantics<arbitrary>], iteration_bounds = array<i64: 5>, scalar_prefetch = 0 : i64, scratch_operands = 0 : i64, tpu.core_type = #tpu.core_type<tc>, window_params = [{transform_indices = @transform_0, window_bounds = array<i64: 2048, 128>}, {pipeline_mode = #tpu.pipeline_mode<synchronous>, transform_indices = @transform_1, window_bounds = array<i64: 128, 128>}, {pipeline_mode = #tpu.pipeline_mode<synchronous>, transform_indices = @transform_2, window_bounds = array<i64: 1, 128>}, {pipeline_mode = #tpu.pipeline_mode<synchronous>, transform_indices = @transform_3, window_bounds = array<i64: 128, 128>}, {pipeline_mode = #tpu.pipeline_mode<synchronous>, transform_indices = @transform_4, window_bounds = array<i64: 1, 128>}, {transform_indices = @transform_5, window_bounds = array<i64: 2048, 128>}, {transform_indices = @transform_6, window_bounds = array<i64: 2048, 128>}]} {
    %get3A = arith.constant 0 : index
    %get3A_0 = arith.constant 0 : index
    %get3A_1 = vector.load %arg1[%get3A, %get3A_0] : memref<2048x128xf32, #tpu.memory_space<vmem>>, vector<2048x128xf32>
    %get3A_2 = arith.constant 0 : index
    %get3A_3 = arith.constant 0 : index
    %get3A_4 = vector.load %arg2[%get3A_2, %get3A_3] : memref<128x128xf32, #tpu.memory_space<vmem>>, vector<128x128xf32>
    %dot_general3A = arith.constant dense<0.000000e+00> : vector<2048x128xf32>
    %dot_general3A_5 = tpu.matmul %get3A_1, %get3A_4, %dot_general3A {dimension_numbers = #tpu.dot_dimension_numbers<[1], [1], [0], [0], [0, 0, 1, 0], [], []>, transpose_lhs_hint = false} : vector<2048x128xf32>, vector<128x128xf32>, vector<2048x128xf32> -> vector<2048x128xf32>
    %get3A_6 = arith.constant 0 : index
    %get3A_7 = arith.constant 0 : index
    %get3A_8 = vector.load %arg3[%get3A_6, %get3A_7] : memref<1x128xf32, #tpu.memory_space<vmem>>, vector<1x128xf32>
    %add3A = vector.broadcast %get3A_8 : vector<1x128xf32> to vector<2048x128xf32>
    %add3A_9 = arith.addf %dot_general3A_5, %add3A : vector<2048x128xf32>
    %get3A_10 = arith.constant 0 : index
    %get3A_11 = arith.constant 0 : index
    %get3A_12 = vector.load %arg4[%get3A_10, %get3A_11] : memref<128x128xf32, #tpu.memory_space<vmem>>, vector<128x128xf32>
    %dot_general3A_13 = arith.constant dense<0.000000e+00> : vector<2048x128xf32>
    %dot_general3A_14 = tpu.matmul %add3A_9, %get3A_12, %dot_general3A_13 {dimension_numbers = #tpu.dot_dimension_numbers<[1], [1], [0], [0], [0, 0, 1, 0], [], []>, transpose_lhs_hint = false} : vector<2048x128xf32>, vector<128x128xf32>, vector<2048x128xf32> -> vector<2048x128xf32>
    %get3A_15 = arith.constant 0 : index
    %get3A_16 = arith.constant 0 : index
    %get3A_17 = vector.load %arg5[%get3A_15, %get3A_16] : memref<1x128xf32, #tpu.memory_space<vmem>>, vector<1x128xf32>
    %add3A_18 = vector.broadcast %get3A_17 : vector<1x128xf32> to vector<2048x128xf32>
    %add3A_19 = arith.addf %dot_general3A_14, %add3A_18 : vector<2048x128xf32>
    %swap3A = arith.constant 0 : index
    %swap3A_20 = arith.constant 0 : index
    %swap3A_21 = vector.load %arg6[%swap3A, %swap3A_20] : memref<2048x128xf32, #tpu.memory_space<vmem>>, vector<2048x128xf32>
    tpu.vector_store %arg6[%swap3A, %swap3A_20], %add3A_9 {strides = array<i32>} : memref<2048x128xf32, #tpu.memory_space<vmem>>, vector<2048x128xf32>,
    %swap3A_22 = arith.constant 0 : index
    %swap3A_23 = arith.constant 0 : index
    %swap3A_24 = vector.load %arg7[%swap3A_22, %swap3A_23] : memref<2048x128xf32, #tpu.memory_space<vmem>>, vector<2048x128xf32>
    tpu.vector_store %arg7[%swap3A_22, %swap3A_23], %add3A_19 {strides = array<i32>} : memref<2048x128xf32, #tpu.memory_space<vmem>>, vector<2048x128xf32>,
    return
  }
  func.func @transform_0(%arg0: i32) -> (i32, i32) {
    %c0_i32 = arith.constant 0 : i32
    %c0_i32_0 = arith.constant 0 : i32
    return %arg0, %c0_i32 : i32, i32
  }
  func.func @transform_1(%arg0: i32) -> (i32, i32) {
    %c0_i32 = arith.constant 0 : i32
    %c0_i32_0 = arith.constant 0 : i32
    %c0_i32_1 = arith.constant 0 : i32
    return %c0_i32, %c0_i32_0 : i32, i32
  }
  func.func @transform_2(%arg0: i32) -> (i32, i32) {
    %c0_i32 = arith.constant 0 : i32
    %c0_i32_0 = arith.constant 0 : i32
    %c0_i32_1 = arith.constant 0 : i32
    return %c0_i32, %c0_i32_0 : i32, i32
  }
  func.func @transform_3(%arg0: i32) -> (i32, i32) {
    %c0_i32 = arith.constant 0 : i32
    %c0_i32_0 = arith.constant 0 : i32
    %c0_i32_1 = arith.constant 0 : i32
    return %c0_i32, %c0_i32_0 : i32, i32
  }
  func.func @transform_4(%arg0: i32) -> (i32, i32) {
    %c0_i32 = arith.constant 0 : i32
    %c0_i32_0 = arith.constant 0 : i32
    %c0_i32_1 = arith.constant 0 : i32
    return %c0_i32, %c0_i32_0 : i32, i32
  }
  func.func @transform_5(%arg0: i32) -> (i32, i32) {
    %c0_i32 = arith.constant 0 : i32
    %c0_i32_0 = arith.constant 0 : i32
    return %arg0, %c0_i32 : i32, i32
  }
  func.func @transform_6(%arg0: i32) -> (i32, i32) {
    %c0_i32 = arith.constant 0 : i32
    %c0_i32_0 = arith.constant 0 : i32
    return %arg0, %c0_i32 : i32, i32
  }
}

module attributes {stable_mosaic.version = 14 : i64} {
  func.func @_tc_scale_body(%arg0: i32, %arg1: memref<2048x128xf32, #tpu.memory_space<vmem>>, %arg2: memref<2x10240xf32, #tpu.memory_space<vmem>>, %arg3: memref<2048x128xf32, #tpu.memory_space<vmem>>) attributes {dimension_semantics = [#tpu.dimension_semantics<arbitrary>], iteration_bounds = array<i64: 5>, scalar_prefetch = 0 : i64, scratch_operands = 0 : i64, tpu.core_type = #tpu.core_type<tc>, window_params = [{transform_indices = @transform_0, window_bounds = array<i64: 2048, 128>}, {pipeline_mode = #tpu.pipeline_mode<synchronous>, transform_indices = @transform_1, window_bounds = array<i64: 2, 10240>}, {transform_indices = @transform_2, window_bounds = array<i64: 2048, 128>}]} {
    %mul3A = arith.constant 2048 : i32
    %mul3A_0 = arith.muli %arg0, %mul3A : i32
    %get3A = arith.constant 0 : index
    %get3A_1 = arith.index_cast %mul3A_0 : i32 to index
    %get3A_2 = vector.load %arg2[%get3A, %get3A_1] : memref<2x10240xf32, #tpu.memory_space<vmem>>, vector<1x2048xf32>
    %get3A_3 = vector.shape_cast %get3A_2 : vector<1x2048xf32> to vector<2048xf32>
    %mul3A_4 = arith.constant 2048 : i32
    %mul3A_5 = arith.muli %arg0, %mul3A_4 : i32
    %get3A_6 = arith.constant 1 : index
    %get3A_7 = arith.index_cast %mul3A_5 : i32 to index
    %get3A_8 = vector.load %arg2[%get3A_6, %get3A_7] : memref<2x10240xf32, #tpu.memory_space<vmem>>, vector<1x2048xf32>
    %get3A_9 = vector.shape_cast %get3A_8 : vector<1x2048xf32> to vector<2048xf32>
    %add3A = arith.addf %get3A_3, %get3A_9 : vector<2048xf32>
    %add3A_10 = arith.constant 1.000000e+00 : f32
    %add3A_11 = vector.broadcast %add3A_10 : f32 to vector<2048xf32>
    %add3A_12 = arith.addf %add3A, %add3A_11 : vector<2048xf32>
    %get3A_13 = arith.constant 0 : index
    %get3A_14 = arith.constant 0 : index
    %get3A_15 = vector.load %arg1[%get3A_13, %get3A_14] : memref<2048x128xf32, #tpu.memory_space<vmem>>, vector<2048x128xf32>
    %rsqrt3A = math.rsqrt %add3A_12 : vector<2048xf32>
    %broadcast_in_dim3A = vector.shape_cast %rsqrt3A : vector<2048xf32> to vector<2048x1xf32>
    %mul3A_16 = vector.broadcast %broadcast_in_dim3A : vector<2048x1xf32> to vector<2048x128xf32>
    %mul3A_17 = arith.mulf %get3A_15, %mul3A_16 : vector<2048x128xf32>
    %swap3A = arith.constant 0 : index
    %swap3A_18 = arith.constant 0 : index
    %swap3A_19 = vector.load %arg3[%swap3A, %swap3A_18] : memref<2048x128xf32, #tpu.memory_space<vmem>>, vector<2048x128xf32>
    tpu.vector_store %arg3[%swap3A, %swap3A_18], %mul3A_17 {strides = array<i32>} : memref<2048x128xf32, #tpu.memory_space<vmem>>, vector<2048x128xf32>,
    return
  }
  func.func @transform_0(%arg0: i32) -> (i32, i32) {
    %c0_i32 = arith.constant 0 : i32
    %c0_i32_0 = arith.constant 0 : i32
    return %arg0, %c0_i32 : i32, i32
  }
  func.func @transform_1(%arg0: i32) -> (i32, i32) {
    %c0_i32 = arith.constant 0 : i32
    %c0_i32_0 = arith.constant 0 : i32
    %c0_i32_1 = arith.constant 0 : i32
    return %c0_i32, %c0_i32_0 : i32, i32
  }
  func.func @transform_2(%arg0: i32) -> (i32, i32) {
    %c0_i32 = arith.constant 0 : i32
    %c0_i32_0 = arith.constant 0 : i32
    return %arg0, %c0_i32 : i32, i32
  }
}

module attributes {stable_mosaic.version = 14 : i64} {
  func.func @_tc_final_body(%arg0: i32, %arg1: memref<2048x128xf32, #tpu.memory_space<vmem>>, %arg2: memref<2048x128xf32, #tpu.memory_space<vmem>>, %arg3: memref<2x2048x128xf32, #tpu.memory_space<vmem>>, %arg4: memref<2x10240xf32, #tpu.memory_space<vmem>>, %arg5: memref<128x128xf32, #tpu.memory_space<vmem>>, %arg6: memref<1x128xf32, #tpu.memory_space<vmem>>, %arg7: memref<2048x128xf32, #tpu.memory_space<vmem>>) attributes {dimension_semantics = [#tpu.dimension_semantics<arbitrary>], iteration_bounds = array<i64: 5>, scalar_prefetch = 0 : i64, scratch_operands = 0 : i64, tpu.core_type = #tpu.core_type<tc>, window_params = [{transform_indices = @transform_0, window_bounds = array<i64: 2048, 128>}, {transform_indices = @transform_1, window_bounds = array<i64: 2048, 128>}, {transform_indices = @transform_2, window_bounds = array<i64: 2, 2048, 128>}, {pipeline_mode = #tpu.pipeline_mode<synchronous>, transform_indices = @transform_3, window_bounds = array<i64: 2, 10240>}, {pipeline_mode = #tpu.pipeline_mode<synchronous>, transform_indices = @transform_4, window_bounds = array<i64: 128, 128>}, {pipeline_mode = #tpu.pipeline_mode<synchronous>, transform_indices = @transform_5, window_bounds = array<i64: 1, 128>}, {transform_indices = @transform_6, window_bounds = array<i64: 2048, 128>}]} {
    %mul3A = arith.constant 2048 : i32
    %mul3A_0 = arith.muli %arg0, %mul3A : i32
    %get3A = arith.constant 0 : index
    %get3A_1 = arith.index_cast %mul3A_0 : i32 to index
    %get3A_2 = vector.load %arg4[%get3A, %get3A_1] : memref<2x10240xf32, #tpu.memory_space<vmem>>, vector<1x2048xf32>
    %get3A_3 = vector.shape_cast %get3A_2 : vector<1x2048xf32> to vector<2048xf32>
    %mul3A_4 = arith.constant 2048 : i32
    %mul3A_5 = arith.muli %arg0, %mul3A_4 : i32
    %get3A_6 = arith.constant 1 : index
    %get3A_7 = arith.index_cast %mul3A_5 : i32 to index
    %get3A_8 = vector.load %arg4[%get3A_6, %get3A_7] : memref<2x10240xf32, #tpu.memory_space<vmem>>, vector<1x2048xf32>
    %get3A_9 = vector.shape_cast %get3A_8 : vector<1x2048xf32> to vector<2048xf32>
    %add3A = arith.addf %get3A_3, %get3A_9 : vector<2048xf32>
    %add3A_10 = arith.constant 1.000000e+00 : f32
    %add3A_11 = vector.broadcast %add3A_10 : f32 to vector<2048xf32>
    %add3A_12 = arith.addf %add3A, %add3A_11 : vector<2048xf32>
    %rsqrt3A = math.rsqrt %add3A_12 : vector<2048xf32>
    %broadcast_in_dim3A = vector.shape_cast %rsqrt3A : vector<2048xf32> to vector<2048x1xf32>
    %get3A_13 = arith.constant 0 : index
    %get3A_14 = arith.constant 0 : index
    %get3A_15 = vector.load %arg2[%get3A_13, %get3A_14] : memref<2048x128xf32, #tpu.memory_space<vmem>>, vector<2048x128xf32>
    %get3A_16 = arith.constant 0 : index
    %get3A_17 = arith.constant 0 : index
    %get3A_18 = arith.constant 0 : index
    %get3A_19 = vector.load %arg3[%get3A_16, %get3A_17, %get3A_18] : memref<2x2048x128xf32, #tpu.memory_space<vmem>>, vector<1x2048x128xf32>
    %get3A_20 = vector.shape_cast %get3A_19 : vector<1x2048x128xf32> to vector<2048x128xf32>
    %get3A_21 = arith.constant 1 : index
    %get3A_22 = arith.constant 0 : index
    %get3A_23 = arith.constant 0 : index
    %get3A_24 = vector.load %arg3[%get3A_21, %get3A_22, %get3A_23] : memref<2x2048x128xf32, #tpu.memory_space<vmem>>, vector<1x2048x128xf32>
    %get3A_25 = vector.shape_cast %get3A_24 : vector<1x2048x128xf32> to vector<2048x128xf32>
    %add3A_26 = arith.addf %get3A_20, %get3A_25 : vector<2048x128xf32>
    %mul3A_27 = vector.broadcast %broadcast_in_dim3A : vector<2048x1xf32> to vector<2048x128xf32>
    %mul3A_28 = arith.mulf %mul3A_27, %get3A_15 : vector<2048x128xf32>
    %add3A_29 = arith.addf %add3A_26, %mul3A_28 : vector<2048x128xf32>
    %mul3A_30 = vector.broadcast %broadcast_in_dim3A : vector<2048x1xf32> to vector<2048x128xf32>
    %mul3A_31 = arith.mulf %mul3A_30, %add3A_29 : vector<2048x128xf32>
    %get3A_32 = arith.constant 0 : index
    %get3A_33 = arith.constant 0 : index
    %get3A_34 = vector.load %arg1[%get3A_32, %get3A_33] : memref<2048x128xf32, #tpu.memory_space<vmem>>, vector<2048x128xf32>
    %mul3A_35 = arith.constant 5.000000e-01 : f32
    %mul3A_36 = vector.broadcast %mul3A_35 : f32 to vector<2048x128xf32>
    %mul3A_37 = arith.mulf %mul3A_36, %mul3A_31 : vector<2048x128xf32>
    %add3A_38 = arith.addf %get3A_34, %mul3A_37 : vector<2048x128xf32>
    %mul3A_39 = arith.constant 5.000000e-01 : f32
    %mul3A_40 = vector.broadcast %mul3A_39 : f32 to vector<2048x128xf32>
    %mul3A_41 = arith.mulf %mul3A_40, %get3A_15 : vector<2048x128xf32>
    %add3A_42 = arith.addf %add3A_38, %mul3A_41 : vector<2048x128xf32>
    %mul3A_43 = arith.mulf %add3A_42, %add3A_42 : vector<2048x128xf32>
    %reduce_sum3A = arith.constant dense<0.000000e+00> : vector<2048xf32>
    %reduce_sum3A_44 = vector.multi_reduction <add>, %mul3A_43, %reduce_sum3A [1] : vector<2048x128xf32> to vector<2048xf32>
    %broadcast_in_dim3A_45 = vector.shape_cast %reduce_sum3A_44 : vector<2048xf32> to vector<2048x1xf32>
    %sqrt3A = math.sqrt %broadcast_in_dim3A_45 : vector<2048x1xf32>
    %max3A = arith.constant 9.99999996E-13 : f32
    %max3A_46 = vector.broadcast %max3A : f32 to vector<2048x1xf32>
    %max3A_47 = arith.maximumf %sqrt3A, %max3A_46 : vector<2048x1xf32>
    %div3A = vector.broadcast %max3A_47 : vector<2048x1xf32> to vector<2048x128xf32>
    %div3A_48 = arith.divf %add3A_42, %div3A : vector<2048x128xf32>
    %max3A_49 = arith.constant 0.000000e+00 : f32
    %max3A_50 = vector.broadcast %max3A_49 : f32 to vector<2048x128xf32>
    %max3A_51 = arith.maximumf %div3A_48, %max3A_50 : vector<2048x128xf32>
    %get3A_52 = arith.constant 0 : index
    %get3A_53 = arith.constant 0 : index
    %get3A_54 = vector.load %arg5[%get3A_52, %get3A_53] : memref<128x128xf32, #tpu.memory_space<vmem>>, vector<128x128xf32>
    %dot_general3A = arith.constant dense<0.000000e+00> : vector<2048x128xf32>
    %dot_general3A_55 = tpu.matmul %max3A_51, %get3A_54, %dot_general3A {dimension_numbers = #tpu.dot_dimension_numbers<[1], [1], [0], [0], [0, 0, 1, 0], [], []>, transpose_lhs_hint = false} : vector<2048x128xf32>, vector<128x128xf32>, vector<2048x128xf32> -> vector<2048x128xf32>
    %get3A_56 = arith.constant 0 : index
    %get3A_57 = arith.constant 0 : index
    %get3A_58 = vector.load %arg6[%get3A_56, %get3A_57] : memref<1x128xf32, #tpu.memory_space<vmem>>, vector<1x128xf32>
    %add3A_59 = vector.broadcast %get3A_58 : vector<1x128xf32> to vector<2048x128xf32>
    %add3A_60 = arith.addf %dot_general3A_55, %add3A_59 : vector<2048x128xf32>
    %swap3A = arith.constant 0 : index
    %swap3A_61 = arith.constant 0 : index
    %swap3A_62 = vector.load %arg7[%swap3A, %swap3A_61] : memref<2048x128xf32, #tpu.memory_space<vmem>>, vector<2048x128xf32>
    tpu.vector_store %arg7[%swap3A, %swap3A_61], %add3A_60 {strides = array<i32>} : memref<2048x128xf32, #tpu.memory_space<vmem>>, vector<2048x128xf32>,
    return
  }
  func.func @transform_0(%arg0: i32) -> (i32, i32) {
    %c0_i32 = arith.constant 0 : i32
    %c0_i32_0 = arith.constant 0 : i32
    return %arg0, %c0_i32 : i32, i32
  }
  func.func @transform_1(%arg0: i32) -> (i32, i32) {
    %c0_i32 = arith.constant 0 : i32
    %c0_i32_0 = arith.constant 0 : i32
    return %arg0, %c0_i32 : i32, i32
  }
  func.func @transform_2(%arg0: i32) -> (i32, i32, i32) {
    %c0_i32 = arith.constant 0 : i32
    %c0_i32_0 = arith.constant 0 : i32
    %c0_i32_1 = arith.constant 0 : i32
    return %c0_i32, %arg0, %c0_i32_0 : i32, i32, i32
  }
  func.func @transform_3(%arg0: i32) -> (i32, i32) {
    %c0_i32 = arith.constant 0 : i32
    %c0_i32_0 = arith.constant 0 : i32
    %c0_i32_1 = arith.constant 0 : i32
    return %c0_i32, %c0_i32_0 : i32, i32
  }
  func.func @transform_4(%arg0: i32) -> (i32, i32) {
    %c0_i32 = arith.constant 0 : i32
    %c0_i32_0 = arith.constant 0 : i32
    %c0_i32_1 = arith.constant 0 : i32
    return %c0_i32, %c0_i32_0 : i32, i32
  }
  func.func @transform_5(%arg0: i32) -> (i32, i32) {
    %c0_i32 = arith.constant 0 : i32
    %c0_i32_0 = arith.constant 0 : i32
    %c0_i32_1 = arith.constant 0 : i32
    return %c0_i32, %c0_i32_0 : i32, i32
  }
  func.func @transform_6(%arg0: i32) -> (i32, i32) {
    %c0_i32 = arith.constant 0 : i32
    %c0_i32_0 = arith.constant 0 : i32
    return %arg0, %c0_i32 : i32, i32
  }
}

</mosaic_0001>

<sc_bundles>
// kernel: kernel.10.cloned.1.call-start
scs
__scs_entry_jumppad:
0x0: {  	(pc) =	sbr.rel $0x88, $3  }
0x1: {  	(tag) =	ssettag $0x0;
	lr =	simm.s32 $0x1  }
0x2: {  	[smem:$0x3F99] =	sst lr;
	_ =	strace $0xD0000000  }
0x3: {  	_ = 	snop  }
0x4: {  	_ = 	snop  }
0x5: {  	_ = 	snop  }
0x6: {  	_ = 	snop  }
0x7: {  	_ = 	snop  }
__scs_overlays_trampoline_lowered:
0x8: {  	[smem:$0x3FA8] =	sst s0  }
0x9: {  	[smem:$0x3FA9] =	sst s1  }
0xa: {  	[smem:$0x3FAA] =	sst s2  }
0xb: {  	[smem:$0x3FAB] =	sst s3  }
0xc: {  	[smem:$0x3FAC] =	sst s4  }
0xd: {  	[smem:$0x3FAD] =	sst s5  }
0xe: {  	[smem:$0x3FAE] =	sst s6  }
0xf: {  	[smem:$0x3FAF] =	sst s7  }
0x10: {  	[smem:$0x3FB0] =	sst s8  }
0x11: {  	[smem:$0x3FB1] =	sst s9;
	s0 =	simm.s32 @!p0 $0x0  }
0x12: {  	s1 =	sld [smem:$0x3F97];
	s0 =	simm.s32 @p0 $0x1  }
0x13: {  	[smem:$0x3FB2] =	sst s0;
	s0 =	simm.s32 @!p1 $0x0  }
0x14: {  	s2 =	sld [smem:$0x3F96];
	s0 =	simm.s32 @p1 $0x1  }
0x15: {  	[smem:$0x3FB3] =	sst s0;
	s0 =	simm.s32 @!p2 $0x0  }
0x16: {  	s3 =	sld [smem:$0x3FDB];
	s0 =	simm.s32 @p2 $0x1  }
0x17: {  	s4 =	simm.s32 $0x1BF5;
	[smem:$0x3FB5] =	sst s0  }
0x18: {  	s0 =	sld [smem:$0x3F98];
	_ =	swait.ge [sflag:s4], $0x0  }
0x19: {  	s7 =	sld [smem:$0x3F99]  }
0x1a: {  	s8 =	sadd.s32 $0xFFFFE003, lr  }
0x1b: {  	s9 =	sadd.s32 $0xFFFFFEF7, lr;
	s5 =	simm.s32 $0xFFFFFFFF;
	p2 =	slt.u32 s8, $0xFFFFF086  }
0x1c: {  	p1 =	slt.u32 s9, $0xF7A;
	s5 =	simm.s32 @!p2 $0x0  }
0x1d: {  	s5 =	simm.s32 @p1 $0x1;
	p0 =	seq.s32 s7, s2  }
0x1e: {  	s7 =	smul.u32 @!p0 $0xF7A, s2;
	p2 =	seq.s32 @!p0 s5, $0x0  }
0x1f: {  	s9 =	smul.u32 $0xF7A, s1;
	s8 =	simm.s32 @!p0 $0x1BF5;
	p2 =	por !p2, p0  }
0x20: {  	[sflag:s8] =	ssyncset.s32 @!p0 $0xFFFFF086;
	s6 =	sadd.s32 @!p0 s3, s7;
	s7 =	simm.s32 @!p0 $0x108  }
0x21: {  	s3 =	sadd.s32 s3, s9;
	s6 =	sadd.s32 @!p0 $0x88, s6;
	s7 =	simm.s32 @p2 $0x1082  }
0x22: {  	[simem:s7], [sflag:s8] =	dma.local @!p0 [hbm:s6], $0xF7A  }
0x23: {  	s9 =	sor.u32 $0xD0000000, s2;
	s6 =	simm.s32 $0x108;
	_ =	swait.ge @!p0 [sflag:s8], $0x0  }
0x24: {  	s3 =	sadd.s32 $0x88, s3;
	s6 =	simm.s32 @!p1 $0x1082;
	[sflag:s4] =	ssyncset.s32 $0xFFFFF086  }
0x25: {  	[simem:s6], [sflag:s4] =	dma.local [hbm:s3], $0xF7A  }
0x26: {  	[smem:$0x3F99] =	sst s1;
	(tag) =	ssettag s2;
	_ =	strace s9  }
0x27: {  	s1 =	sld [smem:$0x3FA9]  }
0x28: {  	s2 =	sld [smem:$0x3FAA]  }
0x29: {  	s4 =	sld [smem:$0x3FAC]  }
0x2a: {  	p0 =	seq.s32 s5, $0x0;
	s5 =	sld [smem:$0x3FAD]  }
0x2b: {  	s6 =	sld [smem:$0x3FAE]  }
0x2c: {  	s7 =	sld [smem:$0x3FAF]  }
0x2d: {  	s3 =	simm.s32 $0x108;
	s8 =	sld [smem:$0x3FB0]  }
0x2e: {  	s3 =	simm.s32 @!p0 $0x1082;
	s9 =	sld [smem:$0x3FB1]  }
0x2f: {  	lr =	sadd.s32 s0, s3;
	s0 =	sld [smem:$0x3FA8]  }
0x30: {  	s3 =	sld [smem:$0x3FAB]  }
0x31: {  	[smem:$0x3FB4] =	sst s10  }
0x32: {  	s10 =	sld [smem:$0x3FB2];
	_ =	sdelay $0x3  }
0x33: {  	p0 =	seq.s32 s10, $0x1;
	s10 =	sld [smem:$0x3FB4];
	_ =	sdelay $0x3  }
0x34: {  	[smem:$0x3FB4] =	sst s10  }
0x35: {  	s10 =	sld [smem:$0x3FB3];
	_ =	sdelay $0x3  }
0x36: {  	p1 =	seq.s32 s10, $0x1;
	s10 =	sld [smem:$0x3FB4];
	_ =	sdelay $0x3  }
0x37: {  	[smem:$0x3FB4] =	sst s10  }
0x38: {  	s10 =	sld [smem:$0x3FB5]  }
0x39: {  	_ = 	snop;
	(pc) =	sbr.ind lr, $3  }
0x3a: {  	_ = 	snop  }
0x3b: {  	_ = 	snop  }
0x3c: {  	p2 =	seq.s32 s10, $0x1;
	s10 =	sld [smem:$0x3FB4]  }
0x3d: {  	_ =	shalt  }
0x3e: {  	_ =	shalt  }
0x3f: {  	_ =	shalt  }
0x40: {  	_ =	shalt  }
0x41: {  	_ =	shalt  }
0x42: {  	_ =	shalt  }
0x43: {  	_ =	shalt  }
0x44: {  	_ =	shalt  }
0x45: {  	_ =	shalt  }
0x46: {  	_ =	shalt  }
0x47: {  	_ =	shalt  }
0x48: {  	_ =	shalt  }
0x49: {  	_ =	shalt  }
0x4a: {  	_ =	shalt  }
0x4b: {  	_ =	shalt  }
0x4c: {  	_ =	shalt  }
0x4d: {  	_ =	shalt  }
0x4e: {  	_ =	shalt  }
0x4f: {  	_ =	shalt  }
0x50: {  	_ =	shalt  }
0x51: {  	_ =	shalt  }
0x52: {  	_ =	shalt  }
0x53: {  	_ =	shalt  }
0x54: {  	_ =	shalt  }
0x55: {  	_ =	shalt  }
0x56: {  	_ =	shalt  }
0x57: {  	_ =	shalt  }
0x58: {  	_ =	shalt  }
0x59: {  	_ =	shalt  }
0x5a: {  	_ =	shalt  }
0x5b: {  	_ =	shalt  }
0x5c: {  	_ =	shalt  }
0x5d: {  	_ =	shalt  }
0x5e: {  	_ =	shalt  }
0x5f: {  	_ =	shalt  }
0x60: {  	_ =	shalt  }
0x61: {  	_ =	shalt  }
0x62: {  	_ =	shalt  }
0x63: {  	_ =	shalt  }
0x64: {  	_ =	shalt  }
0x65: {  	_ =	shalt  }
0x66: {  	_ =	shalt  }
0x67: {  	_ =	shalt  }
0x68: {  	_ =	shalt  }
0x69: {  	_ =	shalt  }
0x6a: {  	_ =	shalt  }
0x6b: {  	_ =	shalt  }
0x6c: {  	_ =	shalt  }
0x6d: {  	_ =	shalt  }
0x6e: {  	_ =	shalt  }
0x6f: {  	_ =	shalt  }
0x70: {  	_ =	shalt  }
0x71: {  	_ =	shalt  }
0x72: {  	_ =	shalt  }
0x73: {  	_ =	shalt  }
0x74: {  	_ =	shalt  }
0x75: {  	_ =	shalt  }
0x76: {  	_ =	shalt  }
0x77: {  	_ =	shalt  }
0x78: {  	_ =	shalt  }
0x79: {  	_ =	shalt  }
0x7a: {  	_ =	shalt  }
0x7b: {  	_ =	shalt  }
0x7c: {  	_ =	shalt  }
0x7d: {  	_ =	shalt  }
0x7e: {  	_ =	shalt  }
0x7f: {  	_ =	shalt  }
0x80: {  	_ =	shalt  }
0x81: {  	_ =	shalt  }
0x82: {  	_ =	shalt  }
0x83: {  	_ =	shalt  }
0x84: {  	_ =	shalt  }
0x85: {  	_ =	shalt  }
0x86: {  	_ =	shalt  }
0x87: {  	_ =	shalt  }
.Lfunc_end0:
.L_simem_size_0:
called_computation.1_lowered:
.L_overlay_start_0:
0x88: {  	s2 =	sld [smem:$0x3FD9]  }
0x89: {  	s3 =	sld [smem:$0x3FFE];
	_ =	sdelay $0x1  }
0x8a: {  	s1 =	srdreg.scid  }
0x8b: {  	s0 =	sand.u32 $0x1, s1  }
0x8c: {  	s17 =	sshll.u32 s0, $0xA;
	s2 =	sadd.s32 s3, s2  }
0x8d: {  	s2 =	sadd.s32 s2, s17  }
0x8e: {  	[smem:$0x3FC0] =	sst s2  }
0x8f: {  	_ = 	snop  }
0x90: {  	s2 =	sld [smem:$0x3FD0];
	(tm) =	ssettm $0x1  }
0x91: {  	s18 =	sld [smem:$0x3FFB];
	_ =	sdelay $0x3  }
0x92: {  	_ =	strace s18  }
0x93: {  	s3 =	sld [smem:$0x3FFC];
	_ =	sdelay $0x3  }
0x94: {  	_ =	strace s3  }
0x95: {  	s3 =	sld [smem:$0x3FFD];
	_ =	sdelay $0x3  }
0x96: {  	_ =	strace s3  }
0x97: {  	_ =	strace $0x8FFFFFFF  }
0x98: {  	s19 =	sld [smem:$0x3FDB];
	_ =	sdelay $0x1  }
0x99: {  	s4 =	simm.s32 $_scs_section_size  }
0x9a: {  	s5 =	simm.s32 $_size__tile_overlayer_lowered;
	s6 =	simm.s32 $_tile_overlayer_lowered  }
0x9b: {  	s22 =	simm.s32 $0x1BFF;
	s21 =	sshll.u32 s6, $0x1;
	s3 =	sadd.s32 s4, s19  }
0x9c: {  	s7 =	simm.s32 $0x0;
	s20 =	sshll.u32 s5, $0x1;
	s5 =	sadd.s32 s21, s3  }
0x9d: {  	[timem:s7], [sflag:s22] =	dma.local [hbm:s5], s20  }
0x9e: {  	_ =	swait.ge [sflag:s22], s20  }
0x9f: {  	s4 =	ssub.s32 $0x0, s20;
	[sflag:s22] =	ssyncset.done $0x0  }
0xa0: {  	[sflag:s22] =	ssyncadd.s32 s4;
	_ =	sdelay $0x1  }
0xa1: {  	s23 =	simm.s32 $0x1B8B  }
0xa2: {  	_ =	swait.ge [sflag:s23], $0x1  }
0xa3: {  	[sflag:s23] =	ssyncset.done $0x0  }
0xa4: {  	s25 =	simm.s32 $0x1B8E;
	s24 =	sld [smem:$0x3FFE];
	[sflag:s23] =	ssyncadd.s32 $0xFFFFFFFF  }
0xa5: {  	s26 =	simm.s32 $execute0_lowered;
	[smem:$0x3FD2] =	sst s25  }
0xa6: {  	s5 =	sshll.u32 s26, $0x1;
	_ =	strace $0x80000049;
	[dreg:$0x1] =	wrdreg $0xFFFFFFFF  }
0xa7: {  	s28 =	simm.s32 $_size_execute0_lowered;
	s3 =	sadd.s32 s3, s5;
	[dreg:$0x0] =	wrdreg $0x0  }
0xa8: {  	s5 =	sshll.u32 s28, $0x1;
	[dreg:$0x2] =	wrdreg s3  }
0xa9: {  	[dreg:$0x3] =	wrdreg s5  }
0xaa: {  	[dreg:$0x4] =	wrdreg $0xC0  }
0xab: {  	_ =	task [dreg:s7], $0x5FFFF  }
0xac: {  	[dreg:$0x1] =	wrdreg $0xFFFFFFFF  }
0xad: {  	[dreg:$0x0] =	wrdreg $0x60  }
0xae: {  	[dreg:$0x2] =	wrdreg s24  }
0xaf: {  	[dreg:$0x3] =	wrdreg s2  }
0xb0: {  	[dreg:$0x4] =	wrdreg $0xC0000  }
0xb1: {  	[dreg:$0x5] =	wrdreg $0x9  }
0xb2: {  	_ =	task.clear_ibuf [dreg:s7], $0x6FFFF;
	_ =	strace $0x90000049  }
0xb3: {  	s29 =	simm.s32 $0x9;
	_ =	strace $0x8000004B  }
0xb4: {  	_ =	swait.ge [sflag:s29], $0x1  }
0xb5: {  	[sflag:s29] =	ssyncadd.s32 $0xFFFFFFFF  }
0xb6: {  	_ =	strace $0x9000004B  }
0xb7: {  	_ =	sfence  }
0xb8: {  	s30 =	sld [smem:$0x0];
	_ =	sdelay $0x2  }
0xb9: {  	s31 =	sshll.u32 s1, $0xD;
	s1 =	sshrl.u32 s1, $0x2  }
0xba: {  	s3 =	sand.u32 $0x4000, s31;
	s1 =	sadd.s32 s1, s30  }
0xbb: {  	s0 =	sor.u32 s3, s0;
	s1 =	sshll.u32 s1, $0x11  }
0xbc: {  	s0 =	sor.u32 s1, s0  }
0xbd: {  	s0 =	sadd.s32 $0x8F2B, s0  }
0xbe: {  	[sflag:s0] =	ssyncadd.remote.s32 $0x1  }
0xbf: {  	_ =	sfence.sel $0xFFFF  }
0xc0: {  	[dreg:$0x0] =	wrdreg $0xFFFFFFFF;
	(pc) =	sbr.abs _section_cstart, $3  }
0xc1: {  	[dreg:$0x1] =	wrdreg $0xFFFFFFFF  }
0xc2: {  	_ =	task.clear_ibuf [dreg:s7], $0x2FFFF;
	_ =	strace $0x9FFFFFFF  }
0xc3: {  	(tm) =	ssettm $0x7FFFFFFF  }
tec
execute0_lowered:
.L_overlay_start_1:
0x0: {  	(tag) =	ssettag $0x1  }
0x1: {  	s0 =	rddreg [dreg:$0x0]  }
0x2: {  	s2 =	rddreg [dreg:$0x1];
	s1 =	srdreg.scid  }
0x3: {  	s3 =	rddreg [dreg:$0x2];
	s10 =	stileid.u32;
	s4 =	simm.s32 $0x0  }
0x4: {  	s29 =	simm.s32 $0x4000;
	s30 =	simm.s32 $0x6;
	s31 =	simm.s32 $0x2000  }
0x5: {  	s28 =	simm.s32 $0x3F80;
	s1 =	sand.u32 $0x1, s1;
	s6 =	smul.u32 $0x14000, s10  }
0x6: {  	[smem:$0x7FF] =	sst s4;
	s7 =	sadd.s32 $0x16C00, s0;
	s21 =	smul.u32 $0x50000, s10  }
0x7: {  	s8 =	sadd.s32 $0x2C00, s0;
	s9 =	sadd.s32 $0x1E00, s0;
	s5 =	smul.u32 $0x140000, s1  }
0x8: {  	_ =	strace $0x8000004A;
	[dreg:$0x4] =	wrdreg s9;
	s22 =	ssub.s32 $0x2, s1  }
0x9: {  	s1 =	sshll.u32 s1, $0x4;
	s5 =	sadd.s32 s6, s5;
	s6 =	sshrl.u32 s21, $0x2  }
0xa: {  	s23 =	sshrl.u32 s22, $0x1;
	s1 =	sor.u32 s10, s1;
	s6 =	sadd.s32 s6, s3  }
0xb: {  	s10 =	simm.s32 $0x8000;
	s26 =	smul.u32 $0x5000, s1;
	s24 =	sadd.s32 $0x2000, s6  }
0xc: {  	s1 =	smul.u32 $0xA00, s1;
	s25 =	sadd.s32 $0x4000, s6;
	[dreg:$0x5] =	wrdreg s24  }
0xd: {  	s5 =	sshrl.u32 s5, $0x3;
	s11 =	sadd.s32 $0x6000, s6;
	[dreg:$0x6] =	wrdreg s25  }
0xe: {  	s0 =	sadd.s32 s5, s0;
	s12 =	sadd.s32 $0x8000, s6;
	[dreg:$0x7] =	wrdreg s11  }
0xf: {  	s5 =	ssub.s32 s22, s23;
	s13 =	sadd.s32 $0xA000, s6;
	[dreg:$0x8] =	wrdreg s12  }
0x10: {  	s14 =	sadd.s32 $0xC000, s6;
	s9 =	sshrl.u32 s26, $0x3;
	[dreg:$0x9] =	wrdreg s13  }
0x11: {  	s15 =	sadd.s32 s7, s1;
	s1 =	sadd.s32 s8, s1;
	[dreg:$0xa] =	wrdreg s14  }
0x12: {  	s23 =	sadd.s32 $0xE000, s6;
	s26 =	sadd.s32 $0x12000, s6;
	[dreg:$0xb] =	wrdreg s15  }
0x13: {  	[dreg:$0xc] =	wrdreg s1;
	s16 =	sadd.s32 $0x200, s9;
	s18 =	sadd.s32 $0x400, s9  }
0x14: {  	s20 =	sadd.s32 $0x600, s9;
	s22 =	sadd.s32 $0x800, s9;
	[dreg:$0x15] =	wrdreg s23  }
0x15: {  	s0 =	sadd.s32 $0x2AC00, s0;
	s24 =	smax.u32 s5, $0x1;
	s25 =	sadd.s32 $0x10000, s6  }
0x16: {  	[dreg:$0x19] =	wrdreg s26;
	s5 =	simm.s32 $0x40;
	s9 =	simm.s32 $0x100  }
0x17: {  	s11 =	simm.s32 $0x180;
	s12 =	simm.s32 $0xA000;
	[dreg:$0x16] =	wrdreg s0  }
0x18: {  	s13 =	simm.s32 $0x1;
	s14 =	simm.s32 $0x2;
	[dreg:$0x17] =	wrdreg s24  }
0x19: {  	s15 =	simm.s32 $0x3;
	s17 =	sadd.s32 s7, s16;
	[dreg:$0x18] =	wrdreg s25  }
0x1a: {  	s26 =	simm.s32 $0x3F00;
	s1 =	sadd.s32 s8, s16;
	[dreg:$0xd] =	wrdreg s17  }
0x1b: {  	s19 =	sadd.s32 s7, s18;
	s21 =	sadd.s32 s7, s20;
	[dreg:$0xe] =	wrdreg s1  }
0x1c: {  	s7 =	sadd.s32 s7, s22;
	s0 =	simm.s32 $0x1000;
	[dreg:$0xf] =	wrdreg s19  }
0x1d: {  	s16 =	simm.s32 $0x4;
	s25 =	simm.s32 $0x3E80;
	[dreg:$0x11] =	wrdreg s21  }
0x1e: {  	s1 =	sadd.s32 s8, s18;
	[dreg:$0x13] =	wrdreg s7;
	s7 =	simm.s32 $0x80  }
0x1f: {  	s17 =	simm.s32 $0x2E00;
	s18 =	simm.s32 $0x2E80;
	s19 =	simm.s32 $0x2F80  }
0x20: {  	s21 =	simm.s32 $0x0;
	[dreg:$0x10] =	wrdreg s1;
	s1 =	sadd.s32 s8, s20  }
0x21: {  	s20 =	simm.s32 $0x5;
	[dreg:$0x12] =	wrdreg s1;
	s1 =	sadd.s32 s8, s22  }
0x22: {  	s8 =	simm.s32 $0x6000;
	[dreg:$0x14] =	wrdreg s1;
	s1 =	simm.s32 $0x2F00  }
.LBB2_1:
0x23: {  	s22 =	rddreg [dreg:$0x4]  }
0x24: {  	[tilespmem:s29], [sflag:$0x6] =	stream.linear.gather [hbm4b:s22+s4], $0x2000, $0x38;
	v63 =	vld [tilespmem:$0x0]  }
0x25: {  	_ =	swait.ge [sflag:s30], $0x2000  }
0x26: {  	[sflag:s30] =	ssyncset.done $0x0  }
0x27: {  	[sflag:s30] =	ssyncadd.s32 $0xFFFFE000  }
0x28: {  	[spmem:s6] =	stream.linear.scatter [tilespmem:s29], [sflag:$0x6], $0x2000, $0x38;
	v63 =	vld [tilespmem:$0x0]  }
0x29: {  	_ =	swait.ge [sflag:s30], $0x2000  }
0x2a: {  	[sflag:s30] =	ssyncset.done $0x0  }
0x2b: {  	s24 =	rddreg [dreg:$0x5];
	[sflag:s30] =	ssyncadd.s32 $0xFFFFE000  }
0x2c: {  	[spmem:s24] =	stream.linear.scatter [tilespmem:s29], [sflag:$0x6], $0x2000, $0x38;
	v63 =	vld [tilespmem:$0x0]  }
0x2d: {  	_ =	swait.ge [sflag:s30], $0x2000  }
0x2e: {  	[sflag:s30] =	ssyncset.done $0x0  }
0x2f: {  	s23 =	rddreg [dreg:$0x6];
	[sflag:s30] =	ssyncadd.s32 $0xFFFFE000  }
0x30: {  	[spmem:s23] =	stream.linear.scatter [tilespmem:s29], [sflag:$0x6], $0x2000, $0x38;
	v63 =	vld [tilespmem:$0x0]  }
0x31: {  	_ =	swait.ge [sflag:s30], $0x2000  }
0x32: {  	[sflag:s30] =	ssyncset.done $0x0  }
0x33: {  	s24 =	rddreg [dreg:$0x7];
	[sflag:s30] =	ssyncadd.s32 $0xFFFFE000  }
0x34: {  	[spmem:s24] =	stream.linear.scatter [tilespmem:s29], [sflag:$0x6], $0x2000, $0x38;
	v63 =	vld [tilespmem:$0x0]  }
0x35: {  	_ =	swait.ge [sflag:s30], $0x2000  }
0x36: {  	[sflag:s30] =	ssyncset.done $0x0  }
0x37: {  	s23 =	rddreg [dreg:$0x8];
	[sflag:s30] =	ssyncadd.s32 $0xFFFFE000  }
0x38: {  	[spmem:s23] =	stream.linear.scatter [tilespmem:s29], [sflag:$0x6], $0x2000, $0x38;
	v63 =	vld [tilespmem:$0x0]  }
0x39: {  	_ =	swait.ge [sflag:s30], $0x2000  }
0x3a: {  	[sflag:s30] =	ssyncset.done $0x0  }
0x3b: {  	s24 =	rddreg [dreg:$0x9];
	[sflag:s30] =	ssyncadd.s32 $0xFFFFE000  }
0x3c: {  	[spmem:s24] =	stream.linear.scatter [tilespmem:s29], [sflag:$0x6], $0x2000, $0x38;
	v63 =	vld [tilespmem:$0x0]  }
0x3d: {  	_ =	swait.ge [sflag:s30], $0x2000  }
0x3e: {  	[sflag:s30] =	ssyncset.done $0x0  }
0x3f: {  	s23 =	rddreg [dreg:$0xa];
	[sflag:s30] =	ssyncadd.s32 $0xFFFFE000  }
0x40: {  	[spmem:s23] =	stream.linear.scatter [tilespmem:s29], [sflag:$0x6], $0x2000, $0x38;
	v63 =	vld [tilespmem:$0x0]  }
0x41: {  	_ =	swait.ge [sflag:s30], $0x2000  }
0x42: {  	[sflag:s30] =	ssyncset.done $0x0  }
0x43: {  	s24 =	rddreg [dreg:$0x15];
	[sflag:s30] =	ssyncadd.s32 $0xFFFFE000  }
0x44: {  	[spmem:s24] =	stream.linear.scatter [tilespmem:s29], [sflag:$0x6], $0x2000, $0x38;
	v63 =	vld [tilespmem:$0x0]  }
0x45: {  	_ =	swait.ge [sflag:s30], $0x2000  }
0x46: {  	[sflag:s30] =	ssyncset.done $0x0  }
0x47: {  	s23 =	rddreg [dreg:$0x18];
	[sflag:s30] =	ssyncadd.s32 $0xFFFFE000  }
0x48: {  	[spmem:s23] =	stream.linear.scatter [tilespmem:s29], [sflag:$0x6], $0x2000, $0x38;
	v63 =	vld [tilespmem:$0x0]  }
0x49: {  	_ =	swait.ge [sflag:s30], $0x2000  }
0x4a: {  	[sflag:s30] =	ssyncset.done $0x0  }
0x4b: {  	s24 =	rddreg [dreg:$0x19];
	[sflag:s30] =	ssyncadd.s32 $0xFFFFE000  }
0x4c: {  	[spmem:s24] =	stream.linear.scatter [tilespmem:s29], [sflag:$0x6], $0x2000, $0x38;
	v63 =	vld [tilespmem:$0x0]  }
0x4d: {  	_ =	swait.ge [sflag:s30], $0x2000  }
0x4e: {  	[sflag:s30] =	ssyncset.done $0x0  }
0x4f: {  	s23 =	rddreg [dreg:$0xb];
	[sflag:s30] =	ssyncadd.s32 $0xFFFFE000  }
0x50: {  	[tilespmem:s4], [sflag:$0x6] =	stream.linear.gather [hbm4b:s23+s4], $0x1000, $0x38;
	v63 =	vld [tilespmem:$0x0]  }
0x51: {  	_ =	swait.ge [sflag:s30], $0x1000  }
0x52: {  	[sflag:s30] =	ssyncset.done $0x0  }
0x53: {  	s24 =	rddreg [dreg:$0xc];
	[sflag:s30] =	ssyncadd.s32 $0xFFFFF000  }
0x54: {  	[tilespmem:s31], [sflag:$0x6] =	stream.linear.gather [hbm4b:s24+s4], $0x1000, $0x38;
	v63 =	vld [tilespmem:$0x0]  }
0x55: {  	_ =	swait.ge [sflag:s30], $0x1000  }
0x56: {  	[sflag:s30] =	ssyncset.done $0x0  }
0x57: {  	[sflag:s30] =	ssyncadd.s32 $0xFFFFF000  }
0x58: {  	[bflag:$0x0] =	sbarrier.arrive $0xFFFF  }
0x59: {  	s23 =	rddreg [dreg:$0xd]  }
0x5a: {  	[tilespmem:s0], [sflag:$0x5] =	stream.linear.gather [hbm4b:s23+s4], $0x1000, $0x38;
	v63 =	vld [tilespmem:$0x0]  }
0x5b: {  	s24 =	rddreg [dreg:$0xe];
	s23 =	simm.s32 $0x3000  }
0x5c: {  	[tilespmem:s23], [sflag:$0x5] =	stream.linear.gather [hbm4b:s24+s4], $0x1000, $0x38;
	v63 =	vld [tilespmem:$0x0]  }
0x5d: {  	_ = 	snop  }
0x5e: {  	[tilespmem:s29], [sflag:$0x1] =	stream.indirect.gather [hbm4b:s2+s5], $0x80, s4, s5, $0xb8;
	v63 =	vld [tilespmem:$0x0]  }
0x5f: {  	_ = 	snop  }
0x60: {  	[tilespmem:s8], [sflag:$0x2] =	stream.indirect.gather [hbm4b:s2+s5], $0x80, s7, s5, $0xb8;
	v63 =	vld [tilespmem:$0x0]  }
0x61: {  	_ = 	snop  }
0x62: {  	[tilespmem:s10], [sflag:$0x3] =	stream.indirect.gather [hbm4b:s2+s5], $0x80, s9, s5, $0xb8;
	v63 =	vld [tilespmem:$0x0]  }
0x63: {  	_ = 	snop  }
0x64: {  	[tilespmem:s12], [sflag:$0x4] =	stream.indirect.gather [hbm4b:s2+s5], $0x80, s11, s5, $0xb8;
	v63 =	vld [tilespmem:$0x0]  }
0x65: {  	_ =	swait.ge [sflag:s13], $0x2000  }
0x66: {  	[sflag:s13] =	ssyncset.done $0x0  }
0x67: {  	s24 =	simm.s32 $0x2000;
	[sflag:s13] =	ssyncadd.s32 $0xFFFFE000  }
0x68: {  	[spmem:s3] =	stream.indirect.scatter.add.f32 [tilespmem:s29], [sflag:$0x6], $0x80, s24, s5, $0xb8;
	v63 =	vld [tilespmem:$0x0]  }
0x69: {  	_ =	swait.ge [sflag:s30], $0x2000  }
0x6a: {  	[sflag:s30] =	ssyncset.done $0x0  }
0x6b: {  	s23 =	simm.s32 $0x200;
	[sflag:s30] =	ssyncadd.s32 $0xFFFFE000  }
0x6c: {  	[tilespmem:s29], [sflag:$0x1] =	stream.indirect.gather [hbm4b:s2+s5], $0x80, s23, s5, $0xb8;
	v63 =	vld [tilespmem:$0x0]  }
0x6d: {  	_ =	swait.ge [sflag:s14], $0x2000  }
0x6e: {  	[sflag:s14] =	ssyncset.done $0x0  }
0x6f: {  	s24 =	simm.s32 $0x2080;
	[sflag:s14] =	ssyncadd.s32 $0xFFFFE000  }
0x70: {  	[spmem:s3] =	stream.indirect.scatter.add.f32 [tilespmem:s8], [sflag:$0x6], $0x80, s24, s5, $0xb8;
	v63 =	vld [tilespmem:$0x0]  }
0x71: {  	_ =	swait.ge [sflag:s30], $0x2000  }
0x72: {  	[sflag:s30] =	ssyncset.done $0x0  }
0x73: {  	s23 =	simm.s32 $0x280;
	[sflag:s30] =	ssyncadd.s32 $0xFFFFE000  }
0x74: {  	[tilespmem:s8], [sflag:$0x2] =	stream.indirect.gather [hbm4b:s2+s5], $0x80, s23, s5, $0xb8;
	v63 =	vld [tilespmem:$0x0]  }
0x75: {  	_ =	swait.ge [sflag:s15], $0x2000  }
0x76: {  	[sflag:s15] =	ssyncset.done $0x0  }
0x77: {  	s24 =	simm.s32 $0x2100;
	[sflag:s15] =	ssyncadd.s32 $0xFFFFE000  }
0x78: {  	[spmem:s3] =	stream.indirect.scatter.add.f32 [tilespmem:s10], [sflag:$0x6], $0x80, s24, s5, $0xb8;
	v63 =	vld [tilespmem:$0x0]  }
0x79: {  	_ =	swait.ge [sflag:s30], $0x2000  }
0x7a: {  	[sflag:s30] =	ssyncset.done $0x0  }
0x7b: {  	s23 =	simm.s32 $0x300;
	[sflag:s30] =	ssyncadd.s32 $0xFFFFE000  }
0x7c: {  	[tilespmem:s10], [sflag:$0x3] =	stream.indirect.gather [hbm4b:s2+s5], $0x80, s23, s5, $0xb8;
	v63 =	vld [tilespmem:$0x0]  }
0x7d: {  	_ =	swait.ge [sflag:s16], $0x2000  }
0x7e: {  	[sflag:s16] =	ssyncset.done $0x0  }
0x7f: {  	s24 =	simm.s32 $0x2180;
	[sflag:s16] =	ssyncadd.s32 $0xFFFFE000  }
0x80: {  	[spmem:s3] =	stream.indirect.scatter.add.f32 [tilespmem:s12], [sflag:$0x6], $0x80, s24, s5, $0xb8;
	v63 =	vld [tilespmem:$0x0]  }
0x81: {  	_ =	swait.ge [sflag:s30], $0x2000  }
0x82: {  	[sflag:s30] =	ssyncset.done $0x0  }
0x83: {  	s22 =	simm.s32 $0x800;
	s23 =	simm.s32 $0x380;
	[sflag:s30] =	ssyncadd.s32 $0xFFFFE000  }
.LBB2_2:
0x84: {  	[tilespmem:s12], [sflag:$0x4] =	stream.indirect.gather [hbm4b:s2+s5], $0x80, s23, s5, $0xb8;
	v63 =	vld [tilespmem:$0x0]  }
0x85: {  	s23 =	smov.u32 s22  }
0x86: {  	p0 =	sne.s32 s22, $0x3000;
	s22 =	sadd.s32 $0x800, s22;
	_ =	swait.ge [sflag:s13], $0x2000  }
0x87: {  	s23 =	sshra.s32 s23, $0x2;
	[sflag:s13] =	ssyncset.done $0x0  }
0x88: {  	s24 =	sadd.s32 $0x2000, s23;
	[sflag:s13] =	ssyncadd.s32 $0xFFFFE000  }
0x89: {  	[spmem:s3] =	stream.indirect.scatter.add.f32 [tilespmem:s29], [sflag:$0x6], $0x80, s24, s5, $0xb8;
	v63 =	vld [tilespmem:$0x0]  }
0x8a: {  	_ =	swait.ge [sflag:s30], $0x2000  }
0x8b: {  	[sflag:s30] =	ssyncset.done $0x0  }
0x8c: {  	s24 =	sadd.s32 $0x200, s23;
	[sflag:s30] =	ssyncadd.s32 $0xFFFFE000  }
0x8d: {  	[tilespmem:s29], [sflag:$0x1] =	stream.indirect.gather [hbm4b:s2+s5], $0x80, s24, s5, $0xb8;
	v63 =	vld [tilespmem:$0x0]  }
0x8e: {  	_ =	swait.ge [sflag:s14], $0x2000  }
0x8f: {  	[sflag:s14] =	ssyncset.done $0x0  }
0x90: {  	s24 =	sadd.s32 $0x2080, s23;
	[sflag:s14] =	ssyncadd.s32 $0xFFFFE000  }
0x91: {  	[spmem:s3] =	stream.indirect.scatter.add.f32 [tilespmem:s8], [sflag:$0x6], $0x80, s24, s5, $0xb8;
	v63 =	vld [tilespmem:$0x0]  }
0x92: {  	_ =	swait.ge [sflag:s30], $0x2000  }
0x93: {  	[sflag:s30] =	ssyncset.done $0x0  }
0x94: {  	s24 =	sadd.s32 $0x280, s23;
	[sflag:s30] =	ssyncadd.s32 $0xFFFFE000  }
0x95: {  	[tilespmem:s8], [sflag:$0x2] =	stream.indirect.gather [hbm4b:s2+s5], $0x80, s24, s5, $0xb8;
	v63 =	vld [tilespmem:$0x0]  }
0x96: {  	_ =	swait.ge [sflag:s15], $0x2000  }
0x97: {  	[sflag:s15] =	ssyncset.done $0x0  }
0x98: {  	s24 =	sadd.s32 $0x2100, s23;
	[sflag:s15] =	ssyncadd.s32 $0xFFFFE000  }
0x99: {  	[spmem:s3] =	stream.indirect.scatter.add.f32 [tilespmem:s10], [sflag:$0x6], $0x80, s24, s5, $0xb8;
	v63 =	vld [tilespmem:$0x0]  }
0x9a: {  	_ =	swait.ge [sflag:s30], $0x2000  }
0x9b: {  	[sflag:s30] =	ssyncset.done $0x0  }
0x9c: {  	s24 =	sadd.s32 $0x300, s23;
	[sflag:s30] =	ssyncadd.s32 $0xFFFFE000  }
0x9d: {  	[tilespmem:s10], [sflag:$0x3] =	stream.indirect.gather [hbm4b:s2+s5], $0x80, s24, s5, $0xb8;
	v63 =	vld [tilespmem:$0x0]  }
0x9e: {  	_ =	swait.ge [sflag:s16], $0x2000  }
0x9f: {  	[sflag:s16] =	ssyncset.done $0x0  }
.Ltmp0:
0xa0: {  	s24 =	sadd.s32 $0x2180, s23;
	[sflag:s16] =	ssyncadd.s32 $0xFFFFE000;
	(pc) =	sbr.rel @p0 .LBB2_2-.Ltmp0, $4  }
0xa1: {  	[spmem:s3] =	stream.indirect.scatter.add.f32 [tilespmem:s12], [sflag:$0x6], $0x80, s24, s5, $0xb8;
	v63 =	vld [tilespmem:$0x0]  }
0xa2: {  	_ =	swait.ge [sflag:s30], $0x2000  }
0xa3: {  	[sflag:s30] =	ssyncset.done $0x0  }
0xa4: {  	s23 =	sadd.s32 $0x380, s23;
	[sflag:s30] =	ssyncadd.s32 $0xFFFFE000  }
0xa5: {  	[tilespmem:s12], [sflag:$0x4] =	stream.indirect.gather [hbm4b:s2+s5], $0x80, s23, s5, $0xb8;
	v63 =	vld [tilespmem:$0x0]  }
0xa6: {  	_ =	swait.ge [sflag:s13], $0x2000  }
0xa7: {  	[sflag:s13] =	ssyncset.done $0x0  }
0xa8: {  	[sflag:s13] =	ssyncadd.s32 $0xFFFFE000  }
0xa9: {  	[spmem:s3] =	stream.indirect.scatter.add.f32 [tilespmem:s29], [sflag:$0x6], $0x80, s17, s5, $0xb8;
	v63 =	vld [tilespmem:$0x0]  }
0xaa: {  	_ =	swait.ge [sflag:s30], $0x2000  }
0xab: {  	[sflag:s30] =	ssyncset.done $0x0  }
0xac: {  	[sflag:s30] =	ssyncadd.s32 $0xFFFFE000  }
0xad: {  	_ =	swait.ge [sflag:s14], $0x2000  }
0xae: {  	[sflag:s14] =	ssyncset.done $0x0  }
0xaf: {  	[sflag:s14] =	ssyncadd.s32 $0xFFFFE000  }
0xb0: {  	[spmem:s3] =	stream.indirect.scatter.add.f32 [tilespmem:s8], [sflag:$0x6], $0x80, s18, s5, $0xb8;
	v63 =	vld [tilespmem:$0x0]  }
0xb1: {  	_ =	swait.ge [sflag:s30], $0x2000  }
0xb2: {  	[sflag:s30] =	ssyncset.done $0x0  }
0xb3: {  	[sflag:s30] =	ssyncadd.s32 $0xFFFFE000  }
0xb4: {  	_ =	swait.ge [sflag:s15], $0x2000  }
0xb5: {  	[sflag:s15] =	ssyncset.done $0x0  }
0xb6: {  	[sflag:s15] =	ssyncadd.s32 $0xFFFFE000  }
0xb7: {  	[spmem:s3] =	stream.indirect.scatter.add.f32 [tilespmem:s10], [sflag:$0x6], $0x80, s1, s5, $0xb8;
	v63 =	vld [tilespmem:$0x0]  }
0xb8: {  	_ =	swait.ge [sflag:s30], $0x2000  }
0xb9: {  	[sflag:s30] =	ssyncset.done $0x0  }
0xba: {  	[sflag:s30] =	ssyncadd.s32 $0xFFFFE000  }
0xbb: {  	_ =	swait.ge [sflag:s16], $0x2000  }
0xbc: {  	[sflag:s16] =	ssyncset.done $0x0  }
0xbd: {  	[sflag:s16] =	ssyncadd.s32 $0xFFFFE000  }
0xbe: {  	[spmem:s3] =	stream.indirect.scatter.add.f32 [tilespmem:s12], [sflag:$0x6], $0x80, s19, s5, $0xb8;
	v63 =	vld [tilespmem:$0x0]  }
0xbf: {  	_ =	swait.ge [sflag:s30], $0x2000  }
0xc0: {  	[sflag:s30] =	ssyncset.done $0x0  }
0xc1: {  	[sflag:s30] =	ssyncadd.s32 $0xFFFFE000  }
0xc2: {  	_ =	swait.ge [sflag:s20], $0x1000  }
0xc3: {  	[sflag:s20] =	ssyncset.done $0x0  }
0xc4: {  	[sflag:s20] =	ssyncadd.s32 $0xFFFFF000  }
0xc5: {  	_ =	swait.ge [sflag:s20], $0x1000  }
0xc6: {  	[sflag:s20] =	ssyncset.done $0x0  }
0xc7: {  	s22 =	simm.s32 $0x0;
	s24 =	rddreg [dreg:$0xf];
	[sflag:s20] =	ssyncadd.s32 $0xFFFFF000  }
0xc8: {  	[tilespmem:s22], [sflag:$0x5] =	stream.linear.gather [hbm4b:s24+s22], $0x1000, $0x38;
	v63 =	vld [tilespmem:$0x0]  }
0xc9: {  	s24 =	rddreg [dreg:$0x10]  }
0xca: {  	[tilespmem:s31], [sflag:$0x5] =	stream.linear.gather [hbm4b:s24+s22], $0x1000, $0x38;
	v63 =	vld [tilespmem:$0x0]  }
0xcb: {  	_ = 	snop  }
0xcc: {  	[tilespmem:s29], [sflag:$0x1] =	stream.indirect.gather [hbm4b:s2+s5], $0x80, s0, s5, $0xb8;
	v63 =	vld [tilespmem:$0x0]  }
0xcd: {  	s23 =	simm.s32 $0x1080  }
0xce: {  	[tilespmem:s8], [sflag:$0x2] =	stream.indirect.gather [hbm4b:s2+s5], $0x80, s23, s5, $0xb8;
	v63 =	vld [tilespmem:$0x0]  }
0xcf: {  	s24 =	simm.s32 $0x1100  }
0xd0: {  	[tilespmem:s10], [sflag:$0x3] =	stream.indirect.gather [hbm4b:s2+s5], $0x80, s24, s5, $0xb8;
	v63 =	vld [tilespmem:$0x0]  }
0xd1: {  	s23 =	simm.s32 $0x1180  }
0xd2: {  	[tilespmem:s12], [sflag:$0x4] =	stream.indirect.gather [hbm4b:s2+s5], $0x80, s23, s5, $0xb8;
	v63 =	vld [tilespmem:$0x0]  }
0xd3: {  	_ =	swait.ge [sflag:s13], $0x2000  }
0xd4: {  	[sflag:s13] =	ssyncset.done $0x0  }
0xd5: {  	s24 =	simm.s32 $0x3000;
	[sflag:s13] =	ssyncadd.s32 $0xFFFFE000  }
0xd6: {  	[spmem:s3] =	stream.indirect.scatter.add.f32 [tilespmem:s29], [sflag:$0x6], $0x80, s24, s5, $0xb8;
	v63 =	vld [tilespmem:$0x0]  }
0xd7: {  	_ =	swait.ge [sflag:s30], $0x2000  }
0xd8: {  	[sflag:s30] =	ssyncset.done $0x0  }
0xd9: {  	s23 =	simm.s32 $0x1200;
	[sflag:s30] =	ssyncadd.s32 $0xFFFFE000  }
0xda: {  	[tilespmem:s29], [sflag:$0x1] =	stream.indirect.gather [hbm4b:s2+s5], $0x80, s23, s5, $0xb8;
	v63 =	vld [tilespmem:$0x0]  }
0xdb: {  	_ =	swait.ge [sflag:s14], $0x2000  }
0xdc: {  	[sflag:s14] =	ssyncset.done $0x0  }
0xdd: {  	s24 =	simm.s32 $0x3080;
	[sflag:s14] =	ssyncadd.s32 $0xFFFFE000  }
0xde: {  	[spmem:s3] =	stream.indirect.scatter.add.f32 [tilespmem:s8], [sflag:$0x6], $0x80, s24, s5, $0xb8;
	v63 =	vld [tilespmem:$0x0]  }
0xdf: {  	_ =	swait.ge [sflag:s30], $0x2000  }
0xe0: {  	[sflag:s30] =	ssyncset.done $0x0  }
0xe1: {  	s23 =	simm.s32 $0x1280;
	[sflag:s30] =	ssyncadd.s32 $0xFFFFE000  }
0xe2: {  	[tilespmem:s8], [sflag:$0x2] =	stream.indirect.gather [hbm4b:s2+s5], $0x80, s23, s5, $0xb8;
	v63 =	vld [tilespmem:$0x0]  }
0xe3: {  	_ =	swait.ge [sflag:s15], $0x2000  }
0xe4: {  	[sflag:s15] =	ssyncset.done $0x0  }
0xe5: {  	s24 =	simm.s32 $0x3100;
	[sflag:s15] =	ssyncadd.s32 $0xFFFFE000  }
0xe6: {  	[spmem:s3] =	stream.indirect.scatter.add.f32 [tilespmem:s10], [sflag:$0x6], $0x80, s24, s5, $0xb8;
	v63 =	vld [tilespmem:$0x0]  }
0xe7: {  	_ =	swait.ge [sflag:s30], $0x2000  }
0xe8: {  	[sflag:s30] =	ssyncset.done $0x0  }
0xe9: {  	s23 =	simm.s32 $0x1300;
	[sflag:s30] =	ssyncadd.s32 $0xFFFFE000  }
0xea: {  	[tilespmem:s10], [sflag:$0x3] =	stream.indirect.gather [hbm4b:s2+s5], $0x80, s23, s5, $0xb8;
	v63 =	vld [tilespmem:$0x0]  }
0xeb: {  	_ =	swait.ge [sflag:s16], $0x2000  }
0xec: {  	[sflag:s16] =	ssyncset.done $0x0  }
0xed: {  	s24 =	simm.s32 $0x3180;
	[sflag:s16] =	ssyncadd.s32 $0xFFFFE000  }
0xee: {  	[spmem:s3] =	stream.indirect.scatter.add.f32 [tilespmem:s12], [sflag:$0x6], $0x80, s24, s5, $0xb8;
	v63 =	vld [tilespmem:$0x0]  }
0xef: {  	_ =	swait.ge [sflag:s30], $0x2000  }
0xf0: {  	[sflag:s30] =	ssyncset.done $0x0  }
0xf1: {  	s22 =	simm.s32 $0x800;
	s23 =	simm.s32 $0x1380;
	[sflag:s30] =	ssyncadd.s32 $0xFFFFE000  }
.LBB2_4:
0xf2: {  	[tilespmem:s12], [sflag:$0x4] =	stream.indirect.gather [hbm4b:s2+s5], $0x80, s23, s5, $0xb8;
	v63 =	vld [tilespmem:$0x0]  }
0xf3: {  	s23 =	smov.u32 s22  }
0xf4: {  	p0 =	sne.s32 s22, $0x3000;
	s22 =	sadd.s32 $0x800, s22;
	_ =	swait.ge [sflag:s13], $0x2000  }
0xf5: {  	s23 =	sshra.s32 s23, $0x2;
	[sflag:s13] =	ssyncset.done $0x0  }
0xf6: {  	s24 =	sadd.s32 $0x3000, s23;
	[sflag:s13] =	ssyncadd.s32 $0xFFFFE000  }
0xf7: {  	[spmem:s3] =	stream.indirect.scatter.add.f32 [tilespmem:s29], [sflag:$0x6], $0x80, s24, s5, $0xb8;
	v63 =	vld [tilespmem:$0x0]  }
0xf8: {  	_ =	swait.ge [sflag:s30], $0x2000  }
0xf9: {  	[sflag:s30] =	ssyncset.done $0x0  }
0xfa: {  	s24 =	sadd.s32 $0x1200, s23;
	[sflag:s30] =	ssyncadd.s32 $0xFFFFE000  }
0xfb: {  	[tilespmem:s29], [sflag:$0x1] =	stream.indirect.gather [hbm4b:s2+s5], $0x80, s24, s5, $0xb8;
	v63 =	vld [tilespmem:$0x0]  }
0xfc: {  	_ =	swait.ge [sflag:s14], $0x2000  }
0xfd: {  	[sflag:s14] =	ssyncset.done $0x0  }
0xfe: {  	s24 =	sadd.s32 $0x3080, s23;
	[sflag:s14] =	ssyncadd.s32 $0xFFFFE000  }
0xff: {  	[spmem:s3] =	stream.indirect.scatter.add.f32 [tilespmem:s8], [sflag:$0x6], $0x80, s24, s5, $0xb8;
	v63 =	vld [tilespmem:$0x0]  }
0x100: {  	_ =	swait.ge [sflag:s30], $0x2000  }
0x101: {  	[sflag:s30] =	ssyncset.done $0x0  }
0x102: {  	s24 =	sadd.s32 $0x1280, s23;
	[sflag:s30] =	ssyncadd.s32 $0xFFFFE000  }
0x103: {  	[tilespmem:s8], [sflag:$0x2] =	stream.indirect.gather [hbm4b:s2+s5], $0x80, s24, s5, $0xb8;
	v63 =	vld [tilespmem:$0x0]  }
0x104: {  	_ =	swait.ge [sflag:s15], $0x2000  }
0x105: {  	[sflag:s15] =	ssyncset.done $0x0  }
0x106: {  	s24 =	sadd.s32 $0x3100, s23;
	[sflag:s15] =	ssyncadd.s32 $0xFFFFE000  }
0x107: {  	[spmem:s3] =	stream.indirect.scatter.add.f32 [tilespmem:s10], [sflag:$0x6], $0x80, s24, s5, $0xb8;
	v63 =	vld [tilespmem:$0x0]  }
0x108: {  	_ =	swait.ge [sflag:s30], $0x2000  }
0x109: {  	[sflag:s30] =	ssyncset.done $0x0  }
0x10a: {  	s24 =	sadd.s32 $0x1300, s23;
	[sflag:s30] =	ssyncadd.s32 $0xFFFFE000  }
0x10b: {  	[tilespmem:s10], [sflag:$0x3] =	stream.indirect.gather [hbm4b:s2+s5], $0x80, s24, s5, $0xb8;
	v63 =	vld [tilespmem:$0x0]  }
0x10c: {  	_ =	swait.ge [sflag:s16], $0x2000  }
0x10d: {  	[sflag:s16] =	ssyncset.done $0x0  }
.Ltmp1:
0x10e: {  	s24 =	sadd.s32 $0x3180, s23;
	[sflag:s16] =	ssyncadd.s32 $0xFFFFE000;
	(pc) =	sbr.rel @p0 .LBB2_4-.Ltmp1, $4  }
0x10f: {  	[spmem:s3] =	stream.indirect.scatter.add.f32 [tilespmem:s12], [sflag:$0x6], $0x80, s24, s5, $0xb8;
	v63 =	vld [tilespmem:$0x0]  }
0x110: {  	_ =	swait.ge [sflag:s30], $0x2000  }
0x111: {  	[sflag:s30] =	ssyncset.done $0x0  }
0x112: {  	s23 =	sadd.s32 $0x1380, s23;
	[sflag:s30] =	ssyncadd.s32 $0xFFFFE000  }
0x113: {  	[tilespmem:s12], [sflag:$0x4] =	stream.indirect.gather [hbm4b:s2+s5], $0x80, s23, s5, $0xb8;
	v63 =	vld [tilespmem:$0x0]  }
0x114: {  	_ =	swait.ge [sflag:s13], $0x2000  }
0x115: {  	[sflag:s13] =	ssyncset.done $0x0  }
0x116: {  	s22 =	simm.s32 $0x3E00;
	[sflag:s13] =	ssyncadd.s32 $0xFFFFE000  }
0x117: {  	[spmem:s3] =	stream.indirect.scatter.add.f32 [tilespmem:s29], [sflag:$0x6], $0x80, s22, s5, $0xb8;
	v63 =	vld [tilespmem:$0x0]  }
0x118: {  	_ =	swait.ge [sflag:s30], $0x2000  }
0x119: {  	[sflag:s30] =	ssyncset.done $0x0  }
0x11a: {  	[sflag:s30] =	ssyncadd.s32 $0xFFFFE000  }
0x11b: {  	_ =	swait.ge [sflag:s14], $0x2000  }
0x11c: {  	[sflag:s14] =	ssyncset.done $0x0  }
0x11d: {  	[sflag:s14] =	ssyncadd.s32 $0xFFFFE000  }
0x11e: {  	[spmem:s3] =	stream.indirect.scatter.add.f32 [tilespmem:s8], [sflag:$0x6], $0x80, s25, s5, $0xb8;
	v63 =	vld [tilespmem:$0x0]  }
0x11f: {  	_ =	swait.ge [sflag:s30], $0x2000  }
0x120: {  	[sflag:s30] =	ssyncset.done $0x0  }
0x121: {  	[sflag:s30] =	ssyncadd.s32 $0xFFFFE000  }
0x122: {  	_ =	swait.ge [sflag:s15], $0x2000  }
0x123: {  	[sflag:s15] =	ssyncset.done $0x0  }
0x124: {  	[sflag:s15] =	ssyncadd.s32 $0xFFFFE000  }
0x125: {  	[spmem:s3] =	stream.indirect.scatter.add.f32 [tilespmem:s10], [sflag:$0x6], $0x80, s26, s5, $0xb8;
	v63 =	vld [tilespmem:$0x0]  }
0x126: {  	_ =	swait.ge [sflag:s30], $0x2000  }
0x127: {  	[sflag:s30] =	ssyncset.done $0x0  }
0x128: {  	[sflag:s30] =	ssyncadd.s32 $0xFFFFE000  }
0x129: {  	_ =	swait.ge [sflag:s16], $0x2000  }
0x12a: {  	[sflag:s16] =	ssyncset.done $0x0  }
0x12b: {  	[sflag:s16] =	ssyncadd.s32 $0xFFFFE000  }
0x12c: {  	[spmem:s3] =	stream.indirect.scatter.add.f32 [tilespmem:s12], [sflag:$0x6], $0x80, s28, s5, $0xb8;
	v63 =	vld [tilespmem:$0x0]  }
0x12d: {  	_ =	swait.ge [sflag:s30], $0x2000  }
0x12e: {  	[sflag:s30] =	ssyncset.done $0x0  }
0x12f: {  	[sflag:s30] =	ssyncadd.s32 $0xFFFFE000  }
0x130: {  	_ =	swait.ge [sflag:s20], $0x1000  }
0x131: {  	[sflag:s20] =	ssyncset.done $0x0  }
0x132: {  	[sflag:s20] =	ssyncadd.s32 $0xFFFFF000  }
0x133: {  	_ =	swait.ge [sflag:s20], $0x1000  }
0x134: {  	[sflag:s20] =	ssyncset.done $0x0  }
0x135: {  	s22 =	simm.s32 $0x0;
	s24 =	rddreg [dreg:$0x11];
	[sflag:s20] =	ssyncadd.s32 $0xFFFFF000  }
0x136: {  	[tilespmem:s0], [sflag:$0x5] =	stream.linear.gather [hbm4b:s24+s22], $0x1000, $0x38;
	v63 =	vld [tilespmem:$0x0]  }
0x137: {  	s23 =	rddreg [dreg:$0x12];
	s24 =	simm.s32 $0x3000  }
0x138: {  	[tilespmem:s24], [sflag:$0x5] =	stream.linear.gather [hbm4b:s23+s22], $0x1000, $0x38;
	v63 =	vld [tilespmem:$0x0]  }
0x139: {  	_ = 	snop  }
0x13a: {  	[tilespmem:s29], [sflag:$0x1] =	stream.indirect.gather [hbm4b:s2+s5], $0x80, s22, s5, $0xb8;
	v63 =	vld [tilespmem:$0x0]  }
0x13b: {  	_ = 	snop  }
0x13c: {  	[tilespmem:s8], [sflag:$0x2] =	stream.indirect.gather [hbm4b:s2+s5], $0x80, s7, s5, $0xb8;
	v63 =	vld [tilespmem:$0x0]  }
0x13d: {  	_ = 	snop  }
0x13e: {  	[tilespmem:s10], [sflag:$0x3] =	stream.indirect.gather [hbm4b:s2+s5], $0x80, s9, s5, $0xb8;
	v63 =	vld [tilespmem:$0x0]  }
0x13f: {  	_ = 	snop  }
0x140: {  	[tilespmem:s12], [sflag:$0x4] =	stream.indirect.gather [hbm4b:s2+s5], $0x80, s11, s5, $0xb8;
	v63 =	vld [tilespmem:$0x0]  }
0x141: {  	_ =	swait.ge [sflag:s13], $0x2000  }
0x142: {  	[sflag:s13] =	ssyncset.done $0x0  }
0x143: {  	s24 =	simm.s32 $0x2000;
	[sflag:s13] =	ssyncadd.s32 $0xFFFFE000  }
0x144: {  	[spmem:s3] =	stream.indirect.scatter.add.f32 [tilespmem:s29], [sflag:$0x6], $0x80, s24, s5, $0xb8;
	v63 =	vld [tilespmem:$0x0]  }
0x145: {  	_ =	swait.ge [sflag:s30], $0x2000  }
0x146: {  	[sflag:s30] =	ssyncset.done $0x0  }
0x147: {  	s23 =	simm.s32 $0x200;
	[sflag:s30] =	ssyncadd.s32 $0xFFFFE000  }
0x148: {  	[tilespmem:s29], [sflag:$0x1] =	stream.indirect.gather [hbm4b:s2+s5], $0x80, s23, s5, $0xb8;
	v63 =	vld [tilespmem:$0x0]  }
0x149: {  	_ =	swait.ge [sflag:s14], $0x2000  }
0x14a: {  	[sflag:s14] =	ssyncset.done $0x0  }
0x14b: {  	s24 =	simm.s32 $0x2080;
	[sflag:s14] =	ssyncadd.s32 $0xFFFFE000  }
0x14c: {  	[spmem:s3] =	stream.indirect.scatter.add.f32 [tilespmem:s8], [sflag:$0x6], $0x80, s24, s5, $0xb8;
	v63 =	vld [tilespmem:$0x0]  }
0x14d: {  	_ =	swait.ge [sflag:s30], $0x2000  }
0x14e: {  	[sflag:s30] =	ssyncset.done $0x0  }
0x14f: {  	s23 =	simm.s32 $0x280;
	[sflag:s30] =	ssyncadd.s32 $0xFFFFE000  }
0x150: {  	[tilespmem:s8], [sflag:$0x2] =	stream.indirect.gather [hbm4b:s2+s5], $0x80, s23, s5, $0xb8;
	v63 =	vld [tilespmem:$0x0]  }
0x151: {  	_ =	swait.ge [sflag:s15], $0x2000  }
0x152: {  	[sflag:s15] =	ssyncset.done $0x0  }
0x153: {  	s24 =	simm.s32 $0x2100;
	[sflag:s15] =	ssyncadd.s32 $0xFFFFE000  }
0x154: {  	[spmem:s3] =	stream.indirect.scatter.add.f32 [tilespmem:s10], [sflag:$0x6], $0x80, s24, s5, $0xb8;
	v63 =	vld [tilespmem:$0x0]  }
0x155: {  	_ =	swait.ge [sflag:s30], $0x2000  }
0x156: {  	[sflag:s30] =	ssyncset.done $0x0  }
0x157: {  	s23 =	simm.s32 $0x300;
	[sflag:s30] =	ssyncadd.s32 $0xFFFFE000  }
0x158: {  	[tilespmem:s10], [sflag:$0x3] =	stream.indirect.gather [hbm4b:s2+s5], $0x80, s23, s5, $0xb8;
	v63 =	vld [tilespmem:$0x0]  }
0x159: {  	_ =	swait.ge [sflag:s16], $0x2000  }
0x15a: {  	[sflag:s16] =	ssyncset.done $0x0  }
0x15b: {  	s24 =	simm.s32 $0x2180;
	[sflag:s16] =	ssyncadd.s32 $0xFFFFE000  }
0x15c: {  	[spmem:s3] =	stream.indirect.scatter.add.f32 [tilespmem:s12], [sflag:$0x6], $0x80, s24, s5, $0xb8;
	v63 =	vld [tilespmem:$0x0]  }
0x15d: {  	_ =	swait.ge [sflag:s30], $0x2000  }
0x15e: {  	[sflag:s30] =	ssyncset.done $0x0  }
0x15f: {  	s22 =	simm.s32 $0x800;
	s23 =	simm.s32 $0x380;
	[sflag:s30] =	ssyncadd.s32 $0xFFFFE000  }
.LBB2_6:
0x160: {  	[tilespmem:s12], [sflag:$0x4] =	stream.indirect.gather [hbm4b:s2+s5], $0x80, s23, s5, $0xb8;
	v63 =	vld [tilespmem:$0x0]  }
0x161: {  	s23 =	smov.u32 s22  }
0x162: {  	p0 =	sne.s32 s22, $0x3000;
	s22 =	sadd.s32 $0x800, s22;
	_ =	swait.ge [sflag:s13], $0x2000  }
0x163: {  	s23 =	sshra.s32 s23, $0x2;
	[sflag:s13] =	ssyncset.done $0x0  }
0x164: {  	s24 =	sadd.s32 $0x2000, s23;
	[sflag:s13] =	ssyncadd.s32 $0xFFFFE000  }
0x165: {  	[spmem:s3] =	stream.indirect.scatter.add.f32 [tilespmem:s29], [sflag:$0x6], $0x80, s24, s5, $0xb8;
	v63 =	vld [tilespmem:$0x0]  }
0x166: {  	_ =	swait.ge [sflag:s30], $0x2000  }
0x167: {  	[sflag:s30] =	ssyncset.done $0x0  }
0x168: {  	s24 =	sadd.s32 $0x200, s23;
	[sflag:s30] =	ssyncadd.s32 $0xFFFFE000  }
0x169: {  	[tilespmem:s29], [sflag:$0x1] =	stream.indirect.gather [hbm4b:s2+s5], $0x80, s24, s5, $0xb8;
	v63 =	vld [tilespmem:$0x0]  }
0x16a: {  	_ =	swait.ge [sflag:s14], $0x2000  }
0x16b: {  	[sflag:s14] =	ssyncset.done $0x0  }
0x16c: {  	s24 =	sadd.s32 $0x2080, s23;
	[sflag:s14] =	ssyncadd.s32 $0xFFFFE000  }
0x16d: {  	[spmem:s3] =	stream.indirect.scatter.add.f32 [tilespmem:s8], [sflag:$0x6], $0x80, s24, s5, $0xb8;
	v63 =	vld [tilespmem:$0x0]  }
0x16e: {  	_ =	swait.ge [sflag:s30], $0x2000  }
0x16f: {  	[sflag:s30] =	ssyncset.done $0x0  }
0x170: {  	s24 =	sadd.s32 $0x280, s23;
	[sflag:s30] =	ssyncadd.s32 $0xFFFFE000  }
0x171: {  	[tilespmem:s8], [sflag:$0x2] =	stream.indirect.gather [hbm4b:s2+s5], $0x80, s24, s5, $0xb8;
	v63 =	vld [tilespmem:$0x0]  }
0x172: {  	_ =	swait.ge [sflag:s15], $0x2000  }
0x173: {  	[sflag:s15] =	ssyncset.done $0x0  }
0x174: {  	s24 =	sadd.s32 $0x2100, s23;
	[sflag:s15] =	ssyncadd.s32 $0xFFFFE000  }
0x175: {  	[spmem:s3] =	stream.indirect.scatter.add.f32 [tilespmem:s10], [sflag:$0x6], $0x80, s24, s5, $0xb8;
	v63 =	vld [tilespmem:$0x0]  }
0x176: {  	_ =	swait.ge [sflag:s30], $0x2000  }
0x177: {  	[sflag:s30] =	ssyncset.done $0x0  }
0x178: {  	s24 =	sadd.s32 $0x300, s23;
	[sflag:s30] =	ssyncadd.s32 $0xFFFFE000  }
0x179: {  	[tilespmem:s10], [sflag:$0x3] =	stream.indirect.gather [hbm4b:s2+s5], $0x80, s24, s5, $0xb8;
	v63 =	vld [tilespmem:$0x0]  }
0x17a: {  	_ =	swait.ge [sflag:s16], $0x2000  }
0x17b: {  	[sflag:s16] =	ssyncset.done $0x0  }
.Ltmp2:
0x17c: {  	s24 =	sadd.s32 $0x2180, s23;
	[sflag:s16] =	ssyncadd.s32 $0xFFFFE000;
	(pc) =	sbr.rel @p0 .LBB2_6-.Ltmp2, $4  }
0x17d: {  	[spmem:s3] =	stream.indirect.scatter.add.f32 [tilespmem:s12], [sflag:$0x6], $0x80, s24, s5, $0xb8;
	v63 =	vld [tilespmem:$0x0]  }
0x17e: {  	_ =	swait.ge [sflag:s30], $0x2000  }
0x17f: {  	[sflag:s30] =	ssyncset.done $0x0  }
0x180: {  	s23 =	sadd.s32 $0x380, s23;
	[sflag:s30] =	ssyncadd.s32 $0xFFFFE000  }
0x181: {  	[tilespmem:s12], [sflag:$0x4] =	stream.indirect.gather [hbm4b:s2+s5], $0x80, s23, s5, $0xb8;
	v63 =	vld [tilespmem:$0x0]  }
0x182: {  	_ =	swait.ge [sflag:s13], $0x2000  }
0x183: {  	[sflag:s13] =	ssyncset.done $0x0  }
0x184: {  	[sflag:s13] =	ssyncadd.s32 $0xFFFFE000  }
0x185: {  	[spmem:s3] =	stream.indirect.scatter.add.f32 [tilespmem:s29], [sflag:$0x6], $0x80, s17, s5, $0xb8;
	v63 =	vld [tilespmem:$0x0]  }
0x186: {  	_ =	swait.ge [sflag:s30], $0x2000  }
0x187: {  	[sflag:s30] =	ssyncset.done $0x0  }
0x188: {  	[sflag:s30] =	ssyncadd.s32 $0xFFFFE000  }
0x189: {  	_ =	swait.ge [sflag:s14], $0x2000  }
0x18a: {  	[sflag:s14] =	ssyncset.done $0x0  }
0x18b: {  	[sflag:s14] =	ssyncadd.s32 $0xFFFFE000  }
0x18c: {  	[spmem:s3] =	stream.indirect.scatter.add.f32 [tilespmem:s8], [sflag:$0x6], $0x80, s18, s5, $0xb8;
	v63 =	vld [tilespmem:$0x0]  }
0x18d: {  	_ =	swait.ge [sflag:s30], $0x2000  }
0x18e: {  	[sflag:s30] =	ssyncset.done $0x0  }
0x18f: {  	[sflag:s30] =	ssyncadd.s32 $0xFFFFE000  }
0x190: {  	_ =	swait.ge [sflag:s15], $0x2000  }
0x191: {  	[sflag:s15] =	ssyncset.done $0x0  }
0x192: {  	[sflag:s15] =	ssyncadd.s32 $0xFFFFE000  }
0x193: {  	[spmem:s3] =	stream.indirect.scatter.add.f32 [tilespmem:s10], [sflag:$0x6], $0x80, s1, s5, $0xb8;
	v63 =	vld [tilespmem:$0x0]  }
0x194: {  	_ =	swait.ge [sflag:s30], $0x2000  }
0x195: {  	[sflag:s30] =	ssyncset.done $0x0  }
0x196: {  	[sflag:s30] =	ssyncadd.s32 $0xFFFFE000  }
0x197: {  	_ =	swait.ge [sflag:s16], $0x2000  }
0x198: {  	[sflag:s16] =	ssyncset.done $0x0  }
0x199: {  	[sflag:s16] =	ssyncadd.s32 $0xFFFFE000  }
0x19a: {  	[spmem:s3] =	stream.indirect.scatter.add.f32 [tilespmem:s12], [sflag:$0x6], $0x80, s19, s5, $0xb8;
	v63 =	vld [tilespmem:$0x0]  }
0x19b: {  	_ =	swait.ge [sflag:s30], $0x2000  }
0x19c: {  	[sflag:s30] =	ssyncset.done $0x0  }
0x19d: {  	[sflag:s30] =	ssyncadd.s32 $0xFFFFE000  }
0x19e: {  	_ =	swait.ge [sflag:s20], $0x1000  }
0x19f: {  	[sflag:s20] =	ssyncset.done $0x0  }
0x1a0: {  	[sflag:s20] =	ssyncadd.s32 $0xFFFFF000  }
0x1a1: {  	_ =	swait.ge [sflag:s20], $0x1000  }
0x1a2: {  	[sflag:s20] =	ssyncset.done $0x0  }
0x1a3: {  	s22 =	simm.s32 $0x0;
	s24 =	rddreg [dreg:$0x13];
	[sflag:s20] =	ssyncadd.s32 $0xFFFFF000  }
0x1a4: {  	[tilespmem:s22], [sflag:$0x5] =	stream.linear.gather [hbm4b:s24+s22], $0x1000, $0x38;
	v63 =	vld [tilespmem:$0x0]  }
0x1a5: {  	s24 =	rddreg [dreg:$0x14]  }
0x1a6: {  	[tilespmem:s31], [sflag:$0x5] =	stream.linear.gather [hbm4b:s24+s22], $0x1000, $0x38;
	v63 =	vld [tilespmem:$0x0]  }
0x1a7: {  	_ = 	snop  }
0x1a8: {  	[tilespmem:s29], [sflag:$0x1] =	stream.indirect.gather [hbm4b:s2+s5], $0x80, s0, s5, $0xb8;
	v63 =	vld [tilespmem:$0x0]  }
0x1a9: {  	s23 =	simm.s32 $0x1080  }
0x1aa: {  	[tilespmem:s8], [sflag:$0x2] =	stream.indirect.gather [hbm4b:s2+s5], $0x80, s23, s5, $0xb8;
	v63 =	vld [tilespmem:$0x0]  }
0x1ab: {  	s24 =	simm.s32 $0x1100  }
0x1ac: {  	[tilespmem:s10], [sflag:$0x3] =	stream.indirect.gather [hbm4b:s2+s5], $0x80, s24, s5, $0xb8;
	v63 =	vld [tilespmem:$0x0]  }
0x1ad: {  	s23 =	simm.s32 $0x1180  }
0x1ae: {  	[tilespmem:s12], [sflag:$0x4] =	stream.indirect.gather [hbm4b:s2+s5], $0x80, s23, s5, $0xb8;
	v63 =	vld [tilespmem:$0x0]  }
0x1af: {  	_ =	swait.ge [sflag:s13], $0x2000  }
0x1b0: {  	[sflag:s13] =	ssyncset.done $0x0  }
0x1b1: {  	s24 =	simm.s32 $0x3000;
	[sflag:s13] =	ssyncadd.s32 $0xFFFFE000  }
0x1b2: {  	[spmem:s3] =	stream.indirect.scatter.add.f32 [tilespmem:s29], [sflag:$0x6], $0x80, s24, s5, $0xb8;
	v63 =	vld [tilespmem:$0x0]  }
0x1b3: {  	_ =	swait.ge [sflag:s30], $0x2000  }
0x1b4: {  	[sflag:s30] =	ssyncset.done $0x0  }
0x1b5: {  	s23 =	simm.s32 $0x1200;
	[sflag:s30] =	ssyncadd.s32 $0xFFFFE000  }
0x1b6: {  	[tilespmem:s29], [sflag:$0x1] =	stream.indirect.gather [hbm4b:s2+s5], $0x80, s23, s5, $0xb8;
	v63 =	vld [tilespmem:$0x0]  }
0x1b7: {  	_ =	swait.ge [sflag:s14], $0x2000  }
0x1b8: {  	[sflag:s14] =	ssyncset.done $0x0  }
0x1b9: {  	s24 =	simm.s32 $0x3080;
	[sflag:s14] =	ssyncadd.s32 $0xFFFFE000  }
0x1ba: {  	[spmem:s3] =	stream.indirect.scatter.add.f32 [tilespmem:s8], [sflag:$0x6], $0x80, s24, s5, $0xb8;
	v63 =	vld [tilespmem:$0x0]  }
0x1bb: {  	_ =	swait.ge [sflag:s30], $0x2000  }
0x1bc: {  	[sflag:s30] =	ssyncset.done $0x0  }
0x1bd: {  	s23 =	simm.s32 $0x1280;
	[sflag:s30] =	ssyncadd.s32 $0xFFFFE000  }
0x1be: {  	[tilespmem:s8], [sflag:$0x2] =	stream.indirect.gather [hbm4b:s2+s5], $0x80, s23, s5, $0xb8;
	v63 =	vld [tilespmem:$0x0]  }
0x1bf: {  	_ =	swait.ge [sflag:s15], $0x2000  }
0x1c0: {  	[sflag:s15] =	ssyncset.done $0x0  }
0x1c1: {  	s24 =	simm.s32 $0x3100;
	[sflag:s15] =	ssyncadd.s32 $0xFFFFE000  }
0x1c2: {  	[spmem:s3] =	stream.indirect.scatter.add.f32 [tilespmem:s10], [sflag:$0x6], $0x80, s24, s5, $0xb8;
	v63 =	vld [tilespmem:$0x0]  }
0x1c3: {  	_ =	swait.ge [sflag:s30], $0x2000  }
0x1c4: {  	[sflag:s30] =	ssyncset.done $0x0  }
0x1c5: {  	s23 =	simm.s32 $0x1300;
	[sflag:s30] =	ssyncadd.s32 $0xFFFFE000  }
0x1c6: {  	[tilespmem:s10], [sflag:$0x3] =	stream.indirect.gather [hbm4b:s2+s5], $0x80, s23, s5, $0xb8;
	v63 =	vld [tilespmem:$0x0]  }
0x1c7: {  	_ =	swait.ge [sflag:s16], $0x2000  }
0x1c8: {  	[sflag:s16] =	ssyncset.done $0x0  }
0x1c9: {  	s24 =	simm.s32 $0x3180;
	[sflag:s16] =	ssyncadd.s32 $0xFFFFE000  }
0x1ca: {  	[spmem:s3] =	stream.indirect.scatter.add.f32 [tilespmem:s12], [sflag:$0x6], $0x80, s24, s5, $0xb8;
	v63 =	vld [tilespmem:$0x0]  }
0x1cb: {  	_ =	swait.ge [sflag:s30], $0x2000  }
0x1cc: {  	[sflag:s30] =	ssyncset.done $0x0  }
0x1cd: {  	s22 =	simm.s32 $0x800;
	s23 =	simm.s32 $0x1380;
	[sflag:s30] =	ssyncadd.s32 $0xFFFFE000  }
.LBB2_8:
0x1ce: {  	[tilespmem:s12], [sflag:$0x4] =	stream.indirect.gather [hbm4b:s2+s5], $0x80, s23, s5, $0xb8;
	v63 =	vld [tilespmem:$0x0]  }
0x1cf: {  	s23 =	smov.u32 s22  }
0x1d0: {  	p0 =	sne.s32 s22, $0x3000;
	s22 =	sadd.s32 $0x800, s22;
	_ =	swait.ge [sflag:s13], $0x2000  }
0x1d1: {  	s23 =	sshra.s32 s23, $0x2;
	[sflag:s13] =	ssyncset.done $0x0  }
0x1d2: {  	s24 =	sadd.s32 $0x3000, s23;
	[sflag:s13] =	ssyncadd.s32 $0xFFFFE000  }
0x1d3: {  	[spmem:s3] =	stream.indirect.scatter.add.f32 [tilespmem:s29], [sflag:$0x6], $0x80, s24, s5, $0xb8;
	v63 =	vld [tilespmem:$0x0]  }
0x1d4: {  	_ =	swait.ge [sflag:s30], $0x2000  }
0x1d5: {  	[sflag:s30] =	ssyncset.done $0x0  }
0x1d6: {  	s24 =	sadd.s32 $0x1200, s23;
	[sflag:s30] =	ssyncadd.s32 $0xFFFFE000  }
0x1d7: {  	[tilespmem:s29], [sflag:$0x1] =	stream.indirect.gather [hbm4b:s2+s5], $0x80, s24, s5, $0xb8;
	v63 =	vld [tilespmem:$0x0]  }
0x1d8: {  	_ =	swait.ge [sflag:s14], $0x2000  }
0x1d9: {  	[sflag:s14] =	ssyncset.done $0x0  }
0x1da: {  	s24 =	sadd.s32 $0x3080, s23;
	[sflag:s14] =	ssyncadd.s32 $0xFFFFE000  }
0x1db: {  	[spmem:s3] =	stream.indirect.scatter.add.f32 [tilespmem:s8], [sflag:$0x6], $0x80, s24, s5, $0xb8;
	v63 =	vld [tilespmem:$0x0]  }
0x1dc: {  	_ =	swait.ge [sflag:s30], $0x2000  }
0x1dd: {  	[sflag:s30] =	ssyncset.done $0x0  }
0x1de: {  	s24 =	sadd.s32 $0x1280, s23;
	[sflag:s30] =	ssyncadd.s32 $0xFFFFE000  }
0x1df: {  	[tilespmem:s8], [sflag:$0x2] =	stream.indirect.gather [hbm4b:s2+s5], $0x80, s24, s5, $0xb8;
	v63 =	vld [tilespmem:$0x0]  }
0x1e0: {  	_ =	swait.ge [sflag:s15], $0x2000  }
0x1e1: {  	[sflag:s15] =	ssyncset.done $0x0  }
0x1e2: {  	s24 =	sadd.s32 $0x3100, s23;
	[sflag:s15] =	ssyncadd.s32 $0xFFFFE000  }
0x1e3: {  	[spmem:s3] =	stream.indirect.scatter.add.f32 [tilespmem:s10], [sflag:$0x6], $0x80, s24, s5, $0xb8;
	v63 =	vld [tilespmem:$0x0]  }
0x1e4: {  	_ =	swait.ge [sflag:s30], $0x2000  }
0x1e5: {  	[sflag:s30] =	ssyncset.done $0x0  }
0x1e6: {  	s24 =	sadd.s32 $0x1300, s23;
	[sflag:s30] =	ssyncadd.s32 $0xFFFFE000  }
0x1e7: {  	[tilespmem:s10], [sflag:$0x3] =	stream.indirect.gather [hbm4b:s2+s5], $0x80, s24, s5, $0xb8;
	v63 =	vld [tilespmem:$0x0]  }
0x1e8: {  	_ =	swait.ge [sflag:s16], $0x2000  }
0x1e9: {  	[sflag:s16] =	ssyncset.done $0x0  }
.Ltmp3:
0x1ea: {  	s24 =	sadd.s32 $0x3180, s23;
	[sflag:s16] =	ssyncadd.s32 $0xFFFFE000;
	(pc) =	sbr.rel @p0 .LBB2_8-.Ltmp3, $4  }
0x1eb: {  	[spmem:s3] =	stream.indirect.scatter.add.f32 [tilespmem:s12], [sflag:$0x6], $0x80, s24, s5, $0xb8;
	v63 =	vld [tilespmem:$0x0]  }
0x1ec: {  	_ =	swait.ge [sflag:s30], $0x2000  }
0x1ed: {  	[sflag:s30] =	ssyncset.done $0x0  }
0x1ee: {  	s23 =	sadd.s32 $0x1380, s23;
	[sflag:s30] =	ssyncadd.s32 $0xFFFFE000  }
0x1ef: {  	[tilespmem:s12], [sflag:$0x4] =	stream.indirect.gather [hbm4b:s2+s5], $0x80, s23, s5, $0xb8;
	v63 =	vld [tilespmem:$0x0]  }
0x1f0: {  	_ =	swait.ge [sflag:s13], $0x2000  }
0x1f1: {  	[sflag:s13] =	ssyncset.done $0x0  }
0x1f2: {  	s22 =	simm.s32 $0x3E00;
	[sflag:s13] =	ssyncadd.s32 $0xFFFFE000  }
0x1f3: {  	[spmem:s3] =	stream.indirect.scatter.add.f32 [tilespmem:s29], [sflag:$0x6], $0x80, s22, s5, $0xb8;
	v63 =	vld [tilespmem:$0x0]  }
0x1f4: {  	_ =	swait.ge [sflag:s30], $0x2000  }
0x1f5: {  	[sflag:s30] =	ssyncset.done $0x0  }
0x1f6: {  	[sflag:s30] =	ssyncadd.s32 $0xFFFFE000  }
0x1f7: {  	_ =	swait.ge [sflag:s14], $0x2000  }
0x1f8: {  	[sflag:s14] =	ssyncset.done $0x0  }
0x1f9: {  	[sflag:s14] =	ssyncadd.s32 $0xFFFFE000  }
0x1fa: {  	[spmem:s3] =	stream.indirect.scatter.add.f32 [tilespmem:s8], [sflag:$0x6], $0x80, s25, s5, $0xb8;
	v63 =	vld [tilespmem:$0x0]  }
0x1fb: {  	_ =	swait.ge [sflag:s30], $0x2000  }
0x1fc: {  	[sflag:s30] =	ssyncset.done $0x0  }
0x1fd: {  	[sflag:s30] =	ssyncadd.s32 $0xFFFFE000  }
0x1fe: {  	_ =	swait.ge [sflag:s15], $0x2000  }
0x1ff: {  	[sflag:s15] =	ssyncset.done $0x0  }
0x200: {  	[sflag:s15] =	ssyncadd.s32 $0xFFFFE000  }
0x201: {  	[spmem:s3] =	stream.indirect.scatter.add.f32 [tilespmem:s10], [sflag:$0x6], $0x80, s26, s5, $0xb8;
	v63 =	vld [tilespmem:$0x0]  }
0x202: {  	_ =	swait.ge [sflag:s30], $0x2000  }
0x203: {  	[sflag:s30] =	ssyncset.done $0x0  }
0x204: {  	[sflag:s30] =	ssyncadd.s32 $0xFFFFE000  }
0x205: {  	_ =	swait.ge [sflag:s16], $0x2000  }
0x206: {  	[sflag:s16] =	ssyncset.done $0x0  }
0x207: {  	[sflag:s16] =	ssyncadd.s32 $0xFFFFE000  }
0x208: {  	[spmem:s3] =	stream.indirect.scatter.add.f32 [tilespmem:s12], [sflag:$0x6], $0x80, s28, s5, $0xb8;
	v63 =	vld [tilespmem:$0x0]  }
0x209: {  	_ =	swait.ge [sflag:s30], $0x2000  }
0x20a: {  	[sflag:s30] =	ssyncset.done $0x0  }
0x20b: {  	[sflag:s30] =	ssyncadd.s32 $0xFFFFE000  }
0x20c: {  	_ =	swait.ge [sflag:s20], $0x1000  }
0x20d: {  	[sflag:s20] =	ssyncset.done $0x0  }
0x20e: {  	[sflag:s20] =	ssyncadd.s32 $0xFFFFF000  }
0x20f: {  	_ =	swait.ge [sflag:s20], $0x1000  }
0x210: {  	[sflag:s20] =	ssyncset.done $0x0  }
0x211: {  	s23 =	simm.s32 $0x0;
	[sflag:s20] =	ssyncadd.s32 $0xFFFFF000  }
0x212: {  	[tilespmem:s29], [sflag:$0x1] =	stream.indirect.gather [hbm4b:s2+s5], $0x80, s23, s5, $0xb8;
	v63 =	vld [tilespmem:$0x0]  }
0x213: {  	_ = 	snop  }
0x214: {  	[tilespmem:s8], [sflag:$0x2] =	stream.indirect.gather [hbm4b:s2+s5], $0x80, s7, s5, $0xb8;
	v63 =	vld [tilespmem:$0x0]  }
0x215: {  	_ = 	snop  }
0x216: {  	[tilespmem:s10], [sflag:$0x3] =	stream.indirect.gather [hbm4b:s2+s5], $0x80, s9, s5, $0xb8;
	v63 =	vld [tilespmem:$0x0]  }
0x217: {  	_ = 	snop  }
0x218: {  	[tilespmem:s12], [sflag:$0x4] =	stream.indirect.gather [hbm4b:s2+s5], $0x80, s11, s5, $0xb8;
	v63 =	vld [tilespmem:$0x0]  }
0x219: {  	_ =	swait.ge [sflag:s13], $0x2000  }
0x21a: {  	[sflag:s13] =	ssyncset.done $0x0  }
0x21b: {  	s24 =	simm.s32 $0x2000;
	[sflag:s13] =	ssyncadd.s32 $0xFFFFE000  }
0x21c: {  	[spmem:s3] =	stream.indirect.scatter.add.f32 [tilespmem:s29], [sflag:$0x6], $0x80, s24, s5, $0xb8;
	v63 =	vld [tilespmem:$0x0]  }
0x21d: {  	_ =	swait.ge [sflag:s30], $0x2000  }
0x21e: {  	[sflag:s30] =	ssyncset.done $0x0  }
0x21f: {  	s23 =	simm.s32 $0x200;
	[sflag:s30] =	ssyncadd.s32 $0xFFFFE000  }
0x220: {  	[tilespmem:s29], [sflag:$0x1] =	stream.indirect.gather [hbm4b:s2+s5], $0x80, s23, s5, $0xb8;
	v63 =	vld [tilespmem:$0x0]  }
0x221: {  	_ =	swait.ge [sflag:s14], $0x2000  }
0x222: {  	[sflag:s14] =	ssyncset.done $0x0  }
0x223: {  	s24 =	simm.s32 $0x2080;
	[sflag:s14] =	ssyncadd.s32 $0xFFFFE000  }
0x224: {  	[spmem:s3] =	stream.indirect.scatter.add.f32 [tilespmem:s8], [sflag:$0x6], $0x80, s24, s5, $0xb8;
	v63 =	vld [tilespmem:$0x0]  }
0x225: {  	_ =	swait.ge [sflag:s30], $0x2000  }
0x226: {  	[sflag:s30] =	ssyncset.done $0x0  }
0x227: {  	s23 =	simm.s32 $0x280;
	[sflag:s30] =	ssyncadd.s32 $0xFFFFE000  }
0x228: {  	[tilespmem:s8], [sflag:$0x2] =	stream.indirect.gather [hbm4b:s2+s5], $0x80, s23, s5, $0xb8;
	v63 =	vld [tilespmem:$0x0]  }
0x229: {  	_ =	swait.ge [sflag:s15], $0x2000  }
0x22a: {  	[sflag:s15] =	ssyncset.done $0x0  }
0x22b: {  	s24 =	simm.s32 $0x2100;
	[sflag:s15] =	ssyncadd.s32 $0xFFFFE000  }
0x22c: {  	[spmem:s3] =	stream.indirect.scatter.add.f32 [tilespmem:s10], [sflag:$0x6], $0x80, s24, s5, $0xb8;
	v63 =	vld [tilespmem:$0x0]  }
0x22d: {  	_ =	swait.ge [sflag:s30], $0x2000  }
0x22e: {  	[sflag:s30] =	ssyncset.done $0x0  }
0x22f: {  	s23 =	simm.s32 $0x300;
	[sflag:s30] =	ssyncadd.s32 $0xFFFFE000  }
0x230: {  	[tilespmem:s10], [sflag:$0x3] =	stream.indirect.gather [hbm4b:s2+s5], $0x80, s23, s5, $0xb8;
	v63 =	vld [tilespmem:$0x0]  }
0x231: {  	_ =	swait.ge [sflag:s16], $0x2000  }
0x232: {  	[sflag:s16] =	ssyncset.done $0x0  }
0x233: {  	s24 =	simm.s32 $0x2180;
	[sflag:s16] =	ssyncadd.s32 $0xFFFFE000  }
0x234: {  	[spmem:s3] =	stream.indirect.scatter.add.f32 [tilespmem:s12], [sflag:$0x6], $0x80, s24, s5, $0xb8;
	v63 =	vld [tilespmem:$0x0]  }
0x235: {  	_ =	swait.ge [sflag:s30], $0x2000  }
0x236: {  	[sflag:s30] =	ssyncset.done $0x0  }
0x237: {  	s22 =	simm.s32 $0x800;
	s23 =	simm.s32 $0x380;
	[sflag:s30] =	ssyncadd.s32 $0xFFFFE000  }
.LBB2_10:
0x238: {  	[tilespmem:s12], [sflag:$0x4] =	stream.indirect.gather [hbm4b:s2+s5], $0x80, s23, s5, $0xb8;
	v63 =	vld [tilespmem:$0x0]  }
0x239: {  	s23 =	smov.u32 s22  }
0x23a: {  	p0 =	sne.s32 s22, $0x3000;
	s22 =	sadd.s32 $0x800, s22;
	_ =	swait.ge [sflag:s13], $0x2000  }
0x23b: {  	s23 =	sshra.s32 s23, $0x2;
	[sflag:s13] =	ssyncset.done $0x0  }
0x23c: {  	s24 =	sadd.s32 $0x2000, s23;
	[sflag:s13] =	ssyncadd.s32 $0xFFFFE000  }
0x23d: {  	[spmem:s3] =	stream.indirect.scatter.add.f32 [tilespmem:s29], [sflag:$0x6], $0x80, s24, s5, $0xb8;
	v63 =	vld [tilespmem:$0x0]  }
0x23e: {  	_ =	swait.ge [sflag:s30], $0x2000  }
0x23f: {  	[sflag:s30] =	ssyncset.done $0x0  }
0x240: {  	s24 =	sadd.s32 $0x200, s23;
	[sflag:s30] =	ssyncadd.s32 $0xFFFFE000  }
0x241: {  	[tilespmem:s29], [sflag:$0x1] =	stream.indirect.gather [hbm4b:s2+s5], $0x80, s24, s5, $0xb8;
	v63 =	vld [tilespmem:$0x0]  }
0x242: {  	_ =	swait.ge [sflag:s14], $0x2000  }
0x243: {  	[sflag:s14] =	ssyncset.done $0x0  }
0x244: {  	s24 =	sadd.s32 $0x2080, s23;
	[sflag:s14] =	ssyncadd.s32 $0xFFFFE000  }
0x245: {  	[spmem:s3] =	stream.indirect.scatter.add.f32 [tilespmem:s8], [sflag:$0x6], $0x80, s24, s5, $0xb8;
	v63 =	vld [tilespmem:$0x0]  }
0x246: {  	_ =	swait.ge [sflag:s30], $0x2000  }
0x247: {  	[sflag:s30] =	ssyncset.done $0x0  }
0x248: {  	s24 =	sadd.s32 $0x280, s23;
	[sflag:s30] =	ssyncadd.s32 $0xFFFFE000  }
0x249: {  	[tilespmem:s8], [sflag:$0x2] =	stream.indirect.gather [hbm4b:s2+s5], $0x80, s24, s5, $0xb8;
	v63 =	vld [tilespmem:$0x0]  }
0x24a: {  	_ =	swait.ge [sflag:s15], $0x2000  }
0x24b: {  	[sflag:s15] =	ssyncset.done $0x0  }
0x24c: {  	s24 =	sadd.s32 $0x2100, s23;
	[sflag:s15] =	ssyncadd.s32 $0xFFFFE000  }
0x24d: {  	[spmem:s3] =	stream.indirect.scatter.add.f32 [tilespmem:s10], [sflag:$0x6], $0x80, s24, s5, $0xb8;
	v63 =	vld [tilespmem:$0x0]  }
0x24e: {  	_ =	swait.ge [sflag:s30], $0x2000  }
0x24f: {  	[sflag:s30] =	ssyncset.done $0x0  }
0x250: {  	s24 =	sadd.s32 $0x300, s23;
	[sflag:s30] =	ssyncadd.s32 $0xFFFFE000  }
0x251: {  	[tilespmem:s10], [sflag:$0x3] =	stream.indirect.gather [hbm4b:s2+s5], $0x80, s24, s5, $0xb8;
	v63 =	vld [tilespmem:$0x0]  }
0x252: {  	_ =	swait.ge [sflag:s16], $0x2000  }
0x253: {  	[sflag:s16] =	ssyncset.done $0x0  }
.Ltmp4:
0x254: {  	s24 =	sadd.s32 $0x2180, s23;
	[sflag:s16] =	ssyncadd.s32 $0xFFFFE000;
	(pc) =	sbr.rel @p0 .LBB2_10-.Ltmp4, $4  }
0x255: {  	[spmem:s3] =	stream.indirect.scatter.add.f32 [tilespmem:s12], [sflag:$0x6], $0x80, s24, s5, $0xb8;
	v63 =	vld [tilespmem:$0x0]  }
0x256: {  	_ =	swait.ge [sflag:s30], $0x2000  }
0x257: {  	[sflag:s30] =	ssyncset.done $0x0  }
0x258: {  	s23 =	sadd.s32 $0x380, s23;
	[sflag:s30] =	ssyncadd.s32 $0xFFFFE000  }
0x259: {  	[tilespmem:s12], [sflag:$0x4] =	stream.indirect.gather [hbm4b:s2+s5], $0x80, s23, s5, $0xb8;
	v63 =	vld [tilespmem:$0x0]  }
0x25a: {  	_ =	swait.ge [sflag:s13], $0x2000  }
0x25b: {  	[sflag:s13] =	ssyncset.done $0x0  }
0x25c: {  	[sflag:s13] =	ssyncadd.s32 $0xFFFFE000  }
0x25d: {  	[spmem:s3] =	stream.indirect.scatter.add.f32 [tilespmem:s29], [sflag:$0x6], $0x80, s17, s5, $0xb8;
	v63 =	vld [tilespmem:$0x0]  }
0x25e: {  	_ =	swait.ge [sflag:s30], $0x2000  }
0x25f: {  	[sflag:s30] =	ssyncset.done $0x0  }
0x260: {  	[sflag:s30] =	ssyncadd.s32 $0xFFFFE000  }
0x261: {  	_ =	swait.ge [sflag:s14], $0x2000  }
0x262: {  	[sflag:s14] =	ssyncset.done $0x0  }
0x263: {  	[sflag:s14] =	ssyncadd.s32 $0xFFFFE000  }
0x264: {  	[spmem:s3] =	stream.indirect.scatter.add.f32 [tilespmem:s8], [sflag:$0x6], $0x80, s18, s5, $0xb8;
	v63 =	vld [tilespmem:$0x0]  }
0x265: {  	_ =	swait.ge [sflag:s30], $0x2000  }
0x266: {  	[sflag:s30] =	ssyncset.done $0x0  }
0x267: {  	[sflag:s30] =	ssyncadd.s32 $0xFFFFE000  }
0x268: {  	_ =	swait.ge [sflag:s15], $0x2000  }
0x269: {  	[sflag:s15] =	ssyncset.done $0x0  }
0x26a: {  	[sflag:s15] =	ssyncadd.s32 $0xFFFFE000  }
0x26b: {  	[spmem:s3] =	stream.indirect.scatter.add.f32 [tilespmem:s10], [sflag:$0x6], $0x80, s1, s5, $0xb8;
	v63 =	vld [tilespmem:$0x0]  }
0x26c: {  	_ =	swait.ge [sflag:s30], $0x2000  }
0x26d: {  	[sflag:s30] =	ssyncset.done $0x0  }
0x26e: {  	[sflag:s30] =	ssyncadd.s32 $0xFFFFE000  }
0x26f: {  	_ =	swait.ge [sflag:s16], $0x2000  }
0x270: {  	[sflag:s16] =	ssyncset.done $0x0  }
0x271: {  	[sflag:s16] =	ssyncadd.s32 $0xFFFFE000  }
0x272: {  	[spmem:s3] =	stream.indirect.scatter.add.f32 [tilespmem:s12], [sflag:$0x6], $0x80, s19, s5, $0xb8;
	v63 =	vld [tilespmem:$0x0]  }
0x273: {  	_ =	swait.ge [sflag:s30], $0x2000  }
0x274: {  	[sflag:s30] =	ssyncset.done $0x0  }
0x275: {  	s22 =	stileid.u32;
	[sflag:s30] =	ssyncadd.s32 $0xFFFFE000  }
0x276: {  	s22 =	sshll.u32 s22, $0x6;
	[bflag:$0x0] =	sbarrier.arrive $0xFFFF  }
0x277: {  	s23 =	sshrl.u32 s6, $0x3;
	s22 =	sor.u32 $0x1C06, s22;
	s24 =	rddreg [dreg:$0x16]  }
0x278: {  	[hbm:s24], [sflag:s22] =	dma.local [spmem:s23], $0x2800  }
0x279: {  	_ =	swait.ge [sflag:s30], $0x2800  }
0x27a: {  	s21 =	sadd.s32 $0x1, s21;
	s24 =	rddreg [dreg:$0x17]  }
0x27b: {  	p0 =	sne.s32 s21, s24  }
.Ltmp5:
0x27c: {  	_ = 	snop;
	(pc) =	sbr.rel @p0 .LBB2_1-.Ltmp5, $3  }
0x27d: {  	_ =	sdelay $0x1  }
0x27e: {  	[sflag:s30] =	ssyncset.done $0x0  }
0x27f: {  	[sflag:s30] =	ssyncadd.s32 $0xFFFFD800  }
0x280: {  	_ =	sfence.sel $0x180000  }
0x281: {  	[bflag:$0x0] =	sbarrier.arrive $0xFFFF  }
0x282: {  	_ =	strace $0x9000004A  }
0x283: {  	s0 =	stileid.u32;
	[bflag:$0x2] =	sbarrier.arrive $0xFFFF  }
0x284: {  	p0 =	sne.s32 s0, $0x0;
	s0 =	rddreg [dreg:$0x3]  }
0x285: {  	s0 =	sadd.s32 @!p0 $0x100000, s0  }
0x286: {  	[sflag:s0] =	ssyncadd.tile.s32 @!p0 $0x1;
	_ =	shalt  }
.Lfunc_end2:
_tile_overlayer_lowered:
.L_overlay_start_2:
0x287: {  	(tag) =	ssettag $0x2  }
0x288: {  	s0 =	rddreg [dreg:$0x0];
	s2 =	stileid.u32  }
0x289: {  	s1 =	rddreg [dreg:$0x1];
	p0 =	sne.s32 s2, $0x0  }
0x28a: {  	s3 =	rddreg [dreg:$0x2];
	[bflag:$0x3] =	sbarrier.arrive $0xFFFF;
	s2 =	simm.s32 @!p0 $0x1C06  }
0x28b: {  	[timem:s3], [sflag:s2] =	dma.local @!p0 [hbm:s0], s1  }
0x28c: {  	s0 =	simm.s32 @!p0 $0x6  }
0x28d: {  	_ =	swait.ge @!p0 [sflag:s0], s1  }
0x28e: {  	s1 =	ssub.s32 @!p0 $0x0, s1;
	[sflag:s0] =	ssyncset.done @!p0 $0x0  }
0x28f: {  	[sflag:s0] =	ssyncadd.s32 @!p0 s1  }
0x290: {  	[bflag:$0x3] =	sbarrier.arrive $0xFFFF  }
0x291: {  	_ =	shalt  }

// kernel: kernel.7.cloned.1.call-start
scs
__scs_entry_jumppad:
0x0: {  	(pc) =	sbr.rel $0x88, $3  }
0x1: {  	(tag) =	ssettag $0x0;
	lr =	simm.s32 $0x1  }
0x2: {  	[smem:$0x3F99] =	sst lr;
	_ =	strace $0xD0000000  }
0x3: {  	_ = 	snop  }
0x4: {  	_ = 	snop  }
0x5: {  	_ = 	snop  }
0x6: {  	_ = 	snop  }
0x7: {  	_ = 	snop  }
__scs_overlays_trampoline_lowered:
0x8: {  	[smem:$0x3FA8] =	sst s0  }
0x9: {  	[smem:$0x3FA9] =	sst s1  }
0xa: {  	[smem:$0x3FAA] =	sst s2  }
0xb: {  	[smem:$0x3FAB] =	sst s3  }
0xc: {  	[smem:$0x3FAC] =	sst s4  }
0xd: {  	[smem:$0x3FAD] =	sst s5  }
0xe: {  	[smem:$0x3FAE] =	sst s6  }
0xf: {  	[smem:$0x3FAF] =	sst s7  }
0x10: {  	[smem:$0x3FB0] =	sst s8  }
0x11: {  	[smem:$0x3FB1] =	sst s9;
	s0 =	simm.s32 @!p0 $0x0  }
0x12: {  	s1 =	sld [smem:$0x3F97];
	s0 =	simm.s32 @p0 $0x1  }
0x13: {  	[smem:$0x3FB2] =	sst s0;
	s0 =	simm.s32 @!p1 $0x0  }
0x14: {  	s2 =	sld [smem:$0x3F96];
	s0 =	simm.s32 @p1 $0x1  }
0x15: {  	[smem:$0x3FB3] =	sst s0;
	s0 =	simm.s32 @!p2 $0x0  }
0x16: {  	s3 =	sld [smem:$0x3FDB];
	s0 =	simm.s32 @p2 $0x1  }
0x17: {  	s4 =	simm.s32 $0x1BF5;
	[smem:$0x3FB5] =	sst s0  }
0x18: {  	s0 =	sld [smem:$0x3F98];
	_ =	swait.ge [sflag:s4], $0x0  }
0x19: {  	s7 =	sld [smem:$0x3F99]  }
0x1a: {  	s8 =	sadd.s32 $0xFFFFE003, lr  }
0x1b: {  	s9 =	sadd.s32 $0xFFFFFEF7, lr;
	s5 =	simm.s32 $0xFFFFFFFF;
	p2 =	slt.u32 s8, $0xFFFFF086  }
0x1c: {  	p1 =	slt.u32 s9, $0xF7A;
	s5 =	simm.s32 @!p2 $0x0  }
0x1d: {  	s5 =	simm.s32 @p1 $0x1;
	p0 =	seq.s32 s7, s2  }
0x1e: {  	s7 =	smul.u32 @!p0 $0xF7A, s2;
	p2 =	seq.s32 @!p0 s5, $0x0  }
0x1f: {  	s9 =	smul.u32 $0xF7A, s1;
	s8 =	simm.s32 @!p0 $0x1BF5;
	p2 =	por !p2, p0  }
0x20: {  	[sflag:s8] =	ssyncset.s32 @!p0 $0xFFFFF086;
	s6 =	sadd.s32 @!p0 s3, s7;
	s7 =	simm.s32 @!p0 $0x108  }
0x21: {  	s3 =	sadd.s32 s3, s9;
	s6 =	sadd.s32 @!p0 $0x88, s6;
	s7 =	simm.s32 @p2 $0x1082  }
0x22: {  	[simem:s7], [sflag:s8] =	dma.local @!p0 [hbm:s6], $0xF7A  }
0x23: {  	s9 =	sor.u32 $0xD0000000, s2;
	s6 =	simm.s32 $0x108;
	_ =	swait.ge @!p0 [sflag:s8], $0x0  }
0x24: {  	s3 =	sadd.s32 $0x88, s3;
	s6 =	simm.s32 @!p1 $0x1082;
	[sflag:s4] =	ssyncset.s32 $0xFFFFF086  }
0x25: {  	[simem:s6], [sflag:s4] =	dma.local [hbm:s3], $0xF7A  }
0x26: {  	[smem:$0x3F99] =	sst s1;
	(tag) =	ssettag s2;
	_ =	strace s9  }
0x27: {  	s1 =	sld [smem:$0x3FA9]  }
0x28: {  	s2 =	sld [smem:$0x3FAA]  }
0x29: {  	s4 =	sld [smem:$0x3FAC]  }
0x2a: {  	p0 =	seq.s32 s5, $0x0;
	s5 =	sld [smem:$0x3FAD]  }
0x2b: {  	s6 =	sld [smem:$0x3FAE]  }
0x2c: {  	s7 =	sld [smem:$0x3FAF]  }
0x2d: {  	s3 =	simm.s32 $0x108;
	s8 =	sld [smem:$0x3FB0]  }
0x2e: {  	s3 =	simm.s32 @!p0 $0x1082;
	s9 =	sld [smem:$0x3FB1]  }
0x2f: {  	lr =	sadd.s32 s0, s3;
	s0 =	sld [smem:$0x3FA8]  }
0x30: {  	s3 =	sld [smem:$0x3FAB]  }
0x31: {  	[smem:$0x3FB4] =	sst s10  }
0x32: {  	s10 =	sld [smem:$0x3FB2];
	_ =	sdelay $0x3  }
0x33: {  	p0 =	seq.s32 s10, $0x1;
	s10 =	sld [smem:$0x3FB4];
	_ =	sdelay $0x3  }
0x34: {  	[smem:$0x3FB4] =	sst s10  }
0x35: {  	s10 =	sld [smem:$0x3FB3];
	_ =	sdelay $0x3  }
0x36: {  	p1 =	seq.s32 s10, $0x1;
	s10 =	sld [smem:$0x3FB4];
	_ =	sdelay $0x3  }
0x37: {  	[smem:$0x3FB4] =	sst s10  }
0x38: {  	s10 =	sld [smem:$0x3FB5]  }
0x39: {  	_ = 	snop;
	(pc) =	sbr.ind lr, $3  }
0x3a: {  	_ = 	snop  }
0x3b: {  	_ = 	snop  }
0x3c: {  	p2 =	seq.s32 s10, $0x1;
	s10 =	sld [smem:$0x3FB4]  }
0x3d: {  	_ =	shalt  }
0x3e: {  	_ =	shalt  }
0x3f: {  	_ =	shalt  }
0x40: {  	_ =	shalt  }
0x41: {  	_ =	shalt  }
0x42: {  	_ =	shalt  }
0x43: {  	_ =	shalt  }
0x44: {  	_ =	shalt  }
0x45: {  	_ =	shalt  }
0x46: {  	_ =	shalt  }
0x47: {  	_ =	shalt  }
0x48: {  	_ =	shalt  }
0x49: {  	_ =	shalt  }
0x4a: {  	_ =	shalt  }
0x4b: {  	_ =	shalt  }
0x4c: {  	_ =	shalt  }
0x4d: {  	_ =	shalt  }
0x4e: {  	_ =	shalt  }
0x4f: {  	_ =	shalt  }
0x50: {  	_ =	shalt  }
0x51: {  	_ =	shalt  }
0x52: {  	_ =	shalt  }
0x53: {  	_ =	shalt  }
0x54: {  	_ =	shalt  }
0x55: {  	_ =	shalt  }
0x56: {  	_ =	shalt  }
0x57: {  	_ =	shalt  }
0x58: {  	_ =	shalt  }
0x59: {  	_ =	shalt  }
0x5a: {  	_ =	shalt  }
0x5b: {  	_ =	shalt  }
0x5c: {  	_ =	shalt  }
0x5d: {  	_ =	shalt  }
0x5e: {  	_ =	shalt  }
0x5f: {  	_ =	shalt  }
0x60: {  	_ =	shalt  }
0x61: {  	_ =	shalt  }
0x62: {  	_ =	shalt  }
0x63: {  	_ =	shalt  }
0x64: {  	_ =	shalt  }
0x65: {  	_ =	shalt  }
0x66: {  	_ =	shalt  }
0x67: {  	_ =	shalt  }
0x68: {  	_ =	shalt  }
0x69: {  	_ =	shalt  }
0x6a: {  	_ =	shalt  }
0x6b: {  	_ =	shalt  }
0x6c: {  	_ =	shalt  }
0x6d: {  	_ =	shalt  }
0x6e: {  	_ =	shalt  }
0x6f: {  	_ =	shalt  }
0x70: {  	_ =	shalt  }
0x71: {  	_ =	shalt  }
0x72: {  	_ =	shalt  }
0x73: {  	_ =	shalt  }
0x74: {  	_ =	shalt  }
0x75: {  	_ =	shalt  }
0x76: {  	_ =	shalt  }
0x77: {  	_ =	shalt  }
0x78: {  	_ =	shalt  }
0x79: {  	_ =	shalt  }
0x7a: {  	_ =	shalt  }
0x7b: {  	_ =	shalt  }
0x7c: {  	_ =	shalt  }
0x7d: {  	_ =	shalt  }
0x7e: {  	_ =	shalt  }
0x7f: {  	_ =	shalt  }
0x80: {  	_ =	shalt  }
0x81: {  	_ =	shalt  }
0x82: {  	_ =	shalt  }
0x83: {  	_ =	shalt  }
0x84: {  	_ =	shalt  }
0x85: {  	_ =	shalt  }
0x86: {  	_ =	shalt  }
0x87: {  	_ =	shalt  }
.Lfunc_end0:
.L_simem_size_0:
called_computation_lowered:
.L_overlay_start_0:
0x88: {  	s2 =	sld [smem:$0x3FD9]  }
0x89: {  	s3 =	sld [smem:$0x3FFE];
	_ =	sdelay $0x1  }
0x8a: {  	s1 =	srdreg.scid  }
0x8b: {  	s0 =	sand.u32 $0x1, s1  }
0x8c: {  	s17 =	sshll.u32 s0, $0xA;
	s2 =	sadd.s32 s3, s2  }
0x8d: {  	s2 =	sadd.s32 s2, s17  }
0x8e: {  	[smem:$0x3FC0] =	sst s2  }
0x8f: {  	_ = 	snop  }
0x90: {  	s2 =	sld [smem:$0x3FD0];
	(tm) =	ssettm $0x1  }
0x91: {  	s18 =	sld [smem:$0x3FFB];
	_ =	sdelay $0x3  }
0x92: {  	_ =	strace s18  }
0x93: {  	s3 =	sld [smem:$0x3FFC];
	_ =	sdelay $0x3  }
0x94: {  	_ =	strace s3  }
0x95: {  	s3 =	sld [smem:$0x3FFD];
	_ =	sdelay $0x3  }
0x96: {  	_ =	strace s3  }
0x97: {  	_ =	strace $0x8FFFFFFF  }
0x98: {  	s19 =	sld [smem:$0x3FDB];
	_ =	sdelay $0x1  }
0x99: {  	s4 =	simm.s32 $_scs_section_size  }
0x9a: {  	s5 =	simm.s32 $_size__tile_overlayer_lowered;
	s6 =	simm.s32 $_tile_overlayer_lowered  }
0x9b: {  	s22 =	simm.s32 $0x1BFF;
	s21 =	sshll.u32 s6, $0x1;
	s3 =	sadd.s32 s4, s19  }
0x9c: {  	s7 =	simm.s32 $0x0;
	s20 =	sshll.u32 s5, $0x1;
	s5 =	sadd.s32 s21, s3  }
0x9d: {  	[timem:s7], [sflag:s22] =	dma.local [hbm:s5], s20  }
0x9e: {  	_ =	swait.ge [sflag:s22], s20  }
0x9f: {  	s4 =	ssub.s32 $0x0, s20;
	[sflag:s22] =	ssyncset.done $0x0  }
0xa0: {  	[sflag:s22] =	ssyncadd.s32 s4;
	_ =	sdelay $0x1  }
0xa1: {  	s23 =	simm.s32 $0x1B8B  }
0xa2: {  	_ =	swait.ge [sflag:s23], $0x1  }
0xa3: {  	[sflag:s23] =	ssyncset.done $0x0  }
0xa4: {  	s25 =	simm.s32 $0x1B8E;
	s24 =	sld [smem:$0x3FFE];
	[sflag:s23] =	ssyncadd.s32 $0xFFFFFFFF  }
0xa5: {  	s26 =	simm.s32 $execute0_lowered;
	[smem:$0x3FD2] =	sst s25  }
0xa6: {  	s5 =	sshll.u32 s26, $0x1;
	_ =	strace $0x80000046;
	[dreg:$0x1] =	wrdreg $0xFFFFFFFF  }
0xa7: {  	s28 =	simm.s32 $_size_execute0_lowered;
	s3 =	sadd.s32 s3, s5;
	[dreg:$0x0] =	wrdreg $0x0  }
0xa8: {  	s5 =	sshll.u32 s28, $0x1;
	[dreg:$0x2] =	wrdreg s3  }
0xa9: {  	[dreg:$0x3] =	wrdreg s5  }
0xaa: {  	[dreg:$0x4] =	wrdreg $0xC0  }
0xab: {  	_ =	task [dreg:s7], $0x5FFFF  }
0xac: {  	[dreg:$0x1] =	wrdreg $0xFFFFFFFF  }
0xad: {  	[dreg:$0x0] =	wrdreg $0x60  }
0xae: {  	[dreg:$0x2] =	wrdreg s2  }
0xaf: {  	[dreg:$0x3] =	wrdreg s24  }
0xb0: {  	[dreg:$0x4] =	wrdreg $0x8800  }
0xb1: {  	[dreg:$0x5] =	wrdreg $0x9  }
0xb2: {  	_ =	task.clear_ibuf [dreg:s7], $0x6FFFF;
	_ =	strace $0x90000046  }
0xb3: {  	s29 =	simm.s32 $0x9;
	_ =	strace $0x80000048  }
0xb4: {  	_ =	swait.ge [sflag:s29], $0x1  }
0xb5: {  	[sflag:s29] =	ssyncadd.s32 $0xFFFFFFFF  }
0xb6: {  	_ =	strace $0x90000048  }
0xb7: {  	_ =	sfence  }
0xb8: {  	s30 =	sld [smem:$0x0];
	_ =	sdelay $0x2  }
0xb9: {  	s31 =	sshll.u32 s1, $0xD;
	s1 =	sshrl.u32 s1, $0x2  }
0xba: {  	s3 =	sand.u32 $0x4000, s31;
	s1 =	sadd.s32 s1, s30  }
0xbb: {  	s0 =	sor.u32 s3, s0;
	s1 =	sshll.u32 s1, $0x11  }
0xbc: {  	s0 =	sor.u32 s1, s0  }
0xbd: {  	s0 =	sadd.s32 $0x8F2B, s0  }
0xbe: {  	[sflag:s0] =	ssyncadd.remote.s32 $0x1  }
0xbf: {  	_ =	sfence.sel $0xFFFF  }
0xc0: {  	[dreg:$0x0] =	wrdreg $0xFFFFFFFF;
	(pc) =	sbr.abs _section_cstart, $3  }
0xc1: {  	[dreg:$0x1] =	wrdreg $0xFFFFFFFF  }
0xc2: {  	_ =	task.clear_ibuf [dreg:s7], $0x2FFFF;
	_ =	strace $0x9FFFFFFF  }
0xc3: {  	(tm) =	ssettm $0x7FFFFFFF  }
tec
execute0_lowered:
.L_overlay_start_1:
0x0: {  	(tag) =	ssettag $0x1  }
0x1: {  	s24 =	rddreg [dreg:$0x0]  }
0x2: {  	s0 =	rddreg [dreg:$0x1]  }
0x3: {  	s2 =	rddreg [dreg:$0x2]  }
0x4: {  	s3 =	simm.s32 $0x0;
	s1 =	stileid.u32;
	s25 =	srdreg.scid  }
0x5: {  	[smem:$0x7FF] =	sst s3;
	s4 =	sadd.s32 $0x2000, s0;
	s5 =	smul.u32 $0xA00, s1  }
0x6: {  	s21 =	sadd.s32 $0x1E00, s0;
	s23 =	sshll.u32 s1, $0x6;
	s29 =	sand.u32 $0x1, s25  }
0x7: {  	_ =	strace $0x80000047;
	[dreg:$0x5] =	wrdreg s4;
	s5 =	sshrl.u32 s5, $0x2  }
0x8: {  	[dreg:$0x4] =	wrdreg s21;
	s4 =	simm.s32 $0x1;
	s22 =	sadd.s32 s5, s2  }
0x9: {  	s7 =	rddreg [dreg:$0x5];
	s5 =	sor.u32 $0x1C01, s23;
	s6 =	sshrl.u32 s22, $0x3  }
0xa: {  	[spmem:s6], [sflag:s5] =	dma.local [hbm:s7], $0x50  }
0xb: {  	s7 =	sshll.u32 s29, $0x4;
	_ =	swait.ge [sflag:s4], $0x50  }
0xc: {  	s23 =	sor.u32 s1, s7;
	[sflag:s4] =	ssyncset.done $0x0  }
0xd: {  	s7 =	simm.s32 $0x800;
	s8 =	rddreg [dreg:$0x4];
	[sflag:s4] =	ssyncadd.s32 $0xFFFFFFB0  }
0xe: {  	[tilespmem:s7], [sflag:$0x1] =	stream.linear.gather [hbm4b:s8+s3], $0x80, $0x38;
	[tilespmem:$0xB00] =	vst v63  }
0xf: {  	s26 =	smul.u32 $0x500, s23;
	_ =	swait.ge [sflag:s4], $0x80  }
0x10: {  	[sflag:s4] =	ssyncset.done $0x0  }
0x11: {  	s8 =	sadd.s32 s24, s26;
	[sflag:s4] =	ssyncadd.s32 $0xFFFFFF80  }
0x12: {  	[tilespmem:s3], [sflag:$0x1] =	stream.linear.gather [hbm4b:s8+s3], $0x800, $0x38;
	[tilespmem:$0xB00] =	vst v63  }
0x13: {  	_ =	swait.ge [sflag:s4], $0x800  }
0x14: {  	[sflag:s4] =	ssyncset.done $0x0  }
0x15: {  	[sflag:s4] =	ssyncadd.s32 $0xFFFFF800  }
0x16: {  	s9 =	simm.s32 $0x80;
	[bflag:$0x0] =	sbarrier.arrive $0xFFFF  }
0x17: {  	[spmem:s2] =	stream.indirect.scatter.add.f32 [tilespmem:s7], [sflag:$0x1], $0x1, s3, s9, $0xb8;
	[tilespmem:$0xB00] =	vst v63  }
0x18: {  	_ =	swait.ge [sflag:s4], $0x80  }
0x19: {  	[sflag:s4] =	ssyncset.done $0x0  }
0x1a: {  	[sflag:s4] =	ssyncadd.s32 $0xFFFFFF80  }
0x1b: {  	[spmem:s2] =	stream.indirect.scatter.add.f32 [tilespmem:s7], [sflag:$0x1], $0x1, s9, s9, $0xb8;
	[tilespmem:$0xB00] =	vst v63  }
0x1c: {  	_ =	swait.ge [sflag:s4], $0x80  }
0x1d: {  	[sflag:s4] =	ssyncset.done $0x0  }
0x1e: {  	s10 =	simm.s32 $0x100;
	[sflag:s4] =	ssyncadd.s32 $0xFFFFFF80  }
0x1f: {  	[spmem:s2] =	stream.indirect.scatter.add.f32 [tilespmem:s7], [sflag:$0x1], $0x1, s10, s9, $0xb8;
	[tilespmem:$0xB00] =	vst v63  }
0x20: {  	_ =	swait.ge [sflag:s4], $0x80  }
0x21: {  	[sflag:s4] =	ssyncset.done $0x0  }
0x22: {  	s11 =	simm.s32 $0x180;
	[sflag:s4] =	ssyncadd.s32 $0xFFFFFF80  }
0x23: {  	[spmem:s2] =	stream.indirect.scatter.add.f32 [tilespmem:s7], [sflag:$0x1], $0x1, s11, s9, $0xb8;
	[tilespmem:$0xB00] =	vst v63  }
0x24: {  	_ =	swait.ge [sflag:s4], $0x80  }
0x25: {  	[sflag:s4] =	ssyncset.done $0x0  }
0x26: {  	s12 =	simm.s32 $0x200;
	[sflag:s4] =	ssyncadd.s32 $0xFFFFFF80  }
0x27: {  	[spmem:s2] =	stream.indirect.scatter.add.f32 [tilespmem:s7], [sflag:$0x1], $0x1, s12, s9, $0xb8;
	[tilespmem:$0xB00] =	vst v63  }
0x28: {  	_ =	swait.ge [sflag:s4], $0x80  }
0x29: {  	[sflag:s4] =	ssyncset.done $0x0  }
0x2a: {  	s13 =	simm.s32 $0x280;
	[sflag:s4] =	ssyncadd.s32 $0xFFFFFF80  }
0x2b: {  	[spmem:s2] =	stream.indirect.scatter.add.f32 [tilespmem:s7], [sflag:$0x1], $0x1, s13, s9, $0xb8;
	[tilespmem:$0xB00] =	vst v63  }
0x2c: {  	_ =	swait.ge [sflag:s4], $0x80  }
0x2d: {  	[sflag:s4] =	ssyncset.done $0x0  }
0x2e: {  	s14 =	simm.s32 $0x300;
	[sflag:s4] =	ssyncadd.s32 $0xFFFFFF80  }
0x2f: {  	[spmem:s2] =	stream.indirect.scatter.add.f32 [tilespmem:s7], [sflag:$0x1], $0x1, s14, s9, $0xb8;
	[tilespmem:$0xB00] =	vst v63  }
0x30: {  	_ =	swait.ge [sflag:s4], $0x80  }
0x31: {  	[sflag:s4] =	ssyncset.done $0x0  }
0x32: {  	s15 =	simm.s32 $0x380;
	[sflag:s4] =	ssyncadd.s32 $0xFFFFFF80  }
0x33: {  	[spmem:s2] =	stream.indirect.scatter.add.f32 [tilespmem:s7], [sflag:$0x1], $0x1, s15, s9, $0xb8;
	[tilespmem:$0xB00] =	vst v63  }
0x34: {  	_ =	swait.ge [sflag:s4], $0x80  }
0x35: {  	[sflag:s4] =	ssyncset.done $0x0  }
0x36: {  	s16 =	simm.s32 $0x400;
	[sflag:s4] =	ssyncadd.s32 $0xFFFFFF80  }
0x37: {  	[spmem:s2] =	stream.indirect.scatter.add.f32 [tilespmem:s7], [sflag:$0x1], $0x1, s16, s9, $0xb8;
	[tilespmem:$0xB00] =	vst v63  }
0x38: {  	_ =	swait.ge [sflag:s4], $0x80  }
0x39: {  	[sflag:s4] =	ssyncset.done $0x0  }
0x3a: {  	s17 =	simm.s32 $0x480;
	[sflag:s4] =	ssyncadd.s32 $0xFFFFFF80  }
0x3b: {  	[spmem:s2] =	stream.indirect.scatter.add.f32 [tilespmem:s7], [sflag:$0x1], $0x1, s17, s9, $0xb8;
	[tilespmem:$0xB00] =	vst v63  }
0x3c: {  	_ =	swait.ge [sflag:s4], $0x80  }
0x3d: {  	[sflag:s4] =	ssyncset.done $0x0  }
0x3e: {  	s18 =	simm.s32 $0x500;
	[sflag:s4] =	ssyncadd.s32 $0xFFFFFF80  }
0x3f: {  	[spmem:s2] =	stream.indirect.scatter.add.f32 [tilespmem:s7], [sflag:$0x1], $0x1, s18, s9, $0xb8;
	[tilespmem:$0xB00] =	vst v63  }
0x40: {  	_ =	swait.ge [sflag:s4], $0x80  }
0x41: {  	[sflag:s4] =	ssyncset.done $0x0  }
0x42: {  	s19 =	simm.s32 $0x580;
	[sflag:s4] =	ssyncadd.s32 $0xFFFFFF80  }
0x43: {  	[spmem:s2] =	stream.indirect.scatter.add.f32 [tilespmem:s7], [sflag:$0x1], $0x1, s19, s9, $0xb8;
	[tilespmem:$0xB00] =	vst v63  }
0x44: {  	_ =	swait.ge [sflag:s4], $0x80  }
0x45: {  	[sflag:s4] =	ssyncset.done $0x0  }
0x46: {  	s20 =	simm.s32 $0x600;
	[sflag:s4] =	ssyncadd.s32 $0xFFFFFF80  }
0x47: {  	[spmem:s2] =	stream.indirect.scatter.add.f32 [tilespmem:s7], [sflag:$0x1], $0x1, s20, s9, $0xb8;
	[tilespmem:$0xB00] =	vst v63  }
0x48: {  	_ =	swait.ge [sflag:s4], $0x80  }
0x49: {  	[sflag:s4] =	ssyncset.done $0x0  }
0x4a: {  	s21 =	simm.s32 $0x680;
	[sflag:s4] =	ssyncadd.s32 $0xFFFFFF80  }
0x4b: {  	[spmem:s2] =	stream.indirect.scatter.add.f32 [tilespmem:s7], [sflag:$0x1], $0x1, s21, s9, $0xb8;
	[tilespmem:$0xB00] =	vst v63  }
0x4c: {  	_ =	swait.ge [sflag:s4], $0x80  }
0x4d: {  	[sflag:s4] =	ssyncset.done $0x0  }
0x4e: {  	s22 =	simm.s32 $0x700;
	[sflag:s4] =	ssyncadd.s32 $0xFFFFFF80  }
0x4f: {  	[spmem:s2] =	stream.indirect.scatter.add.f32 [tilespmem:s7], [sflag:$0x1], $0x1, s22, s9, $0xb8;
	[tilespmem:$0xB00] =	vst v63  }
0x50: {  	_ =	swait.ge [sflag:s4], $0x80  }
0x51: {  	[sflag:s4] =	ssyncset.done $0x0  }
0x52: {  	s25 =	smul.u32 $0x2800, s23;
	s23 =	simm.s32 $0x780;
	[sflag:s4] =	ssyncadd.s32 $0xFFFFFF80  }
0x53: {  	[spmem:s2] =	stream.indirect.scatter.add.f32 [tilespmem:s7], [sflag:$0x1], $0x1, s23, s9, $0xb8;
	[tilespmem:$0xB00] =	vst v63  }
0x54: {  	s25 =	sshrl.u32 s25, $0x3;
	_ =	swait.ge [sflag:s4], $0x80  }
0x55: {  	s28 =	sadd.s32 s24, s25;
	[sflag:s4] =	ssyncset.done $0x0  }
0x56: {  	s24 =	sadd.s32 $0x100, s28;
	[sflag:s4] =	ssyncadd.s32 $0xFFFFFF80  }
0x57: {  	[tilespmem:s3], [sflag:$0x1] =	stream.linear.gather [hbm4b:s24+s3], $0x800, $0x38;
	[tilespmem:$0xB00] =	vst v63  }
0x58: {  	_ =	swait.ge [sflag:s4], $0x800  }
0x59: {  	[sflag:s4] =	ssyncset.done $0x0  }
0x5a: {  	[sflag:s4] =	ssyncadd.s32 $0xFFFFF800  }
0x5b: {  	[spmem:s2] =	stream.indirect.scatter.add.f32 [tilespmem:s7], [sflag:$0x1], $0x1, s3, s9, $0xb8;
	[tilespmem:$0xB00] =	vst v63  }
0x5c: {  	_ =	swait.ge [sflag:s4], $0x80  }
0x5d: {  	[sflag:s4] =	ssyncset.done $0x0  }
0x5e: {  	[sflag:s4] =	ssyncadd.s32 $0xFFFFFF80  }
0x5f: {  	[spmem:s2] =	stream.indirect.scatter.add.f32 [tilespmem:s7], [sflag:$0x1], $0x1, s9, s9, $0xb8;
	[tilespmem:$0xB00] =	vst v63  }
0x60: {  	_ =	swait.ge [sflag:s4], $0x80  }
0x61: {  	[sflag:s4] =	ssyncset.done $0x0  }
0x62: {  	[sflag:s4] =	ssyncadd.s32 $0xFFFFFF80  }
0x63: {  	[spmem:s2] =	stream.indirect.scatter.add.f32 [tilespmem:s7], [sflag:$0x1], $0x1, s10, s9, $0xb8;
	[tilespmem:$0xB00] =	vst v63  }
0x64: {  	_ =	swait.ge [sflag:s4], $0x80  }
0x65: {  	[sflag:s4] =	ssyncset.done $0x0  }
0x66: {  	[sflag:s4] =	ssyncadd.s32 $0xFFFFFF80  }
0x67: {  	[spmem:s2] =	stream.indirect.scatter.add.f32 [tilespmem:s7], [sflag:$0x1], $0x1, s11, s9, $0xb8;
	[tilespmem:$0xB00] =	vst v63  }
0x68: {  	_ =	swait.ge [sflag:s4], $0x80  }
0x69: {  	[sflag:s4] =	ssyncset.done $0x0  }
0x6a: {  	[sflag:s4] =	ssyncadd.s32 $0xFFFFFF80  }
0x6b: {  	[spmem:s2] =	stream.indirect.scatter.add.f32 [tilespmem:s7], [sflag:$0x1], $0x1, s12, s9, $0xb8;
	[tilespmem:$0xB00] =	vst v63  }
0x6c: {  	_ =	swait.ge [sflag:s4], $0x80  }
0x6d: {  	[sflag:s4] =	ssyncset.done $0x0  }
0x6e: {  	[sflag:s4] =	ssyncadd.s32 $0xFFFFFF80  }
0x6f: {  	[spmem:s2] =	stream.indirect.scatter.add.f32 [tilespmem:s7], [sflag:$0x1], $0x1, s13, s9, $0xb8;
	[tilespmem:$0xB00] =	vst v63  }
0x70: {  	_ =	swait.ge [sflag:s4], $0x80  }
0x71: {  	[sflag:s4] =	ssyncset.done $0x0  }
0x72: {  	[sflag:s4] =	ssyncadd.s32 $0xFFFFFF80  }
0x73: {  	[spmem:s2] =	stream.indirect.scatter.add.f32 [tilespmem:s7], [sflag:$0x1], $0x1, s14, s9, $0xb8;
	[tilespmem:$0xB00] =	vst v63  }
0x74: {  	_ =	swait.ge [sflag:s4], $0x80  }
0x75: {  	[sflag:s4] =	ssyncset.done $0x0  }
0x76: {  	[sflag:s4] =	ssyncadd.s32 $0xFFFFFF80  }
0x77: {  	[spmem:s2] =	stream.indirect.scatter.add.f32 [tilespmem:s7], [sflag:$0x1], $0x1, s15, s9, $0xb8;
	[tilespmem:$0xB00] =	vst v63  }
0x78: {  	_ =	swait.ge [sflag:s4], $0x80  }
0x79: {  	[sflag:s4] =	ssyncset.done $0x0  }
0x7a: {  	[sflag:s4] =	ssyncadd.s32 $0xFFFFFF80  }
0x7b: {  	[spmem:s2] =	stream.indirect.scatter.add.f32 [tilespmem:s7], [sflag:$0x1], $0x1, s16, s9, $0xb8;
	[tilespmem:$0xB00] =	vst v63  }
0x7c: {  	_ =	swait.ge [sflag:s4], $0x80  }
0x7d: {  	[sflag:s4] =	ssyncset.done $0x0  }
0x7e: {  	[sflag:s4] =	ssyncadd.s32 $0xFFFFFF80  }
0x7f: {  	[spmem:s2] =	stream.indirect.scatter.add.f32 [tilespmem:s7], [sflag:$0x1], $0x1, s17, s9, $0xb8;
	[tilespmem:$0xB00] =	vst v63  }
0x80: {  	_ =	swait.ge [sflag:s4], $0x80  }
0x81: {  	[sflag:s4] =	ssyncset.done $0x0  }
0x82: {  	[sflag:s4] =	ssyncadd.s32 $0xFFFFFF80  }
0x83: {  	[spmem:s2] =	stream.indirect.scatter.add.f32 [tilespmem:s7], [sflag:$0x1], $0x1, s18, s9, $0xb8;
	[tilespmem:$0xB00] =	vst v63  }
0x84: {  	_ =	swait.ge [sflag:s4], $0x80  }
0x85: {  	[sflag:s4] =	ssyncset.done $0x0  }
0x86: {  	[sflag:s4] =	ssyncadd.s32 $0xFFFFFF80  }
0x87: {  	[spmem:s2] =	stream.indirect.scatter.add.f32 [tilespmem:s7], [sflag:$0x1], $0x1, s19, s9, $0xb8;
	[tilespmem:$0xB00] =	vst v63  }
0x88: {  	_ =	swait.ge [sflag:s4], $0x80  }
0x89: {  	[sflag:s4] =	ssyncset.done $0x0  }
0x8a: {  	[sflag:s4] =	ssyncadd.s32 $0xFFFFFF80  }
0x8b: {  	[spmem:s2] =	stream.indirect.scatter.add.f32 [tilespmem:s7], [sflag:$0x1], $0x1, s20, s9, $0xb8;
	[tilespmem:$0xB00] =	vst v63  }
0x8c: {  	_ =	swait.ge [sflag:s4], $0x80  }
0x8d: {  	[sflag:s4] =	ssyncset.done $0x0  }
0x8e: {  	[sflag:s4] =	ssyncadd.s32 $0xFFFFFF80  }
0x8f: {  	[spmem:s2] =	stream.indirect.scatter.add.f32 [tilespmem:s7], [sflag:$0x1], $0x1, s21, s9, $0xb8;
	[tilespmem:$0xB00] =	vst v63  }
0x90: {  	_ =	swait.ge [sflag:s4], $0x80  }
0x91: {  	[sflag:s4] =	ssyncset.done $0x0  }
0x92: {  	[sflag:s4] =	ssyncadd.s32 $0xFFFFFF80  }
0x93: {  	[spmem:s2] =	stream.indirect.scatter.add.f32 [tilespmem:s7], [sflag:$0x1], $0x1, s22, s9, $0xb8;
	[tilespmem:$0xB00] =	vst v63  }
0x94: {  	_ =	swait.ge [sflag:s4], $0x80  }
0x95: {  	[sflag:s4] =	ssyncset.done $0x0  }
0x96: {  	[sflag:s4] =	ssyncadd.s32 $0xFFFFFF80  }
0x97: {  	[spmem:s2] =	stream.indirect.scatter.add.f32 [tilespmem:s7], [sflag:$0x1], $0x1, s23, s9, $0xb8;
	[tilespmem:$0xB00] =	vst v63  }
0x98: {  	_ =	swait.ge [sflag:s4], $0x80  }
0x99: {  	[sflag:s4] =	ssyncset.done $0x0  }
0x9a: {  	s25 =	sadd.s32 $0x200, s28;
	[sflag:s4] =	ssyncadd.s32 $0xFFFFFF80  }
0x9b: {  	[tilespmem:s3], [sflag:$0x1] =	stream.linear.gather [hbm4b:s25+s3], $0x800, $0x38;
	[tilespmem:$0xB00] =	vst v63  }
0x9c: {  	_ =	swait.ge [sflag:s4], $0x800  }
0x9d: {  	[sflag:s4] =	ssyncset.done $0x0  }
0x9e: {  	[sflag:s4] =	ssyncadd.s32 $0xFFFFF800  }
0x9f: {  	[spmem:s2] =	stream.indirect.scatter.add.f32 [tilespmem:s7], [sflag:$0x1], $0x1, s3, s9, $0xb8;
	[tilespmem:$0xB00] =	vst v63  }
0xa0: {  	_ =	swait.ge [sflag:s4], $0x80  }
0xa1: {  	[sflag:s4] =	ssyncset.done $0x0  }
0xa2: {  	[sflag:s4] =	ssyncadd.s32 $0xFFFFFF80  }
0xa3: {  	[spmem:s2] =	stream.indirect.scatter.add.f32 [tilespmem:s7], [sflag:$0x1], $0x1, s9, s9, $0xb8;
	[tilespmem:$0xB00] =	vst v63  }
0xa4: {  	_ =	swait.ge [sflag:s4], $0x80  }
0xa5: {  	[sflag:s4] =	ssyncset.done $0x0  }
0xa6: {  	[sflag:s4] =	ssyncadd.s32 $0xFFFFFF80  }
0xa7: {  	[spmem:s2] =	stream.indirect.scatter.add.f32 [tilespmem:s7], [sflag:$0x1], $0x1, s10, s9, $0xb8;
	[tilespmem:$0xB00] =	vst v63  }
0xa8: {  	_ =	swait.ge [sflag:s4], $0x80  }
0xa9: {  	[sflag:s4] =	ssyncset.done $0x0  }
0xaa: {  	[sflag:s4] =	ssyncadd.s32 $0xFFFFFF80  }
0xab: {  	[spmem:s2] =	stream.indirect.scatter.add.f32 [tilespmem:s7], [sflag:$0x1], $0x1, s11, s9, $0xb8;
	[tilespmem:$0xB00] =	vst v63  }
0xac: {  	_ =	swait.ge [sflag:s4], $0x80  }
0xad: {  	[sflag:s4] =	ssyncset.done $0x0  }
0xae: {  	[sflag:s4] =	ssyncadd.s32 $0xFFFFFF80  }
0xaf: {  	[spmem:s2] =	stream.indirect.scatter.add.f32 [tilespmem:s7], [sflag:$0x1], $0x1, s12, s9, $0xb8;
	[tilespmem:$0xB00] =	vst v63  }
0xb0: {  	_ =	swait.ge [sflag:s4], $0x80  }
0xb1: {  	[sflag:s4] =	ssyncset.done $0x0  }
0xb2: {  	[sflag:s4] =	ssyncadd.s32 $0xFFFFFF80  }
0xb3: {  	[spmem:s2] =	stream.indirect.scatter.add.f32 [tilespmem:s7], [sflag:$0x1], $0x1, s13, s9, $0xb8;
	[tilespmem:$0xB00] =	vst v63  }
0xb4: {  	_ =	swait.ge [sflag:s4], $0x80  }
0xb5: {  	[sflag:s4] =	ssyncset.done $0x0  }
0xb6: {  	[sflag:s4] =	ssyncadd.s32 $0xFFFFFF80  }
0xb7: {  	[spmem:s2] =	stream.indirect.scatter.add.f32 [tilespmem:s7], [sflag:$0x1], $0x1, s14, s9, $0xb8;
	[tilespmem:$0xB00] =	vst v63  }
0xb8: {  	_ =	swait.ge [sflag:s4], $0x80  }
0xb9: {  	[sflag:s4] =	ssyncset.done $0x0  }
0xba: {  	[sflag:s4] =	ssyncadd.s32 $0xFFFFFF80  }
0xbb: {  	[spmem:s2] =	stream.indirect.scatter.add.f32 [tilespmem:s7], [sflag:$0x1], $0x1, s15, s9, $0xb8;
	[tilespmem:$0xB00] =	vst v63  }
0xbc: {  	_ =	swait.ge [sflag:s4], $0x80  }
0xbd: {  	[sflag:s4] =	ssyncset.done $0x0  }
0xbe: {  	[sflag:s4] =	ssyncadd.s32 $0xFFFFFF80  }
0xbf: {  	[spmem:s2] =	stream.indirect.scatter.add.f32 [tilespmem:s7], [sflag:$0x1], $0x1, s16, s9, $0xb8;
	[tilespmem:$0xB00] =	vst v63  }
0xc0: {  	_ =	swait.ge [sflag:s4], $0x80  }
0xc1: {  	[sflag:s4] =	ssyncset.done $0x0  }
0xc2: {  	[sflag:s4] =	ssyncadd.s32 $0xFFFFFF80  }
0xc3: {  	[spmem:s2] =	stream.indirect.scatter.add.f32 [tilespmem:s7], [sflag:$0x1], $0x1, s17, s9, $0xb8;
	[tilespmem:$0xB00] =	vst v63  }
0xc4: {  	_ =	swait.ge [sflag:s4], $0x80  }
0xc5: {  	[sflag:s4] =	ssyncset.done $0x0  }
0xc6: {  	[sflag:s4] =	ssyncadd.s32 $0xFFFFFF80  }
0xc7: {  	[spmem:s2] =	stream.indirect.scatter.add.f32 [tilespmem:s7], [sflag:$0x1], $0x1, s18, s9, $0xb8;
	[tilespmem:$0xB00] =	vst v63  }
0xc8: {  	_ =	swait.ge [sflag:s4], $0x80  }
0xc9: {  	[sflag:s4] =	ssyncset.done $0x0  }
0xca: {  	[sflag:s4] =	ssyncadd.s32 $0xFFFFFF80  }
0xcb: {  	[spmem:s2] =	stream.indirect.scatter.add.f32 [tilespmem:s7], [sflag:$0x1], $0x1, s19, s9, $0xb8;
	[tilespmem:$0xB00] =	vst v63  }
0xcc: {  	_ =	swait.ge [sflag:s4], $0x80  }
0xcd: {  	[sflag:s4] =	ssyncset.done $0x0  }
0xce: {  	[sflag:s4] =	ssyncadd.s32 $0xFFFFFF80  }
0xcf: {  	[spmem:s2] =	stream.indirect.scatter.add.f32 [tilespmem:s7], [sflag:$0x1], $0x1, s20, s9, $0xb8;
	[tilespmem:$0xB00] =	vst v63  }
0xd0: {  	_ =	swait.ge [sflag:s4], $0x80  }
0xd1: {  	[sflag:s4] =	ssyncset.done $0x0  }
0xd2: {  	[sflag:s4] =	ssyncadd.s32 $0xFFFFFF80  }
0xd3: {  	[spmem:s2] =	stream.indirect.scatter.add.f32 [tilespmem:s7], [sflag:$0x1], $0x1, s21, s9, $0xb8;
	[tilespmem:$0xB00] =	vst v63  }
0xd4: {  	_ =	swait.ge [sflag:s4], $0x80  }
0xd5: {  	[sflag:s4] =	ssyncset.done $0x0  }
0xd6: {  	[sflag:s4] =	ssyncadd.s32 $0xFFFFFF80  }
0xd7: {  	[spmem:s2] =	stream.indirect.scatter.add.f32 [tilespmem:s7], [sflag:$0x1], $0x1, s22, s9, $0xb8;
	[tilespmem:$0xB00] =	vst v63  }
0xd8: {  	_ =	swait.ge [sflag:s4], $0x80  }
0xd9: {  	[sflag:s4] =	ssyncset.done $0x0  }
0xda: {  	[sflag:s4] =	ssyncadd.s32 $0xFFFFFF80  }
0xdb: {  	[spmem:s2] =	stream.indirect.scatter.add.f32 [tilespmem:s7], [sflag:$0x1], $0x1, s23, s9, $0xb8;
	[tilespmem:$0xB00] =	vst v63  }
0xdc: {  	_ =	swait.ge [sflag:s4], $0x80  }
0xdd: {  	[sflag:s4] =	ssyncset.done $0x0  }
0xde: {  	s26 =	sadd.s32 $0x300, s28;
	[sflag:s4] =	ssyncadd.s32 $0xFFFFFF80  }
0xdf: {  	[tilespmem:s3], [sflag:$0x1] =	stream.linear.gather [hbm4b:s26+s3], $0x800, $0x38;
	[tilespmem:$0xB00] =	vst v63  }
0xe0: {  	_ =	swait.ge [sflag:s4], $0x800  }
0xe1: {  	[sflag:s4] =	ssyncset.done $0x0  }
0xe2: {  	[sflag:s4] =	ssyncadd.s32 $0xFFFFF800  }
0xe3: {  	[spmem:s2] =	stream.indirect.scatter.add.f32 [tilespmem:s7], [sflag:$0x1], $0x1, s3, s9, $0xb8;
	[tilespmem:$0xB00] =	vst v63  }
0xe4: {  	_ =	swait.ge [sflag:s4], $0x80  }
0xe5: {  	[sflag:s4] =	ssyncset.done $0x0  }
0xe6: {  	[sflag:s4] =	ssyncadd.s32 $0xFFFFFF80  }
0xe7: {  	[spmem:s2] =	stream.indirect.scatter.add.f32 [tilespmem:s7], [sflag:$0x1], $0x1, s9, s9, $0xb8;
	[tilespmem:$0xB00] =	vst v63  }
0xe8: {  	_ =	swait.ge [sflag:s4], $0x80  }
0xe9: {  	[sflag:s4] =	ssyncset.done $0x0  }
0xea: {  	[sflag:s4] =	ssyncadd.s32 $0xFFFFFF80  }
0xeb: {  	[spmem:s2] =	stream.indirect.scatter.add.f32 [tilespmem:s7], [sflag:$0x1], $0x1, s10, s9, $0xb8;
	[tilespmem:$0xB00] =	vst v63  }
0xec: {  	_ =	swait.ge [sflag:s4], $0x80  }
0xed: {  	[sflag:s4] =	ssyncset.done $0x0  }
0xee: {  	[sflag:s4] =	ssyncadd.s32 $0xFFFFFF80  }
0xef: {  	[spmem:s2] =	stream.indirect.scatter.add.f32 [tilespmem:s7], [sflag:$0x1], $0x1, s11, s9, $0xb8;
	[tilespmem:$0xB00] =	vst v63  }
0xf0: {  	_ =	swait.ge [sflag:s4], $0x80  }
0xf1: {  	[sflag:s4] =	ssyncset.done $0x0  }
0xf2: {  	[sflag:s4] =	ssyncadd.s32 $0xFFFFFF80  }
0xf3: {  	[spmem:s2] =	stream.indirect.scatter.add.f32 [tilespmem:s7], [sflag:$0x1], $0x1, s12, s9, $0xb8;
	[tilespmem:$0xB00] =	vst v63  }
0xf4: {  	_ =	swait.ge [sflag:s4], $0x80  }
0xf5: {  	[sflag:s4] =	ssyncset.done $0x0  }
0xf6: {  	[sflag:s4] =	ssyncadd.s32 $0xFFFFFF80  }
0xf7: {  	[spmem:s2] =	stream.indirect.scatter.add.f32 [tilespmem:s7], [sflag:$0x1], $0x1, s13, s9, $0xb8;
	[tilespmem:$0xB00] =	vst v63  }
0xf8: {  	_ =	swait.ge [sflag:s4], $0x80  }
0xf9: {  	[sflag:s4] =	ssyncset.done $0x0  }
0xfa: {  	[sflag:s4] =	ssyncadd.s32 $0xFFFFFF80  }
0xfb: {  	[spmem:s2] =	stream.indirect.scatter.add.f32 [tilespmem:s7], [sflag:$0x1], $0x1, s14, s9, $0xb8;
	[tilespmem:$0xB00] =	vst v63  }
0xfc: {  	_ =	swait.ge [sflag:s4], $0x80  }
0xfd: {  	[sflag:s4] =	ssyncset.done $0x0  }
0xfe: {  	[sflag:s4] =	ssyncadd.s32 $0xFFFFFF80  }
0xff: {  	[spmem:s2] =	stream.indirect.scatter.add.f32 [tilespmem:s7], [sflag:$0x1], $0x1, s15, s9, $0xb8;
	[tilespmem:$0xB00] =	vst v63  }
0x100: {  	_ =	swait.ge [sflag:s4], $0x80  }
0x101: {  	[sflag:s4] =	ssyncset.done $0x0  }
0x102: {  	[sflag:s4] =	ssyncadd.s32 $0xFFFFFF80  }
0x103: {  	[spmem:s2] =	stream.indirect.scatter.add.f32 [tilespmem:s7], [sflag:$0x1], $0x1, s16, s9, $0xb8;
	[tilespmem:$0xB00] =	vst v63  }
0x104: {  	_ =	swait.ge [sflag:s4], $0x80  }
0x105: {  	[sflag:s4] =	ssyncset.done $0x0  }
0x106: {  	[sflag:s4] =	ssyncadd.s32 $0xFFFFFF80  }
0x107: {  	[spmem:s2] =	stream.indirect.scatter.add.f32 [tilespmem:s7], [sflag:$0x1], $0x1, s17, s9, $0xb8;
	[tilespmem:$0xB00] =	vst v63  }
0x108: {  	_ =	swait.ge [sflag:s4], $0x80  }
0x109: {  	[sflag:s4] =	ssyncset.done $0x0  }
0x10a: {  	[sflag:s4] =	ssyncadd.s32 $0xFFFFFF80  }
0x10b: {  	[spmem:s2] =	stream.indirect.scatter.add.f32 [tilespmem:s7], [sflag:$0x1], $0x1, s18, s9, $0xb8;
	[tilespmem:$0xB00] =	vst v63  }
0x10c: {  	_ =	swait.ge [sflag:s4], $0x80  }
0x10d: {  	[sflag:s4] =	ssyncset.done $0x0  }
0x10e: {  	[sflag:s4] =	ssyncadd.s32 $0xFFFFFF80  }
0x10f: {  	[spmem:s2] =	stream.indirect.scatter.add.f32 [tilespmem:s7], [sflag:$0x1], $0x1, s19, s9, $0xb8;
	[tilespmem:$0xB00] =	vst v63  }
0x110: {  	_ =	swait.ge [sflag:s4], $0x80  }
0x111: {  	[sflag:s4] =	ssyncset.done $0x0  }
0x112: {  	[sflag:s4] =	ssyncadd.s32 $0xFFFFFF80  }
0x113: {  	[spmem:s2] =	stream.indirect.scatter.add.f32 [tilespmem:s7], [sflag:$0x1], $0x1, s20, s9, $0xb8;
	[tilespmem:$0xB00] =	vst v63  }
0x114: {  	_ =	swait.ge [sflag:s4], $0x80  }
0x115: {  	[sflag:s4] =	ssyncset.done $0x0  }
0x116: {  	[sflag:s4] =	ssyncadd.s32 $0xFFFFFF80  }
0x117: {  	[spmem:s2] =	stream.indirect.scatter.add.f32 [tilespmem:s7], [sflag:$0x1], $0x1, s21, s9, $0xb8;
	[tilespmem:$0xB00] =	vst v63  }
0x118: {  	_ =	swait.ge [sflag:s4], $0x80  }
0x119: {  	[sflag:s4] =	ssyncset.done $0x0  }
0x11a: {  	[sflag:s4] =	ssyncadd.s32 $0xFFFFFF80  }
0x11b: {  	[spmem:s2] =	stream.indirect.scatter.add.f32 [tilespmem:s7], [sflag:$0x1], $0x1, s22, s9, $0xb8;
	[tilespmem:$0xB00] =	vst v63  }
0x11c: {  	_ =	swait.ge [sflag:s4], $0x80  }
0x11d: {  	[sflag:s4] =	ssyncset.done $0x0  }
0x11e: {  	[sflag:s4] =	ssyncadd.s32 $0xFFFFFF80  }
0x11f: {  	[spmem:s2] =	stream.indirect.scatter.add.f32 [tilespmem:s7], [sflag:$0x1], $0x1, s23, s9, $0xb8;
	[tilespmem:$0xB00] =	vst v63  }
0x120: {  	_ =	swait.ge [sflag:s4], $0x80  }
0x121: {  	[sflag:s4] =	ssyncset.done $0x0  }
0x122: {  	s28 =	sadd.s32 $0x400, s28;
	[sflag:s4] =	ssyncadd.s32 $0xFFFFFF80  }
0x123: {  	[tilespmem:s3], [sflag:$0x1] =	stream.linear.gather [hbm4b:s28+s3], $0x800, $0x38;
	[tilespmem:$0xB00] =	vst v63  }
0x124: {  	_ =	swait.ge [sflag:s4], $0x800  }
0x125: {  	[sflag:s4] =	ssyncset.done $0x0  }
0x126: {  	[sflag:s4] =	ssyncadd.s32 $0xFFFFF800  }
0x127: {  	[spmem:s2] =	stream.indirect.scatter.add.f32 [tilespmem:s7], [sflag:$0x1], $0x1, s3, s9, $0xb8;
	[tilespmem:$0xB00] =	vst v63  }
0x128: {  	_ =	swait.ge [sflag:s4], $0x80  }
0x129: {  	[sflag:s4] =	ssyncset.done $0x0  }
0x12a: {  	[sflag:s4] =	ssyncadd.s32 $0xFFFFFF80  }
0x12b: {  	[spmem:s2] =	stream.indirect.scatter.add.f32 [tilespmem:s7], [sflag:$0x1], $0x1, s9, s9, $0xb8;
	[tilespmem:$0xB00] =	vst v63  }
0x12c: {  	_ =	swait.ge [sflag:s4], $0x80  }
0x12d: {  	[sflag:s4] =	ssyncset.done $0x0  }
0x12e: {  	[sflag:s4] =	ssyncadd.s32 $0xFFFFFF80  }
0x12f: {  	[spmem:s2] =	stream.indirect.scatter.add.f32 [tilespmem:s7], [sflag:$0x1], $0x1, s10, s9, $0xb8;
	[tilespmem:$0xB00] =	vst v63  }
0x130: {  	_ =	swait.ge [sflag:s4], $0x80  }
0x131: {  	[sflag:s4] =	ssyncset.done $0x0  }
0x132: {  	[sflag:s4] =	ssyncadd.s32 $0xFFFFFF80  }
0x133: {  	[spmem:s2] =	stream.indirect.scatter.add.f32 [tilespmem:s7], [sflag:$0x1], $0x1, s11, s9, $0xb8;
	[tilespmem:$0xB00] =	vst v63  }
0x134: {  	_ =	swait.ge [sflag:s4], $0x80  }
0x135: {  	[sflag:s4] =	ssyncset.done $0x0  }
0x136: {  	[sflag:s4] =	ssyncadd.s32 $0xFFFFFF80  }
0x137: {  	[spmem:s2] =	stream.indirect.scatter.add.f32 [tilespmem:s7], [sflag:$0x1], $0x1, s12, s9, $0xb8;
	[tilespmem:$0xB00] =	vst v63  }
0x138: {  	_ =	swait.ge [sflag:s4], $0x80  }
0x139: {  	[sflag:s4] =	ssyncset.done $0x0  }
0x13a: {  	[sflag:s4] =	ssyncadd.s32 $0xFFFFFF80  }
0x13b: {  	[spmem:s2] =	stream.indirect.scatter.add.f32 [tilespmem:s7], [sflag:$0x1], $0x1, s13, s9, $0xb8;
	[tilespmem:$0xB00] =	vst v63  }
0x13c: {  	_ =	swait.ge [sflag:s4], $0x80  }
0x13d: {  	[sflag:s4] =	ssyncset.done $0x0  }
0x13e: {  	[sflag:s4] =	ssyncadd.s32 $0xFFFFFF80  }
0x13f: {  	[spmem:s2] =	stream.indirect.scatter.add.f32 [tilespmem:s7], [sflag:$0x1], $0x1, s14, s9, $0xb8;
	[tilespmem:$0xB00] =	vst v63  }
0x140: {  	_ =	swait.ge [sflag:s4], $0x80  }
0x141: {  	[sflag:s4] =	ssyncset.done $0x0  }
0x142: {  	[sflag:s4] =	ssyncadd.s32 $0xFFFFFF80  }
0x143: {  	[spmem:s2] =	stream.indirect.scatter.add.f32 [tilespmem:s7], [sflag:$0x1], $0x1, s15, s9, $0xb8;
	[tilespmem:$0xB00] =	vst v63  }
0x144: {  	_ =	swait.ge [sflag:s4], $0x80  }
0x145: {  	[sflag:s4] =	ssyncset.done $0x0  }
0x146: {  	[sflag:s4] =	ssyncadd.s32 $0xFFFFFF80  }
0x147: {  	[spmem:s2] =	stream.indirect.scatter.add.f32 [tilespmem:s7], [sflag:$0x1], $0x1, s16, s9, $0xb8;
	[tilespmem:$0xB00] =	vst v63  }
0x148: {  	_ =	swait.ge [sflag:s4], $0x80  }
0x149: {  	[sflag:s4] =	ssyncset.done $0x0  }
0x14a: {  	[sflag:s4] =	ssyncadd.s32 $0xFFFFFF80  }
0x14b: {  	[spmem:s2] =	stream.indirect.scatter.add.f32 [tilespmem:s7], [sflag:$0x1], $0x1, s17, s9, $0xb8;
	[tilespmem:$0xB00] =	vst v63  }
0x14c: {  	_ =	swait.ge [sflag:s4], $0x80  }
0x14d: {  	[sflag:s4] =	ssyncset.done $0x0  }
0x14e: {  	[sflag:s4] =	ssyncadd.s32 $0xFFFFFF80  }
0x14f: {  	[spmem:s2] =	stream.indirect.scatter.add.f32 [tilespmem:s7], [sflag:$0x1], $0x1, s18, s9, $0xb8;
	[tilespmem:$0xB00] =	vst v63  }
0x150: {  	_ =	swait.ge [sflag:s4], $0x80  }
0x151: {  	[sflag:s4] =	ssyncset.done $0x0  }
0x152: {  	[sflag:s4] =	ssyncadd.s32 $0xFFFFFF80  }
0x153: {  	[spmem:s2] =	stream.indirect.scatter.add.f32 [tilespmem:s7], [sflag:$0x1], $0x1, s19, s9, $0xb8;
	[tilespmem:$0xB00] =	vst v63  }
0x154: {  	_ =	swait.ge [sflag:s4], $0x80  }
0x155: {  	[sflag:s4] =	ssyncset.done $0x0  }
0x156: {  	[sflag:s4] =	ssyncadd.s32 $0xFFFFFF80  }
0x157: {  	[spmem:s2] =	stream.indirect.scatter.add.f32 [tilespmem:s7], [sflag:$0x1], $0x1, s20, s9, $0xb8;
	[tilespmem:$0xB00] =	vst v63  }
0x158: {  	_ =	swait.ge [sflag:s4], $0x80  }
0x159: {  	[sflag:s4] =	ssyncset.done $0x0  }
0x15a: {  	[sflag:s4] =	ssyncadd.s32 $0xFFFFFF80  }
0x15b: {  	[spmem:s2] =	stream.indirect.scatter.add.f32 [tilespmem:s7], [sflag:$0x1], $0x1, s21, s9, $0xb8;
	[tilespmem:$0xB00] =	vst v63  }
0x15c: {  	s30 =	smul.u32 $0x500, s1;
	_ =	swait.ge [sflag:s4], $0x80  }
0x15d: {  	s31 =	sshll.u32 s29, $0x7;
	[sflag:s4] =	ssyncset.done $0x0  }
0x15e: {  	s30 =	sor.u32 s31, s30;
	s29 =	ssub.s32 $0x2, s29;
	[sflag:s4] =	ssyncadd.s32 $0xFFFFFF80  }
0x15f: {  	[spmem:s2] =	stream.indirect.scatter.add.f32 [tilespmem:s7], [sflag:$0x1], $0x1, s22, s9, $0xb8;
	[tilespmem:$0xB00] =	vst v63  }
0x160: {  	s30 =	sshrl.u32 s30, $0x3;
	s31 =	sshrl.u32 s29, $0x1;
	_ =	swait.ge [sflag:s4], $0x80  }
0x161: {  	s0 =	sadd.s32 s30, s0;
	s30 =	ssub.s32 s29, s31;
	[sflag:s4] =	ssyncset.done $0x0  }
0x162: {  	s1 =	smax.u32 s30, $0x1;
	[sflag:s4] =	ssyncadd.s32 $0xFFFFFF80  }
0x163: {  	[spmem:s2] =	stream.indirect.scatter.add.f32 [tilespmem:s7], [sflag:$0x1], $0x1, s23, s9, $0xb8;
	[tilespmem:$0xB00] =	vst v63  }
0x164: {  	p0 =	sne.s32 s1, $0x1;
	_ =	swait.ge [sflag:s4], $0x80  }
.Ltmp0:
0x165: {  	[sflag:s4] =	ssyncset.done $0x0;
	(pc) =	sbr.rel @!p0 .LBB2_2-.Ltmp0, $4  }
0x166: {  	s29 =	sadd.s32 $0x2200, s0;
	[sflag:s4] =	ssyncadd.s32 $0xFFFFFF80  }
0x167: {  	s31 =	simm.s32 $0x10;
	s30 =	simm.s32 $0x20;
	[bflag:$0x0] =	sbarrier.arrive $0xFFFF  }
0x168: {  	[hbm:s29@s30], [sflag:s5] =	dma.strided [spmem:s6@s31], $0x50, s4, $0x10   }
0x169: {  	s0 =	sadd.s32 $0xFFFFFFFF, s1;
	_ =	swait.ge [sflag:s4], $0x50  }
.LBB2_1:
0x16a: {  	[sflag:s4] =	ssyncset.done $0x0  }
0x16b: {  	s1 =	rddreg [dreg:$0x5];
	[sflag:s4] =	ssyncadd.s32 $0xFFFFFFB0  }
0x16c: {  	[spmem:s6], [sflag:s5] =	dma.local [hbm:s1], $0x50  }
0x16d: {  	_ =	swait.ge [sflag:s4], $0x50  }
0x16e: {  	[sflag:s4] =	ssyncset.done $0x0  }
0x16f: {  	s1 =	rddreg [dreg:$0x4];
	[sflag:s4] =	ssyncadd.s32 $0xFFFFFFB0  }
0x170: {  	[tilespmem:s7], [sflag:$0x1] =	stream.linear.gather [hbm4b:s1+s3], $0x80, $0x38;
	[tilespmem:$0xB00] =	vst v63  }
0x171: {  	_ =	swait.ge [sflag:s4], $0x80  }
0x172: {  	[sflag:s4] =	ssyncset.done $0x0  }
0x173: {  	[sflag:s4] =	ssyncadd.s32 $0xFFFFFF80  }
0x174: {  	[tilespmem:s3], [sflag:$0x1] =	stream.linear.gather [hbm4b:s8+s3], $0x800, $0x38;
	[tilespmem:$0xB00] =	vst v63  }
0x175: {  	_ =	swait.ge [sflag:s4], $0x800  }
0x176: {  	[sflag:s4] =	ssyncset.done $0x0  }
0x177: {  	[sflag:s4] =	ssyncadd.s32 $0xFFFFF800  }
0x178: {  	[bflag:$0x0] =	sbarrier.arrive $0xFFFF  }
0x179: {  	[spmem:s2] =	stream.indirect.scatter.add.f32 [tilespmem:s7], [sflag:$0x1], $0x1, s3, s9, $0xb8;
	[tilespmem:$0xB00] =	vst v63  }
0x17a: {  	_ =	swait.ge [sflag:s4], $0x80  }
0x17b: {  	[sflag:s4] =	ssyncset.done $0x0  }
0x17c: {  	[sflag:s4] =	ssyncadd.s32 $0xFFFFFF80  }
0x17d: {  	[spmem:s2] =	stream.indirect.scatter.add.f32 [tilespmem:s7], [sflag:$0x1], $0x1, s9, s9, $0xb8;
	[tilespmem:$0xB00] =	vst v63  }
0x17e: {  	_ =	swait.ge [sflag:s4], $0x80  }
0x17f: {  	[sflag:s4] =	ssyncset.done $0x0  }
0x180: {  	[sflag:s4] =	ssyncadd.s32 $0xFFFFFF80  }
0x181: {  	[spmem:s2] =	stream.indirect.scatter.add.f32 [tilespmem:s7], [sflag:$0x1], $0x1, s10, s9, $0xb8;
	[tilespmem:$0xB00] =	vst v63  }
0x182: {  	_ =	swait.ge [sflag:s4], $0x80  }
0x183: {  	[sflag:s4] =	ssyncset.done $0x0  }
0x184: {  	[sflag:s4] =	ssyncadd.s32 $0xFFFFFF80  }
0x185: {  	[spmem:s2] =	stream.indirect.scatter.add.f32 [tilespmem:s7], [sflag:$0x1], $0x1, s11, s9, $0xb8;
	[tilespmem:$0xB00] =	vst v63  }
0x186: {  	_ =	swait.ge [sflag:s4], $0x80  }
0x187: {  	[sflag:s4] =	ssyncset.done $0x0  }
0x188: {  	[sflag:s4] =	ssyncadd.s32 $0xFFFFFF80  }
0x189: {  	[spmem:s2] =	stream.indirect.scatter.add.f32 [tilespmem:s7], [sflag:$0x1], $0x1, s12, s9, $0xb8;
	[tilespmem:$0xB00] =	vst v63  }
0x18a: {  	_ =	swait.ge [sflag:s4], $0x80  }
0x18b: {  	[sflag:s4] =	ssyncset.done $0x0  }
0x18c: {  	[sflag:s4] =	ssyncadd.s32 $0xFFFFFF80  }
0x18d: {  	[spmem:s2] =	stream.indirect.scatter.add.f32 [tilespmem:s7], [sflag:$0x1], $0x1, s13, s9, $0xb8;
	[tilespmem:$0xB00] =	vst v63  }
0x18e: {  	_ =	swait.ge [sflag:s4], $0x80  }
0x18f: {  	[sflag:s4] =	ssyncset.done $0x0  }
0x190: {  	[sflag:s4] =	ssyncadd.s32 $0xFFFFFF80  }
0x191: {  	[spmem:s2] =	stream.indirect.scatter.add.f32 [tilespmem:s7], [sflag:$0x1], $0x1, s14, s9, $0xb8;
	[tilespmem:$0xB00] =	vst v63  }
0x192: {  	_ =	swait.ge [sflag:s4], $0x80  }
0x193: {  	[sflag:s4] =	ssyncset.done $0x0  }
0x194: {  	[sflag:s4] =	ssyncadd.s32 $0xFFFFFF80  }
0x195: {  	[spmem:s2] =	stream.indirect.scatter.add.f32 [tilespmem:s7], [sflag:$0x1], $0x1, s15, s9, $0xb8;
	[tilespmem:$0xB00] =	vst v63  }
0x196: {  	_ =	swait.ge [sflag:s4], $0x80  }
0x197: {  	[sflag:s4] =	ssyncset.done $0x0  }
0x198: {  	[sflag:s4] =	ssyncadd.s32 $0xFFFFFF80  }
0x199: {  	[spmem:s2] =	stream.indirect.scatter.add.f32 [tilespmem:s7], [sflag:$0x1], $0x1, s16, s9, $0xb8;
	[tilespmem:$0xB00] =	vst v63  }
0x19a: {  	_ =	swait.ge [sflag:s4], $0x80  }
0x19b: {  	[sflag:s4] =	ssyncset.done $0x0  }
0x19c: {  	[sflag:s4] =	ssyncadd.s32 $0xFFFFFF80  }
0x19d: {  	[spmem:s2] =	stream.indirect.scatter.add.f32 [tilespmem:s7], [sflag:$0x1], $0x1, s17, s9, $0xb8;
	[tilespmem:$0xB00] =	vst v63  }
0x19e: {  	_ =	swait.ge [sflag:s4], $0x80  }
0x19f: {  	[sflag:s4] =	ssyncset.done $0x0  }
0x1a0: {  	[sflag:s4] =	ssyncadd.s32 $0xFFFFFF80  }
0x1a1: {  	[spmem:s2] =	stream.indirect.scatter.add.f32 [tilespmem:s7], [sflag:$0x1], $0x1, s18, s9, $0xb8;
	[tilespmem:$0xB00] =	vst v63  }
0x1a2: {  	_ =	swait.ge [sflag:s4], $0x80  }
0x1a3: {  	[sflag:s4] =	ssyncset.done $0x0  }
0x1a4: {  	[sflag:s4] =	ssyncadd.s32 $0xFFFFFF80  }
0x1a5: {  	[spmem:s2] =	stream.indirect.scatter.add.f32 [tilespmem:s7], [sflag:$0x1], $0x1, s19, s9, $0xb8;
	[tilespmem:$0xB00] =	vst v63  }
0x1a6: {  	_ =	swait.ge [sflag:s4], $0x80  }
0x1a7: {  	[sflag:s4] =	ssyncset.done $0x0  }
0x1a8: {  	[sflag:s4] =	ssyncadd.s32 $0xFFFFFF80  }
0x1a9: {  	[spmem:s2] =	stream.indirect.scatter.add.f32 [tilespmem:s7], [sflag:$0x1], $0x1, s20, s9, $0xb8;
	[tilespmem:$0xB00] =	vst v63  }
0x1aa: {  	_ =	swait.ge [sflag:s4], $0x80  }
0x1ab: {  	[sflag:s4] =	ssyncset.done $0x0  }
0x1ac: {  	[sflag:s4] =	ssyncadd.s32 $0xFFFFFF80  }
0x1ad: {  	[spmem:s2] =	stream.indirect.scatter.add.f32 [tilespmem:s7], [sflag:$0x1], $0x1, s21, s9, $0xb8;
	[tilespmem:$0xB00] =	vst v63  }
0x1ae: {  	_ =	swait.ge [sflag:s4], $0x80  }
0x1af: {  	[sflag:s4] =	ssyncset.done $0x0  }
0x1b0: {  	[sflag:s4] =	ssyncadd.s32 $0xFFFFFF80  }
0x1b1: {  	[spmem:s2] =	stream.indirect.scatter.add.f32 [tilespmem:s7], [sflag:$0x1], $0x1, s22, s9, $0xb8;
	[tilespmem:$0xB00] =	vst v63  }
0x1b2: {  	_ =	swait.ge [sflag:s4], $0x80  }
0x1b3: {  	[sflag:s4] =	ssyncset.done $0x0  }
0x1b4: {  	[sflag:s4] =	ssyncadd.s32 $0xFFFFFF80  }
0x1b5: {  	[spmem:s2] =	stream.indirect.scatter.add.f32 [tilespmem:s7], [sflag:$0x1], $0x1, s23, s9, $0xb8;
	[tilespmem:$0xB00] =	vst v63  }
0x1b6: {  	_ =	swait.ge [sflag:s4], $0x80  }
0x1b7: {  	[sflag:s4] =	ssyncset.done $0x0  }
0x1b8: {  	[sflag:s4] =	ssyncadd.s32 $0xFFFFFF80  }
0x1b9: {  	[tilespmem:s3], [sflag:$0x1] =	stream.linear.gather [hbm4b:s24+s3], $0x800, $0x38;
	[tilespmem:$0xB00] =	vst v63  }
0x1ba: {  	_ =	swait.ge [sflag:s4], $0x800  }
0x1bb: {  	[sflag:s4] =	ssyncset.done $0x0  }
0x1bc: {  	[sflag:s4] =	ssyncadd.s32 $0xFFFFF800  }
0x1bd: {  	[spmem:s2] =	stream.indirect.scatter.add.f32 [tilespmem:s7], [sflag:$0x1], $0x1, s3, s9, $0xb8;
	[tilespmem:$0xB00] =	vst v63  }
0x1be: {  	_ =	swait.ge [sflag:s4], $0x80  }
0x1bf: {  	[sflag:s4] =	ssyncset.done $0x0  }
0x1c0: {  	[sflag:s4] =	ssyncadd.s32 $0xFFFFFF80  }
0x1c1: {  	[spmem:s2] =	stream.indirect.scatter.add.f32 [tilespmem:s7], [sflag:$0x1], $0x1, s9, s9, $0xb8;
	[tilespmem:$0xB00] =	vst v63  }
0x1c2: {  	_ =	swait.ge [sflag:s4], $0x80  }
0x1c3: {  	[sflag:s4] =	ssyncset.done $0x0  }
0x1c4: {  	[sflag:s4] =	ssyncadd.s32 $0xFFFFFF80  }
0x1c5: {  	[spmem:s2] =	stream.indirect.scatter.add.f32 [tilespmem:s7], [sflag:$0x1], $0x1, s10, s9, $0xb8;
	[tilespmem:$0xB00] =	vst v63  }
0x1c6: {  	_ =	swait.ge [sflag:s4], $0x80  }
0x1c7: {  	[sflag:s4] =	ssyncset.done $0x0  }
0x1c8: {  	[sflag:s4] =	ssyncadd.s32 $0xFFFFFF80  }
0x1c9: {  	[spmem:s2] =	stream.indirect.scatter.add.f32 [tilespmem:s7], [sflag:$0x1], $0x1, s11, s9, $0xb8;
	[tilespmem:$0xB00] =	vst v63  }
0x1ca: {  	_ =	swait.ge [sflag:s4], $0x80  }
0x1cb: {  	[sflag:s4] =	ssyncset.done $0x0  }
0x1cc: {  	[sflag:s4] =	ssyncadd.s32 $0xFFFFFF80  }
0x1cd: {  	[spmem:s2] =	stream.indirect.scatter.add.f32 [tilespmem:s7], [sflag:$0x1], $0x1, s12, s9, $0xb8;
	[tilespmem:$0xB00] =	vst v63  }
0x1ce: {  	_ =	swait.ge [sflag:s4], $0x80  }
0x1cf: {  	[sflag:s4] =	ssyncset.done $0x0  }
0x1d0: {  	[sflag:s4] =	ssyncadd.s32 $0xFFFFFF80  }
0x1d1: {  	[spmem:s2] =	stream.indirect.scatter.add.f32 [tilespmem:s7], [sflag:$0x1], $0x1, s13, s9, $0xb8;
	[tilespmem:$0xB00] =	vst v63  }
0x1d2: {  	_ =	swait.ge [sflag:s4], $0x80  }
0x1d3: {  	[sflag:s4] =	ssyncset.done $0x0  }
0x1d4: {  	[sflag:s4] =	ssyncadd.s32 $0xFFFFFF80  }
0x1d5: {  	[spmem:s2] =	stream.indirect.scatter.add.f32 [tilespmem:s7], [sflag:$0x1], $0x1, s14, s9, $0xb8;
	[tilespmem:$0xB00] =	vst v63  }
0x1d6: {  	_ =	swait.ge [sflag:s4], $0x80  }
0x1d7: {  	[sflag:s4] =	ssyncset.done $0x0  }
0x1d8: {  	[sflag:s4] =	ssyncadd.s32 $0xFFFFFF80  }
0x1d9: {  	[spmem:s2] =	stream.indirect.scatter.add.f32 [tilespmem:s7], [sflag:$0x1], $0x1, s15, s9, $0xb8;
	[tilespmem:$0xB00] =	vst v63  }
0x1da: {  	_ =	swait.ge [sflag:s4], $0x80  }
0x1db: {  	[sflag:s4] =	ssyncset.done $0x0  }
0x1dc: {  	[sflag:s4] =	ssyncadd.s32 $0xFFFFFF80  }
0x1dd: {  	[spmem:s2] =	stream.indirect.scatter.add.f32 [tilespmem:s7], [sflag:$0x1], $0x1, s16, s9, $0xb8;
	[tilespmem:$0xB00] =	vst v63  }
0x1de: {  	_ =	swait.ge [sflag:s4], $0x80  }
0x1df: {  	[sflag:s4] =	ssyncset.done $0x0  }
0x1e0: {  	[sflag:s4] =	ssyncadd.s32 $0xFFFFFF80  }
0x1e1: {  	[spmem:s2] =	stream.indirect.scatter.add.f32 [tilespmem:s7], [sflag:$0x1], $0x1, s17, s9, $0xb8;
	[tilespmem:$0xB00] =	vst v63  }
0x1e2: {  	_ =	swait.ge [sflag:s4], $0x80  }
0x1e3: {  	[sflag:s4] =	ssyncset.done $0x0  }
0x1e4: {  	[sflag:s4] =	ssyncadd.s32 $0xFFFFFF80  }
0x1e5: {  	[spmem:s2] =	stream.indirect.scatter.add.f32 [tilespmem:s7], [sflag:$0x1], $0x1, s18, s9, $0xb8;
	[tilespmem:$0xB00] =	vst v63  }
0x1e6: {  	_ =	swait.ge [sflag:s4], $0x80  }
0x1e7: {  	[sflag:s4] =	ssyncset.done $0x0  }
0x1e8: {  	[sflag:s4] =	ssyncadd.s32 $0xFFFFFF80  }
0x1e9: {  	[spmem:s2] =	stream.indirect.scatter.add.f32 [tilespmem:s7], [sflag:$0x1], $0x1, s19, s9, $0xb8;
	[tilespmem:$0xB00] =	vst v63  }
0x1ea: {  	_ =	swait.ge [sflag:s4], $0x80  }
0x1eb: {  	[sflag:s4] =	ssyncset.done $0x0  }
0x1ec: {  	[sflag:s4] =	ssyncadd.s32 $0xFFFFFF80  }
0x1ed: {  	[spmem:s2] =	stream.indirect.scatter.add.f32 [tilespmem:s7], [sflag:$0x1], $0x1, s20, s9, $0xb8;
	[tilespmem:$0xB00] =	vst v63  }
0x1ee: {  	_ =	swait.ge [sflag:s4], $0x80  }
0x1ef: {  	[sflag:s4] =	ssyncset.done $0x0  }
0x1f0: {  	[sflag:s4] =	ssyncadd.s32 $0xFFFFFF80  }
0x1f1: {  	[spmem:s2] =	stream.indirect.scatter.add.f32 [tilespmem:s7], [sflag:$0x1], $0x1, s21, s9, $0xb8;
	[tilespmem:$0xB00] =	vst v63  }
0x1f2: {  	_ =	swait.ge [sflag:s4], $0x80  }
0x1f3: {  	[sflag:s4] =	ssyncset.done $0x0  }
0x1f4: {  	[sflag:s4] =	ssyncadd.s32 $0xFFFFFF80  }
0x1f5: {  	[spmem:s2] =	stream.indirect.scatter.add.f32 [tilespmem:s7], [sflag:$0x1], $0x1, s22, s9, $0xb8;
	[tilespmem:$0xB00] =	vst v63  }
0x1f6: {  	_ =	swait.ge [sflag:s4], $0x80  }
0x1f7: {  	[sflag:s4] =	ssyncset.done $0x0  }
0x1f8: {  	[sflag:s4] =	ssyncadd.s32 $0xFFFFFF80  }
0x1f9: {  	[spmem:s2] =	stream.indirect.scatter.add.f32 [tilespmem:s7], [sflag:$0x1], $0x1, s23, s9, $0xb8;
	[tilespmem:$0xB00] =	vst v63  }
0x1fa: {  	_ =	swait.ge [sflag:s4], $0x80  }
0x1fb: {  	[sflag:s4] =	ssyncset.done $0x0  }
0x1fc: {  	[sflag:s4] =	ssyncadd.s32 $0xFFFFFF80  }
0x1fd: {  	[tilespmem:s3], [sflag:$0x1] =	stream.linear.gather [hbm4b:s25+s3], $0x800, $0x38;
	[tilespmem:$0xB00] =	vst v63  }
0x1fe: {  	_ =	swait.ge [sflag:s4], $0x800  }
0x1ff: {  	[sflag:s4] =	ssyncset.done $0x0  }
0x200: {  	[sflag:s4] =	ssyncadd.s32 $0xFFFFF800  }
0x201: {  	[spmem:s2] =	stream.indirect.scatter.add.f32 [tilespmem:s7], [sflag:$0x1], $0x1, s3, s9, $0xb8;
	[tilespmem:$0xB00] =	vst v63  }
0x202: {  	_ =	swait.ge [sflag:s4], $0x80  }
0x203: {  	[sflag:s4] =	ssyncset.done $0x0  }
0x204: {  	[sflag:s4] =	ssyncadd.s32 $0xFFFFFF80  }
0x205: {  	[spmem:s2] =	stream.indirect.scatter.add.f32 [tilespmem:s7], [sflag:$0x1], $0x1, s9, s9, $0xb8;
	[tilespmem:$0xB00] =	vst v63  }
0x206: {  	_ =	swait.ge [sflag:s4], $0x80  }
0x207: {  	[sflag:s4] =	ssyncset.done $0x0  }
0x208: {  	[sflag:s4] =	ssyncadd.s32 $0xFFFFFF80  }
0x209: {  	[spmem:s2] =	stream.indirect.scatter.add.f32 [tilespmem:s7], [sflag:$0x1], $0x1, s10, s9, $0xb8;
	[tilespmem:$0xB00] =	vst v63  }
0x20a: {  	_ =	swait.ge [sflag:s4], $0x80  }
0x20b: {  	[sflag:s4] =	ssyncset.done $0x0  }
0x20c: {  	[sflag:s4] =	ssyncadd.s32 $0xFFFFFF80  }
0x20d: {  	[spmem:s2] =	stream.indirect.scatter.add.f32 [tilespmem:s7], [sflag:$0x1], $0x1, s11, s9, $0xb8;
	[tilespmem:$0xB00] =	vst v63  }
0x20e: {  	_ =	swait.ge [sflag:s4], $0x80  }
0x20f: {  	[sflag:s4] =	ssyncset.done $0x0  }
0x210: {  	[sflag:s4] =	ssyncadd.s32 $0xFFFFFF80  }
0x211: {  	[spmem:s2] =	stream.indirect.scatter.add.f32 [tilespmem:s7], [sflag:$0x1], $0x1, s12, s9, $0xb8;
	[tilespmem:$0xB00] =	vst v63  }
0x212: {  	_ =	swait.ge [sflag:s4], $0x80  }
0x213: {  	[sflag:s4] =	ssyncset.done $0x0  }
0x214: {  	[sflag:s4] =	ssyncadd.s32 $0xFFFFFF80  }
0x215: {  	[spmem:s2] =	stream.indirect.scatter.add.f32 [tilespmem:s7], [sflag:$0x1], $0x1, s13, s9, $0xb8;
	[tilespmem:$0xB00] =	vst v63  }
0x216: {  	_ =	swait.ge [sflag:s4], $0x80  }
0x217: {  	[sflag:s4] =	ssyncset.done $0x0  }
0x218: {  	[sflag:s4] =	ssyncadd.s32 $0xFFFFFF80  }
0x219: {  	[spmem:s2] =	stream.indirect.scatter.add.f32 [tilespmem:s7], [sflag:$0x1], $0x1, s14, s9, $0xb8;
	[tilespmem:$0xB00] =	vst v63  }
0x21a: {  	_ =	swait.ge [sflag:s4], $0x80  }
0x21b: {  	[sflag:s4] =	ssyncset.done $0x0  }
0x21c: {  	[sflag:s4] =	ssyncadd.s32 $0xFFFFFF80  }
0x21d: {  	[spmem:s2] =	stream.indirect.scatter.add.f32 [tilespmem:s7], [sflag:$0x1], $0x1, s15, s9, $0xb8;
	[tilespmem:$0xB00] =	vst v63  }
0x21e: {  	_ =	swait.ge [sflag:s4], $0x80  }
0x21f: {  	[sflag:s4] =	ssyncset.done $0x0  }
0x220: {  	[sflag:s4] =	ssyncadd.s32 $0xFFFFFF80  }
0x221: {  	[spmem:s2] =	stream.indirect.scatter.add.f32 [tilespmem:s7], [sflag:$0x1], $0x1, s16, s9, $0xb8;
	[tilespmem:$0xB00] =	vst v63  }
0x222: {  	_ =	swait.ge [sflag:s4], $0x80  }
0x223: {  	[sflag:s4] =	ssyncset.done $0x0  }
0x224: {  	[sflag:s4] =	ssyncadd.s32 $0xFFFFFF80  }
0x225: {  	[spmem:s2] =	stream.indirect.scatter.add.f32 [tilespmem:s7], [sflag:$0x1], $0x1, s17, s9, $0xb8;
	[tilespmem:$0xB00] =	vst v63  }
0x226: {  	_ =	swait.ge [sflag:s4], $0x80  }
0x227: {  	[sflag:s4] =	ssyncset.done $0x0  }
0x228: {  	[sflag:s4] =	ssyncadd.s32 $0xFFFFFF80  }
0x229: {  	[spmem:s2] =	stream.indirect.scatter.add.f32 [tilespmem:s7], [sflag:$0x1], $0x1, s18, s9, $0xb8;
	[tilespmem:$0xB00] =	vst v63  }
0x22a: {  	_ =	swait.ge [sflag:s4], $0x80  }
0x22b: {  	[sflag:s4] =	ssyncset.done $0x0  }
0x22c: {  	[sflag:s4] =	ssyncadd.s32 $0xFFFFFF80  }
0x22d: {  	[spmem:s2] =	stream.indirect.scatter.add.f32 [tilespmem:s7], [sflag:$0x1], $0x1, s19, s9, $0xb8;
	[tilespmem:$0xB00] =	vst v63  }
0x22e: {  	_ =	swait.ge [sflag:s4], $0x80  }
0x22f: {  	[sflag:s4] =	ssyncset.done $0x0  }
0x230: {  	[sflag:s4] =	ssyncadd.s32 $0xFFFFFF80  }
0x231: {  	[spmem:s2] =	stream.indirect.scatter.add.f32 [tilespmem:s7], [sflag:$0x1], $0x1, s20, s9, $0xb8;
	[tilespmem:$0xB00] =	vst v63  }
0x232: {  	_ =	swait.ge [sflag:s4], $0x80  }
0x233: {  	[sflag:s4] =	ssyncset.done $0x0  }
0x234: {  	[sflag:s4] =	ssyncadd.s32 $0xFFFFFF80  }
0x235: {  	[spmem:s2] =	stream.indirect.scatter.add.f32 [tilespmem:s7], [sflag:$0x1], $0x1, s21, s9, $0xb8;
	[tilespmem:$0xB00] =	vst v63  }
0x236: {  	_ =	swait.ge [sflag:s4], $0x80  }
0x237: {  	[sflag:s4] =	ssyncset.done $0x0  }
0x238: {  	[sflag:s4] =	ssyncadd.s32 $0xFFFFFF80  }
0x239: {  	[spmem:s2] =	stream.indirect.scatter.add.f32 [tilespmem:s7], [sflag:$0x1], $0x1, s22, s9, $0xb8;
	[tilespmem:$0xB00] =	vst v63  }
0x23a: {  	_ =	swait.ge [sflag:s4], $0x80  }
0x23b: {  	[sflag:s4] =	ssyncset.done $0x0  }
0x23c: {  	[sflag:s4] =	ssyncadd.s32 $0xFFFFFF80  }
0x23d: {  	[spmem:s2] =	stream.indirect.scatter.add.f32 [tilespmem:s7], [sflag:$0x1], $0x1, s23, s9, $0xb8;
	[tilespmem:$0xB00] =	vst v63  }
0x23e: {  	_ =	swait.ge [sflag:s4], $0x80  }
0x23f: {  	[sflag:s4] =	ssyncset.done $0x0  }
0x240: {  	[sflag:s4] =	ssyncadd.s32 $0xFFFFFF80  }
0x241: {  	[tilespmem:s3], [sflag:$0x1] =	stream.linear.gather [hbm4b:s26+s3], $0x800, $0x38;
	[tilespmem:$0xB00] =	vst v63  }
0x242: {  	_ =	swait.ge [sflag:s4], $0x800  }
0x243: {  	[sflag:s4] =	ssyncset.done $0x0  }
0x244: {  	[sflag:s4] =	ssyncadd.s32 $0xFFFFF800  }
0x245: {  	[spmem:s2] =	stream.indirect.scatter.add.f32 [tilespmem:s7], [sflag:$0x1], $0x1, s3, s9, $0xb8;
	[tilespmem:$0xB00] =	vst v63  }
0x246: {  	_ =	swait.ge [sflag:s4], $0x80  }
0x247: {  	[sflag:s4] =	ssyncset.done $0x0  }
0x248: {  	[sflag:s4] =	ssyncadd.s32 $0xFFFFFF80  }
0x249: {  	[spmem:s2] =	stream.indirect.scatter.add.f32 [tilespmem:s7], [sflag:$0x1], $0x1, s9, s9, $0xb8;
	[tilespmem:$0xB00] =	vst v63  }
0x24a: {  	_ =	swait.ge [sflag:s4], $0x80  }
0x24b: {  	[sflag:s4] =	ssyncset.done $0x0  }
0x24c: {  	[sflag:s4] =	ssyncadd.s32 $0xFFFFFF80  }
0x24d: {  	[spmem:s2] =	stream.indirect.scatter.add.f32 [tilespmem:s7], [sflag:$0x1], $0x1, s10, s9, $0xb8;
	[tilespmem:$0xB00] =	vst v63  }
0x24e: {  	_ =	swait.ge [sflag:s4], $0x80  }
0x24f: {  	[sflag:s4] =	ssyncset.done $0x0  }
0x250: {  	[sflag:s4] =	ssyncadd.s32 $0xFFFFFF80  }
0x251: {  	[spmem:s2] =	stream.indirect.scatter.add.f32 [tilespmem:s7], [sflag:$0x1], $0x1, s11, s9, $0xb8;
	[tilespmem:$0xB00] =	vst v63  }
0x252: {  	_ =	swait.ge [sflag:s4], $0x80  }
0x253: {  	[sflag:s4] =	ssyncset.done $0x0  }
0x254: {  	[sflag:s4] =	ssyncadd.s32 $0xFFFFFF80  }
0x255: {  	[spmem:s2] =	stream.indirect.scatter.add.f32 [tilespmem:s7], [sflag:$0x1], $0x1, s12, s9, $0xb8;
	[tilespmem:$0xB00] =	vst v63  }
0x256: {  	_ =	swait.ge [sflag:s4], $0x80  }
0x257: {  	[sflag:s4] =	ssyncset.done $0x0  }
0x258: {  	[sflag:s4] =	ssyncadd.s32 $0xFFFFFF80  }
0x259: {  	[spmem:s2] =	stream.indirect.scatter.add.f32 [tilespmem:s7], [sflag:$0x1], $0x1, s13, s9, $0xb8;
	[tilespmem:$0xB00] =	vst v63  }
0x25a: {  	_ =	swait.ge [sflag:s4], $0x80  }
0x25b: {  	[sflag:s4] =	ssyncset.done $0x0  }
0x25c: {  	[sflag:s4] =	ssyncadd.s32 $0xFFFFFF80  }
0x25d: {  	[spmem:s2] =	stream.indirect.scatter.add.f32 [tilespmem:s7], [sflag:$0x1], $0x1, s14, s9, $0xb8;
	[tilespmem:$0xB00] =	vst v63  }
0x25e: {  	_ =	swait.ge [sflag:s4], $0x80  }
0x25f: {  	[sflag:s4] =	ssyncset.done $0x0  }
0x260: {  	[sflag:s4] =	ssyncadd.s32 $0xFFFFFF80  }
0x261: {  	[spmem:s2] =	stream.indirect.scatter.add.f32 [tilespmem:s7], [sflag:$0x1], $0x1, s15, s9, $0xb8;
	[tilespmem:$0xB00] =	vst v63  }
0x262: {  	_ =	swait.ge [sflag:s4], $0x80  }
0x263: {  	[sflag:s4] =	ssyncset.done $0x0  }
0x264: {  	[sflag:s4] =	ssyncadd.s32 $0xFFFFFF80  }
0x265: {  	[spmem:s2] =	stream.indirect.scatter.add.f32 [tilespmem:s7], [sflag:$0x1], $0x1, s16, s9, $0xb8;
	[tilespmem:$0xB00] =	vst v63  }
0x266: {  	_ =	swait.ge [sflag:s4], $0x80  }
0x267: {  	[sflag:s4] =	ssyncset.done $0x0  }
0x268: {  	[sflag:s4] =	ssyncadd.s32 $0xFFFFFF80  }
0x269: {  	[spmem:s2] =	stream.indirect.scatter.add.f32 [tilespmem:s7], [sflag:$0x1], $0x1, s17, s9, $0xb8;
	[tilespmem:$0xB00] =	vst v63  }
0x26a: {  	_ =	swait.ge [sflag:s4], $0x80  }
0x26b: {  	[sflag:s4] =	ssyncset.done $0x0  }
0x26c: {  	[sflag:s4] =	ssyncadd.s32 $0xFFFFFF80  }
0x26d: {  	[spmem:s2] =	stream.indirect.scatter.add.f32 [tilespmem:s7], [sflag:$0x1], $0x1, s18, s9, $0xb8;
	[tilespmem:$0xB00] =	vst v63  }
0x26e: {  	_ =	swait.ge [sflag:s4], $0x80  }
0x26f: {  	[sflag:s4] =	ssyncset.done $0x0  }
0x270: {  	[sflag:s4] =	ssyncadd.s32 $0xFFFFFF80  }
0x271: {  	[spmem:s2] =	stream.indirect.scatter.add.f32 [tilespmem:s7], [sflag:$0x1], $0x1, s19, s9, $0xb8;
	[tilespmem:$0xB00] =	vst v63  }
0x272: {  	_ =	swait.ge [sflag:s4], $0x80  }
0x273: {  	[sflag:s4] =	ssyncset.done $0x0  }
0x274: {  	[sflag:s4] =	ssyncadd.s32 $0xFFFFFF80  }
0x275: {  	[spmem:s2] =	stream.indirect.scatter.add.f32 [tilespmem:s7], [sflag:$0x1], $0x1, s20, s9, $0xb8;
	[tilespmem:$0xB00] =	vst v63  }
0x276: {  	_ =	swait.ge [sflag:s4], $0x80  }
0x277: {  	[sflag:s4] =	ssyncset.done $0x0  }
0x278: {  	[sflag:s4] =	ssyncadd.s32 $0xFFFFFF80  }
0x279: {  	[spmem:s2] =	stream.indirect.scatter.add.f32 [tilespmem:s7], [sflag:$0x1], $0x1, s21, s9, $0xb8;
	[tilespmem:$0xB00] =	vst v63  }
0x27a: {  	_ =	swait.ge [sflag:s4], $0x80  }
0x27b: {  	[sflag:s4] =	ssyncset.done $0x0  }
0x27c: {  	[sflag:s4] =	ssyncadd.s32 $0xFFFFFF80  }
0x27d: {  	[spmem:s2] =	stream.indirect.scatter.add.f32 [tilespmem:s7], [sflag:$0x1], $0x1, s22, s9, $0xb8;
	[tilespmem:$0xB00] =	vst v63  }
0x27e: {  	_ =	swait.ge [sflag:s4], $0x80  }
0x27f: {  	[sflag:s4] =	ssyncset.done $0x0  }
0x280: {  	[sflag:s4] =	ssyncadd.s32 $0xFFFFFF80  }
0x281: {  	[spmem:s2] =	stream.indirect.scatter.add.f32 [tilespmem:s7], [sflag:$0x1], $0x1, s23, s9, $0xb8;
	[tilespmem:$0xB00] =	vst v63  }
0x282: {  	_ =	swait.ge [sflag:s4], $0x80  }
0x283: {  	[sflag:s4] =	ssyncset.done $0x0  }
0x284: {  	[sflag:s4] =	ssyncadd.s32 $0xFFFFFF80  }
0x285: {  	[tilespmem:s3], [sflag:$0x1] =	stream.linear.gather [hbm4b:s28+s3], $0x800, $0x38;
	[tilespmem:$0xB00] =	vst v63  }
0x286: {  	_ =	swait.ge [sflag:s4], $0x800  }
0x287: {  	[sflag:s4] =	ssyncset.done $0x0  }
0x288: {  	[sflag:s4] =	ssyncadd.s32 $0xFFFFF800  }
0x289: {  	[spmem:s2] =	stream.indirect.scatter.add.f32 [tilespmem:s7], [sflag:$0x1], $0x1, s3, s9, $0xb8;
	[tilespmem:$0xB00] =	vst v63  }
0x28a: {  	_ =	swait.ge [sflag:s4], $0x80  }
0x28b: {  	[sflag:s4] =	ssyncset.done $0x0  }
0x28c: {  	[sflag:s4] =	ssyncadd.s32 $0xFFFFFF80  }
0x28d: {  	[spmem:s2] =	stream.indirect.scatter.add.f32 [tilespmem:s7], [sflag:$0x1], $0x1, s9, s9, $0xb8;
	[tilespmem:$0xB00] =	vst v63  }
0x28e: {  	_ =	swait.ge [sflag:s4], $0x80  }
0x28f: {  	[sflag:s4] =	ssyncset.done $0x0  }
0x290: {  	[sflag:s4] =	ssyncadd.s32 $0xFFFFFF80  }
0x291: {  	[spmem:s2] =	stream.indirect.scatter.add.f32 [tilespmem:s7], [sflag:$0x1], $0x1, s10, s9, $0xb8;
	[tilespmem:$0xB00] =	vst v63  }
0x292: {  	_ =	swait.ge [sflag:s4], $0x80  }
0x293: {  	[sflag:s4] =	ssyncset.done $0x0  }
0x294: {  	[sflag:s4] =	ssyncadd.s32 $0xFFFFFF80  }
0x295: {  	[spmem:s2] =	stream.indirect.scatter.add.f32 [tilespmem:s7], [sflag:$0x1], $0x1, s11, s9, $0xb8;
	[tilespmem:$0xB00] =	vst v63  }
0x296: {  	_ =	swait.ge [sflag:s4], $0x80  }
0x297: {  	[sflag:s4] =	ssyncset.done $0x0  }
0x298: {  	[sflag:s4] =	ssyncadd.s32 $0xFFFFFF80  }
0x299: {  	[spmem:s2] =	stream.indirect.scatter.add.f32 [tilespmem:s7], [sflag:$0x1], $0x1, s12, s9, $0xb8;
	[tilespmem:$0xB00] =	vst v63  }
0x29a: {  	_ =	swait.ge [sflag:s4], $0x80  }
0x29b: {  	[sflag:s4] =	ssyncset.done $0x0  }
0x29c: {  	[sflag:s4] =	ssyncadd.s32 $0xFFFFFF80  }
0x29d: {  	[spmem:s2] =	stream.indirect.scatter.add.f32 [tilespmem:s7], [sflag:$0x1], $0x1, s13, s9, $0xb8;
	[tilespmem:$0xB00] =	vst v63  }
0x29e: {  	_ =	swait.ge [sflag:s4], $0x80  }
0x29f: {  	[sflag:s4] =	ssyncset.done $0x0  }
0x2a0: {  	[sflag:s4] =	ssyncadd.s32 $0xFFFFFF80  }
0x2a1: {  	[spmem:s2] =	stream.indirect.scatter.add.f32 [tilespmem:s7], [sflag:$0x1], $0x1, s14, s9, $0xb8;
	[tilespmem:$0xB00] =	vst v63  }
0x2a2: {  	_ =	swait.ge [sflag:s4], $0x80  }
0x2a3: {  	[sflag:s4] =	ssyncset.done $0x0  }
0x2a4: {  	[sflag:s4] =	ssyncadd.s32 $0xFFFFFF80  }
0x2a5: {  	[spmem:s2] =	stream.indirect.scatter.add.f32 [tilespmem:s7], [sflag:$0x1], $0x1, s15, s9, $0xb8;
	[tilespmem:$0xB00] =	vst v63  }
0x2a6: {  	_ =	swait.ge [sflag:s4], $0x80  }
0x2a7: {  	[sflag:s4] =	ssyncset.done $0x0  }
0x2a8: {  	[sflag:s4] =	ssyncadd.s32 $0xFFFFFF80  }
0x2a9: {  	[spmem:s2] =	stream.indirect.scatter.add.f32 [tilespmem:s7], [sflag:$0x1], $0x1, s16, s9, $0xb8;
	[tilespmem:$0xB00] =	vst v63  }
0x2aa: {  	_ =	swait.ge [sflag:s4], $0x80  }
0x2ab: {  	[sflag:s4] =	ssyncset.done $0x0  }
0x2ac: {  	[sflag:s4] =	ssyncadd.s32 $0xFFFFFF80  }
0x2ad: {  	[spmem:s2] =	stream.indirect.scatter.add.f32 [tilespmem:s7], [sflag:$0x1], $0x1, s17, s9, $0xb8;
	[tilespmem:$0xB00] =	vst v63  }
0x2ae: {  	_ =	swait.ge [sflag:s4], $0x80  }
0x2af: {  	[sflag:s4] =	ssyncset.done $0x0  }
0x2b0: {  	[sflag:s4] =	ssyncadd.s32 $0xFFFFFF80  }
0x2b1: {  	[spmem:s2] =	stream.indirect.scatter.add.f32 [tilespmem:s7], [sflag:$0x1], $0x1, s18, s9, $0xb8;
	[tilespmem:$0xB00] =	vst v63  }
0x2b2: {  	_ =	swait.ge [sflag:s4], $0x80  }
0x2b3: {  	[sflag:s4] =	ssyncset.done $0x0  }
0x2b4: {  	[sflag:s4] =	ssyncadd.s32 $0xFFFFFF80  }
0x2b5: {  	[spmem:s2] =	stream.indirect.scatter.add.f32 [tilespmem:s7], [sflag:$0x1], $0x1, s19, s9, $0xb8;
	[tilespmem:$0xB00] =	vst v63  }
0x2b6: {  	_ =	swait.ge [sflag:s4], $0x80  }
0x2b7: {  	[sflag:s4] =	ssyncset.done $0x0  }
0x2b8: {  	[sflag:s4] =	ssyncadd.s32 $0xFFFFFF80  }
0x2b9: {  	[spmem:s2] =	stream.indirect.scatter.add.f32 [tilespmem:s7], [sflag:$0x1], $0x1, s20, s9, $0xb8;
	[tilespmem:$0xB00] =	vst v63  }
0x2ba: {  	_ =	swait.ge [sflag:s4], $0x80  }
0x2bb: {  	[sflag:s4] =	ssyncset.done $0x0  }
0x2bc: {  	[sflag:s4] =	ssyncadd.s32 $0xFFFFFF80  }
0x2bd: {  	[spmem:s2] =	stream.indirect.scatter.add.f32 [tilespmem:s7], [sflag:$0x1], $0x1, s21, s9, $0xb8;
	[tilespmem:$0xB00] =	vst v63  }
0x2be: {  	_ =	swait.ge [sflag:s4], $0x80  }
0x2bf: {  	[sflag:s4] =	ssyncset.done $0x0  }
0x2c0: {  	[sflag:s4] =	ssyncadd.s32 $0xFFFFFF80  }
0x2c1: {  	[spmem:s2] =	stream.indirect.scatter.add.f32 [tilespmem:s7], [sflag:$0x1], $0x1, s22, s9, $0xb8;
	[tilespmem:$0xB00] =	vst v63  }
0x2c2: {  	_ =	swait.ge [sflag:s4], $0x80  }
0x2c3: {  	[sflag:s4] =	ssyncset.done $0x0  }
0x2c4: {  	[sflag:s4] =	ssyncadd.s32 $0xFFFFFF80  }
0x2c5: {  	[spmem:s2] =	stream.indirect.scatter.add.f32 [tilespmem:s7], [sflag:$0x1], $0x1, s23, s9, $0xb8;
	[tilespmem:$0xB00] =	vst v63  }
0x2c6: {  	p0 =	sne.s32 s0, $0x1;
	_ =	swait.ge [sflag:s4], $0x80  }
.Ltmp1:
0x2c7: {  	[sflag:s4] =	ssyncset.done $0x0;
	(pc) =	sbr.rel @p0 .LBB2_1-.Ltmp1, $4  }
0x2c8: {  	[sflag:s4] =	ssyncadd.s32 $0xFFFFFF80  }
0x2c9: {  	[bflag:$0x0] =	sbarrier.arrive $0xFFFF  }
0x2ca: {  	[hbm:s29@s30], [sflag:s5] =	dma.strided [spmem:s6@s31], $0x50, s4, $0x10   }
0x2cb: {  	s0 =	sadd.s32 $0xFFFFFFFF, s0;
	_ =	swait.ge [sflag:s4], $0x50  }
.LBB2_2:
0x2cc: {  	[sflag:s4] =	ssyncset.done $0x0  }
0x2cd: {  	[sflag:s4] =	ssyncadd.s32 $0xFFFFFFB0  }
0x2ce: {  	_ =	sfence.sel $0x180000  }
0x2cf: {  	[bflag:$0x0] =	sbarrier.arrive $0xFFFF  }
0x2d0: {  	_ =	strace $0x90000047  }
0x2d1: {  	s0 =	stileid.u32;
	[bflag:$0x2] =	sbarrier.arrive $0xFFFF  }
0x2d2: {  	p0 =	sne.s32 s0, $0x0;
	s0 =	rddreg [dreg:$0x3]  }
0x2d3: {  	s0 =	sadd.s32 @!p0 $0x100000, s0  }
0x2d4: {  	[sflag:s0] =	ssyncadd.tile.s32 @!p0 $0x1;
	_ =	shalt  }
.Lfunc_end2:
_tile_overlayer_lowered:
.L_overlay_start_2:
0x2d5: {  	(tag) =	ssettag $0x2  }
0x2d6: {  	s0 =	rddreg [dreg:$0x0];
	s2 =	stileid.u32  }
0x2d7: {  	s1 =	rddreg [dreg:$0x1];
	p0 =	sne.s32 s2, $0x0  }
0x2d8: {  	s3 =	rddreg [dreg:$0x2];
	[bflag:$0x3] =	sbarrier.arrive $0xFFFF;
	s2 =	simm.s32 @!p0 $0x1C01  }
0x2d9: {  	[timem:s3], [sflag:s2] =	dma.local @!p0 [hbm:s0], s1  }
0x2da: {  	s0 =	simm.s32 @!p0 $0x1  }
0x2db: {  	_ =	swait.ge @!p0 [sflag:s0], s1  }
0x2dc: {  	s1 =	ssub.s32 @!p0 $0x0, s1;
	[sflag:s0] =	ssyncset.done @!p0 $0x0  }
0x2dd: {  	[sflag:s0] =	ssyncadd.s32 @!p0 s1  }
0x2de: {  	[bflag:$0x3] =	sbarrier.arrive $0xFFFF  }
0x2df: {  	_ =	shalt  }

</sc_bundles>
